<compile_context>
chip_gen: v7x
topology: tpu7x:2x2x1
jax: 0.10.2.dev20260603
libtpu: 0.0.44.dev20260713+nightly
codegen_flags: <defaults>
</compile_context>

<pallas_src>
import functools

import jax
import jax.numpy as jnp
from jax import lax
from jax.experimental import pallas as pl
from jax.experimental.pallas import tpu as pltpu
from jax.experimental.pallas import tpu_sc as plsc

_N, _E, _DF, _DE, _H, _OUT, _G = 10000, 320000, 128, 16, 128, 64, 64
_NC, _NS = 2, 16
_NW = _NC * _NS
_CH = 128
_NCHUNK = _E // _CH
_MAXJ = -(-_NCHUNK // _NW)
_NPAD = 10112
_RPT = _NPAD // _NS

_K = 3


def _make_sc_body(linear):

    def body(g_hbm, src_hbm, dst_hbm, z_hbm, out_hbm, sidx, didx, rows,
             accum, isem, gsem, ssem):
        c = lax.axis_index("c")
        s = lax.axis_index("s")
        w = s * _NC + c
        row0 = s * _RPT
        pltpu.sync_copy(z_hbm, accum.at[pl.ds(row0, _RPT), :])
        plsc.subcore_barrier()

        n_groups = -(-_MAXJ // _K)

        @pl.loop(0, n_groups)
        def group(gi):
            cids = [(gi * _K + b) * _NW + w for b in range(_K)]

            for b in range(_K):
                @pl.when(cids[b] < _NCHUNK)
                def _(b=b, cid=cids[b]):
                    base = cid * _CH
                    if not linear:
                        pltpu.async_copy(src_hbm.at[pl.ds(base, _CH)],
                                         sidx.at[b], isem)
                    pltpu.async_copy(dst_hbm.at[pl.ds(base, _CH)],
                                     didx.at[b], isem)

            for b in range(_K):
                @pl.when(cids[b] < _NCHUNK)
                def _(b=b, cid=cids[b]):
                    if not linear:
                        pltpu.make_async_copy(src_hbm.at[pl.ds(0, _CH)],
                                              sidx.at[b], isem).wait()
                    pltpu.make_async_copy(dst_hbm.at[pl.ds(0, _CH)],
                                          didx.at[b], isem).wait()
                    if linear:
                        base = cid * _CH
                        pltpu.async_copy(g_hbm.at[pl.ds(base, _CH), :],
                                         rows.at[b], gsem)
                    else:
                        pltpu.async_copy(g_hbm.at[sidx.at[b]], rows.at[b],
                                         gsem)

            for b in range(_K):
                @pl.when(cids[b] < _NCHUNK)
                def _(b=b, cid=cids[b]):
                    if linear:
                        pltpu.make_async_copy(g_hbm.at[pl.ds(0, _CH), :],
                                              rows.at[b], gsem).wait()
                    else:
                        pltpu.make_async_copy(g_hbm.at[sidx.at[b]],
                                              rows.at[b], gsem).wait()
                    pltpu.async_copy(rows.at[b], accum.at[didx.at[b]],
                                     ssem, add=True)

            for b in range(_K):
                @pl.when(cids[b] < _NCHUNK)
                def _(b=b):
                    pltpu.make_async_copy(rows.at[b], accum.at[didx.at[b]],
                                          ssem).wait()
        plsc.subcore_barrier()
        pltpu.sync_copy(accum.at[pl.ds(row0, _RPT), :],
                        out_hbm.at[c, pl.ds(row0, _RPT), :])

    return body


@functools.cache
def _sc_aggr_kernel(linear=False):
    return pl.kernel(
        _make_sc_body(linear),
        out_type=jax.ShapeDtypeStruct((_NC, _NPAD, _DF), jnp.float32),
        mesh=plsc.VectorSubcoreMesh(core_axis_name="c", subcore_axis_name="s"),
        scratch_types=[
            pltpu.VMEM((_K, _CH), jnp.int32),
            pltpu.VMEM((_K, _CH), jnp.int32),
            pltpu.VMEM((_K, _CH, _DF), jnp.float32),
            pltpu.VMEM_SHARED((_NPAD, _DF), jnp.float32),
            pltpu.SemaphoreType.DMA,
            pltpu.SemaphoreType.DMA,
            pltpu.SemaphoreType.DMA,
        ],
    )


_BN = 1000
_EB = 4000


def _relu_body(x_ref, gx_ref):
    gx_ref[...] = jnp.maximum(x_ref[...], 0.0)


def _relu_x(x):
    return pl.pallas_call(
        _relu_body,
        grid=(_N // _BN,),
        in_specs=[pl.BlockSpec((_BN, _DF), lambda i: (i, 0))],
        out_specs=pl.BlockSpec((_BN, _DF), lambda i: (i, 0)),
        out_shape=jax.ShapeDtypeStruct((_N, _DF), jnp.float32),
    )(x)


def _eapad_body(ea_ref, eap_ref):
    eap_ref[...] = jnp.concatenate(
        [jnp.maximum(ea_ref[...], 0.0),
         jnp.zeros((_EB, _DF - _DE), jnp.float32)], axis=1)


def _eapad(ea):
    return pl.pallas_call(
        _eapad_body,
        grid=(_E // _EB,),
        in_specs=[pl.BlockSpec((_EB, _DE), lambda i: (i, 0))],
        out_specs=pl.BlockSpec((_EB, _DF), lambda i: (i, 0)),
        out_shape=jax.ShapeDtypeStruct((_E, _DF), jnp.float32),
    )(ea)


def _layer_body(h_ref, p_ref, es_ref, W1a_ref, W1b_ref, b1_ref, W2_ref,
                b2_ref, o_ref):
    z = h_ref[...] + p_ref[0] + p_ref[1]
    es = es_ref[0] + es_ref[1]
    t = jnp.dot(z, W1a_ref[...], preferred_element_type=jnp.float32)
    t = t + jnp.dot(es, W1b_ref[...], preferred_element_type=jnp.float32)
    t = jnp.maximum(t + b1_ref[...], 0.0)
    o = jnp.dot(t, W2_ref[...], preferred_element_type=jnp.float32)
    o_ref[...] = jnp.maximum(o + b2_ref[...], 0.0)


def _layer(h, p, es, W1a, W1b, b1, W2, b2):
    return pl.pallas_call(
        _layer_body,
        grid=(_N // _BN,),
        in_specs=[
            pl.BlockSpec((_BN, _DF), lambda i: (i, 0)),
            pl.BlockSpec((_NC, _BN, _DF), lambda i: (0, i, 0)),
            pl.BlockSpec((_NC, _BN, _DF), lambda i: (0, i, 0)),
            pl.BlockSpec((_H, _H), lambda i: (0, 0)),
            pl.BlockSpec((_DF, _H), lambda i: (0, 0)),
            pl.BlockSpec((1, _H), lambda i: (0, 0)),
            pl.BlockSpec((_H, _H), lambda i: (0, 0)),
            pl.BlockSpec((1, _H), lambda i: (0, 0)),
        ],
        out_specs=pl.BlockSpec((_BN, _H), lambda i: (i, 0)),
        out_shape=jax.ShapeDtypeStruct((_N, _H), jnp.float32),
    )(h, p, es, W1a, W1b, b1, W2, b2)


def _pool_body(h_ref, b_ref, Wl_ref, bl_ref, o_ref, acc, cnt):
    i = pl.program_id(0)

    @pl.when(i == 0)
    def _():
        acc[...] = jnp.zeros_like(acc)
        cnt[...] = jnp.zeros_like(cnt)

    bvec = b_ref[0, 0]
    onehot = (bvec[:, None]
              == lax.broadcasted_iota(jnp.int32, (1, _G), 1)).astype(jnp.float32)
    acc[...] += lax.dot_general(onehot, h_ref[...], (((0,), (0,)), ((), ())),
                                preferred_element_type=jnp.float32)
    ones = jnp.ones((_BN, _H), jnp.float32)
    cnt[...] += lax.dot_general(onehot, ones, (((0,), (0,)), ((), ())),
                                preferred_element_type=jnp.float32)

    @pl.when(i == _N // _BN - 1)
    def _():
        pooled = acc[...] / jnp.maximum(cnt[...], 1.0)
        o_ref[...] = (jnp.dot(pooled, Wl_ref[...],
                              preferred_element_type=jnp.float32)
                      + bl_ref[...])


def _pool(h, batch3d, W_lin, b_lin2):
    return pl.pallas_call(
        _pool_body,
        grid=(_N // _BN,),
        in_specs=[
            pl.BlockSpec((_BN, _H), lambda i: (i, 0)),
            pl.BlockSpec((1, 1, _BN), lambda i: (i, 0, 0)),
            pl.BlockSpec((_H, _OUT), lambda i: (0, 0)),
            pl.BlockSpec((1, _OUT), lambda i: (0, 0)),
        ],
        out_specs=pl.BlockSpec((_G, _OUT), lambda i: (0, 0)),
        out_shape=jax.ShapeDtypeStruct((_G, _OUT), jnp.float32),
        scratch_shapes=[
            pltpu.VMEM((_G, _H), jnp.float32),
            pltpu.VMEM((_G, _H), jnp.float32),
        ],
    )(h, batch3d, W_lin, b_lin2)


def kernel(x, edge_index, edge_attr, batch,
           W1_0, b1_0, W2_0, b2_0,
           W1_1, b1_1, W2_1, b2_1,
           W1_2, b1_2, W2_2, b2_2,
           W_lin, b_lin):
    g0 = _relu_x(x)
    ea_pad = _eapad(edge_attr)

    z128 = jnp.zeros((_RPT, _DF), jnp.float32)
    src = edge_index[0]
    dst = edge_index[1]

    es = _sc_aggr_kernel(True)(ea_pad, dst, dst, z128)

    h = x
    g = g0
    for (W1, b1, W2, b2) in ((W1_0, b1_0, W2_0, b2_0),
                             (W1_1, b1_1, W2_1, b2_1),
                             (W1_2, b1_2, W2_2, b2_2)):
        p = _sc_aggr_kernel()(g, src, dst, z128)
        W1b_pad = jnp.concatenate(
            [W1[_H:], jnp.zeros((_DF - _DE, _H), jnp.float32)], axis=0)
        h = _layer(h, p, es, W1[:_H], W1b_pad, b1.reshape(1, _H),
                   W2, b2.reshape(1, _H))
        g = h

    batch3d = batch.reshape(_N // _BN, 1, _BN)
    return _pool(h, batch3d, W_lin, b_lin.reshape(1, _OUT))

# --- scband reference (transcript-rebuilt; emitter-appended) ---
"""Pipeline reference for scband-my-gnn-70978629533941 (READ-ONLY COPY).

The authoritative reference and input builder live on the scoring server;
editing this copy changes nothing except your own understanding.
"""

import jax, jax.numpy as jnp
import numpy as np

N = 10000
E = 320000
DF = 128
DE = 16
H = 128
OUT = 64
G = 64


def setup_inputs(seed: int = 0) -> dict:
    key = jax.random.key(seed)
    ks = jax.random.split(key, 16)
    inp = {}
    inp["x"] = jax.random.normal(ks[0], (N, DF), dtype=jnp.float32)
    inp["edge_index"] = jax.random.randint(ks[1], (2, E), 0, N, dtype=jnp.int32)
    inp["edge_attr"] = jax.random.normal(ks[2], (E, DE), dtype=jnp.float32)
    inp["batch"] = jnp.sort(jax.random.randint(ks[3], (N,), 0, G, dtype=jnp.int32))
    dims = [DF + DE, H + DE, H + DE]
    for i, din in enumerate(dims):
        inp[f"W1_{i}"] = jax.random.normal(ks[4 + 3 * i], (din, H), dtype=jnp.float32) * (1.0 / np.sqrt(din))
        inp[f"b1_{i}"] = jnp.zeros((H,), dtype=jnp.float32)
        inp[f"W2_{i}"] = jax.random.normal(ks[5 + 3 * i], (H, H), dtype=jnp.float32) * (1.0 / np.sqrt(H))
        inp[f"b2_{i}"] = jnp.zeros((H,), dtype=jnp.float32)
    inp["W_lin"] = jax.random.normal(ks[13], (H, OUT), dtype=jnp.float32) * (1.0 / np.sqrt(H))
    inp["b_lin"] = jnp.zeros((OUT,), dtype=jnp.float32)
    return inp


def _gine_layer(x, src, dst, edge_attr, W1, b1, W2, b2):
    # message: relu(concat(x_j, e_ij)); aggregate: sum over dst
    m = jax.nn.relu(jnp.concatenate([x[src], edge_attr], axis=1))
    aggr = jax.ops.segment_sum(m, dst, num_segments=N)
    # (1+eps)*x_i with eps=0, zero-padded to match edge-feature concat width
    self_term = jnp.concatenate([x, jnp.zeros((x.shape[0], edge_attr.shape[1]), dtype=x.dtype)], axis=1)
    z = self_term + aggr
    return jax.nn.relu(z @ W1 + b1) @ W2 + b2


def reference(x, edge_index, edge_attr, batch,
              W1_0, b1_0, W2_0, b2_0,
              W1_1, b1_1, W2_1, b2_1,
              W1_2, b1_2, W2_2, b2_2,
              W_lin, b_lin):
    src = edge_index[0]
    dst = edge_index[1]
    h = x
    for (W1, b1, W2, b2) in [(W1_0, b1_0, W2_0, b2_0),
                             (W1_1, b1_1, W2_1, b2_1),
                             (W1_2, b1_2, W2_2, b2_2)]:
        h = jax.nn.relu(_gine_layer(h, src, dst, edge_attr, W1, b1, W2, b2))
    sums = jax.ops.segment_sum(h, batch, num_segments=G)
    counts = jax.ops.segment_sum(jnp.ones((h.shape[0],), dtype=h.dtype), batch, num_segments=G)
    pooled = sums / jnp.maximum(counts, 1.0)[:, None]
    return pooled @ W_lin + b_lin

if __name__ == "__main__":
    import jax
    _d = setup_inputs()
    print(jax.jit(kernel)(*tuple(_d.values())))

</pallas_src>

<mosaic_0001>
#map = affine_map<(d0, d1) -> (0, 0)>
#map1 = affine_map<(d0, d1) -> (0)>
#map2 = affine_map<(d0, d1) -> (0, 0, 0)>
module attributes {stable_mosaic.version = 14 : i64} {
  func.func @body(%arg0: i32, %arg1: i32, %arg2: memref<10000x128xf32, #tpu.memory_space<hbm>>, %arg3: memref<320000xi32, #tpu.memory_space<hbm>>, %arg4: memref<320000xi32, #tpu.memory_space<hbm>>, %arg5: memref<632x128xf32, #tpu.memory_space<hbm>>, %arg6: memref<2x10112x128xf32, #tpu.memory_space<hbm>>, %arg7: memref<3x128xi32, #tpu.memory_space<vmem>>, %arg8: memref<3x128xi32, #tpu.memory_space<vmem>>, %arg9: memref<3x128x128xf32, #tpu.memory_space<vmem>>, %arg10: memref<10112x128xf32, #tpu.memory_space<vmem_shared>>, %arg11: memref<!tpu.dma_semaphore, #tpu.memory_space<semaphore_mem>>, %arg12: memref<!tpu.dma_semaphore, #tpu.memory_space<semaphore_mem>>, %arg13: memref<!tpu.dma_semaphore, #tpu.memory_space<semaphore_mem>>) attributes {dimension_semantics = [#tpu.dimension_semantics<core_parallel>, #tpu.dimension_semantics<subcore_parallel>], iteration_bounds = array<i64: 2, 16>, scalar_prefetch = 0 : i64, scratch_operands = 7 : i64, tpu.core_type = #tpu.core_type<sc_vector_subcore>, window_params = [{transform_indices = #map}, {transform_indices = #map1}, {transform_indices = #map1}, {transform_indices = #map}, {transform_indices = #map2}]} {
    %mul3A = arith.constant 2 : i32
    %mul3A_0 = arith.muli %arg1, %mul3A : i32
    %add3A = arith.addi %mul3A_0, %arg0 : i32
    %mul3A_1 = arith.constant 632 : i32
    %mul3A_2 = arith.muli %arg1, %mul3A_1 : i32
    "tpu.region"() ({
      %run_scoped3A = tpu.sem_alloc : memref<!tpu.dma_semaphore, #tpu.memory_space<semaphore_mem>>
      %dma_start3A = arith.constant 0 : i32
      %dma_start3A_8 = tpu.memref_slice %arg10[%mul3A_2, %dma_start3A] : memref<10112x128xf32, #tpu.memory_space<vmem_shared>> -> memref<632x128xf32, #tpu.memory_space<vmem_shared>>
      tpu.enqueue_dma source(%arg5 : memref<632x128xf32, #tpu.memory_space<hbm>>) target(%dma_start3A_8 : memref<632x128xf32, #tpu.memory_space<vmem_shared>>) target_semaphore(%run_scoped3A : memref<!tpu.dma_semaphore, #tpu.memory_space<semaphore_mem>>)
      %dma_wait3A = arith.constant 0 : i32
      %dma_wait3A_9 = tpu.memref_slice %arg10[%mul3A_2, %dma_wait3A] : memref<10112x128xf32, #tpu.memory_space<vmem_shared>> -> memref<632x128xf32, #tpu.memory_space<vmem_shared>>
      tpu.wait_dma2 semaphore(%run_scoped3A : memref<!tpu.dma_semaphore, #tpu.memory_space<semaphore_mem>>) src(%arg5 : memref<632x128xf32, #tpu.memory_space<hbm>>) dst(%dma_wait3A_9 : memref<632x128xf32, #tpu.memory_space<vmem_shared>>)
      tpu.yield
    }) : () -> ()
    %barrier3A = arith.constant 0 : index
    tpu.barrier barrier_id(%barrier3A)
    %scan3A = arith.constant 0 : i32
    %scan3A_3 = arith.constant 27 : i32
    %scan3A_4 = arith.addi %scan3A, %scan3A_3 : i32
    %scan3A_5 = arith.constant 1 : i32
    scf.for %scan3A_8 = %scan3A to %scan3A_4 step %scan3A_5  : i32 {
      %mul3A_9 = arith.constant 1 : i32
      %mul3A_10 = arith.muli %scan3A_8, %mul3A_9 : i32
      %add3A_11 = arith.constant 0 : i32
      %add3A_12 = arith.addi %add3A_11, %mul3A_10 : i32
      %mul3A_13 = arith.constant 3 : i32
      %mul3A_14 = arith.muli %add3A_12, %mul3A_13 : i32
      %add3A_15 = arith.constant 0 : i32
      %add3A_16 = arith.addi %mul3A_14, %add3A_15 : i32
      %mul3A_17 = arith.constant 32 : i32
      %mul3A_18 = arith.muli %add3A_16, %mul3A_17 : i32
      %add3A_19 = arith.addi %mul3A_18, %add3A : i32
      %mul3A_20 = arith.constant 3 : i32
      %mul3A_21 = arith.muli %add3A_12, %mul3A_20 : i32
      %add3A_22 = arith.constant 1 : i32
      %add3A_23 = arith.addi %mul3A_21, %add3A_22 : i32
      %mul3A_24 = arith.constant 32 : i32
      %mul3A_25 = arith.muli %add3A_23, %mul3A_24 : i32
      %add3A_26 = arith.addi %mul3A_25, %add3A : i32
      %mul3A_27 = arith.constant 3 : i32
      %mul3A_28 = arith.muli %add3A_12, %mul3A_27 : i32
      %add3A_29 = arith.constant 2 : i32
      %add3A_30 = arith.addi %mul3A_28, %add3A_29 : i32
      %mul3A_31 = arith.constant 32 : i32
      %mul3A_32 = arith.muli %add3A_30, %mul3A_31 : i32
      %add3A_33 = arith.addi %mul3A_32, %add3A : i32
      %lt3A = arith.constant 2500 : i32
      %lt3A_34 = arith.cmpi slt, %add3A_19, %lt3A : i32
      %convert_element_type3A = arith.extui %lt3A_34 : i1 to i32
      %cond3A = arith.constant 0 : i32
      %cond3A_35 = arith.cmpi ne, %convert_element_type3A, %cond3A : i32
      scf.if %cond3A_35 {
        %mul3A_91 = arith.constant 128 : i32
        %mul3A_92 = arith.muli %add3A_19, %mul3A_91 : i32
        %dma_start3A = arith.constant 0 : i32
        %dma_start3A_93 = arith.constant 0 : i32
        %dma_start3A_94 = tpu.memref_slice %arg7[%dma_start3A, %dma_start3A_93] : memref<3x128xi32, #tpu.memory_space<vmem>> -> memref<1x128xi32, #tpu.memory_space<vmem>>
        %dma_start3A_95 = tpu.memref_squeeze %dma_start3A_94 : memref<1x128xi32, #tpu.memory_space<vmem>> -> memref<128xi32, #tpu.memory_space<vmem>>
        %dma_start3A_96 = tpu.memref_slice %arg3[%mul3A_92] : memref<320000xi32, #tpu.memory_space<hbm>> -> memref<128xi32, #tpu.memory_space<hbm>>
        %dma_start3A_97 = arith.constant 0 : i32
        %dma_start3A_98 = tpu.memref_slice %arg7[%dma_start3A, %dma_start3A_97] : memref<3x128xi32, #tpu.memory_space<vmem>> -> memref<1x128xi32, #tpu.memory_space<vmem>>
        %dma_start3A_99 = tpu.memref_squeeze %dma_start3A_98 : memref<1x128xi32, #tpu.memory_space<vmem>> -> memref<128xi32, #tpu.memory_space<vmem>>
        %dma_start3A_100 = tpu.memref_slice %arg3[%mul3A_92] : memref<320000xi32, #tpu.memory_space<hbm>> -> memref<128xi32, #tpu.memory_space<hbm>>
        tpu.enqueue_dma source(%dma_start3A_100 : memref<128xi32, #tpu.memory_space<hbm>>) target(%dma_start3A_99 : memref<128xi32, #tpu.memory_space<vmem>>) target_semaphore(%arg11 : memref<!tpu.dma_semaphore, #tpu.memory_space<semaphore_mem>>)
        %dma_start3A_101 = arith.constant 0 : i32
        %dma_start3A_102 = arith.constant 0 : i32
        %dma_start3A_103 = tpu.memref_slice %arg8[%dma_start3A_101, %dma_start3A_102] : memref<3x128xi32, #tpu.memory_space<vmem>> -> memref<1x128xi32, #tpu.memory_space<vmem>>
        %dma_start3A_104 = tpu.memref_squeeze %dma_start3A_103 : memref<1x128xi32, #tpu.memory_space<vmem>> -> memref<128xi32, #tpu.memory_space<vmem>>
        %dma_start3A_105 = tpu.memref_slice %arg4[%mul3A_92] : memref<320000xi32, #tpu.memory_space<hbm>> -> memref<128xi32, #tpu.memory_space<hbm>>
        %dma_start3A_106 = arith.constant 0 : i32
        %dma_start3A_107 = tpu.memref_slice %arg8[%dma_start3A_101, %dma_start3A_106] : memref<3x128xi32, #tpu.memory_space<vmem>> -> memref<1x128xi32, #tpu.memory_space<vmem>>
        %dma_start3A_108 = tpu.memref_squeeze %dma_start3A_107 : memref<1x128xi32, #tpu.memory_space<vmem>> -> memref<128xi32, #tpu.memory_space<vmem>>
        %dma_start3A_109 = tpu.memref_slice %arg4[%mul3A_92] : memref<320000xi32, #tpu.memory_space<hbm>> -> memref<128xi32, #tpu.memory_space<hbm>>
        tpu.enqueue_dma source(%dma_start3A_109 : memref<128xi32, #tpu.memory_space<hbm>>) target(%dma_start3A_108 : memref<128xi32, #tpu.memory_space<vmem>>) target_semaphore(%arg11 : memref<!tpu.dma_semaphore, #tpu.memory_space<semaphore_mem>>)
      } else {
      }
      %lt3A_36 = arith.constant 2500 : i32
      %lt3A_37 = arith.cmpi slt, %add3A_26, %lt3A_36 : i32
      %convert_element_type3A_38 = arith.extui %lt3A_37 : i1 to i32
      %cond3A_39 = arith.constant 0 : i32
      %cond3A_40 = arith.cmpi ne, %convert_element_type3A_38, %cond3A_39 : i32
      scf.if %cond3A_40 {
        %mul3A_91 = arith.constant 128 : i32
        %mul3A_92 = arith.muli %add3A_26, %mul3A_91 : i32
        %dma_start3A = arith.constant 1 : i32
        %dma_start3A_93 = arith.constant 0 : i32
        %dma_start3A_94 = tpu.memref_slice %arg7[%dma_start3A, %dma_start3A_93] : memref<3x128xi32, #tpu.memory_space<vmem>> -> memref<1x128xi32, #tpu.memory_space<vmem>>
        %dma_start3A_95 = tpu.memref_squeeze %dma_start3A_94 : memref<1x128xi32, #tpu.memory_space<vmem>> -> memref<128xi32, #tpu.memory_space<vmem>>
        %dma_start3A_96 = tpu.memref_slice %arg3[%mul3A_92] : memref<320000xi32, #tpu.memory_space<hbm>> -> memref<128xi32, #tpu.memory_space<hbm>>
        %dma_start3A_97 = arith.constant 0 : i32
        %dma_start3A_98 = tpu.memref_slice %arg7[%dma_start3A, %dma_start3A_97] : memref<3x128xi32, #tpu.memory_space<vmem>> -> memref<1x128xi32, #tpu.memory_space<vmem>>
        %dma_start3A_99 = tpu.memref_squeeze %dma_start3A_98 : memref<1x128xi32, #tpu.memory_space<vmem>> -> memref<128xi32, #tpu.memory_space<vmem>>
        %dma_start3A_100 = tpu.memref_slice %arg3[%mul3A_92] : memref<320000xi32, #tpu.memory_space<hbm>> -> memref<128xi32, #tpu.memory_space<hbm>>
        tpu.enqueue_dma source(%dma_start3A_100 : memref<128xi32, #tpu.memory_space<hbm>>) target(%dma_start3A_99 : memref<128xi32, #tpu.memory_space<vmem>>) target_semaphore(%arg11 : memref<!tpu.dma_semaphore, #tpu.memory_space<semaphore_mem>>)
        %dma_start3A_101 = arith.constant 1 : i32
        %dma_start3A_102 = arith.constant 0 : i32
        %dma_start3A_103 = tpu.memref_slice %arg8[%dma_start3A_101, %dma_start3A_102] : memref<3x128xi32, #tpu.memory_space<vmem>> -> memref<1x128xi32, #tpu.memory_space<vmem>>
        %dma_start3A_104 = tpu.memref_squeeze %dma_start3A_103 : memref<1x128xi32, #tpu.memory_space<vmem>> -> memref<128xi32, #tpu.memory_space<vmem>>
        %dma_start3A_105 = tpu.memref_slice %arg4[%mul3A_92] : memref<320000xi32, #tpu.memory_space<hbm>> -> memref<128xi32, #tpu.memory_space<hbm>>
        %dma_start3A_106 = arith.constant 0 : i32
        %dma_start3A_107 = tpu.memref_slice %arg8[%dma_start3A_101, %dma_start3A_106] : memref<3x128xi32, #tpu.memory_space<vmem>> -> memref<1x128xi32, #tpu.memory_space<vmem>>
        %dma_start3A_108 = tpu.memref_squeeze %dma_start3A_107 : memref<1x128xi32, #tpu.memory_space<vmem>> -> memref<128xi32, #tpu.memory_space<vmem>>
        %dma_start3A_109 = tpu.memref_slice %arg4[%mul3A_92] : memref<320000xi32, #tpu.memory_space<hbm>> -> memref<128xi32, #tpu.memory_space<hbm>>
        tpu.enqueue_dma source(%dma_start3A_109 : memref<128xi32, #tpu.memory_space<hbm>>) target(%dma_start3A_108 : memref<128xi32, #tpu.memory_space<vmem>>) target_semaphore(%arg11 : memref<!tpu.dma_semaphore, #tpu.memory_space<semaphore_mem>>)
      } else {
      }
      %lt3A_41 = arith.constant 2500 : i32
      %lt3A_42 = arith.cmpi slt, %add3A_33, %lt3A_41 : i32
      %convert_element_type3A_43 = arith.extui %lt3A_42 : i1 to i32
      %cond3A_44 = arith.constant 0 : i32
      %cond3A_45 = arith.cmpi ne, %convert_element_type3A_43, %cond3A_44 : i32
      scf.if %cond3A_45 {
        %mul3A_91 = arith.constant 128 : i32
        %mul3A_92 = arith.muli %add3A_33, %mul3A_91 : i32
        %dma_start3A = arith.constant 2 : i32
        %dma_start3A_93 = arith.constant 0 : i32
        %dma_start3A_94 = tpu.memref_slice %arg7[%dma_start3A, %dma_start3A_93] : memref<3x128xi32, #tpu.memory_space<vmem>> -> memref<1x128xi32, #tpu.memory_space<vmem>>
        %dma_start3A_95 = tpu.memref_squeeze %dma_start3A_94 : memref<1x128xi32, #tpu.memory_space<vmem>> -> memref<128xi32, #tpu.memory_space<vmem>>
        %dma_start3A_96 = tpu.memref_slice %arg3[%mul3A_92] : memref<320000xi32, #tpu.memory_space<hbm>> -> memref<128xi32, #tpu.memory_space<hbm>>
        %dma_start3A_97 = arith.constant 0 : i32
        %dma_start3A_98 = tpu.memref_slice %arg7[%dma_start3A, %dma_start3A_97] : memref<3x128xi32, #tpu.memory_space<vmem>> -> memref<1x128xi32, #tpu.memory_space<vmem>>
        %dma_start3A_99 = tpu.memref_squeeze %dma_start3A_98 : memref<1x128xi32, #tpu.memory_space<vmem>> -> memref<128xi32, #tpu.memory_space<vmem>>
        %dma_start3A_100 = tpu.memref_slice %arg3[%mul3A_92] : memref<320000xi32, #tpu.memory_space<hbm>> -> memref<128xi32, #tpu.memory_space<hbm>>
        tpu.enqueue_dma source(%dma_start3A_100 : memref<128xi32, #tpu.memory_space<hbm>>) target(%dma_start3A_99 : memref<128xi32, #tpu.memory_space<vmem>>) target_semaphore(%arg11 : memref<!tpu.dma_semaphore, #tpu.memory_space<semaphore_mem>>)
        %dma_start3A_101 = arith.constant 2 : i32
        %dma_start3A_102 = arith.constant 0 : i32
        %dma_start3A_103 = tpu.memref_slice %arg8[%dma_start3A_101, %dma_start3A_102] : memref<3x128xi32, #tpu.memory_space<vmem>> -> memref<1x128xi32, #tpu.memory_space<vmem>>
        %dma_start3A_104 = tpu.memref_squeeze %dma_start3A_103 : memref<1x128xi32, #tpu.memory_space<vmem>> -> memref<128xi32, #tpu.memory_space<vmem>>
        %dma_start3A_105 = tpu.memref_slice %arg4[%mul3A_92] : memref<320000xi32, #tpu.memory_space<hbm>> -> memref<128xi32, #tpu.memory_space<hbm>>
        %dma_start3A_106 = arith.constant 0 : i32
        %dma_start3A_107 = tpu.memref_slice %arg8[%dma_start3A_101, %dma_start3A_106] : memref<3x128xi32, #tpu.memory_space<vmem>> -> memref<1x128xi32, #tpu.memory_space<vmem>>
        %dma_start3A_108 = tpu.memref_squeeze %dma_start3A_107 : memref<1x128xi32, #tpu.memory_space<vmem>> -> memref<128xi32, #tpu.memory_space<vmem>>
        %dma_start3A_109 = tpu.memref_slice %arg4[%mul3A_92] : memref<320000xi32, #tpu.memory_space<hbm>> -> memref<128xi32, #tpu.memory_space<hbm>>
        tpu.enqueue_dma source(%dma_start3A_109 : memref<128xi32, #tpu.memory_space<hbm>>) target(%dma_start3A_108 : memref<128xi32, #tpu.memory_space<vmem>>) target_semaphore(%arg11 : memref<!tpu.dma_semaphore, #tpu.memory_space<semaphore_mem>>)
      } else {
      }
      %lt3A_46 = arith.constant 2500 : i32
      %lt3A_47 = arith.cmpi slt, %add3A_19, %lt3A_46 : i32
      %convert_element_type3A_48 = arith.extui %lt3A_47 : i1 to i32
      %cond3A_49 = arith.constant 0 : i32
      %cond3A_50 = arith.cmpi ne, %convert_element_type3A_48, %cond3A_49 : i32
      scf.if %cond3A_50 {
        %dma_wait3A = arith.constant 0 : i32
        %dma_wait3A_91 = arith.constant 0 : i32
        %dma_wait3A_92 = tpu.memref_slice %arg7[%dma_wait3A, %dma_wait3A_91] : memref<3x128xi32, #tpu.memory_space<vmem>> -> memref<1x128xi32, #tpu.memory_space<vmem>>
        %dma_wait3A_93 = tpu.memref_squeeze %dma_wait3A_92 : memref<1x128xi32, #tpu.memory_space<vmem>> -> memref<128xi32, #tpu.memory_space<vmem>>
        %dma_wait3A_94 = arith.constant 0 : i32
        %dma_wait3A_95 = tpu.memref_slice %arg3[%dma_wait3A_94] : memref<320000xi32, #tpu.memory_space<hbm>> -> memref<128xi32, #tpu.memory_space<hbm>>
        %dma_wait3A_96 = arith.constant 0 : i32
        %dma_wait3A_97 = tpu.memref_slice %arg7[%dma_wait3A, %dma_wait3A_96] : memref<3x128xi32, #tpu.memory_space<vmem>> -> memref<1x128xi32, #tpu.memory_space<vmem>>
        %dma_wait3A_98 = tpu.memref_squeeze %dma_wait3A_97 : memref<1x128xi32, #tpu.memory_space<vmem>> -> memref<128xi32, #tpu.memory_space<vmem>>
        %dma_wait3A_99 = arith.constant 0 : i32
        %dma_wait3A_100 = tpu.memref_slice %arg3[%dma_wait3A_99] : memref<320000xi32, #tpu.memory_space<hbm>> -> memref<128xi32, #tpu.memory_space<hbm>>
        tpu.wait_dma2 semaphore(%arg11 : memref<!tpu.dma_semaphore, #tpu.memory_space<semaphore_mem>>) src(%dma_wait3A_100 : memref<128xi32, #tpu.memory_space<hbm>>) dst(%dma_wait3A_98 : memref<128xi32, #tpu.memory_space<vmem>>)
        %dma_wait3A_101 = arith.constant 0 : i32
        %dma_wait3A_102 = arith.constant 0 : i32
        %dma_wait3A_103 = tpu.memref_slice %arg8[%dma_wait3A_101, %dma_wait3A_102] : memref<3x128xi32, #tpu.memory_space<vmem>> -> memref<1x128xi32, #tpu.memory_space<vmem>>
        %dma_wait3A_104 = tpu.memref_squeeze %dma_wait3A_103 : memref<1x128xi32, #tpu.memory_space<vmem>> -> memref<128xi32, #tpu.memory_space<vmem>>
        %dma_wait3A_105 = arith.constant 0 : i32
        %dma_wait3A_106 = tpu.memref_slice %arg4[%dma_wait3A_105] : memref<320000xi32, #tpu.memory_space<hbm>> -> memref<128xi32, #tpu.memory_space<hbm>>
        %dma_wait3A_107 = arith.constant 0 : i32
        %dma_wait3A_108 = tpu.memref_slice %arg8[%dma_wait3A_101, %dma_wait3A_107] : memref<3x128xi32, #tpu.memory_space<vmem>> -> memref<1x128xi32, #tpu.memory_space<vmem>>
        %dma_wait3A_109 = tpu.memref_squeeze %dma_wait3A_108 : memref<1x128xi32, #tpu.memory_space<vmem>> -> memref<128xi32, #tpu.memory_space<vmem>>
        %dma_wait3A_110 = arith.constant 0 : i32
        %dma_wait3A_111 = tpu.memref_slice %arg4[%dma_wait3A_110] : memref<320000xi32, #tpu.memory_space<hbm>> -> memref<128xi32, #tpu.memory_space<hbm>>
        tpu.wait_dma2 semaphore(%arg11 : memref<!tpu.dma_semaphore, #tpu.memory_space<semaphore_mem>>) src(%dma_wait3A_111 : memref<128xi32, #tpu.memory_space<hbm>>) dst(%dma_wait3A_109 : memref<128xi32, #tpu.memory_space<vmem>>)
        %dma_start3A = arith.constant 0 : i32
        %dma_start3A_112 = arith.constant 0 : i32
        %dma_start3A_113 = arith.constant 0 : i32
        %dma_start3A_114 = arith.constant 0 : i32
        %dma_start3A_115 = tpu.memref_slice %arg9[%dma_start3A_112, %dma_start3A_113, %dma_start3A_114] : memref<3x128x128xf32, #tpu.memory_space<vmem>> -> memref<1x128x128xf32, #tpu.memory_space<vmem>>
        %dma_start3A_116 = tpu.memref_squeeze %dma_start3A_115 : memref<1x128x128xf32, #tpu.memory_space<vmem>> -> memref<128x128xf32, #tpu.memory_space<vmem>>
        %dma_start3A_117 = arith.constant 0 : i32
        %dma_start3A_118 = tpu.memref_slice %arg7[%dma_start3A, %dma_start3A_117] : memref<3x128xi32, #tpu.memory_space<vmem>> -> memref<1x128xi32, #tpu.memory_space<vmem>>
        %dma_start3A_119 = tpu.memref_squeeze %dma_start3A_118 : memref<1x128xi32, #tpu.memory_space<vmem>> -> memref<128xi32, #tpu.memory_space<vmem>>
        %dma_start3A_120 = arith.constant 0 : i32
        %dma_start3A_121 = arith.constant 0 : i32
        %dma_start3A_122 = tpu.memref_slice %arg2[%dma_start3A_120, %dma_start3A_121] : memref<10000x128xf32, #tpu.memory_space<hbm>> -> memref<10000x128xf32, #tpu.memory_space<hbm>>
        tpu.enqueue_indirect_dma source(%dma_start3A_122 : memref<10000x128xf32, #tpu.memory_space<hbm>>) target(%dma_start3A_116 : memref<128x128xf32, #tpu.memory_space<vmem>>) offsets(%dma_start3A_119 : memref<128xi32, #tpu.memory_space<vmem>>) semaphore(%arg12 : memref<!tpu.dma_semaphore, #tpu.memory_space<semaphore_mem>>)
      } else {
      }
      %lt3A_51 = arith.constant 2500 : i32
      %lt3A_52 = arith.cmpi slt, %add3A_26, %lt3A_51 : i32
      %convert_element_type3A_53 = arith.extui %lt3A_52 : i1 to i32
      %cond3A_54 = arith.constant 0 : i32
      %cond3A_55 = arith.cmpi ne, %convert_element_type3A_53, %cond3A_54 : i32
      scf.if %cond3A_55 {
        %dma_wait3A = arith.constant 1 : i32
        %dma_wait3A_91 = arith.constant 0 : i32
        %dma_wait3A_92 = tpu.memref_slice %arg7[%dma_wait3A, %dma_wait3A_91] : memref<3x128xi32, #tpu.memory_space<vmem>> -> memref<1x128xi32, #tpu.memory_space<vmem>>
        %dma_wait3A_93 = tpu.memref_squeeze %dma_wait3A_92 : memref<1x128xi32, #tpu.memory_space<vmem>> -> memref<128xi32, #tpu.memory_space<vmem>>
        %dma_wait3A_94 = arith.constant 0 : i32
        %dma_wait3A_95 = tpu.memref_slice %arg3[%dma_wait3A_94] : memref<320000xi32, #tpu.memory_space<hbm>> -> memref<128xi32, #tpu.memory_space<hbm>>
        %dma_wait3A_96 = arith.constant 0 : i32
        %dma_wait3A_97 = tpu.memref_slice %arg7[%dma_wait3A, %dma_wait3A_96] : memref<3x128xi32, #tpu.memory_space<vmem>> -> memref<1x128xi32, #tpu.memory_space<vmem>>
        %dma_wait3A_98 = tpu.memref_squeeze %dma_wait3A_97 : memref<1x128xi32, #tpu.memory_space<vmem>> -> memref<128xi32, #tpu.memory_space<vmem>>
        %dma_wait3A_99 = arith.constant 0 : i32
        %dma_wait3A_100 = tpu.memref_slice %arg3[%dma_wait3A_99] : memref<320000xi32, #tpu.memory_space<hbm>> -> memref<128xi32, #tpu.memory_space<hbm>>
        tpu.wait_dma2 semaphore(%arg11 : memref<!tpu.dma_semaphore, #tpu.memory_space<semaphore_mem>>) src(%dma_wait3A_100 : memref<128xi32, #tpu.memory_space<hbm>>) dst(%dma_wait3A_98 : memref<128xi32, #tpu.memory_space<vmem>>)
        %dma_wait3A_101 = arith.constant 1 : i32
        %dma_wait3A_102 = arith.constant 0 : i32
        %dma_wait3A_103 = tpu.memref_slice %arg8[%dma_wait3A_101, %dma_wait3A_102] : memref<3x128xi32, #tpu.memory_space<vmem>> -> memref<1x128xi32, #tpu.memory_space<vmem>>
        %dma_wait3A_104 = tpu.memref_squeeze %dma_wait3A_103 : memref<1x128xi32, #tpu.memory_space<vmem>> -> memref<128xi32, #tpu.memory_space<vmem>>
        %dma_wait3A_105 = arith.constant 0 : i32
        %dma_wait3A_106 = tpu.memref_slice %arg4[%dma_wait3A_105] : memref<320000xi32, #tpu.memory_space<hbm>> -> memref<128xi32, #tpu.memory_space<hbm>>
        %dma_wait3A_107 = arith.constant 0 : i32
        %dma_wait3A_108 = tpu.memref_slice %arg8[%dma_wait3A_101, %dma_wait3A_107] : memref<3x128xi32, #tpu.memory_space<vmem>> -> memref<1x128xi32, #tpu.memory_space<vmem>>
        %dma_wait3A_109 = tpu.memref_squeeze %dma_wait3A_108 : memref<1x128xi32, #tpu.memory_space<vmem>> -> memref<128xi32, #tpu.memory_space<vmem>>
        %dma_wait3A_110 = arith.constant 0 : i32
        %dma_wait3A_111 = tpu.memref_slice %arg4[%dma_wait3A_110] : memref<320000xi32, #tpu.memory_space<hbm>> -> memref<128xi32, #tpu.memory_space<hbm>>
        tpu.wait_dma2 semaphore(%arg11 : memref<!tpu.dma_semaphore, #tpu.memory_space<semaphore_mem>>) src(%dma_wait3A_111 : memref<128xi32, #tpu.memory_space<hbm>>) dst(%dma_wait3A_109 : memref<128xi32, #tpu.memory_space<vmem>>)
        %dma_start3A = arith.constant 1 : i32
        %dma_start3A_112 = arith.constant 1 : i32
        %dma_start3A_113 = arith.constant 0 : i32
        %dma_start3A_114 = arith.constant 0 : i32
        %dma_start3A_115 = tpu.memref_slice %arg9[%dma_start3A_112, %dma_start3A_113, %dma_start3A_114] : memref<3x128x128xf32, #tpu.memory_space<vmem>> -> memref<1x128x128xf32, #tpu.memory_space<vmem>>
        %dma_start3A_116 = tpu.memref_squeeze %dma_start3A_115 : memref<1x128x128xf32, #tpu.memory_space<vmem>> -> memref<128x128xf32, #tpu.memory_space<vmem>>
        %dma_start3A_117 = arith.constant 0 : i32
        %dma_start3A_118 = tpu.memref_slice %arg7[%dma_start3A, %dma_start3A_117] : memref<3x128xi32, #tpu.memory_space<vmem>> -> memref<1x128xi32, #tpu.memory_space<vmem>>
        %dma_start3A_119 = tpu.memref_squeeze %dma_start3A_118 : memref<1x128xi32, #tpu.memory_space<vmem>> -> memref<128xi32, #tpu.memory_space<vmem>>
        %dma_start3A_120 = arith.constant 0 : i32
        %dma_start3A_121 = arith.constant 0 : i32
        %dma_start3A_122 = tpu.memref_slice %arg2[%dma_start3A_120, %dma_start3A_121] : memref<10000x128xf32, #tpu.memory_space<hbm>> -> memref<10000x128xf32, #tpu.memory_space<hbm>>
        tpu.enqueue_indirect_dma source(%dma_start3A_122 : memref<10000x128xf32, #tpu.memory_space<hbm>>) target(%dma_start3A_116 : memref<128x128xf32, #tpu.memory_space<vmem>>) offsets(%dma_start3A_119 : memref<128xi32, #tpu.memory_space<vmem>>) semaphore(%arg12 : memref<!tpu.dma_semaphore, #tpu.memory_space<semaphore_mem>>)
      } else {
      }
      %lt3A_56 = arith.constant 2500 : i32
      %lt3A_57 = arith.cmpi slt, %add3A_33, %lt3A_56 : i32
      %convert_element_type3A_58 = arith.extui %lt3A_57 : i1 to i32
      %cond3A_59 = arith.constant 0 : i32
      %cond3A_60 = arith.cmpi ne, %convert_element_type3A_58, %cond3A_59 : i32
      scf.if %cond3A_60 {
        %dma_wait3A = arith.constant 2 : i32
        %dma_wait3A_91 = arith.constant 0 : i32
        %dma_wait3A_92 = tpu.memref_slice %arg7[%dma_wait3A, %dma_wait3A_91] : memref<3x128xi32, #tpu.memory_space<vmem>> -> memref<1x128xi32, #tpu.memory_space<vmem>>
        %dma_wait3A_93 = tpu.memref_squeeze %dma_wait3A_92 : memref<1x128xi32, #tpu.memory_space<vmem>> -> memref<128xi32, #tpu.memory_space<vmem>>
        %dma_wait3A_94 = arith.constant 0 : i32
        %dma_wait3A_95 = tpu.memref_slice %arg3[%dma_wait3A_94] : memref<320000xi32, #tpu.memory_space<hbm>> -> memref<128xi32, #tpu.memory_space<hbm>>
        %dma_wait3A_96 = arith.constant 0 : i32
        %dma_wait3A_97 = tpu.memref_slice %arg7[%dma_wait3A, %dma_wait3A_96] : memref<3x128xi32, #tpu.memory_space<vmem>> -> memref<1x128xi32, #tpu.memory_space<vmem>>
        %dma_wait3A_98 = tpu.memref_squeeze %dma_wait3A_97 : memref<1x128xi32, #tpu.memory_space<vmem>> -> memref<128xi32, #tpu.memory_space<vmem>>
        %dma_wait3A_99 = arith.constant 0 : i32
        %dma_wait3A_100 = tpu.memref_slice %arg3[%dma_wait3A_99] : memref<320000xi32, #tpu.memory_space<hbm>> -> memref<128xi32, #tpu.memory_space<hbm>>
        tpu.wait_dma2 semaphore(%arg11 : memref<!tpu.dma_semaphore, #tpu.memory_space<semaphore_mem>>) src(%dma_wait3A_100 : memref<128xi32, #tpu.memory_space<hbm>>) dst(%dma_wait3A_98 : memref<128xi32, #tpu.memory_space<vmem>>)
        %dma_wait3A_101 = arith.constant 2 : i32
        %dma_wait3A_102 = arith.constant 0 : i32
        %dma_wait3A_103 = tpu.memref_slice %arg8[%dma_wait3A_101, %dma_wait3A_102] : memref<3x128xi32, #tpu.memory_space<vmem>> -> memref<1x128xi32, #tpu.memory_space<vmem>>
        %dma_wait3A_104 = tpu.memref_squeeze %dma_wait3A_103 : memref<1x128xi32, #tpu.memory_space<vmem>> -> memref<128xi32, #tpu.memory_space<vmem>>
        %dma_wait3A_105 = arith.constant 0 : i32
        %dma_wait3A_106 = tpu.memref_slice %arg4[%dma_wait3A_105] : memref<320000xi32, #tpu.memory_space<hbm>> -> memref<128xi32, #tpu.memory_space<hbm>>
        %dma_wait3A_107 = arith.constant 0 : i32
        %dma_wait3A_108 = tpu.memref_slice %arg8[%dma_wait3A_101, %dma_wait3A_107] : memref<3x128xi32, #tpu.memory_space<vmem>> -> memref<1x128xi32, #tpu.memory_space<vmem>>
        %dma_wait3A_109 = tpu.memref_squeeze %dma_wait3A_108 : memref<1x128xi32, #tpu.memory_space<vmem>> -> memref<128xi32, #tpu.memory_space<vmem>>
        %dma_wait3A_110 = arith.constant 0 : i32
        %dma_wait3A_111 = tpu.memref_slice %arg4[%dma_wait3A_110] : memref<320000xi32, #tpu.memory_space<hbm>> -> memref<128xi32, #tpu.memory_space<hbm>>
        tpu.wait_dma2 semaphore(%arg11 : memref<!tpu.dma_semaphore, #tpu.memory_space<semaphore_mem>>) src(%dma_wait3A_111 : memref<128xi32, #tpu.memory_space<hbm>>) dst(%dma_wait3A_109 : memref<128xi32, #tpu.memory_space<vmem>>)
        %dma_start3A = arith.constant 2 : i32
        %dma_start3A_112 = arith.constant 2 : i32
        %dma_start3A_113 = arith.constant 0 : i32
        %dma_start3A_114 = arith.constant 0 : i32
        %dma_start3A_115 = tpu.memref_slice %arg9[%dma_start3A_112, %dma_start3A_113, %dma_start3A_114] : memref<3x128x128xf32, #tpu.memory_space<vmem>> -> memref<1x128x128xf32, #tpu.memory_space<vmem>>
        %dma_start3A_116 = tpu.memref_squeeze %dma_start3A_115 : memref<1x128x128xf32, #tpu.memory_space<vmem>> -> memref<128x128xf32, #tpu.memory_space<vmem>>
        %dma_start3A_117 = arith.constant 0 : i32
        %dma_start3A_118 = tpu.memref_slice %arg7[%dma_start3A, %dma_start3A_117] : memref<3x128xi32, #tpu.memory_space<vmem>> -> memref<1x128xi32, #tpu.memory_space<vmem>>
        %dma_start3A_119 = tpu.memref_squeeze %dma_start3A_118 : memref<1x128xi32, #tpu.memory_space<vmem>> -> memref<128xi32, #tpu.memory_space<vmem>>
        %dma_start3A_120 = arith.constant 0 : i32
        %dma_start3A_121 = arith.constant 0 : i32
        %dma_start3A_122 = tpu.memref_slice %arg2[%dma_start3A_120, %dma_start3A_121] : memref<10000x128xf32, #tpu.memory_space<hbm>> -> memref<10000x128xf32, #tpu.memory_space<hbm>>
        tpu.enqueue_indirect_dma source(%dma_start3A_122 : memref<10000x128xf32, #tpu.memory_space<hbm>>) target(%dma_start3A_116 : memref<128x128xf32, #tpu.memory_space<vmem>>) offsets(%dma_start3A_119 : memref<128xi32, #tpu.memory_space<vmem>>) semaphore(%arg12 : memref<!tpu.dma_semaphore, #tpu.memory_space<semaphore_mem>>)
      } else {
      }
      %lt3A_61 = arith.constant 2500 : i32
      %lt3A_62 = arith.cmpi slt, %add3A_19, %lt3A_61 : i32
      %convert_element_type3A_63 = arith.extui %lt3A_62 : i1 to i32
      %cond3A_64 = arith.constant 0 : i32
      %cond3A_65 = arith.cmpi ne, %convert_element_type3A_63, %cond3A_64 : i32
      scf.if %cond3A_65 {
        %dma_wait3A = arith.constant 0 : i32
        %dma_wait3A_91 = arith.constant 0 : i32
        %dma_wait3A_92 = arith.constant 0 : i32
        %dma_wait3A_93 = arith.constant 0 : i32
        %dma_wait3A_94 = tpu.memref_slice %arg9[%dma_wait3A_91, %dma_wait3A_92, %dma_wait3A_93] : memref<3x128x128xf32, #tpu.memory_space<vmem>> -> memref<1x128x128xf32, #tpu.memory_space<vmem>>
        %dma_wait3A_95 = tpu.memref_squeeze %dma_wait3A_94 : memref<1x128x128xf32, #tpu.memory_space<vmem>> -> memref<128x128xf32, #tpu.memory_space<vmem>>
        %dma_wait3A_96 = arith.constant 0 : i32
        %dma_wait3A_97 = tpu.memref_slice %arg7[%dma_wait3A, %dma_wait3A_96] : memref<3x128xi32, #tpu.memory_space<vmem>> -> memref<1x128xi32, #tpu.memory_space<vmem>>
        %dma_wait3A_98 = tpu.memref_squeeze %dma_wait3A_97 : memref<1x128xi32, #tpu.memory_space<vmem>> -> memref<128xi32, #tpu.memory_space<vmem>>
        %dma_wait3A_99 = arith.constant 0 : i32
        %dma_wait3A_100 = arith.constant 0 : i32
        %dma_wait3A_101 = tpu.memref_slice %arg2[%dma_wait3A_99, %dma_wait3A_100] : memref<10000x128xf32, #tpu.memory_space<hbm>> -> memref<10000x128xf32, #tpu.memory_space<hbm>>
        tpu.wait_indirect_dma semaphore(%arg12 : memref<!tpu.dma_semaphore, #tpu.memory_space<semaphore_mem>>) src(%dma_wait3A_101 : memref<10000x128xf32, #tpu.memory_space<hbm>>) dst(%dma_wait3A_95 : memref<128x128xf32, #tpu.memory_space<vmem>>)
        %dma_start3A = arith.constant 0 : i32
        %dma_start3A_102 = arith.constant 0 : i32
        %dma_start3A_103 = arith.constant 0 : i32
        %dma_start3A_104 = arith.constant 0 : i32
        %dma_start3A_105 = tpu.memref_slice %arg9[%dma_start3A, %dma_start3A_103, %dma_start3A_104] : memref<3x128x128xf32, #tpu.memory_space<vmem>> -> memref<1x128x128xf32, #tpu.memory_space<vmem>>
        %dma_start3A_106 = tpu.memref_squeeze %dma_start3A_105 : memref<1x128x128xf32, #tpu.memory_space<vmem>> -> memref<128x128xf32, #tpu.memory_space<vmem>>
        %dma_start3A_107 = arith.constant 0 : i32
        %dma_start3A_108 = tpu.memref_slice %arg8[%dma_start3A_102, %dma_start3A_107] : memref<3x128xi32, #tpu.memory_space<vmem>> -> memref<1x128xi32, #tpu.memory_space<vmem>>
        %dma_start3A_109 = tpu.memref_squeeze %dma_start3A_108 : memref<1x128xi32, #tpu.memory_space<vmem>> -> memref<128xi32, #tpu.memory_space<vmem>>
        %dma_start3A_110 = arith.constant 0 : i32
        %dma_start3A_111 = arith.constant 0 : i32
        %dma_start3A_112 = tpu.memref_slice %arg10[%dma_start3A_110, %dma_start3A_111] : memref<10112x128xf32, #tpu.memory_space<vmem_shared>> -> memref<10112x128xf32, #tpu.memory_space<vmem_shared>>
        tpu.enqueue_indirect_dma source(%dma_start3A_106 : memref<128x128xf32, #tpu.memory_space<vmem>>) target(%dma_start3A_112 : memref<10112x128xf32, #tpu.memory_space<vmem_shared>>) offsets(%dma_start3A_109 : memref<128xi32, #tpu.memory_space<vmem>>) semaphore(%arg13 : memref<!tpu.dma_semaphore, #tpu.memory_space<semaphore_mem>>) {add = true}
      } else {
      }
      %lt3A_66 = arith.constant 2500 : i32
      %lt3A_67 = arith.cmpi slt, %add3A_26, %lt3A_66 : i32
      %convert_element_type3A_68 = arith.extui %lt3A_67 : i1 to i32
      %cond3A_69 = arith.constant 0 : i32
      %cond3A_70 = arith.cmpi ne, %convert_element_type3A_68, %cond3A_69 : i32
      scf.if %cond3A_70 {
        %dma_wait3A = arith.constant 1 : i32
        %dma_wait3A_91 = arith.constant 1 : i32
        %dma_wait3A_92 = arith.constant 0 : i32
        %dma_wait3A_93 = arith.constant 0 : i32
        %dma_wait3A_94 = tpu.memref_slice %arg9[%dma_wait3A_91, %dma_wait3A_92, %dma_wait3A_93] : memref<3x128x128xf32, #tpu.memory_space<vmem>> -> memref<1x128x128xf32, #tpu.memory_space<vmem>>
        %dma_wait3A_95 = tpu.memref_squeeze %dma_wait3A_94 : memref<1x128x128xf32, #tpu.memory_space<vmem>> -> memref<128x128xf32, #tpu.memory_space<vmem>>
        %dma_wait3A_96 = arith.constant 0 : i32
        %dma_wait3A_97 = tpu.memref_slice %arg7[%dma_wait3A, %dma_wait3A_96] : memref<3x128xi32, #tpu.memory_space<vmem>> -> memref<1x128xi32, #tpu.memory_space<vmem>>
        %dma_wait3A_98 = tpu.memref_squeeze %dma_wait3A_97 : memref<1x128xi32, #tpu.memory_space<vmem>> -> memref<128xi32, #tpu.memory_space<vmem>>
        %dma_wait3A_99 = arith.constant 0 : i32
        %dma_wait3A_100 = arith.constant 0 : i32
        %dma_wait3A_101 = tpu.memref_slice %arg2[%dma_wait3A_99, %dma_wait3A_100] : memref<10000x128xf32, #tpu.memory_space<hbm>> -> memref<10000x128xf32, #tpu.memory_space<hbm>>
        tpu.wait_indirect_dma semaphore(%arg12 : memref<!tpu.dma_semaphore, #tpu.memory_space<semaphore_mem>>) src(%dma_wait3A_101 : memref<10000x128xf32, #tpu.memory_space<hbm>>) dst(%dma_wait3A_95 : memref<128x128xf32, #tpu.memory_space<vmem>>)
        %dma_start3A = arith.constant 1 : i32
        %dma_start3A_102 = arith.constant 1 : i32
        %dma_start3A_103 = arith.constant 0 : i32
        %dma_start3A_104 = arith.constant 0 : i32
        %dma_start3A_105 = tpu.memref_slice %arg9[%dma_start3A, %dma_start3A_103, %dma_start3A_104] : memref<3x128x128xf32, #tpu.memory_space<vmem>> -> memref<1x128x128xf32, #tpu.memory_space<vmem>>
        %dma_start3A_106 = tpu.memref_squeeze %dma_start3A_105 : memref<1x128x128xf32, #tpu.memory_space<vmem>> -> memref<128x128xf32, #tpu.memory_space<vmem>>
        %dma_start3A_107 = arith.constant 0 : i32
        %dma_start3A_108 = tpu.memref_slice %arg8[%dma_start3A_102, %dma_start3A_107] : memref<3x128xi32, #tpu.memory_space<vmem>> -> memref<1x128xi32, #tpu.memory_space<vmem>>
        %dma_start3A_109 = tpu.memref_squeeze %dma_start3A_108 : memref<1x128xi32, #tpu.memory_space<vmem>> -> memref<128xi32, #tpu.memory_space<vmem>>
        %dma_start3A_110 = arith.constant 0 : i32
        %dma_start3A_111 = arith.constant 0 : i32
        %dma_start3A_112 = tpu.memref_slice %arg10[%dma_start3A_110, %dma_start3A_111] : memref<10112x128xf32, #tpu.memory_space<vmem_shared>> -> memref<10112x128xf32, #tpu.memory_space<vmem_shared>>
        tpu.enqueue_indirect_dma source(%dma_start3A_106 : memref<128x128xf32, #tpu.memory_space<vmem>>) target(%dma_start3A_112 : memref<10112x128xf32, #tpu.memory_space<vmem_shared>>) offsets(%dma_start3A_109 : memref<128xi32, #tpu.memory_space<vmem>>) semaphore(%arg13 : memref<!tpu.dma_semaphore, #tpu.memory_space<semaphore_mem>>) {add = true}
      } else {
      }
      %lt3A_71 = arith.constant 2500 : i32
      %lt3A_72 = arith.cmpi slt, %add3A_33, %lt3A_71 : i32
      %convert_element_type3A_73 = arith.extui %lt3A_72 : i1 to i32
      %cond3A_74 = arith.constant 0 : i32
      %cond3A_75 = arith.cmpi ne, %convert_element_type3A_73, %cond3A_74 : i32
      scf.if %cond3A_75 {
        %dma_wait3A = arith.constant 2 : i32
        %dma_wait3A_91 = arith.constant 2 : i32
        %dma_wait3A_92 = arith.constant 0 : i32
        %dma_wait3A_93 = arith.constant 0 : i32
        %dma_wait3A_94 = tpu.memref_slice %arg9[%dma_wait3A_91, %dma_wait3A_92, %dma_wait3A_93] : memref<3x128x128xf32, #tpu.memory_space<vmem>> -> memref<1x128x128xf32, #tpu.memory_space<vmem>>
        %dma_wait3A_95 = tpu.memref_squeeze %dma_wait3A_94 : memref<1x128x128xf32, #tpu.memory_space<vmem>> -> memref<128x128xf32, #tpu.memory_space<vmem>>
        %dma_wait3A_96 = arith.constant 0 : i32
        %dma_wait3A_97 = tpu.memref_slice %arg7[%dma_wait3A, %dma_wait3A_96] : memref<3x128xi32, #tpu.memory_space<vmem>> -> memref<1x128xi32, #tpu.memory_space<vmem>>
        %dma_wait3A_98 = tpu.memref_squeeze %dma_wait3A_97 : memref<1x128xi32, #tpu.memory_space<vmem>> -> memref<128xi32, #tpu.memory_space<vmem>>
        %dma_wait3A_99 = arith.constant 0 : i32
        %dma_wait3A_100 = arith.constant 0 : i32
        %dma_wait3A_101 = tpu.memref_slice %arg2[%dma_wait3A_99, %dma_wait3A_100] : memref<10000x128xf32, #tpu.memory_space<hbm>> -> memref<10000x128xf32, #tpu.memory_space<hbm>>
        tpu.wait_indirect_dma semaphore(%arg12 : memref<!tpu.dma_semaphore, #tpu.memory_space<semaphore_mem>>) src(%dma_wait3A_101 : memref<10000x128xf32, #tpu.memory_space<hbm>>) dst(%dma_wait3A_95 : memref<128x128xf32, #tpu.memory_space<vmem>>)
        %dma_start3A = arith.constant 2 : i32
        %dma_start3A_102 = arith.constant 2 : i32
        %dma_start3A_103 = arith.constant 0 : i32
        %dma_start3A_104 = arith.constant 0 : i32
        %dma_start3A_105 = tpu.memref_slice %arg9[%dma_start3A, %dma_start3A_103, %dma_start3A_104] : memref<3x128x128xf32, #tpu.memory_space<vmem>> -> memref<1x128x128xf32, #tpu.memory_space<vmem>>
        %dma_start3A_106 = tpu.memref_squeeze %dma_start3A_105 : memref<1x128x128xf32, #tpu.memory_space<vmem>> -> memref<128x128xf32, #tpu.memory_space<vmem>>
        %dma_start3A_107 = arith.constant 0 : i32
        %dma_start3A_108 = tpu.memref_slice %arg8[%dma_start3A_102, %dma_start3A_107] : memref<3x128xi32, #tpu.memory_space<vmem>> -> memref<1x128xi32, #tpu.memory_space<vmem>>
        %dma_start3A_109 = tpu.memref_squeeze %dma_start3A_108 : memref<1x128xi32, #tpu.memory_space<vmem>> -> memref<128xi32, #tpu.memory_space<vmem>>
        %dma_start3A_110 = arith.constant 0 : i32
        %dma_start3A_111 = arith.constant 0 : i32
        %dma_start3A_112 = tpu.memref_slice %arg10[%dma_start3A_110, %dma_start3A_111] : memref<10112x128xf32, #tpu.memory_space<vmem_shared>> -> memref<10112x128xf32, #tpu.memory_space<vmem_shared>>
        tpu.enqueue_indirect_dma source(%dma_start3A_106 : memref<128x128xf32, #tpu.memory_space<vmem>>) target(%dma_start3A_112 : memref<10112x128xf32, #tpu.memory_space<vmem_shared>>) offsets(%dma_start3A_109 : memref<128xi32, #tpu.memory_space<vmem>>) semaphore(%arg13 : memref<!tpu.dma_semaphore, #tpu.memory_space<semaphore_mem>>) {add = true}
      } else {
      }
      %lt3A_76 = arith.constant 2500 : i32
      %lt3A_77 = arith.cmpi slt, %add3A_19, %lt3A_76 : i32
      %convert_element_type3A_78 = arith.extui %lt3A_77 : i1 to i32
      %cond3A_79 = arith.constant 0 : i32
      %cond3A_80 = arith.cmpi ne, %convert_element_type3A_78, %cond3A_79 : i32
      scf.if %cond3A_80 {
        %dma_wait3A = arith.constant 0 : i32
        %dma_wait3A_91 = arith.constant 0 : i32
        %dma_wait3A_92 = arith.constant 0 : i32
        %dma_wait3A_93 = arith.constant 0 : i32
        %dma_wait3A_94 = tpu.memref_slice %arg9[%dma_wait3A, %dma_wait3A_92, %dma_wait3A_93] : memref<3x128x128xf32, #tpu.memory_space<vmem>> -> memref<1x128x128xf32, #tpu.memory_space<vmem>>
        %dma_wait3A_95 = tpu.memref_squeeze %dma_wait3A_94 : memref<1x128x128xf32, #tpu.memory_space<vmem>> -> memref<128x128xf32, #tpu.memory_space<vmem>>
        %dma_wait3A_96 = arith.constant 0 : i32
        %dma_wait3A_97 = tpu.memref_slice %arg8[%dma_wait3A_91, %dma_wait3A_96] : memref<3x128xi32, #tpu.memory_space<vmem>> -> memref<1x128xi32, #tpu.memory_space<vmem>>
        %dma_wait3A_98 = tpu.memref_squeeze %dma_wait3A_97 : memref<1x128xi32, #tpu.memory_space<vmem>> -> memref<128xi32, #tpu.memory_space<vmem>>
        %dma_wait3A_99 = arith.constant 0 : i32
        %dma_wait3A_100 = arith.constant 0 : i32
        %dma_wait3A_101 = tpu.memref_slice %arg10[%dma_wait3A_99, %dma_wait3A_100] : memref<10112x128xf32, #tpu.memory_space<vmem_shared>> -> memref<10112x128xf32, #tpu.memory_space<vmem_shared>>
        tpu.wait_indirect_dma semaphore(%arg13 : memref<!tpu.dma_semaphore, #tpu.memory_space<semaphore_mem>>) src(%dma_wait3A_95 : memref<128x128xf32, #tpu.memory_space<vmem>>) dst(%dma_wait3A_101 : memref<10112x128xf32, #tpu.memory_space<vmem_shared>>)
      } else {
      }
      %lt3A_81 = arith.constant 2500 : i32
      %lt3A_82 = arith.cmpi slt, %add3A_26, %lt3A_81 : i32
      %convert_element_type3A_83 = arith.extui %lt3A_82 : i1 to i32
      %cond3A_84 = arith.constant 0 : i32
      %cond3A_85 = arith.cmpi ne, %convert_element_type3A_83, %cond3A_84 : i32
      scf.if %cond3A_85 {
        %dma_wait3A = arith.constant 1 : i32
        %dma_wait3A_91 = arith.constant 1 : i32
        %dma_wait3A_92 = arith.constant 0 : i32
        %dma_wait3A_93 = arith.constant 0 : i32
        %dma_wait3A_94 = tpu.memref_slice %arg9[%dma_wait3A, %dma_wait3A_92, %dma_wait3A_93] : memref<3x128x128xf32, #tpu.memory_space<vmem>> -> memref<1x128x128xf32, #tpu.memory_space<vmem>>
        %dma_wait3A_95 = tpu.memref_squeeze %dma_wait3A_94 : memref<1x128x128xf32, #tpu.memory_space<vmem>> -> memref<128x128xf32, #tpu.memory_space<vmem>>
        %dma_wait3A_96 = arith.constant 0 : i32
        %dma_wait3A_97 = tpu.memref_slice %arg8[%dma_wait3A_91, %dma_wait3A_96] : memref<3x128xi32, #tpu.memory_space<vmem>> -> memref<1x128xi32, #tpu.memory_space<vmem>>
        %dma_wait3A_98 = tpu.memref_squeeze %dma_wait3A_97 : memref<1x128xi32, #tpu.memory_space<vmem>> -> memref<128xi32, #tpu.memory_space<vmem>>
        %dma_wait3A_99 = arith.constant 0 : i32
        %dma_wait3A_100 = arith.constant 0 : i32
        %dma_wait3A_101 = tpu.memref_slice %arg10[%dma_wait3A_99, %dma_wait3A_100] : memref<10112x128xf32, #tpu.memory_space<vmem_shared>> -> memref<10112x128xf32, #tpu.memory_space<vmem_shared>>
        tpu.wait_indirect_dma semaphore(%arg13 : memref<!tpu.dma_semaphore, #tpu.memory_space<semaphore_mem>>) src(%dma_wait3A_95 : memref<128x128xf32, #tpu.memory_space<vmem>>) dst(%dma_wait3A_101 : memref<10112x128xf32, #tpu.memory_space<vmem_shared>>)
      } else {
      }
      %lt3A_86 = arith.constant 2500 : i32
      %lt3A_87 = arith.cmpi slt, %add3A_33, %lt3A_86 : i32
      %convert_element_type3A_88 = arith.extui %lt3A_87 : i1 to i32
      %cond3A_89 = arith.constant 0 : i32
      %cond3A_90 = arith.cmpi ne, %convert_element_type3A_88, %cond3A_89 : i32
      scf.if %cond3A_90 {
        %dma_wait3A = arith.constant 2 : i32
        %dma_wait3A_91 = arith.constant 2 : i32
        %dma_wait3A_92 = arith.constant 0 : i32
        %dma_wait3A_93 = arith.constant 0 : i32
        %dma_wait3A_94 = tpu.memref_slice %arg9[%dma_wait3A, %dma_wait3A_92, %dma_wait3A_93] : memref<3x128x128xf32, #tpu.memory_space<vmem>> -> memref<1x128x128xf32, #tpu.memory_space<vmem>>
        %dma_wait3A_95 = tpu.memref_squeeze %dma_wait3A_94 : memref<1x128x128xf32, #tpu.memory_space<vmem>> -> memref<128x128xf32, #tpu.memory_space<vmem>>
        %dma_wait3A_96 = arith.constant 0 : i32
        %dma_wait3A_97 = tpu.memref_slice %arg8[%dma_wait3A_91, %dma_wait3A_96] : memref<3x128xi32, #tpu.memory_space<vmem>> -> memref<1x128xi32, #tpu.memory_space<vmem>>
        %dma_wait3A_98 = tpu.memref_squeeze %dma_wait3A_97 : memref<1x128xi32, #tpu.memory_space<vmem>> -> memref<128xi32, #tpu.memory_space<vmem>>
        %dma_wait3A_99 = arith.constant 0 : i32
        %dma_wait3A_100 = arith.constant 0 : i32
        %dma_wait3A_101 = tpu.memref_slice %arg10[%dma_wait3A_99, %dma_wait3A_100] : memref<10112x128xf32, #tpu.memory_space<vmem_shared>> -> memref<10112x128xf32, #tpu.memory_space<vmem_shared>>
        tpu.wait_indirect_dma semaphore(%arg13 : memref<!tpu.dma_semaphore, #tpu.memory_space<semaphore_mem>>) src(%dma_wait3A_95 : memref<128x128xf32, #tpu.memory_space<vmem>>) dst(%dma_wait3A_101 : memref<10112x128xf32, #tpu.memory_space<vmem_shared>>)
      } else {
      }
    }
    %scan3A_6 = arith.constant 27 : i32
    %barrier3A_7 = arith.constant 0 : index
    tpu.barrier barrier_id(%barrier3A_7)
    "tpu.region"() ({
      %run_scoped3A = tpu.sem_alloc : memref<!tpu.dma_semaphore, #tpu.memory_space<semaphore_mem>>
      %dma_start3A = arith.constant 0 : i32
      %dma_start3A_8 = tpu.memref_slice %arg6[%arg0, %mul3A_2, %dma_start3A] : memref<2x10112x128xf32, #tpu.memory_space<hbm>> -> memref<1x632x128xf32, #tpu.memory_space<hbm>>
      %dma_start3A_9 = tpu.memref_squeeze %dma_start3A_8 : memref<1x632x128xf32, #tpu.memory_space<hbm>> -> memref<632x128xf32, #tpu.memory_space<hbm>>
      %dma_start3A_10 = arith.constant 0 : i32
      %dma_start3A_11 = tpu.memref_slice %arg10[%mul3A_2, %dma_start3A_10] : memref<10112x128xf32, #tpu.memory_space<vmem_shared>> -> memref<632x128xf32, #tpu.memory_space<vmem_shared>>
      tpu.enqueue_dma source(%dma_start3A_11 : memref<632x128xf32, #tpu.memory_space<vmem_shared>>) target(%dma_start3A_9 : memref<632x128xf32, #tpu.memory_space<hbm>>) target_semaphore(%run_scoped3A : memref<!tpu.dma_semaphore, #tpu.memory_space<semaphore_mem>>)
      %dma_wait3A = arith.constant 0 : i32
      %dma_wait3A_12 = tpu.memref_slice %arg6[%arg0, %mul3A_2, %dma_wait3A] : memref<2x10112x128xf32, #tpu.memory_space<hbm>> -> memref<1x632x128xf32, #tpu.memory_space<hbm>>
      %dma_wait3A_13 = tpu.memref_squeeze %dma_wait3A_12 : memref<1x632x128xf32, #tpu.memory_space<hbm>> -> memref<632x128xf32, #tpu.memory_space<hbm>>
      %dma_wait3A_14 = arith.constant 0 : i32
      %dma_wait3A_15 = tpu.memref_slice %arg10[%mul3A_2, %dma_wait3A_14] : memref<10112x128xf32, #tpu.memory_space<vmem_shared>> -> memref<632x128xf32, #tpu.memory_space<vmem_shared>>
      tpu.wait_dma2 semaphore(%run_scoped3A : memref<!tpu.dma_semaphore, #tpu.memory_space<semaphore_mem>>) src(%dma_wait3A_15 : memref<632x128xf32, #tpu.memory_space<vmem_shared>>) dst(%dma_wait3A_13 : memref<632x128xf32, #tpu.memory_space<hbm>>)
      tpu.yield
    }) : () -> ()
    return
  }
}

#map = affine_map<(d0, d1) -> (0, 0)>
#map1 = affine_map<(d0, d1) -> (0)>
#map2 = affine_map<(d0, d1) -> (0, 0, 0)>
module attributes {stable_mosaic.version = 14 : i64} {
  func.func @body(%arg0: i32, %arg1: i32, %arg2: memref<10000x128xf32, #tpu.memory_space<hbm>>, %arg3: memref<320000xi32, #tpu.memory_space<hbm>>, %arg4: memref<320000xi32, #tpu.memory_space<hbm>>, %arg5: memref<632x128xf32, #tpu.memory_space<hbm>>, %arg6: memref<2x10112x128xf32, #tpu.memory_space<hbm>>, %arg7: memref<3x128xi32, #tpu.memory_space<vmem>>, %arg8: memref<3x128xi32, #tpu.memory_space<vmem>>, %arg9: memref<3x128x128xf32, #tpu.memory_space<vmem>>, %arg10: memref<10112x128xf32, #tpu.memory_space<vmem_shared>>, %arg11: memref<!tpu.dma_semaphore, #tpu.memory_space<semaphore_mem>>, %arg12: memref<!tpu.dma_semaphore, #tpu.memory_space<semaphore_mem>>, %arg13: memref<!tpu.dma_semaphore, #tpu.memory_space<semaphore_mem>>) attributes {dimension_semantics = [#tpu.dimension_semantics<core_parallel>, #tpu.dimension_semantics<subcore_parallel>], iteration_bounds = array<i64: 2, 16>, scalar_prefetch = 0 : i64, scratch_operands = 7 : i64, tpu.core_type = #tpu.core_type<sc_vector_subcore>, window_params = [{transform_indices = #map}, {transform_indices = #map1}, {transform_indices = #map1}, {transform_indices = #map}, {transform_indices = #map2}]} {
    %mul3A = arith.constant 2 : i32
    %mul3A_0 = arith.muli %arg1, %mul3A : i32
    %add3A = arith.addi %mul3A_0, %arg0 : i32
    %mul3A_1 = arith.constant 632 : i32
    %mul3A_2 = arith.muli %arg1, %mul3A_1 : i32
    "tpu.region"() ({
      %run_scoped3A = tpu.sem_alloc : memref<!tpu.dma_semaphore, #tpu.memory_space<semaphore_mem>>
      %dma_start3A = arith.constant 0 : i32
      %dma_start3A_8 = tpu.memref_slice %arg10[%mul3A_2, %dma_start3A] : memref<10112x128xf32, #tpu.memory_space<vmem_shared>> -> memref<632x128xf32, #tpu.memory_space<vmem_shared>>
      tpu.enqueue_dma source(%arg5 : memref<632x128xf32, #tpu.memory_space<hbm>>) target(%dma_start3A_8 : memref<632x128xf32, #tpu.memory_space<vmem_shared>>) target_semaphore(%run_scoped3A : memref<!tpu.dma_semaphore, #tpu.memory_space<semaphore_mem>>)
      %dma_wait3A = arith.constant 0 : i32
      %dma_wait3A_9 = tpu.memref_slice %arg10[%mul3A_2, %dma_wait3A] : memref<10112x128xf32, #tpu.memory_space<vmem_shared>> -> memref<632x128xf32, #tpu.memory_space<vmem_shared>>
      tpu.wait_dma2 semaphore(%run_scoped3A : memref<!tpu.dma_semaphore, #tpu.memory_space<semaphore_mem>>) src(%arg5 : memref<632x128xf32, #tpu.memory_space<hbm>>) dst(%dma_wait3A_9 : memref<632x128xf32, #tpu.memory_space<vmem_shared>>)
      tpu.yield
    }) : () -> ()
    %barrier3A = arith.constant 0 : index
    tpu.barrier barrier_id(%barrier3A)
    %scan3A = arith.constant 0 : i32
    %scan3A_3 = arith.constant 27 : i32
    %scan3A_4 = arith.addi %scan3A, %scan3A_3 : i32
    %scan3A_5 = arith.constant 1 : i32
    scf.for %scan3A_8 = %scan3A to %scan3A_4 step %scan3A_5  : i32 {
      %mul3A_9 = arith.constant 1 : i32
      %mul3A_10 = arith.muli %scan3A_8, %mul3A_9 : i32
      %add3A_11 = arith.constant 0 : i32
      %add3A_12 = arith.addi %add3A_11, %mul3A_10 : i32
      %mul3A_13 = arith.constant 3 : i32
      %mul3A_14 = arith.muli %add3A_12, %mul3A_13 : i32
      %add3A_15 = arith.constant 0 : i32
      %add3A_16 = arith.addi %mul3A_14, %add3A_15 : i32
      %mul3A_17 = arith.constant 32 : i32
      %mul3A_18 = arith.muli %add3A_16, %mul3A_17 : i32
      %add3A_19 = arith.addi %mul3A_18, %add3A : i32
      %mul3A_20 = arith.constant 3 : i32
      %mul3A_21 = arith.muli %add3A_12, %mul3A_20 : i32
      %add3A_22 = arith.constant 1 : i32
      %add3A_23 = arith.addi %mul3A_21, %add3A_22 : i32
      %mul3A_24 = arith.constant 32 : i32
      %mul3A_25 = arith.muli %add3A_23, %mul3A_24 : i32
      %add3A_26 = arith.addi %mul3A_25, %add3A : i32
      %mul3A_27 = arith.constant 3 : i32
      %mul3A_28 = arith.muli %add3A_12, %mul3A_27 : i32
      %add3A_29 = arith.constant 2 : i32
      %add3A_30 = arith.addi %mul3A_28, %add3A_29 : i32
      %mul3A_31 = arith.constant 32 : i32
      %mul3A_32 = arith.muli %add3A_30, %mul3A_31 : i32
      %add3A_33 = arith.addi %mul3A_32, %add3A : i32
      %lt3A = arith.constant 2500 : i32
      %lt3A_34 = arith.cmpi slt, %add3A_19, %lt3A : i32
      %convert_element_type3A = arith.extui %lt3A_34 : i1 to i32
      %cond3A = arith.constant 0 : i32
      %cond3A_35 = arith.cmpi ne, %convert_element_type3A, %cond3A : i32
      scf.if %cond3A_35 {
        %mul3A_91 = arith.constant 128 : i32
        %mul3A_92 = arith.muli %add3A_19, %mul3A_91 : i32
        %dma_start3A = arith.constant 0 : i32
        %dma_start3A_93 = arith.constant 0 : i32
        %dma_start3A_94 = tpu.memref_slice %arg7[%dma_start3A, %dma_start3A_93] : memref<3x128xi32, #tpu.memory_space<vmem>> -> memref<1x128xi32, #tpu.memory_space<vmem>>
        %dma_start3A_95 = tpu.memref_squeeze %dma_start3A_94 : memref<1x128xi32, #tpu.memory_space<vmem>> -> memref<128xi32, #tpu.memory_space<vmem>>
        %dma_start3A_96 = tpu.memref_slice %arg3[%mul3A_92] : memref<320000xi32, #tpu.memory_space<hbm>> -> memref<128xi32, #tpu.memory_space<hbm>>
        %dma_start3A_97 = arith.constant 0 : i32
        %dma_start3A_98 = tpu.memref_slice %arg7[%dma_start3A, %dma_start3A_97] : memref<3x128xi32, #tpu.memory_space<vmem>> -> memref<1x128xi32, #tpu.memory_space<vmem>>
        %dma_start3A_99 = tpu.memref_squeeze %dma_start3A_98 : memref<1x128xi32, #tpu.memory_space<vmem>> -> memref<128xi32, #tpu.memory_space<vmem>>
        %dma_start3A_100 = tpu.memref_slice %arg3[%mul3A_92] : memref<320000xi32, #tpu.memory_space<hbm>> -> memref<128xi32, #tpu.memory_space<hbm>>
        tpu.enqueue_dma source(%dma_start3A_100 : memref<128xi32, #tpu.memory_space<hbm>>) target(%dma_start3A_99 : memref<128xi32, #tpu.memory_space<vmem>>) target_semaphore(%arg11 : memref<!tpu.dma_semaphore, #tpu.memory_space<semaphore_mem>>)
        %dma_start3A_101 = arith.constant 0 : i32
        %dma_start3A_102 = arith.constant 0 : i32
        %dma_start3A_103 = tpu.memref_slice %arg8[%dma_start3A_101, %dma_start3A_102] : memref<3x128xi32, #tpu.memory_space<vmem>> -> memref<1x128xi32, #tpu.memory_space<vmem>>
        %dma_start3A_104 = tpu.memref_squeeze %dma_start3A_103 : memref<1x128xi32, #tpu.memory_space<vmem>> -> memref<128xi32, #tpu.memory_space<vmem>>
        %dma_start3A_105 = tpu.memref_slice %arg4[%mul3A_92] : memref<320000xi32, #tpu.memory_space<hbm>> -> memref<128xi32, #tpu.memory_space<hbm>>
        %dma_start3A_106 = arith.constant 0 : i32
        %dma_start3A_107 = tpu.memref_slice %arg8[%dma_start3A_101, %dma_start3A_106] : memref<3x128xi32, #tpu.memory_space<vmem>> -> memref<1x128xi32, #tpu.memory_space<vmem>>
        %dma_start3A_108 = tpu.memref_squeeze %dma_start3A_107 : memref<1x128xi32, #tpu.memory_space<vmem>> -> memref<128xi32, #tpu.memory_space<vmem>>
        %dma_start3A_109 = tpu.memref_slice %arg4[%mul3A_92] : memref<320000xi32, #tpu.memory_space<hbm>> -> memref<128xi32, #tpu.memory_space<hbm>>
        tpu.enqueue_dma source(%dma_start3A_109 : memref<128xi32, #tpu.memory_space<hbm>>) target(%dma_start3A_108 : memref<128xi32, #tpu.memory_space<vmem>>) target_semaphore(%arg11 : memref<!tpu.dma_semaphore, #tpu.memory_space<semaphore_mem>>)
      } else {
      }
      %lt3A_36 = arith.constant 2500 : i32
      %lt3A_37 = arith.cmpi slt, %add3A_26, %lt3A_36 : i32
      %convert_element_type3A_38 = arith.extui %lt3A_37 : i1 to i32
      %cond3A_39 = arith.constant 0 : i32
      %cond3A_40 = arith.cmpi ne, %convert_element_type3A_38, %cond3A_39 : i32
      scf.if %cond3A_40 {
        %mul3A_91 = arith.constant 128 : i32
        %mul3A_92 = arith.muli %add3A_26, %mul3A_91 : i32
        %dma_start3A = arith.constant 1 : i32
        %dma_start3A_93 = arith.constant 0 : i32
        %dma_start3A_94 = tpu.memref_slice %arg7[%dma_start3A, %dma_start3A_93] : memref<3x128xi32, #tpu.memory_space<vmem>> -> memref<1x128xi32, #tpu.memory_space<vmem>>
        %dma_start3A_95 = tpu.memref_squeeze %dma_start3A_94 : memref<1x128xi32, #tpu.memory_space<vmem>> -> memref<128xi32, #tpu.memory_space<vmem>>
        %dma_start3A_96 = tpu.memref_slice %arg3[%mul3A_92] : memref<320000xi32, #tpu.memory_space<hbm>> -> memref<128xi32, #tpu.memory_space<hbm>>
        %dma_start3A_97 = arith.constant 0 : i32
        %dma_start3A_98 = tpu.memref_slice %arg7[%dma_start3A, %dma_start3A_97] : memref<3x128xi32, #tpu.memory_space<vmem>> -> memref<1x128xi32, #tpu.memory_space<vmem>>
        %dma_start3A_99 = tpu.memref_squeeze %dma_start3A_98 : memref<1x128xi32, #tpu.memory_space<vmem>> -> memref<128xi32, #tpu.memory_space<vmem>>
        %dma_start3A_100 = tpu.memref_slice %arg3[%mul3A_92] : memref<320000xi32, #tpu.memory_space<hbm>> -> memref<128xi32, #tpu.memory_space<hbm>>
        tpu.enqueue_dma source(%dma_start3A_100 : memref<128xi32, #tpu.memory_space<hbm>>) target(%dma_start3A_99 : memref<128xi32, #tpu.memory_space<vmem>>) target_semaphore(%arg11 : memref<!tpu.dma_semaphore, #tpu.memory_space<semaphore_mem>>)
        %dma_start3A_101 = arith.constant 1 : i32
        %dma_start3A_102 = arith.constant 0 : i32
        %dma_start3A_103 = tpu.memref_slice %arg8[%dma_start3A_101, %dma_start3A_102] : memref<3x128xi32, #tpu.memory_space<vmem>> -> memref<1x128xi32, #tpu.memory_space<vmem>>
        %dma_start3A_104 = tpu.memref_squeeze %dma_start3A_103 : memref<1x128xi32, #tpu.memory_space<vmem>> -> memref<128xi32, #tpu.memory_space<vmem>>
        %dma_start3A_105 = tpu.memref_slice %arg4[%mul3A_92] : memref<320000xi32, #tpu.memory_space<hbm>> -> memref<128xi32, #tpu.memory_space<hbm>>
        %dma_start3A_106 = arith.constant 0 : i32
        %dma_start3A_107 = tpu.memref_slice %arg8[%dma_start3A_101, %dma_start3A_106] : memref<3x128xi32, #tpu.memory_space<vmem>> -> memref<1x128xi32, #tpu.memory_space<vmem>>
        %dma_start3A_108 = tpu.memref_squeeze %dma_start3A_107 : memref<1x128xi32, #tpu.memory_space<vmem>> -> memref<128xi32, #tpu.memory_space<vmem>>
        %dma_start3A_109 = tpu.memref_slice %arg4[%mul3A_92] : memref<320000xi32, #tpu.memory_space<hbm>> -> memref<128xi32, #tpu.memory_space<hbm>>
        tpu.enqueue_dma source(%dma_start3A_109 : memref<128xi32, #tpu.memory_space<hbm>>) target(%dma_start3A_108 : memref<128xi32, #tpu.memory_space<vmem>>) target_semaphore(%arg11 : memref<!tpu.dma_semaphore, #tpu.memory_space<semaphore_mem>>)
      } else {
      }
      %lt3A_41 = arith.constant 2500 : i32
      %lt3A_42 = arith.cmpi slt, %add3A_33, %lt3A_41 : i32
      %convert_element_type3A_43 = arith.extui %lt3A_42 : i1 to i32
      %cond3A_44 = arith.constant 0 : i32
      %cond3A_45 = arith.cmpi ne, %convert_element_type3A_43, %cond3A_44 : i32
      scf.if %cond3A_45 {
        %mul3A_91 = arith.constant 128 : i32
        %mul3A_92 = arith.muli %add3A_33, %mul3A_91 : i32
        %dma_start3A = arith.constant 2 : i32
        %dma_start3A_93 = arith.constant 0 : i32
        %dma_start3A_94 = tpu.memref_slice %arg7[%dma_start3A, %dma_start3A_93] : memref<3x128xi32, #tpu.memory_space<vmem>> -> memref<1x128xi32, #tpu.memory_space<vmem>>
        %dma_start3A_95 = tpu.memref_squeeze %dma_start3A_94 : memref<1x128xi32, #tpu.memory_space<vmem>> -> memref<128xi32, #tpu.memory_space<vmem>>
        %dma_start3A_96 = tpu.memref_slice %arg3[%mul3A_92] : memref<320000xi32, #tpu.memory_space<hbm>> -> memref<128xi32, #tpu.memory_space<hbm>>
        %dma_start3A_97 = arith.constant 0 : i32
        %dma_start3A_98 = tpu.memref_slice %arg7[%dma_start3A, %dma_start3A_97] : memref<3x128xi32, #tpu.memory_space<vmem>> -> memref<1x128xi32, #tpu.memory_space<vmem>>
        %dma_start3A_99 = tpu.memref_squeeze %dma_start3A_98 : memref<1x128xi32, #tpu.memory_space<vmem>> -> memref<128xi32, #tpu.memory_space<vmem>>
        %dma_start3A_100 = tpu.memref_slice %arg3[%mul3A_92] : memref<320000xi32, #tpu.memory_space<hbm>> -> memref<128xi32, #tpu.memory_space<hbm>>
        tpu.enqueue_dma source(%dma_start3A_100 : memref<128xi32, #tpu.memory_space<hbm>>) target(%dma_start3A_99 : memref<128xi32, #tpu.memory_space<vmem>>) target_semaphore(%arg11 : memref<!tpu.dma_semaphore, #tpu.memory_space<semaphore_mem>>)
        %dma_start3A_101 = arith.constant 2 : i32
        %dma_start3A_102 = arith.constant 0 : i32
        %dma_start3A_103 = tpu.memref_slice %arg8[%dma_start3A_101, %dma_start3A_102] : memref<3x128xi32, #tpu.memory_space<vmem>> -> memref<1x128xi32, #tpu.memory_space<vmem>>
        %dma_start3A_104 = tpu.memref_squeeze %dma_start3A_103 : memref<1x128xi32, #tpu.memory_space<vmem>> -> memref<128xi32, #tpu.memory_space<vmem>>
        %dma_start3A_105 = tpu.memref_slice %arg4[%mul3A_92] : memref<320000xi32, #tpu.memory_space<hbm>> -> memref<128xi32, #tpu.memory_space<hbm>>
        %dma_start3A_106 = arith.constant 0 : i32
        %dma_start3A_107 = tpu.memref_slice %arg8[%dma_start3A_101, %dma_start3A_106] : memref<3x128xi32, #tpu.memory_space<vmem>> -> memref<1x128xi32, #tpu.memory_space<vmem>>
        %dma_start3A_108 = tpu.memref_squeeze %dma_start3A_107 : memref<1x128xi32, #tpu.memory_space<vmem>> -> memref<128xi32, #tpu.memory_space<vmem>>
        %dma_start3A_109 = tpu.memref_slice %arg4[%mul3A_92] : memref<320000xi32, #tpu.memory_space<hbm>> -> memref<128xi32, #tpu.memory_space<hbm>>
        tpu.enqueue_dma source(%dma_start3A_109 : memref<128xi32, #tpu.memory_space<hbm>>) target(%dma_start3A_108 : memref<128xi32, #tpu.memory_space<vmem>>) target_semaphore(%arg11 : memref<!tpu.dma_semaphore, #tpu.memory_space<semaphore_mem>>)
      } else {
      }
      %lt3A_46 = arith.constant 2500 : i32
      %lt3A_47 = arith.cmpi slt, %add3A_19, %lt3A_46 : i32
      %convert_element_type3A_48 = arith.extui %lt3A_47 : i1 to i32
      %cond3A_49 = arith.constant 0 : i32
      %cond3A_50 = arith.cmpi ne, %convert_element_type3A_48, %cond3A_49 : i32
      scf.if %cond3A_50 {
        %dma_wait3A = arith.constant 0 : i32
        %dma_wait3A_91 = arith.constant 0 : i32
        %dma_wait3A_92 = tpu.memref_slice %arg7[%dma_wait3A, %dma_wait3A_91] : memref<3x128xi32, #tpu.memory_space<vmem>> -> memref<1x128xi32, #tpu.memory_space<vmem>>
        %dma_wait3A_93 = tpu.memref_squeeze %dma_wait3A_92 : memref<1x128xi32, #tpu.memory_space<vmem>> -> memref<128xi32, #tpu.memory_space<vmem>>
        %dma_wait3A_94 = arith.constant 0 : i32
        %dma_wait3A_95 = tpu.memref_slice %arg3[%dma_wait3A_94] : memref<320000xi32, #tpu.memory_space<hbm>> -> memref<128xi32, #tpu.memory_space<hbm>>
        %dma_wait3A_96 = arith.constant 0 : i32
        %dma_wait3A_97 = tpu.memref_slice %arg7[%dma_wait3A, %dma_wait3A_96] : memref<3x128xi32, #tpu.memory_space<vmem>> -> memref<1x128xi32, #tpu.memory_space<vmem>>
        %dma_wait3A_98 = tpu.memref_squeeze %dma_wait3A_97 : memref<1x128xi32, #tpu.memory_space<vmem>> -> memref<128xi32, #tpu.memory_space<vmem>>
        %dma_wait3A_99 = arith.constant 0 : i32
        %dma_wait3A_100 = tpu.memref_slice %arg3[%dma_wait3A_99] : memref<320000xi32, #tpu.memory_space<hbm>> -> memref<128xi32, #tpu.memory_space<hbm>>
        tpu.wait_dma2 semaphore(%arg11 : memref<!tpu.dma_semaphore, #tpu.memory_space<semaphore_mem>>) src(%dma_wait3A_100 : memref<128xi32, #tpu.memory_space<hbm>>) dst(%dma_wait3A_98 : memref<128xi32, #tpu.memory_space<vmem>>)
        %dma_wait3A_101 = arith.constant 0 : i32
        %dma_wait3A_102 = arith.constant 0 : i32
        %dma_wait3A_103 = tpu.memref_slice %arg8[%dma_wait3A_101, %dma_wait3A_102] : memref<3x128xi32, #tpu.memory_space<vmem>> -> memref<1x128xi32, #tpu.memory_space<vmem>>
        %dma_wait3A_104 = tpu.memref_squeeze %dma_wait3A_103 : memref<1x128xi32, #tpu.memory_space<vmem>> -> memref<128xi32, #tpu.memory_space<vmem>>
        %dma_wait3A_105 = arith.constant 0 : i32
        %dma_wait3A_106 = tpu.memref_slice %arg4[%dma_wait3A_105] : memref<320000xi32, #tpu.memory_space<hbm>> -> memref<128xi32, #tpu.memory_space<hbm>>
        %dma_wait3A_107 = arith.constant 0 : i32
        %dma_wait3A_108 = tpu.memref_slice %arg8[%dma_wait3A_101, %dma_wait3A_107] : memref<3x128xi32, #tpu.memory_space<vmem>> -> memref<1x128xi32, #tpu.memory_space<vmem>>
        %dma_wait3A_109 = tpu.memref_squeeze %dma_wait3A_108 : memref<1x128xi32, #tpu.memory_space<vmem>> -> memref<128xi32, #tpu.memory_space<vmem>>
        %dma_wait3A_110 = arith.constant 0 : i32
        %dma_wait3A_111 = tpu.memref_slice %arg4[%dma_wait3A_110] : memref<320000xi32, #tpu.memory_space<hbm>> -> memref<128xi32, #tpu.memory_space<hbm>>
        tpu.wait_dma2 semaphore(%arg11 : memref<!tpu.dma_semaphore, #tpu.memory_space<semaphore_mem>>) src(%dma_wait3A_111 : memref<128xi32, #tpu.memory_space<hbm>>) dst(%dma_wait3A_109 : memref<128xi32, #tpu.memory_space<vmem>>)
        %dma_start3A = arith.constant 0 : i32
        %dma_start3A_112 = arith.constant 0 : i32
        %dma_start3A_113 = arith.constant 0 : i32
        %dma_start3A_114 = arith.constant 0 : i32
        %dma_start3A_115 = tpu.memref_slice %arg9[%dma_start3A_112, %dma_start3A_113, %dma_start3A_114] : memref<3x128x128xf32, #tpu.memory_space<vmem>> -> memref<1x128x128xf32, #tpu.memory_space<vmem>>
        %dma_start3A_116 = tpu.memref_squeeze %dma_start3A_115 : memref<1x128x128xf32, #tpu.memory_space<vmem>> -> memref<128x128xf32, #tpu.memory_space<vmem>>
        %dma_start3A_117 = arith.constant 0 : i32
        %dma_start3A_118 = tpu.memref_slice %arg7[%dma_start3A, %dma_start3A_117] : memref<3x128xi32, #tpu.memory_space<vmem>> -> memref<1x128xi32, #tpu.memory_space<vmem>>
        %dma_start3A_119 = tpu.memref_squeeze %dma_start3A_118 : memref<1x128xi32, #tpu.memory_space<vmem>> -> memref<128xi32, #tpu.memory_space<vmem>>
        %dma_start3A_120 = arith.constant 0 : i32
        %dma_start3A_121 = arith.constant 0 : i32
        %dma_start3A_122 = tpu.memref_slice %arg2[%dma_start3A_120, %dma_start3A_121] : memref<10000x128xf32, #tpu.memory_space<hbm>> -> memref<10000x128xf32, #tpu.memory_space<hbm>>
        tpu.enqueue_indirect_dma source(%dma_start3A_122 : memref<10000x128xf32, #tpu.memory_space<hbm>>) target(%dma_start3A_116 : memref<128x128xf32, #tpu.memory_space<vmem>>) offsets(%dma_start3A_119 : memref<128xi32, #tpu.memory_space<vmem>>) semaphore(%arg12 : memref<!tpu.dma_semaphore, #tpu.memory_space<semaphore_mem>>)
      } else {
      }
      %lt3A_51 = arith.constant 2500 : i32
      %lt3A_52 = arith.cmpi slt, %add3A_26, %lt3A_51 : i32
      %convert_element_type3A_53 = arith.extui %lt3A_52 : i1 to i32
      %cond3A_54 = arith.constant 0 : i32
      %cond3A_55 = arith.cmpi ne, %convert_element_type3A_53, %cond3A_54 : i32
      scf.if %cond3A_55 {
        %dma_wait3A = arith.constant 1 : i32
        %dma_wait3A_91 = arith.constant 0 : i32
        %dma_wait3A_92 = tpu.memref_slice %arg7[%dma_wait3A, %dma_wait3A_91] : memref<3x128xi32, #tpu.memory_space<vmem>> -> memref<1x128xi32, #tpu.memory_space<vmem>>
        %dma_wait3A_93 = tpu.memref_squeeze %dma_wait3A_92 : memref<1x128xi32, #tpu.memory_space<vmem>> -> memref<128xi32, #tpu.memory_space<vmem>>
        %dma_wait3A_94 = arith.constant 0 : i32
        %dma_wait3A_95 = tpu.memref_slice %arg3[%dma_wait3A_94] : memref<320000xi32, #tpu.memory_space<hbm>> -> memref<128xi32, #tpu.memory_space<hbm>>
        %dma_wait3A_96 = arith.constant 0 : i32
        %dma_wait3A_97 = tpu.memref_slice %arg7[%dma_wait3A, %dma_wait3A_96] : memref<3x128xi32, #tpu.memory_space<vmem>> -> memref<1x128xi32, #tpu.memory_space<vmem>>
        %dma_wait3A_98 = tpu.memref_squeeze %dma_wait3A_97 : memref<1x128xi32, #tpu.memory_space<vmem>> -> memref<128xi32, #tpu.memory_space<vmem>>
        %dma_wait3A_99 = arith.constant 0 : i32
        %dma_wait3A_100 = tpu.memref_slice %arg3[%dma_wait3A_99] : memref<320000xi32, #tpu.memory_space<hbm>> -> memref<128xi32, #tpu.memory_space<hbm>>
        tpu.wait_dma2 semaphore(%arg11 : memref<!tpu.dma_semaphore, #tpu.memory_space<semaphore_mem>>) src(%dma_wait3A_100 : memref<128xi32, #tpu.memory_space<hbm>>) dst(%dma_wait3A_98 : memref<128xi32, #tpu.memory_space<vmem>>)
        %dma_wait3A_101 = arith.constant 1 : i32
        %dma_wait3A_102 = arith.constant 0 : i32
        %dma_wait3A_103 = tpu.memref_slice %arg8[%dma_wait3A_101, %dma_wait3A_102] : memref<3x128xi32, #tpu.memory_space<vmem>> -> memref<1x128xi32, #tpu.memory_space<vmem>>
        %dma_wait3A_104 = tpu.memref_squeeze %dma_wait3A_103 : memref<1x128xi32, #tpu.memory_space<vmem>> -> memref<128xi32, #tpu.memory_space<vmem>>
        %dma_wait3A_105 = arith.constant 0 : i32
        %dma_wait3A_106 = tpu.memref_slice %arg4[%dma_wait3A_105] : memref<320000xi32, #tpu.memory_space<hbm>> -> memref<128xi32, #tpu.memory_space<hbm>>
        %dma_wait3A_107 = arith.constant 0 : i32
        %dma_wait3A_108 = tpu.memref_slice %arg8[%dma_wait3A_101, %dma_wait3A_107] : memref<3x128xi32, #tpu.memory_space<vmem>> -> memref<1x128xi32, #tpu.memory_space<vmem>>
        %dma_wait3A_109 = tpu.memref_squeeze %dma_wait3A_108 : memref<1x128xi32, #tpu.memory_space<vmem>> -> memref<128xi32, #tpu.memory_space<vmem>>
        %dma_wait3A_110 = arith.constant 0 : i32
        %dma_wait3A_111 = tpu.memref_slice %arg4[%dma_wait3A_110] : memref<320000xi32, #tpu.memory_space<hbm>> -> memref<128xi32, #tpu.memory_space<hbm>>
        tpu.wait_dma2 semaphore(%arg11 : memref<!tpu.dma_semaphore, #tpu.memory_space<semaphore_mem>>) src(%dma_wait3A_111 : memref<128xi32, #tpu.memory_space<hbm>>) dst(%dma_wait3A_109 : memref<128xi32, #tpu.memory_space<vmem>>)
        %dma_start3A = arith.constant 1 : i32
        %dma_start3A_112 = arith.constant 1 : i32
        %dma_start3A_113 = arith.constant 0 : i32
        %dma_start3A_114 = arith.constant 0 : i32
        %dma_start3A_115 = tpu.memref_slice %arg9[%dma_start3A_112, %dma_start3A_113, %dma_start3A_114] : memref<3x128x128xf32, #tpu.memory_space<vmem>> -> memref<1x128x128xf32, #tpu.memory_space<vmem>>
        %dma_start3A_116 = tpu.memref_squeeze %dma_start3A_115 : memref<1x128x128xf32, #tpu.memory_space<vmem>> -> memref<128x128xf32, #tpu.memory_space<vmem>>
        %dma_start3A_117 = arith.constant 0 : i32
        %dma_start3A_118 = tpu.memref_slice %arg7[%dma_start3A, %dma_start3A_117] : memref<3x128xi32, #tpu.memory_space<vmem>> -> memref<1x128xi32, #tpu.memory_space<vmem>>
        %dma_start3A_119 = tpu.memref_squeeze %dma_start3A_118 : memref<1x128xi32, #tpu.memory_space<vmem>> -> memref<128xi32, #tpu.memory_space<vmem>>
        %dma_start3A_120 = arith.constant 0 : i32
        %dma_start3A_121 = arith.constant 0 : i32
        %dma_start3A_122 = tpu.memref_slice %arg2[%dma_start3A_120, %dma_start3A_121] : memref<10000x128xf32, #tpu.memory_space<hbm>> -> memref<10000x128xf32, #tpu.memory_space<hbm>>
        tpu.enqueue_indirect_dma source(%dma_start3A_122 : memref<10000x128xf32, #tpu.memory_space<hbm>>) target(%dma_start3A_116 : memref<128x128xf32, #tpu.memory_space<vmem>>) offsets(%dma_start3A_119 : memref<128xi32, #tpu.memory_space<vmem>>) semaphore(%arg12 : memref<!tpu.dma_semaphore, #tpu.memory_space<semaphore_mem>>)
      } else {
      }
      %lt3A_56 = arith.constant 2500 : i32
      %lt3A_57 = arith.cmpi slt, %add3A_33, %lt3A_56 : i32
      %convert_element_type3A_58 = arith.extui %lt3A_57 : i1 to i32
      %cond3A_59 = arith.constant 0 : i32
      %cond3A_60 = arith.cmpi ne, %convert_element_type3A_58, %cond3A_59 : i32
      scf.if %cond3A_60 {
        %dma_wait3A = arith.constant 2 : i32
        %dma_wait3A_91 = arith.constant 0 : i32
        %dma_wait3A_92 = tpu.memref_slice %arg7[%dma_wait3A, %dma_wait3A_91] : memref<3x128xi32, #tpu.memory_space<vmem>> -> memref<1x128xi32, #tpu.memory_space<vmem>>
        %dma_wait3A_93 = tpu.memref_squeeze %dma_wait3A_92 : memref<1x128xi32, #tpu.memory_space<vmem>> -> memref<128xi32, #tpu.memory_space<vmem>>
        %dma_wait3A_94 = arith.constant 0 : i32
        %dma_wait3A_95 = tpu.memref_slice %arg3[%dma_wait3A_94] : memref<320000xi32, #tpu.memory_space<hbm>> -> memref<128xi32, #tpu.memory_space<hbm>>
        %dma_wait3A_96 = arith.constant 0 : i32
        %dma_wait3A_97 = tpu.memref_slice %arg7[%dma_wait3A, %dma_wait3A_96] : memref<3x128xi32, #tpu.memory_space<vmem>> -> memref<1x128xi32, #tpu.memory_space<vmem>>
        %dma_wait3A_98 = tpu.memref_squeeze %dma_wait3A_97 : memref<1x128xi32, #tpu.memory_space<vmem>> -> memref<128xi32, #tpu.memory_space<vmem>>
        %dma_wait3A_99 = arith.constant 0 : i32
        %dma_wait3A_100 = tpu.memref_slice %arg3[%dma_wait3A_99] : memref<320000xi32, #tpu.memory_space<hbm>> -> memref<128xi32, #tpu.memory_space<hbm>>
        tpu.wait_dma2 semaphore(%arg11 : memref<!tpu.dma_semaphore, #tpu.memory_space<semaphore_mem>>) src(%dma_wait3A_100 : memref<128xi32, #tpu.memory_space<hbm>>) dst(%dma_wait3A_98 : memref<128xi32, #tpu.memory_space<vmem>>)
        %dma_wait3A_101 = arith.constant 2 : i32
        %dma_wait3A_102 = arith.constant 0 : i32
        %dma_wait3A_103 = tpu.memref_slice %arg8[%dma_wait3A_101, %dma_wait3A_102] : memref<3x128xi32, #tpu.memory_space<vmem>> -> memref<1x128xi32, #tpu.memory_space<vmem>>
        %dma_wait3A_104 = tpu.memref_squeeze %dma_wait3A_103 : memref<1x128xi32, #tpu.memory_space<vmem>> -> memref<128xi32, #tpu.memory_space<vmem>>
        %dma_wait3A_105 = arith.constant 0 : i32
        %dma_wait3A_106 = tpu.memref_slice %arg4[%dma_wait3A_105] : memref<320000xi32, #tpu.memory_space<hbm>> -> memref<128xi32, #tpu.memory_space<hbm>>
        %dma_wait3A_107 = arith.constant 0 : i32
        %dma_wait3A_108 = tpu.memref_slice %arg8[%dma_wait3A_101, %dma_wait3A_107] : memref<3x128xi32, #tpu.memory_space<vmem>> -> memref<1x128xi32, #tpu.memory_space<vmem>>
        %dma_wait3A_109 = tpu.memref_squeeze %dma_wait3A_108 : memref<1x128xi32, #tpu.memory_space<vmem>> -> memref<128xi32, #tpu.memory_space<vmem>>
        %dma_wait3A_110 = arith.constant 0 : i32
        %dma_wait3A_111 = tpu.memref_slice %arg4[%dma_wait3A_110] : memref<320000xi32, #tpu.memory_space<hbm>> -> memref<128xi32, #tpu.memory_space<hbm>>
        tpu.wait_dma2 semaphore(%arg11 : memref<!tpu.dma_semaphore, #tpu.memory_space<semaphore_mem>>) src(%dma_wait3A_111 : memref<128xi32, #tpu.memory_space<hbm>>) dst(%dma_wait3A_109 : memref<128xi32, #tpu.memory_space<vmem>>)
        %dma_start3A = arith.constant 2 : i32
        %dma_start3A_112 = arith.constant 2 : i32
        %dma_start3A_113 = arith.constant 0 : i32
        %dma_start3A_114 = arith.constant 0 : i32
        %dma_start3A_115 = tpu.memref_slice %arg9[%dma_start3A_112, %dma_start3A_113, %dma_start3A_114] : memref<3x128x128xf32, #tpu.memory_space<vmem>> -> memref<1x128x128xf32, #tpu.memory_space<vmem>>
        %dma_start3A_116 = tpu.memref_squeeze %dma_start3A_115 : memref<1x128x128xf32, #tpu.memory_space<vmem>> -> memref<128x128xf32, #tpu.memory_space<vmem>>
        %dma_start3A_117 = arith.constant 0 : i32
        %dma_start3A_118 = tpu.memref_slice %arg7[%dma_start3A, %dma_start3A_117] : memref<3x128xi32, #tpu.memory_space<vmem>> -> memref<1x128xi32, #tpu.memory_space<vmem>>
        %dma_start3A_119 = tpu.memref_squeeze %dma_start3A_118 : memref<1x128xi32, #tpu.memory_space<vmem>> -> memref<128xi32, #tpu.memory_space<vmem>>
        %dma_start3A_120 = arith.constant 0 : i32
        %dma_start3A_121 = arith.constant 0 : i32
        %dma_start3A_122 = tpu.memref_slice %arg2[%dma_start3A_120, %dma_start3A_121] : memref<10000x128xf32, #tpu.memory_space<hbm>> -> memref<10000x128xf32, #tpu.memory_space<hbm>>
        tpu.enqueue_indirect_dma source(%dma_start3A_122 : memref<10000x128xf32, #tpu.memory_space<hbm>>) target(%dma_start3A_116 : memref<128x128xf32, #tpu.memory_space<vmem>>) offsets(%dma_start3A_119 : memref<128xi32, #tpu.memory_space<vmem>>) semaphore(%arg12 : memref<!tpu.dma_semaphore, #tpu.memory_space<semaphore_mem>>)
      } else {
      }
      %lt3A_61 = arith.constant 2500 : i32
      %lt3A_62 = arith.cmpi slt, %add3A_19, %lt3A_61 : i32
      %convert_element_type3A_63 = arith.extui %lt3A_62 : i1 to i32
      %cond3A_64 = arith.constant 0 : i32
      %cond3A_65 = arith.cmpi ne, %convert_element_type3A_63, %cond3A_64 : i32
      scf.if %cond3A_65 {
        %dma_wait3A = arith.constant 0 : i32
        %dma_wait3A_91 = arith.constant 0 : i32
        %dma_wait3A_92 = arith.constant 0 : i32
        %dma_wait3A_93 = arith.constant 0 : i32
        %dma_wait3A_94 = tpu.memref_slice %arg9[%dma_wait3A_91, %dma_wait3A_92, %dma_wait3A_93] : memref<3x128x128xf32, #tpu.memory_space<vmem>> -> memref<1x128x128xf32, #tpu.memory_space<vmem>>
        %dma_wait3A_95 = tpu.memref_squeeze %dma_wait3A_94 : memref<1x128x128xf32, #tpu.memory_space<vmem>> -> memref<128x128xf32, #tpu.memory_space<vmem>>
        %dma_wait3A_96 = arith.constant 0 : i32
        %dma_wait3A_97 = tpu.memref_slice %arg7[%dma_wait3A, %dma_wait3A_96] : memref<3x128xi32, #tpu.memory_space<vmem>> -> memref<1x128xi32, #tpu.memory_space<vmem>>
        %dma_wait3A_98 = tpu.memref_squeeze %dma_wait3A_97 : memref<1x128xi32, #tpu.memory_space<vmem>> -> memref<128xi32, #tpu.memory_space<vmem>>
        %dma_wait3A_99 = arith.constant 0 : i32
        %dma_wait3A_100 = arith.constant 0 : i32
        %dma_wait3A_101 = tpu.memref_slice %arg2[%dma_wait3A_99, %dma_wait3A_100] : memref<10000x128xf32, #tpu.memory_space<hbm>> -> memref<10000x128xf32, #tpu.memory_space<hbm>>
        tpu.wait_indirect_dma semaphore(%arg12 : memref<!tpu.dma_semaphore, #tpu.memory_space<semaphore_mem>>) src(%dma_wait3A_101 : memref<10000x128xf32, #tpu.memory_space<hbm>>) dst(%dma_wait3A_95 : memref<128x128xf32, #tpu.memory_space<vmem>>)
        %dma_start3A = arith.constant 0 : i32
        %dma_start3A_102 = arith.constant 0 : i32
        %dma_start3A_103 = arith.constant 0 : i32
        %dma_start3A_104 = arith.constant 0 : i32
        %dma_start3A_105 = tpu.memref_slice %arg9[%dma_start3A, %dma_start3A_103, %dma_start3A_104] : memref<3x128x128xf32, #tpu.memory_space<vmem>> -> memref<1x128x128xf32, #tpu.memory_space<vmem>>
        %dma_start3A_106 = tpu.memref_squeeze %dma_start3A_105 : memref<1x128x128xf32, #tpu.memory_space<vmem>> -> memref<128x128xf32, #tpu.memory_space<vmem>>
        %dma_start3A_107 = arith.constant 0 : i32
        %dma_start3A_108 = tpu.memref_slice %arg8[%dma_start3A_102, %dma_start3A_107] : memref<3x128xi32, #tpu.memory_space<vmem>> -> memref<1x128xi32, #tpu.memory_space<vmem>>
        %dma_start3A_109 = tpu.memref_squeeze %dma_start3A_108 : memref<1x128xi32, #tpu.memory_space<vmem>> -> memref<128xi32, #tpu.memory_space<vmem>>
        %dma_start3A_110 = arith.constant 0 : i32
        %dma_start3A_111 = arith.constant 0 : i32
        %dma_start3A_112 = tpu.memref_slice %arg10[%dma_start3A_110, %dma_start3A_111] : memref<10112x128xf32, #tpu.memory_space<vmem_shared>> -> memref<10112x128xf32, #tpu.memory_space<vmem_shared>>
        tpu.enqueue_indirect_dma source(%dma_start3A_106 : memref<128x128xf32, #tpu.memory_space<vmem>>) target(%dma_start3A_112 : memref<10112x128xf32, #tpu.memory_space<vmem_shared>>) offsets(%dma_start3A_109 : memref<128xi32, #tpu.memory_space<vmem>>) semaphore(%arg13 : memref<!tpu.dma_semaphore, #tpu.memory_space<semaphore_mem>>) {add = true}
      } else {
      }
      %lt3A_66 = arith.constant 2500 : i32
      %lt3A_67 = arith.cmpi slt, %add3A_26, %lt3A_66 : i32
      %convert_element_type3A_68 = arith.extui %lt3A_67 : i1 to i32
      %cond3A_69 = arith.constant 0 : i32
      %cond3A_70 = arith.cmpi ne, %convert_element_type3A_68, %cond3A_69 : i32
      scf.if %cond3A_70 {
        %dma_wait3A = arith.constant 1 : i32
        %dma_wait3A_91 = arith.constant 1 : i32
        %dma_wait3A_92 = arith.constant 0 : i32
        %dma_wait3A_93 = arith.constant 0 : i32
        %dma_wait3A_94 = tpu.memref_slice %arg9[%dma_wait3A_91, %dma_wait3A_92, %dma_wait3A_93] : memref<3x128x128xf32, #tpu.memory_space<vmem>> -> memref<1x128x128xf32, #tpu.memory_space<vmem>>
        %dma_wait3A_95 = tpu.memref_squeeze %dma_wait3A_94 : memref<1x128x128xf32, #tpu.memory_space<vmem>> -> memref<128x128xf32, #tpu.memory_space<vmem>>
        %dma_wait3A_96 = arith.constant 0 : i32
        %dma_wait3A_97 = tpu.memref_slice %arg7[%dma_wait3A, %dma_wait3A_96] : memref<3x128xi32, #tpu.memory_space<vmem>> -> memref<1x128xi32, #tpu.memory_space<vmem>>
        %dma_wait3A_98 = tpu.memref_squeeze %dma_wait3A_97 : memref<1x128xi32, #tpu.memory_space<vmem>> -> memref<128xi32, #tpu.memory_space<vmem>>
        %dma_wait3A_99 = arith.constant 0 : i32
        %dma_wait3A_100 = arith.constant 0 : i32
        %dma_wait3A_101 = tpu.memref_slice %arg2[%dma_wait3A_99, %dma_wait3A_100] : memref<10000x128xf32, #tpu.memory_space<hbm>> -> memref<10000x128xf32, #tpu.memory_space<hbm>>
        tpu.wait_indirect_dma semaphore(%arg12 : memref<!tpu.dma_semaphore, #tpu.memory_space<semaphore_mem>>) src(%dma_wait3A_101 : memref<10000x128xf32, #tpu.memory_space<hbm>>) dst(%dma_wait3A_95 : memref<128x128xf32, #tpu.memory_space<vmem>>)
        %dma_start3A = arith.constant 1 : i32
        %dma_start3A_102 = arith.constant 1 : i32
        %dma_start3A_103 = arith.constant 0 : i32
        %dma_start3A_104 = arith.constant 0 : i32
        %dma_start3A_105 = tpu.memref_slice %arg9[%dma_start3A, %dma_start3A_103, %dma_start3A_104] : memref<3x128x128xf32, #tpu.memory_space<vmem>> -> memref<1x128x128xf32, #tpu.memory_space<vmem>>
        %dma_start3A_106 = tpu.memref_squeeze %dma_start3A_105 : memref<1x128x128xf32, #tpu.memory_space<vmem>> -> memref<128x128xf32, #tpu.memory_space<vmem>>
        %dma_start3A_107 = arith.constant 0 : i32
        %dma_start3A_108 = tpu.memref_slice %arg8[%dma_start3A_102, %dma_start3A_107] : memref<3x128xi32, #tpu.memory_space<vmem>> -> memref<1x128xi32, #tpu.memory_space<vmem>>
        %dma_start3A_109 = tpu.memref_squeeze %dma_start3A_108 : memref<1x128xi32, #tpu.memory_space<vmem>> -> memref<128xi32, #tpu.memory_space<vmem>>
        %dma_start3A_110 = arith.constant 0 : i32
        %dma_start3A_111 = arith.constant 0 : i32
        %dma_start3A_112 = tpu.memref_slice %arg10[%dma_start3A_110, %dma_start3A_111] : memref<10112x128xf32, #tpu.memory_space<vmem_shared>> -> memref<10112x128xf32, #tpu.memory_space<vmem_shared>>
        tpu.enqueue_indirect_dma source(%dma_start3A_106 : memref<128x128xf32, #tpu.memory_space<vmem>>) target(%dma_start3A_112 : memref<10112x128xf32, #tpu.memory_space<vmem_shared>>) offsets(%dma_start3A_109 : memref<128xi32, #tpu.memory_space<vmem>>) semaphore(%arg13 : memref<!tpu.dma_semaphore, #tpu.memory_space<semaphore_mem>>) {add = true}
      } else {
      }
      %lt3A_71 = arith.constant 2500 : i32
      %lt3A_72 = arith.cmpi slt, %add3A_33, %lt3A_71 : i32
      %convert_element_type3A_73 = arith.extui %lt3A_72 : i1 to i32
      %cond3A_74 = arith.constant 0 : i32
      %cond3A_75 = arith.cmpi ne, %convert_element_type3A_73, %cond3A_74 : i32
      scf.if %cond3A_75 {
        %dma_wait3A = arith.constant 2 : i32
        %dma_wait3A_91 = arith.constant 2 : i32
        %dma_wait3A_92 = arith.constant 0 : i32
        %dma_wait3A_93 = arith.constant 0 : i32
        %dma_wait3A_94 = tpu.memref_slice %arg9[%dma_wait3A_91, %dma_wait3A_92, %dma_wait3A_93] : memref<3x128x128xf32, #tpu.memory_space<vmem>> -> memref<1x128x128xf32, #tpu.memory_space<vmem>>
        %dma_wait3A_95 = tpu.memref_squeeze %dma_wait3A_94 : memref<1x128x128xf32, #tpu.memory_space<vmem>> -> memref<128x128xf32, #tpu.memory_space<vmem>>
        %dma_wait3A_96 = arith.constant 0 : i32
        %dma_wait3A_97 = tpu.memref_slice %arg7[%dma_wait3A, %dma_wait3A_96] : memref<3x128xi32, #tpu.memory_space<vmem>> -> memref<1x128xi32, #tpu.memory_space<vmem>>
        %dma_wait3A_98 = tpu.memref_squeeze %dma_wait3A_97 : memref<1x128xi32, #tpu.memory_space<vmem>> -> memref<128xi32, #tpu.memory_space<vmem>>
        %dma_wait3A_99 = arith.constant 0 : i32
        %dma_wait3A_100 = arith.constant 0 : i32
        %dma_wait3A_101 = tpu.memref_slice %arg2[%dma_wait3A_99, %dma_wait3A_100] : memref<10000x128xf32, #tpu.memory_space<hbm>> -> memref<10000x128xf32, #tpu.memory_space<hbm>>
        tpu.wait_indirect_dma semaphore(%arg12 : memref<!tpu.dma_semaphore, #tpu.memory_space<semaphore_mem>>) src(%dma_wait3A_101 : memref<10000x128xf32, #tpu.memory_space<hbm>>) dst(%dma_wait3A_95 : memref<128x128xf32, #tpu.memory_space<vmem>>)
        %dma_start3A = arith.constant 2 : i32
        %dma_start3A_102 = arith.constant 2 : i32
        %dma_start3A_103 = arith.constant 0 : i32
        %dma_start3A_104 = arith.constant 0 : i32
        %dma_start3A_105 = tpu.memref_slice %arg9[%dma_start3A, %dma_start3A_103, %dma_start3A_104] : memref<3x128x128xf32, #tpu.memory_space<vmem>> -> memref<1x128x128xf32, #tpu.memory_space<vmem>>
        %dma_start3A_106 = tpu.memref_squeeze %dma_start3A_105 : memref<1x128x128xf32, #tpu.memory_space<vmem>> -> memref<128x128xf32, #tpu.memory_space<vmem>>
        %dma_start3A_107 = arith.constant 0 : i32
        %dma_start3A_108 = tpu.memref_slice %arg8[%dma_start3A_102, %dma_start3A_107] : memref<3x128xi32, #tpu.memory_space<vmem>> -> memref<1x128xi32, #tpu.memory_space<vmem>>
        %dma_start3A_109 = tpu.memref_squeeze %dma_start3A_108 : memref<1x128xi32, #tpu.memory_space<vmem>> -> memref<128xi32, #tpu.memory_space<vmem>>
        %dma_start3A_110 = arith.constant 0 : i32
        %dma_start3A_111 = arith.constant 0 : i32
        %dma_start3A_112 = tpu.memref_slice %arg10[%dma_start3A_110, %dma_start3A_111] : memref<10112x128xf32, #tpu.memory_space<vmem_shared>> -> memref<10112x128xf32, #tpu.memory_space<vmem_shared>>
        tpu.enqueue_indirect_dma source(%dma_start3A_106 : memref<128x128xf32, #tpu.memory_space<vmem>>) target(%dma_start3A_112 : memref<10112x128xf32, #tpu.memory_space<vmem_shared>>) offsets(%dma_start3A_109 : memref<128xi32, #tpu.memory_space<vmem>>) semaphore(%arg13 : memref<!tpu.dma_semaphore, #tpu.memory_space<semaphore_mem>>) {add = true}
      } else {
      }
      %lt3A_76 = arith.constant 2500 : i32
      %lt3A_77 = arith.cmpi slt, %add3A_19, %lt3A_76 : i32
      %convert_element_type3A_78 = arith.extui %lt3A_77 : i1 to i32
      %cond3A_79 = arith.constant 0 : i32
      %cond3A_80 = arith.cmpi ne, %convert_element_type3A_78, %cond3A_79 : i32
      scf.if %cond3A_80 {
        %dma_wait3A = arith.constant 0 : i32
        %dma_wait3A_91 = arith.constant 0 : i32
        %dma_wait3A_92 = arith.constant 0 : i32
        %dma_wait3A_93 = arith.constant 0 : i32
        %dma_wait3A_94 = tpu.memref_slice %arg9[%dma_wait3A, %dma_wait3A_92, %dma_wait3A_93] : memref<3x128x128xf32, #tpu.memory_space<vmem>> -> memref<1x128x128xf32, #tpu.memory_space<vmem>>
        %dma_wait3A_95 = tpu.memref_squeeze %dma_wait3A_94 : memref<1x128x128xf32, #tpu.memory_space<vmem>> -> memref<128x128xf32, #tpu.memory_space<vmem>>
        %dma_wait3A_96 = arith.constant 0 : i32
        %dma_wait3A_97 = tpu.memref_slice %arg8[%dma_wait3A_91, %dma_wait3A_96] : memref<3x128xi32, #tpu.memory_space<vmem>> -> memref<1x128xi32, #tpu.memory_space<vmem>>
        %dma_wait3A_98 = tpu.memref_squeeze %dma_wait3A_97 : memref<1x128xi32, #tpu.memory_space<vmem>> -> memref<128xi32, #tpu.memory_space<vmem>>
        %dma_wait3A_99 = arith.constant 0 : i32
        %dma_wait3A_100 = arith.constant 0 : i32
        %dma_wait3A_101 = tpu.memref_slice %arg10[%dma_wait3A_99, %dma_wait3A_100] : memref<10112x128xf32, #tpu.memory_space<vmem_shared>> -> memref<10112x128xf32, #tpu.memory_space<vmem_shared>>
        tpu.wait_indirect_dma semaphore(%arg13 : memref<!tpu.dma_semaphore, #tpu.memory_space<semaphore_mem>>) src(%dma_wait3A_95 : memref<128x128xf32, #tpu.memory_space<vmem>>) dst(%dma_wait3A_101 : memref<10112x128xf32, #tpu.memory_space<vmem_shared>>)
      } else {
      }
      %lt3A_81 = arith.constant 2500 : i32
      %lt3A_82 = arith.cmpi slt, %add3A_26, %lt3A_81 : i32
      %convert_element_type3A_83 = arith.extui %lt3A_82 : i1 to i32
      %cond3A_84 = arith.constant 0 : i32
      %cond3A_85 = arith.cmpi ne, %convert_element_type3A_83, %cond3A_84 : i32
      scf.if %cond3A_85 {
        %dma_wait3A = arith.constant 1 : i32
        %dma_wait3A_91 = arith.constant 1 : i32
        %dma_wait3A_92 = arith.constant 0 : i32
        %dma_wait3A_93 = arith.constant 0 : i32
        %dma_wait3A_94 = tpu.memref_slice %arg9[%dma_wait3A, %dma_wait3A_92, %dma_wait3A_93] : memref<3x128x128xf32, #tpu.memory_space<vmem>> -> memref<1x128x128xf32, #tpu.memory_space<vmem>>
        %dma_wait3A_95 = tpu.memref_squeeze %dma_wait3A_94 : memref<1x128x128xf32, #tpu.memory_space<vmem>> -> memref<128x128xf32, #tpu.memory_space<vmem>>
        %dma_wait3A_96 = arith.constant 0 : i32
        %dma_wait3A_97 = tpu.memref_slice %arg8[%dma_wait3A_91, %dma_wait3A_96] : memref<3x128xi32, #tpu.memory_space<vmem>> -> memref<1x128xi32, #tpu.memory_space<vmem>>
        %dma_wait3A_98 = tpu.memref_squeeze %dma_wait3A_97 : memref<1x128xi32, #tpu.memory_space<vmem>> -> memref<128xi32, #tpu.memory_space<vmem>>
        %dma_wait3A_99 = arith.constant 0 : i32
        %dma_wait3A_100 = arith.constant 0 : i32
        %dma_wait3A_101 = tpu.memref_slice %arg10[%dma_wait3A_99, %dma_wait3A_100] : memref<10112x128xf32, #tpu.memory_space<vmem_shared>> -> memref<10112x128xf32, #tpu.memory_space<vmem_shared>>
        tpu.wait_indirect_dma semaphore(%arg13 : memref<!tpu.dma_semaphore, #tpu.memory_space<semaphore_mem>>) src(%dma_wait3A_95 : memref<128x128xf32, #tpu.memory_space<vmem>>) dst(%dma_wait3A_101 : memref<10112x128xf32, #tpu.memory_space<vmem_shared>>)
      } else {
      }
      %lt3A_86 = arith.constant 2500 : i32
      %lt3A_87 = arith.cmpi slt, %add3A_33, %lt3A_86 : i32
      %convert_element_type3A_88 = arith.extui %lt3A_87 : i1 to i32
      %cond3A_89 = arith.constant 0 : i32
      %cond3A_90 = arith.cmpi ne, %convert_element_type3A_88, %cond3A_89 : i32
      scf.if %cond3A_90 {
        %dma_wait3A = arith.constant 2 : i32
        %dma_wait3A_91 = arith.constant 2 : i32
        %dma_wait3A_92 = arith.constant 0 : i32
        %dma_wait3A_93 = arith.constant 0 : i32
        %dma_wait3A_94 = tpu.memref_slice %arg9[%dma_wait3A, %dma_wait3A_92, %dma_wait3A_93] : memref<3x128x128xf32, #tpu.memory_space<vmem>> -> memref<1x128x128xf32, #tpu.memory_space<vmem>>
        %dma_wait3A_95 = tpu.memref_squeeze %dma_wait3A_94 : memref<1x128x128xf32, #tpu.memory_space<vmem>> -> memref<128x128xf32, #tpu.memory_space<vmem>>
        %dma_wait3A_96 = arith.constant 0 : i32
        %dma_wait3A_97 = tpu.memref_slice %arg8[%dma_wait3A_91, %dma_wait3A_96] : memref<3x128xi32, #tpu.memory_space<vmem>> -> memref<1x128xi32, #tpu.memory_space<vmem>>
        %dma_wait3A_98 = tpu.memref_squeeze %dma_wait3A_97 : memref<1x128xi32, #tpu.memory_space<vmem>> -> memref<128xi32, #tpu.memory_space<vmem>>
        %dma_wait3A_99 = arith.constant 0 : i32
        %dma_wait3A_100 = arith.constant 0 : i32
        %dma_wait3A_101 = tpu.memref_slice %arg10[%dma_wait3A_99, %dma_wait3A_100] : memref<10112x128xf32, #tpu.memory_space<vmem_shared>> -> memref<10112x128xf32, #tpu.memory_space<vmem_shared>>
        tpu.wait_indirect_dma semaphore(%arg13 : memref<!tpu.dma_semaphore, #tpu.memory_space<semaphore_mem>>) src(%dma_wait3A_95 : memref<128x128xf32, #tpu.memory_space<vmem>>) dst(%dma_wait3A_101 : memref<10112x128xf32, #tpu.memory_space<vmem_shared>>)
      } else {
      }
    }
    %scan3A_6 = arith.constant 27 : i32
    %barrier3A_7 = arith.constant 0 : index
    tpu.barrier barrier_id(%barrier3A_7)
    "tpu.region"() ({
      %run_scoped3A = tpu.sem_alloc : memref<!tpu.dma_semaphore, #tpu.memory_space<semaphore_mem>>
      %dma_start3A = arith.constant 0 : i32
      %dma_start3A_8 = tpu.memref_slice %arg6[%arg0, %mul3A_2, %dma_start3A] : memref<2x10112x128xf32, #tpu.memory_space<hbm>> -> memref<1x632x128xf32, #tpu.memory_space<hbm>>
      %dma_start3A_9 = tpu.memref_squeeze %dma_start3A_8 : memref<1x632x128xf32, #tpu.memory_space<hbm>> -> memref<632x128xf32, #tpu.memory_space<hbm>>
      %dma_start3A_10 = arith.constant 0 : i32
      %dma_start3A_11 = tpu.memref_slice %arg10[%mul3A_2, %dma_start3A_10] : memref<10112x128xf32, #tpu.memory_space<vmem_shared>> -> memref<632x128xf32, #tpu.memory_space<vmem_shared>>
      tpu.enqueue_dma source(%dma_start3A_11 : memref<632x128xf32, #tpu.memory_space<vmem_shared>>) target(%dma_start3A_9 : memref<632x128xf32, #tpu.memory_space<hbm>>) target_semaphore(%run_scoped3A : memref<!tpu.dma_semaphore, #tpu.memory_space<semaphore_mem>>)
      %dma_wait3A = arith.constant 0 : i32
      %dma_wait3A_12 = tpu.memref_slice %arg6[%arg0, %mul3A_2, %dma_wait3A] : memref<2x10112x128xf32, #tpu.memory_space<hbm>> -> memref<1x632x128xf32, #tpu.memory_space<hbm>>
      %dma_wait3A_13 = tpu.memref_squeeze %dma_wait3A_12 : memref<1x632x128xf32, #tpu.memory_space<hbm>> -> memref<632x128xf32, #tpu.memory_space<hbm>>
      %dma_wait3A_14 = arith.constant 0 : i32
      %dma_wait3A_15 = tpu.memref_slice %arg10[%mul3A_2, %dma_wait3A_14] : memref<10112x128xf32, #tpu.memory_space<vmem_shared>> -> memref<632x128xf32, #tpu.memory_space<vmem_shared>>
      tpu.wait_dma2 semaphore(%run_scoped3A : memref<!tpu.dma_semaphore, #tpu.memory_space<semaphore_mem>>) src(%dma_wait3A_15 : memref<632x128xf32, #tpu.memory_space<vmem_shared>>) dst(%dma_wait3A_13 : memref<632x128xf32, #tpu.memory_space<hbm>>)
      tpu.yield
    }) : () -> ()
    return
  }
}

#map = affine_map<(d0, d1) -> (0, 0)>
#map1 = affine_map<(d0, d1) -> (0)>
#map2 = affine_map<(d0, d1) -> (0, 0, 0)>
module attributes {stable_mosaic.version = 14 : i64} {
  func.func @body(%arg0: i32, %arg1: i32, %arg2: memref<320000x128xf32, #tpu.memory_space<hbm>>, %arg3: memref<320000xi32, #tpu.memory_space<hbm>>, %arg4: memref<320000xi32, #tpu.memory_space<hbm>>, %arg5: memref<632x128xf32, #tpu.memory_space<hbm>>, %arg6: memref<2x10112x128xf32, #tpu.memory_space<hbm>>, %arg7: memref<3x128xi32, #tpu.memory_space<vmem>>, %arg8: memref<3x128xi32, #tpu.memory_space<vmem>>, %arg9: memref<3x128x128xf32, #tpu.memory_space<vmem>>, %arg10: memref<10112x128xf32, #tpu.memory_space<vmem_shared>>, %arg11: memref<!tpu.dma_semaphore, #tpu.memory_space<semaphore_mem>>, %arg12: memref<!tpu.dma_semaphore, #tpu.memory_space<semaphore_mem>>, %arg13: memref<!tpu.dma_semaphore, #tpu.memory_space<semaphore_mem>>) attributes {dimension_semantics = [#tpu.dimension_semantics<core_parallel>, #tpu.dimension_semantics<subcore_parallel>], iteration_bounds = array<i64: 2, 16>, scalar_prefetch = 0 : i64, scratch_operands = 7 : i64, tpu.core_type = #tpu.core_type<sc_vector_subcore>, window_params = [{transform_indices = #map}, {transform_indices = #map1}, {transform_indices = #map1}, {transform_indices = #map}, {transform_indices = #map2}]} {
    %mul3A = arith.constant 2 : i32
    %mul3A_0 = arith.muli %arg1, %mul3A : i32
    %add3A = arith.addi %mul3A_0, %arg0 : i32
    %mul3A_1 = arith.constant 632 : i32
    %mul3A_2 = arith.muli %arg1, %mul3A_1 : i32
    "tpu.region"() ({
      %run_scoped3A = tpu.sem_alloc : memref<!tpu.dma_semaphore, #tpu.memory_space<semaphore_mem>>
      %dma_start3A = arith.constant 0 : i32
      %dma_start3A_8 = tpu.memref_slice %arg10[%mul3A_2, %dma_start3A] : memref<10112x128xf32, #tpu.memory_space<vmem_shared>> -> memref<632x128xf32, #tpu.memory_space<vmem_shared>>
      tpu.enqueue_dma source(%arg5 : memref<632x128xf32, #tpu.memory_space<hbm>>) target(%dma_start3A_8 : memref<632x128xf32, #tpu.memory_space<vmem_shared>>) target_semaphore(%run_scoped3A : memref<!tpu.dma_semaphore, #tpu.memory_space<semaphore_mem>>)
      %dma_wait3A = arith.constant 0 : i32
      %dma_wait3A_9 = tpu.memref_slice %arg10[%mul3A_2, %dma_wait3A] : memref<10112x128xf32, #tpu.memory_space<vmem_shared>> -> memref<632x128xf32, #tpu.memory_space<vmem_shared>>
      tpu.wait_dma2 semaphore(%run_scoped3A : memref<!tpu.dma_semaphore, #tpu.memory_space<semaphore_mem>>) src(%arg5 : memref<632x128xf32, #tpu.memory_space<hbm>>) dst(%dma_wait3A_9 : memref<632x128xf32, #tpu.memory_space<vmem_shared>>)
      tpu.yield
    }) : () -> ()
    %barrier3A = arith.constant 0 : index
    tpu.barrier barrier_id(%barrier3A)
    %scan3A = arith.constant 0 : i32
    %scan3A_3 = arith.constant 27 : i32
    %scan3A_4 = arith.addi %scan3A, %scan3A_3 : i32
    %scan3A_5 = arith.constant 1 : i32
    scf.for %scan3A_8 = %scan3A to %scan3A_4 step %scan3A_5  : i32 {
      %mul3A_9 = arith.constant 1 : i32
      %mul3A_10 = arith.muli %scan3A_8, %mul3A_9 : i32
      %add3A_11 = arith.constant 0 : i32
      %add3A_12 = arith.addi %add3A_11, %mul3A_10 : i32
      %mul3A_13 = arith.constant 3 : i32
      %mul3A_14 = arith.muli %add3A_12, %mul3A_13 : i32
      %add3A_15 = arith.constant 0 : i32
      %add3A_16 = arith.addi %mul3A_14, %add3A_15 : i32
      %mul3A_17 = arith.constant 32 : i32
      %mul3A_18 = arith.muli %add3A_16, %mul3A_17 : i32
      %add3A_19 = arith.addi %mul3A_18, %add3A : i32
      %mul3A_20 = arith.constant 3 : i32
      %mul3A_21 = arith.muli %add3A_12, %mul3A_20 : i32
      %add3A_22 = arith.constant 1 : i32
      %add3A_23 = arith.addi %mul3A_21, %add3A_22 : i32
      %mul3A_24 = arith.constant 32 : i32
      %mul3A_25 = arith.muli %add3A_23, %mul3A_24 : i32
      %add3A_26 = arith.addi %mul3A_25, %add3A : i32
      %mul3A_27 = arith.constant 3 : i32
      %mul3A_28 = arith.muli %add3A_12, %mul3A_27 : i32
      %add3A_29 = arith.constant 2 : i32
      %add3A_30 = arith.addi %mul3A_28, %add3A_29 : i32
      %mul3A_31 = arith.constant 32 : i32
      %mul3A_32 = arith.muli %add3A_30, %mul3A_31 : i32
      %add3A_33 = arith.addi %mul3A_32, %add3A : i32
      %lt3A = arith.constant 2500 : i32
      %lt3A_34 = arith.cmpi slt, %add3A_19, %lt3A : i32
      %convert_element_type3A = arith.extui %lt3A_34 : i1 to i32
      %cond3A = arith.constant 0 : i32
      %cond3A_35 = arith.cmpi ne, %convert_element_type3A, %cond3A : i32
      scf.if %cond3A_35 {
        %mul3A_91 = arith.constant 128 : i32
        %mul3A_92 = arith.muli %add3A_19, %mul3A_91 : i32
        %dma_start3A = arith.constant 0 : i32
        %dma_start3A_93 = arith.constant 0 : i32
        %dma_start3A_94 = tpu.memref_slice %arg8[%dma_start3A, %dma_start3A_93] : memref<3x128xi32, #tpu.memory_space<vmem>> -> memref<1x128xi32, #tpu.memory_space<vmem>>
        %dma_start3A_95 = tpu.memref_squeeze %dma_start3A_94 : memref<1x128xi32, #tpu.memory_space<vmem>> -> memref<128xi32, #tpu.memory_space<vmem>>
        %dma_start3A_96 = tpu.memref_slice %arg4[%mul3A_92] : memref<320000xi32, #tpu.memory_space<hbm>> -> memref<128xi32, #tpu.memory_space<hbm>>
        %dma_start3A_97 = arith.constant 0 : i32
        %dma_start3A_98 = tpu.memref_slice %arg8[%dma_start3A, %dma_start3A_97] : memref<3x128xi32, #tpu.memory_space<vmem>> -> memref<1x128xi32, #tpu.memory_space<vmem>>
        %dma_start3A_99 = tpu.memref_squeeze %dma_start3A_98 : memref<1x128xi32, #tpu.memory_space<vmem>> -> memref<128xi32, #tpu.memory_space<vmem>>
        %dma_start3A_100 = tpu.memref_slice %arg4[%mul3A_92] : memref<320000xi32, #tpu.memory_space<hbm>> -> memref<128xi32, #tpu.memory_space<hbm>>
        tpu.enqueue_dma source(%dma_start3A_100 : memref<128xi32, #tpu.memory_space<hbm>>) target(%dma_start3A_99 : memref<128xi32, #tpu.memory_space<vmem>>) target_semaphore(%arg11 : memref<!tpu.dma_semaphore, #tpu.memory_space<semaphore_mem>>)
      } else {
      }
      %lt3A_36 = arith.constant 2500 : i32
      %lt3A_37 = arith.cmpi slt, %add3A_26, %lt3A_36 : i32
      %convert_element_type3A_38 = arith.extui %lt3A_37 : i1 to i32
      %cond3A_39 = arith.constant 0 : i32
      %cond3A_40 = arith.cmpi ne, %convert_element_type3A_38, %cond3A_39 : i32
      scf.if %cond3A_40 {
        %mul3A_91 = arith.constant 128 : i32
        %mul3A_92 = arith.muli %add3A_26, %mul3A_91 : i32
        %dma_start3A = arith.constant 1 : i32
        %dma_start3A_93 = arith.constant 0 : i32
        %dma_start3A_94 = tpu.memref_slice %arg8[%dma_start3A, %dma_start3A_93] : memref<3x128xi32, #tpu.memory_space<vmem>> -> memref<1x128xi32, #tpu.memory_space<vmem>>
        %dma_start3A_95 = tpu.memref_squeeze %dma_start3A_94 : memref<1x128xi32, #tpu.memory_space<vmem>> -> memref<128xi32, #tpu.memory_space<vmem>>
        %dma_start3A_96 = tpu.memref_slice %arg4[%mul3A_92] : memref<320000xi32, #tpu.memory_space<hbm>> -> memref<128xi32, #tpu.memory_space<hbm>>
        %dma_start3A_97 = arith.constant 0 : i32
        %dma_start3A_98 = tpu.memref_slice %arg8[%dma_start3A, %dma_start3A_97] : memref<3x128xi32, #tpu.memory_space<vmem>> -> memref<1x128xi32, #tpu.memory_space<vmem>>
        %dma_start3A_99 = tpu.memref_squeeze %dma_start3A_98 : memref<1x128xi32, #tpu.memory_space<vmem>> -> memref<128xi32, #tpu.memory_space<vmem>>
        %dma_start3A_100 = tpu.memref_slice %arg4[%mul3A_92] : memref<320000xi32, #tpu.memory_space<hbm>> -> memref<128xi32, #tpu.memory_space<hbm>>
        tpu.enqueue_dma source(%dma_start3A_100 : memref<128xi32, #tpu.memory_space<hbm>>) target(%dma_start3A_99 : memref<128xi32, #tpu.memory_space<vmem>>) target_semaphore(%arg11 : memref<!tpu.dma_semaphore, #tpu.memory_space<semaphore_mem>>)
      } else {
      }
      %lt3A_41 = arith.constant 2500 : i32
      %lt3A_42 = arith.cmpi slt, %add3A_33, %lt3A_41 : i32
      %convert_element_type3A_43 = arith.extui %lt3A_42 : i1 to i32
      %cond3A_44 = arith.constant 0 : i32
      %cond3A_45 = arith.cmpi ne, %convert_element_type3A_43, %cond3A_44 : i32
      scf.if %cond3A_45 {
        %mul3A_91 = arith.constant 128 : i32
        %mul3A_92 = arith.muli %add3A_33, %mul3A_91 : i32
        %dma_start3A = arith.constant 2 : i32
        %dma_start3A_93 = arith.constant 0 : i32
        %dma_start3A_94 = tpu.memref_slice %arg8[%dma_start3A, %dma_start3A_93] : memref<3x128xi32, #tpu.memory_space<vmem>> -> memref<1x128xi32, #tpu.memory_space<vmem>>
        %dma_start3A_95 = tpu.memref_squeeze %dma_start3A_94 : memref<1x128xi32, #tpu.memory_space<vmem>> -> memref<128xi32, #tpu.memory_space<vmem>>
        %dma_start3A_96 = tpu.memref_slice %arg4[%mul3A_92] : memref<320000xi32, #tpu.memory_space<hbm>> -> memref<128xi32, #tpu.memory_space<hbm>>
        %dma_start3A_97 = arith.constant 0 : i32
        %dma_start3A_98 = tpu.memref_slice %arg8[%dma_start3A, %dma_start3A_97] : memref<3x128xi32, #tpu.memory_space<vmem>> -> memref<1x128xi32, #tpu.memory_space<vmem>>
        %dma_start3A_99 = tpu.memref_squeeze %dma_start3A_98 : memref<1x128xi32, #tpu.memory_space<vmem>> -> memref<128xi32, #tpu.memory_space<vmem>>
        %dma_start3A_100 = tpu.memref_slice %arg4[%mul3A_92] : memref<320000xi32, #tpu.memory_space<hbm>> -> memref<128xi32, #tpu.memory_space<hbm>>
        tpu.enqueue_dma source(%dma_start3A_100 : memref<128xi32, #tpu.memory_space<hbm>>) target(%dma_start3A_99 : memref<128xi32, #tpu.memory_space<vmem>>) target_semaphore(%arg11 : memref<!tpu.dma_semaphore, #tpu.memory_space<semaphore_mem>>)
      } else {
      }
      %lt3A_46 = arith.constant 2500 : i32
      %lt3A_47 = arith.cmpi slt, %add3A_19, %lt3A_46 : i32
      %convert_element_type3A_48 = arith.extui %lt3A_47 : i1 to i32
      %cond3A_49 = arith.constant 0 : i32
      %cond3A_50 = arith.cmpi ne, %convert_element_type3A_48, %cond3A_49 : i32
      scf.if %cond3A_50 {
        %dma_wait3A = arith.constant 0 : i32
        %dma_wait3A_91 = arith.constant 0 : i32
        %dma_wait3A_92 = tpu.memref_slice %arg8[%dma_wait3A, %dma_wait3A_91] : memref<3x128xi32, #tpu.memory_space<vmem>> -> memref<1x128xi32, #tpu.memory_space<vmem>>
        %dma_wait3A_93 = tpu.memref_squeeze %dma_wait3A_92 : memref<1x128xi32, #tpu.memory_space<vmem>> -> memref<128xi32, #tpu.memory_space<vmem>>
        %dma_wait3A_94 = arith.constant 0 : i32
        %dma_wait3A_95 = tpu.memref_slice %arg4[%dma_wait3A_94] : memref<320000xi32, #tpu.memory_space<hbm>> -> memref<128xi32, #tpu.memory_space<hbm>>
        %dma_wait3A_96 = arith.constant 0 : i32
        %dma_wait3A_97 = tpu.memref_slice %arg8[%dma_wait3A, %dma_wait3A_96] : memref<3x128xi32, #tpu.memory_space<vmem>> -> memref<1x128xi32, #tpu.memory_space<vmem>>
        %dma_wait3A_98 = tpu.memref_squeeze %dma_wait3A_97 : memref<1x128xi32, #tpu.memory_space<vmem>> -> memref<128xi32, #tpu.memory_space<vmem>>
        %dma_wait3A_99 = arith.constant 0 : i32
        %dma_wait3A_100 = tpu.memref_slice %arg4[%dma_wait3A_99] : memref<320000xi32, #tpu.memory_space<hbm>> -> memref<128xi32, #tpu.memory_space<hbm>>
        tpu.wait_dma2 semaphore(%arg11 : memref<!tpu.dma_semaphore, #tpu.memory_space<semaphore_mem>>) src(%dma_wait3A_100 : memref<128xi32, #tpu.memory_space<hbm>>) dst(%dma_wait3A_98 : memref<128xi32, #tpu.memory_space<vmem>>)
        %mul3A_101 = arith.constant 128 : i32
        %mul3A_102 = arith.muli %add3A_19, %mul3A_101 : i32
        %dma_start3A = arith.constant 0 : i32
        %dma_start3A_103 = arith.constant 0 : i32
        %dma_start3A_104 = arith.constant 0 : i32
        %dma_start3A_105 = tpu.memref_slice %arg9[%dma_start3A, %dma_start3A_103, %dma_start3A_104] : memref<3x128x128xf32, #tpu.memory_space<vmem>> -> memref<1x128x128xf32, #tpu.memory_space<vmem>>
        %dma_start3A_106 = tpu.memref_squeeze %dma_start3A_105 : memref<1x128x128xf32, #tpu.memory_space<vmem>> -> memref<128x128xf32, #tpu.memory_space<vmem>>
        %dma_start3A_107 = arith.constant 0 : i32
        %dma_start3A_108 = tpu.memref_slice %arg2[%mul3A_102, %dma_start3A_107] : memref<320000x128xf32, #tpu.memory_space<hbm>> -> memref<128x128xf32, #tpu.memory_space<hbm>>
        %dma_start3A_109 = arith.constant 0 : i32
        %dma_start3A_110 = arith.constant 0 : i32
        %dma_start3A_111 = tpu.memref_slice %arg9[%dma_start3A, %dma_start3A_109, %dma_start3A_110] : memref<3x128x128xf32, #tpu.memory_space<vmem>> -> memref<1x128x128xf32, #tpu.memory_space<vmem>>
        %dma_start3A_112 = tpu.memref_squeeze %dma_start3A_111 : memref<1x128x128xf32, #tpu.memory_space<vmem>> -> memref<128x128xf32, #tpu.memory_space<vmem>>
        %dma_start3A_113 = arith.constant 0 : i32
        %dma_start3A_114 = tpu.memref_slice %arg2[%mul3A_102, %dma_start3A_113] : memref<320000x128xf32, #tpu.memory_space<hbm>> -> memref<128x128xf32, #tpu.memory_space<hbm>>
        tpu.enqueue_dma source(%dma_start3A_114 : memref<128x128xf32, #tpu.memory_space<hbm>>) target(%dma_start3A_112 : memref<128x128xf32, #tpu.memory_space<vmem>>) target_semaphore(%arg12 : memref<!tpu.dma_semaphore, #tpu.memory_space<semaphore_mem>>)
      } else {
      }
      %lt3A_51 = arith.constant 2500 : i32
      %lt3A_52 = arith.cmpi slt, %add3A_26, %lt3A_51 : i32
      %convert_element_type3A_53 = arith.extui %lt3A_52 : i1 to i32
      %cond3A_54 = arith.constant 0 : i32
      %cond3A_55 = arith.cmpi ne, %convert_element_type3A_53, %cond3A_54 : i32
      scf.if %cond3A_55 {
        %dma_wait3A = arith.constant 1 : i32
        %dma_wait3A_91 = arith.constant 0 : i32
        %dma_wait3A_92 = tpu.memref_slice %arg8[%dma_wait3A, %dma_wait3A_91] : memref<3x128xi32, #tpu.memory_space<vmem>> -> memref<1x128xi32, #tpu.memory_space<vmem>>
        %dma_wait3A_93 = tpu.memref_squeeze %dma_wait3A_92 : memref<1x128xi32, #tpu.memory_space<vmem>> -> memref<128xi32, #tpu.memory_space<vmem>>
        %dma_wait3A_94 = arith.constant 0 : i32
        %dma_wait3A_95 = tpu.memref_slice %arg4[%dma_wait3A_94] : memref<320000xi32, #tpu.memory_space<hbm>> -> memref<128xi32, #tpu.memory_space<hbm>>
        %dma_wait3A_96 = arith.constant 0 : i32
        %dma_wait3A_97 = tpu.memref_slice %arg8[%dma_wait3A, %dma_wait3A_96] : memref<3x128xi32, #tpu.memory_space<vmem>> -> memref<1x128xi32, #tpu.memory_space<vmem>>
        %dma_wait3A_98 = tpu.memref_squeeze %dma_wait3A_97 : memref<1x128xi32, #tpu.memory_space<vmem>> -> memref<128xi32, #tpu.memory_space<vmem>>
        %dma_wait3A_99 = arith.constant 0 : i32
        %dma_wait3A_100 = tpu.memref_slice %arg4[%dma_wait3A_99] : memref<320000xi32, #tpu.memory_space<hbm>> -> memref<128xi32, #tpu.memory_space<hbm>>
        tpu.wait_dma2 semaphore(%arg11 : memref<!tpu.dma_semaphore, #tpu.memory_space<semaphore_mem>>) src(%dma_wait3A_100 : memref<128xi32, #tpu.memory_space<hbm>>) dst(%dma_wait3A_98 : memref<128xi32, #tpu.memory_space<vmem>>)
        %mul3A_101 = arith.constant 128 : i32
        %mul3A_102 = arith.muli %add3A_26, %mul3A_101 : i32
        %dma_start3A = arith.constant 1 : i32
        %dma_start3A_103 = arith.constant 0 : i32
        %dma_start3A_104 = arith.constant 0 : i32
        %dma_start3A_105 = tpu.memref_slice %arg9[%dma_start3A, %dma_start3A_103, %dma_start3A_104] : memref<3x128x128xf32, #tpu.memory_space<vmem>> -> memref<1x128x128xf32, #tpu.memory_space<vmem>>
        %dma_start3A_106 = tpu.memref_squeeze %dma_start3A_105 : memref<1x128x128xf32, #tpu.memory_space<vmem>> -> memref<128x128xf32, #tpu.memory_space<vmem>>
        %dma_start3A_107 = arith.constant 0 : i32
        %dma_start3A_108 = tpu.memref_slice %arg2[%mul3A_102, %dma_start3A_107] : memref<320000x128xf32, #tpu.memory_space<hbm>> -> memref<128x128xf32, #tpu.memory_space<hbm>>
        %dma_start3A_109 = arith.constant 0 : i32
        %dma_start3A_110 = arith.constant 0 : i32
        %dma_start3A_111 = tpu.memref_slice %arg9[%dma_start3A, %dma_start3A_109, %dma_start3A_110] : memref<3x128x128xf32, #tpu.memory_space<vmem>> -> memref<1x128x128xf32, #tpu.memory_space<vmem>>
        %dma_start3A_112 = tpu.memref_squeeze %dma_start3A_111 : memref<1x128x128xf32, #tpu.memory_space<vmem>> -> memref<128x128xf32, #tpu.memory_space<vmem>>
        %dma_start3A_113 = arith.constant 0 : i32
        %dma_start3A_114 = tpu.memref_slice %arg2[%mul3A_102, %dma_start3A_113] : memref<320000x128xf32, #tpu.memory_space<hbm>> -> memref<128x128xf32, #tpu.memory_space<hbm>>
        tpu.enqueue_dma source(%dma_start3A_114 : memref<128x128xf32, #tpu.memory_space<hbm>>) target(%dma_start3A_112 : memref<128x128xf32, #tpu.memory_space<vmem>>) target_semaphore(%arg12 : memref<!tpu.dma_semaphore, #tpu.memory_space<semaphore_mem>>)
      } else {
      }
      %lt3A_56 = arith.constant 2500 : i32
      %lt3A_57 = arith.cmpi slt, %add3A_33, %lt3A_56 : i32
      %convert_element_type3A_58 = arith.extui %lt3A_57 : i1 to i32
      %cond3A_59 = arith.constant 0 : i32
      %cond3A_60 = arith.cmpi ne, %convert_element_type3A_58, %cond3A_59 : i32
      scf.if %cond3A_60 {
        %dma_wait3A = arith.constant 2 : i32
        %dma_wait3A_91 = arith.constant 0 : i32
        %dma_wait3A_92 = tpu.memref_slice %arg8[%dma_wait3A, %dma_wait3A_91] : memref<3x128xi32, #tpu.memory_space<vmem>> -> memref<1x128xi32, #tpu.memory_space<vmem>>
        %dma_wait3A_93 = tpu.memref_squeeze %dma_wait3A_92 : memref<1x128xi32, #tpu.memory_space<vmem>> -> memref<128xi32, #tpu.memory_space<vmem>>
        %dma_wait3A_94 = arith.constant 0 : i32
        %dma_wait3A_95 = tpu.memref_slice %arg4[%dma_wait3A_94] : memref<320000xi32, #tpu.memory_space<hbm>> -> memref<128xi32, #tpu.memory_space<hbm>>
        %dma_wait3A_96 = arith.constant 0 : i32
        %dma_wait3A_97 = tpu.memref_slice %arg8[%dma_wait3A, %dma_wait3A_96] : memref<3x128xi32, #tpu.memory_space<vmem>> -> memref<1x128xi32, #tpu.memory_space<vmem>>
        %dma_wait3A_98 = tpu.memref_squeeze %dma_wait3A_97 : memref<1x128xi32, #tpu.memory_space<vmem>> -> memref<128xi32, #tpu.memory_space<vmem>>
        %dma_wait3A_99 = arith.constant 0 : i32
        %dma_wait3A_100 = tpu.memref_slice %arg4[%dma_wait3A_99] : memref<320000xi32, #tpu.memory_space<hbm>> -> memref<128xi32, #tpu.memory_space<hbm>>
        tpu.wait_dma2 semaphore(%arg11 : memref<!tpu.dma_semaphore, #tpu.memory_space<semaphore_mem>>) src(%dma_wait3A_100 : memref<128xi32, #tpu.memory_space<hbm>>) dst(%dma_wait3A_98 : memref<128xi32, #tpu.memory_space<vmem>>)
        %mul3A_101 = arith.constant 128 : i32
        %mul3A_102 = arith.muli %add3A_33, %mul3A_101 : i32
        %dma_start3A = arith.constant 2 : i32
        %dma_start3A_103 = arith.constant 0 : i32
        %dma_start3A_104 = arith.constant 0 : i32
        %dma_start3A_105 = tpu.memref_slice %arg9[%dma_start3A, %dma_start3A_103, %dma_start3A_104] : memref<3x128x128xf32, #tpu.memory_space<vmem>> -> memref<1x128x128xf32, #tpu.memory_space<vmem>>
        %dma_start3A_106 = tpu.memref_squeeze %dma_start3A_105 : memref<1x128x128xf32, #tpu.memory_space<vmem>> -> memref<128x128xf32, #tpu.memory_space<vmem>>
        %dma_start3A_107 = arith.constant 0 : i32
        %dma_start3A_108 = tpu.memref_slice %arg2[%mul3A_102, %dma_start3A_107] : memref<320000x128xf32, #tpu.memory_space<hbm>> -> memref<128x128xf32, #tpu.memory_space<hbm>>
        %dma_start3A_109 = arith.constant 0 : i32
        %dma_start3A_110 = arith.constant 0 : i32
        %dma_start3A_111 = tpu.memref_slice %arg9[%dma_start3A, %dma_start3A_109, %dma_start3A_110] : memref<3x128x128xf32, #tpu.memory_space<vmem>> -> memref<1x128x128xf32, #tpu.memory_space<vmem>>
        %dma_start3A_112 = tpu.memref_squeeze %dma_start3A_111 : memref<1x128x128xf32, #tpu.memory_space<vmem>> -> memref<128x128xf32, #tpu.memory_space<vmem>>
        %dma_start3A_113 = arith.constant 0 : i32
        %dma_start3A_114 = tpu.memref_slice %arg2[%mul3A_102, %dma_start3A_113] : memref<320000x128xf32, #tpu.memory_space<hbm>> -> memref<128x128xf32, #tpu.memory_space<hbm>>
        tpu.enqueue_dma source(%dma_start3A_114 : memref<128x128xf32, #tpu.memory_space<hbm>>) target(%dma_start3A_112 : memref<128x128xf32, #tpu.memory_space<vmem>>) target_semaphore(%arg12 : memref<!tpu.dma_semaphore, #tpu.memory_space<semaphore_mem>>)
      } else {
      }
      %lt3A_61 = arith.constant 2500 : i32
      %lt3A_62 = arith.cmpi slt, %add3A_19, %lt3A_61 : i32
      %convert_element_type3A_63 = arith.extui %lt3A_62 : i1 to i32
      %cond3A_64 = arith.constant 0 : i32
      %cond3A_65 = arith.cmpi ne, %convert_element_type3A_63, %cond3A_64 : i32
      scf.if %cond3A_65 {
        %dma_wait3A = arith.constant 0 : i32
        %dma_wait3A_91 = arith.constant 0 : i32
        %dma_wait3A_92 = arith.constant 0 : i32
        %dma_wait3A_93 = tpu.memref_slice %arg9[%dma_wait3A, %dma_wait3A_91, %dma_wait3A_92] : memref<3x128x128xf32, #tpu.memory_space<vmem>> -> memref<1x128x128xf32, #tpu.memory_space<vmem>>
        %dma_wait3A_94 = tpu.memref_squeeze %dma_wait3A_93 : memref<1x128x128xf32, #tpu.memory_space<vmem>> -> memref<128x128xf32, #tpu.memory_space<vmem>>
        %dma_wait3A_95 = arith.constant 0 : i32
        %dma_wait3A_96 = arith.constant 0 : i32
        %dma_wait3A_97 = tpu.memref_slice %arg2[%dma_wait3A_95, %dma_wait3A_96] : memref<320000x128xf32, #tpu.memory_space<hbm>> -> memref<128x128xf32, #tpu.memory_space<hbm>>
        %dma_wait3A_98 = arith.constant 0 : i32
        %dma_wait3A_99 = arith.constant 0 : i32
        %dma_wait3A_100 = tpu.memref_slice %arg9[%dma_wait3A, %dma_wait3A_98, %dma_wait3A_99] : memref<3x128x128xf32, #tpu.memory_space<vmem>> -> memref<1x128x128xf32, #tpu.memory_space<vmem>>
        %dma_wait3A_101 = tpu.memref_squeeze %dma_wait3A_100 : memref<1x128x128xf32, #tpu.memory_space<vmem>> -> memref<128x128xf32, #tpu.memory_space<vmem>>
        %dma_wait3A_102 = arith.constant 0 : i32
        %dma_wait3A_103 = arith.constant 0 : i32
        %dma_wait3A_104 = tpu.memref_slice %arg2[%dma_wait3A_102, %dma_wait3A_103] : memref<320000x128xf32, #tpu.memory_space<hbm>> -> memref<128x128xf32, #tpu.memory_space<hbm>>
        tpu.wait_dma2 semaphore(%arg12 : memref<!tpu.dma_semaphore, #tpu.memory_space<semaphore_mem>>) src(%dma_wait3A_104 : memref<128x128xf32, #tpu.memory_space<hbm>>) dst(%dma_wait3A_101 : memref<128x128xf32, #tpu.memory_space<vmem>>)
        %dma_start3A = arith.constant 0 : i32
        %dma_start3A_105 = arith.constant 0 : i32
        %dma_start3A_106 = arith.constant 0 : i32
        %dma_start3A_107 = arith.constant 0 : i32
        %dma_start3A_108 = tpu.memref_slice %arg9[%dma_start3A, %dma_start3A_106, %dma_start3A_107] : memref<3x128x128xf32, #tpu.memory_space<vmem>> -> memref<1x128x128xf32, #tpu.memory_space<vmem>>
        %dma_start3A_109 = tpu.memref_squeeze %dma_start3A_108 : memref<1x128x128xf32, #tpu.memory_space<vmem>> -> memref<128x128xf32, #tpu.memory_space<vmem>>
        %dma_start3A_110 = arith.constant 0 : i32
        %dma_start3A_111 = tpu.memref_slice %arg8[%dma_start3A_105, %dma_start3A_110] : memref<3x128xi32, #tpu.memory_space<vmem>> -> memref<1x128xi32, #tpu.memory_space<vmem>>
        %dma_start3A_112 = tpu.memref_squeeze %dma_start3A_111 : memref<1x128xi32, #tpu.memory_space<vmem>> -> memref<128xi32, #tpu.memory_space<vmem>>
        %dma_start3A_113 = arith.constant 0 : i32
        %dma_start3A_114 = arith.constant 0 : i32
        %dma_start3A_115 = tpu.memref_slice %arg10[%dma_start3A_113, %dma_start3A_114] : memref<10112x128xf32, #tpu.memory_space<vmem_shared>> -> memref<10112x128xf32, #tpu.memory_space<vmem_shared>>
        tpu.enqueue_indirect_dma source(%dma_start3A_109 : memref<128x128xf32, #tpu.memory_space<vmem>>) target(%dma_start3A_115 : memref<10112x128xf32, #tpu.memory_space<vmem_shared>>) offsets(%dma_start3A_112 : memref<128xi32, #tpu.memory_space<vmem>>) semaphore(%arg13 : memref<!tpu.dma_semaphore, #tpu.memory_space<semaphore_mem>>) {add = true}
      } else {
      }
      %lt3A_66 = arith.constant 2500 : i32
      %lt3A_67 = arith.cmpi slt, %add3A_26, %lt3A_66 : i32
      %convert_element_type3A_68 = arith.extui %lt3A_67 : i1 to i32
      %cond3A_69 = arith.constant 0 : i32
      %cond3A_70 = arith.cmpi ne, %convert_element_type3A_68, %cond3A_69 : i32
      scf.if %cond3A_70 {
        %dma_wait3A = arith.constant 1 : i32
        %dma_wait3A_91 = arith.constant 0 : i32
        %dma_wait3A_92 = arith.constant 0 : i32
        %dma_wait3A_93 = tpu.memref_slice %arg9[%dma_wait3A, %dma_wait3A_91, %dma_wait3A_92] : memref<3x128x128xf32, #tpu.memory_space<vmem>> -> memref<1x128x128xf32, #tpu.memory_space<vmem>>
        %dma_wait3A_94 = tpu.memref_squeeze %dma_wait3A_93 : memref<1x128x128xf32, #tpu.memory_space<vmem>> -> memref<128x128xf32, #tpu.memory_space<vmem>>
        %dma_wait3A_95 = arith.constant 0 : i32
        %dma_wait3A_96 = arith.constant 0 : i32
        %dma_wait3A_97 = tpu.memref_slice %arg2[%dma_wait3A_95, %dma_wait3A_96] : memref<320000x128xf32, #tpu.memory_space<hbm>> -> memref<128x128xf32, #tpu.memory_space<hbm>>
        %dma_wait3A_98 = arith.constant 0 : i32
        %dma_wait3A_99 = arith.constant 0 : i32
        %dma_wait3A_100 = tpu.memref_slice %arg9[%dma_wait3A, %dma_wait3A_98, %dma_wait3A_99] : memref<3x128x128xf32, #tpu.memory_space<vmem>> -> memref<1x128x128xf32, #tpu.memory_space<vmem>>
        %dma_wait3A_101 = tpu.memref_squeeze %dma_wait3A_100 : memref<1x128x128xf32, #tpu.memory_space<vmem>> -> memref<128x128xf32, #tpu.memory_space<vmem>>
        %dma_wait3A_102 = arith.constant 0 : i32
        %dma_wait3A_103 = arith.constant 0 : i32
        %dma_wait3A_104 = tpu.memref_slice %arg2[%dma_wait3A_102, %dma_wait3A_103] : memref<320000x128xf32, #tpu.memory_space<hbm>> -> memref<128x128xf32, #tpu.memory_space<hbm>>
        tpu.wait_dma2 semaphore(%arg12 : memref<!tpu.dma_semaphore, #tpu.memory_space<semaphore_mem>>) src(%dma_wait3A_104 : memref<128x128xf32, #tpu.memory_space<hbm>>) dst(%dma_wait3A_101 : memref<128x128xf32, #tpu.memory_space<vmem>>)
        %dma_start3A = arith.constant 1 : i32
        %dma_start3A_105 = arith.constant 1 : i32
        %dma_start3A_106 = arith.constant 0 : i32
        %dma_start3A_107 = arith.constant 0 : i32
        %dma_start3A_108 = tpu.memref_slice %arg9[%dma_start3A, %dma_start3A_106, %dma_start3A_107] : memref<3x128x128xf32, #tpu.memory_space<vmem>> -> memref<1x128x128xf32, #tpu.memory_space<vmem>>
        %dma_start3A_109 = tpu.memref_squeeze %dma_start3A_108 : memref<1x128x128xf32, #tpu.memory_space<vmem>> -> memref<128x128xf32, #tpu.memory_space<vmem>>
        %dma_start3A_110 = arith.constant 0 : i32
        %dma_start3A_111 = tpu.memref_slice %arg8[%dma_start3A_105, %dma_start3A_110] : memref<3x128xi32, #tpu.memory_space<vmem>> -> memref<1x128xi32, #tpu.memory_space<vmem>>
        %dma_start3A_112 = tpu.memref_squeeze %dma_start3A_111 : memref<1x128xi32, #tpu.memory_space<vmem>> -> memref<128xi32, #tpu.memory_space<vmem>>
        %dma_start3A_113 = arith.constant 0 : i32
        %dma_start3A_114 = arith.constant 0 : i32
        %dma_start3A_115 = tpu.memref_slice %arg10[%dma_start3A_113, %dma_start3A_114] : memref<10112x128xf32, #tpu.memory_space<vmem_shared>> -> memref<10112x128xf32, #tpu.memory_space<vmem_shared>>
        tpu.enqueue_indirect_dma source(%dma_start3A_109 : memref<128x128xf32, #tpu.memory_space<vmem>>) target(%dma_start3A_115 : memref<10112x128xf32, #tpu.memory_space<vmem_shared>>) offsets(%dma_start3A_112 : memref<128xi32, #tpu.memory_space<vmem>>) semaphore(%arg13 : memref<!tpu.dma_semaphore, #tpu.memory_space<semaphore_mem>>) {add = true}
      } else {
      }
      %lt3A_71 = arith.constant 2500 : i32
      %lt3A_72 = arith.cmpi slt, %add3A_33, %lt3A_71 : i32
      %convert_element_type3A_73 = arith.extui %lt3A_72 : i1 to i32
      %cond3A_74 = arith.constant 0 : i32
      %cond3A_75 = arith.cmpi ne, %convert_element_type3A_73, %cond3A_74 : i32
      scf.if %cond3A_75 {
        %dma_wait3A = arith.constant 2 : i32
        %dma_wait3A_91 = arith.constant 0 : i32
        %dma_wait3A_92 = arith.constant 0 : i32
        %dma_wait3A_93 = tpu.memref_slice %arg9[%dma_wait3A, %dma_wait3A_91, %dma_wait3A_92] : memref<3x128x128xf32, #tpu.memory_space<vmem>> -> memref<1x128x128xf32, #tpu.memory_space<vmem>>
        %dma_wait3A_94 = tpu.memref_squeeze %dma_wait3A_93 : memref<1x128x128xf32, #tpu.memory_space<vmem>> -> memref<128x128xf32, #tpu.memory_space<vmem>>
        %dma_wait3A_95 = arith.constant 0 : i32
        %dma_wait3A_96 = arith.constant 0 : i32
        %dma_wait3A_97 = tpu.memref_slice %arg2[%dma_wait3A_95, %dma_wait3A_96] : memref<320000x128xf32, #tpu.memory_space<hbm>> -> memref<128x128xf32, #tpu.memory_space<hbm>>
        %dma_wait3A_98 = arith.constant 0 : i32
        %dma_wait3A_99 = arith.constant 0 : i32
        %dma_wait3A_100 = tpu.memref_slice %arg9[%dma_wait3A, %dma_wait3A_98, %dma_wait3A_99] : memref<3x128x128xf32, #tpu.memory_space<vmem>> -> memref<1x128x128xf32, #tpu.memory_space<vmem>>
        %dma_wait3A_101 = tpu.memref_squeeze %dma_wait3A_100 : memref<1x128x128xf32, #tpu.memory_space<vmem>> -> memref<128x128xf32, #tpu.memory_space<vmem>>
        %dma_wait3A_102 = arith.constant 0 : i32
        %dma_wait3A_103 = arith.constant 0 : i32
        %dma_wait3A_104 = tpu.memref_slice %arg2[%dma_wait3A_102, %dma_wait3A_103] : memref<320000x128xf32, #tpu.memory_space<hbm>> -> memref<128x128xf32, #tpu.memory_space<hbm>>
        tpu.wait_dma2 semaphore(%arg12 : memref<!tpu.dma_semaphore, #tpu.memory_space<semaphore_mem>>) src(%dma_wait3A_104 : memref<128x128xf32, #tpu.memory_space<hbm>>) dst(%dma_wait3A_101 : memref<128x128xf32, #tpu.memory_space<vmem>>)
        %dma_start3A = arith.constant 2 : i32
        %dma_start3A_105 = arith.constant 2 : i32
        %dma_start3A_106 = arith.constant 0 : i32
        %dma_start3A_107 = arith.constant 0 : i32
        %dma_start3A_108 = tpu.memref_slice %arg9[%dma_start3A, %dma_start3A_106, %dma_start3A_107] : memref<3x128x128xf32, #tpu.memory_space<vmem>> -> memref<1x128x128xf32, #tpu.memory_space<vmem>>
        %dma_start3A_109 = tpu.memref_squeeze %dma_start3A_108 : memref<1x128x128xf32, #tpu.memory_space<vmem>> -> memref<128x128xf32, #tpu.memory_space<vmem>>
        %dma_start3A_110 = arith.constant 0 : i32
        %dma_start3A_111 = tpu.memref_slice %arg8[%dma_start3A_105, %dma_start3A_110] : memref<3x128xi32, #tpu.memory_space<vmem>> -> memref<1x128xi32, #tpu.memory_space<vmem>>
        %dma_start3A_112 = tpu.memref_squeeze %dma_start3A_111 : memref<1x128xi32, #tpu.memory_space<vmem>> -> memref<128xi32, #tpu.memory_space<vmem>>
        %dma_start3A_113 = arith.constant 0 : i32
        %dma_start3A_114 = arith.constant 0 : i32
        %dma_start3A_115 = tpu.memref_slice %arg10[%dma_start3A_113, %dma_start3A_114] : memref<10112x128xf32, #tpu.memory_space<vmem_shared>> -> memref<10112x128xf32, #tpu.memory_space<vmem_shared>>
        tpu.enqueue_indirect_dma source(%dma_start3A_109 : memref<128x128xf32, #tpu.memory_space<vmem>>) target(%dma_start3A_115 : memref<10112x128xf32, #tpu.memory_space<vmem_shared>>) offsets(%dma_start3A_112 : memref<128xi32, #tpu.memory_space<vmem>>) semaphore(%arg13 : memref<!tpu.dma_semaphore, #tpu.memory_space<semaphore_mem>>) {add = true}
      } else {
      }
      %lt3A_76 = arith.constant 2500 : i32
      %lt3A_77 = arith.cmpi slt, %add3A_19, %lt3A_76 : i32
      %convert_element_type3A_78 = arith.extui %lt3A_77 : i1 to i32
      %cond3A_79 = arith.constant 0 : i32
      %cond3A_80 = arith.cmpi ne, %convert_element_type3A_78, %cond3A_79 : i32
      scf.if %cond3A_80 {
        %dma_wait3A = arith.constant 0 : i32
        %dma_wait3A_91 = arith.constant 0 : i32
        %dma_wait3A_92 = arith.constant 0 : i32
        %dma_wait3A_93 = arith.constant 0 : i32
        %dma_wait3A_94 = tpu.memref_slice %arg9[%dma_wait3A, %dma_wait3A_92, %dma_wait3A_93] : memref<3x128x128xf32, #tpu.memory_space<vmem>> -> memref<1x128x128xf32, #tpu.memory_space<vmem>>
        %dma_wait3A_95 = tpu.memref_squeeze %dma_wait3A_94 : memref<1x128x128xf32, #tpu.memory_space<vmem>> -> memref<128x128xf32, #tpu.memory_space<vmem>>
        %dma_wait3A_96 = arith.constant 0 : i32
        %dma_wait3A_97 = tpu.memref_slice %arg8[%dma_wait3A_91, %dma_wait3A_96] : memref<3x128xi32, #tpu.memory_space<vmem>> -> memref<1x128xi32, #tpu.memory_space<vmem>>
        %dma_wait3A_98 = tpu.memref_squeeze %dma_wait3A_97 : memref<1x128xi32, #tpu.memory_space<vmem>> -> memref<128xi32, #tpu.memory_space<vmem>>
        %dma_wait3A_99 = arith.constant 0 : i32
        %dma_wait3A_100 = arith.constant 0 : i32
        %dma_wait3A_101 = tpu.memref_slice %arg10[%dma_wait3A_99, %dma_wait3A_100] : memref<10112x128xf32, #tpu.memory_space<vmem_shared>> -> memref<10112x128xf32, #tpu.memory_space<vmem_shared>>
        tpu.wait_indirect_dma semaphore(%arg13 : memref<!tpu.dma_semaphore, #tpu.memory_space<semaphore_mem>>) src(%dma_wait3A_95 : memref<128x128xf32, #tpu.memory_space<vmem>>) dst(%dma_wait3A_101 : memref<10112x128xf32, #tpu.memory_space<vmem_shared>>)
      } else {
      }
      %lt3A_81 = arith.constant 2500 : i32
      %lt3A_82 = arith.cmpi slt, %add3A_26, %lt3A_81 : i32
      %convert_element_type3A_83 = arith.extui %lt3A_82 : i1 to i32
      %cond3A_84 = arith.constant 0 : i32
      %cond3A_85 = arith.cmpi ne, %convert_element_type3A_83, %cond3A_84 : i32
      scf.if %cond3A_85 {
        %dma_wait3A = arith.constant 1 : i32
        %dma_wait3A_91 = arith.constant 1 : i32
        %dma_wait3A_92 = arith.constant 0 : i32
        %dma_wait3A_93 = arith.constant 0 : i32
        %dma_wait3A_94 = tpu.memref_slice %arg9[%dma_wait3A, %dma_wait3A_92, %dma_wait3A_93] : memref<3x128x128xf32, #tpu.memory_space<vmem>> -> memref<1x128x128xf32, #tpu.memory_space<vmem>>
        %dma_wait3A_95 = tpu.memref_squeeze %dma_wait3A_94 : memref<1x128x128xf32, #tpu.memory_space<vmem>> -> memref<128x128xf32, #tpu.memory_space<vmem>>
        %dma_wait3A_96 = arith.constant 0 : i32
        %dma_wait3A_97 = tpu.memref_slice %arg8[%dma_wait3A_91, %dma_wait3A_96] : memref<3x128xi32, #tpu.memory_space<vmem>> -> memref<1x128xi32, #tpu.memory_space<vmem>>
        %dma_wait3A_98 = tpu.memref_squeeze %dma_wait3A_97 : memref<1x128xi32, #tpu.memory_space<vmem>> -> memref<128xi32, #tpu.memory_space<vmem>>
        %dma_wait3A_99 = arith.constant 0 : i32
        %dma_wait3A_100 = arith.constant 0 : i32
        %dma_wait3A_101 = tpu.memref_slice %arg10[%dma_wait3A_99, %dma_wait3A_100] : memref<10112x128xf32, #tpu.memory_space<vmem_shared>> -> memref<10112x128xf32, #tpu.memory_space<vmem_shared>>
        tpu.wait_indirect_dma semaphore(%arg13 : memref<!tpu.dma_semaphore, #tpu.memory_space<semaphore_mem>>) src(%dma_wait3A_95 : memref<128x128xf32, #tpu.memory_space<vmem>>) dst(%dma_wait3A_101 : memref<10112x128xf32, #tpu.memory_space<vmem_shared>>)
      } else {
      }
      %lt3A_86 = arith.constant 2500 : i32
      %lt3A_87 = arith.cmpi slt, %add3A_33, %lt3A_86 : i32
      %convert_element_type3A_88 = arith.extui %lt3A_87 : i1 to i32
      %cond3A_89 = arith.constant 0 : i32
      %cond3A_90 = arith.cmpi ne, %convert_element_type3A_88, %cond3A_89 : i32
      scf.if %cond3A_90 {
        %dma_wait3A = arith.constant 2 : i32
        %dma_wait3A_91 = arith.constant 2 : i32
        %dma_wait3A_92 = arith.constant 0 : i32
        %dma_wait3A_93 = arith.constant 0 : i32
        %dma_wait3A_94 = tpu.memref_slice %arg9[%dma_wait3A, %dma_wait3A_92, %dma_wait3A_93] : memref<3x128x128xf32, #tpu.memory_space<vmem>> -> memref<1x128x128xf32, #tpu.memory_space<vmem>>
        %dma_wait3A_95 = tpu.memref_squeeze %dma_wait3A_94 : memref<1x128x128xf32, #tpu.memory_space<vmem>> -> memref<128x128xf32, #tpu.memory_space<vmem>>
        %dma_wait3A_96 = arith.constant 0 : i32
        %dma_wait3A_97 = tpu.memref_slice %arg8[%dma_wait3A_91, %dma_wait3A_96] : memref<3x128xi32, #tpu.memory_space<vmem>> -> memref<1x128xi32, #tpu.memory_space<vmem>>
        %dma_wait3A_98 = tpu.memref_squeeze %dma_wait3A_97 : memref<1x128xi32, #tpu.memory_space<vmem>> -> memref<128xi32, #tpu.memory_space<vmem>>
        %dma_wait3A_99 = arith.constant 0 : i32
        %dma_wait3A_100 = arith.constant 0 : i32
        %dma_wait3A_101 = tpu.memref_slice %arg10[%dma_wait3A_99, %dma_wait3A_100] : memref<10112x128xf32, #tpu.memory_space<vmem_shared>> -> memref<10112x128xf32, #tpu.memory_space<vmem_shared>>
        tpu.wait_indirect_dma semaphore(%arg13 : memref<!tpu.dma_semaphore, #tpu.memory_space<semaphore_mem>>) src(%dma_wait3A_95 : memref<128x128xf32, #tpu.memory_space<vmem>>) dst(%dma_wait3A_101 : memref<10112x128xf32, #tpu.memory_space<vmem_shared>>)
      } else {
      }
    }
    %scan3A_6 = arith.constant 27 : i32
    %barrier3A_7 = arith.constant 0 : index
    tpu.barrier barrier_id(%barrier3A_7)
    "tpu.region"() ({
      %run_scoped3A = tpu.sem_alloc : memref<!tpu.dma_semaphore, #tpu.memory_space<semaphore_mem>>
      %dma_start3A = arith.constant 0 : i32
      %dma_start3A_8 = tpu.memref_slice %arg6[%arg0, %mul3A_2, %dma_start3A] : memref<2x10112x128xf32, #tpu.memory_space<hbm>> -> memref<1x632x128xf32, #tpu.memory_space<hbm>>
      %dma_start3A_9 = tpu.memref_squeeze %dma_start3A_8 : memref<1x632x128xf32, #tpu.memory_space<hbm>> -> memref<632x128xf32, #tpu.memory_space<hbm>>
      %dma_start3A_10 = arith.constant 0 : i32
      %dma_start3A_11 = tpu.memref_slice %arg10[%mul3A_2, %dma_start3A_10] : memref<10112x128xf32, #tpu.memory_space<vmem_shared>> -> memref<632x128xf32, #tpu.memory_space<vmem_shared>>
      tpu.enqueue_dma source(%dma_start3A_11 : memref<632x128xf32, #tpu.memory_space<vmem_shared>>) target(%dma_start3A_9 : memref<632x128xf32, #tpu.memory_space<hbm>>) target_semaphore(%run_scoped3A : memref<!tpu.dma_semaphore, #tpu.memory_space<semaphore_mem>>)
      %dma_wait3A = arith.constant 0 : i32
      %dma_wait3A_12 = tpu.memref_slice %arg6[%arg0, %mul3A_2, %dma_wait3A] : memref<2x10112x128xf32, #tpu.memory_space<hbm>> -> memref<1x632x128xf32, #tpu.memory_space<hbm>>
      %dma_wait3A_13 = tpu.memref_squeeze %dma_wait3A_12 : memref<1x632x128xf32, #tpu.memory_space<hbm>> -> memref<632x128xf32, #tpu.memory_space<hbm>>
      %dma_wait3A_14 = arith.constant 0 : i32
      %dma_wait3A_15 = tpu.memref_slice %arg10[%mul3A_2, %dma_wait3A_14] : memref<10112x128xf32, #tpu.memory_space<vmem_shared>> -> memref<632x128xf32, #tpu.memory_space<vmem_shared>>
      tpu.wait_dma2 semaphore(%run_scoped3A : memref<!tpu.dma_semaphore, #tpu.memory_space<semaphore_mem>>) src(%dma_wait3A_15 : memref<632x128xf32, #tpu.memory_space<vmem_shared>>) dst(%dma_wait3A_13 : memref<632x128xf32, #tpu.memory_space<hbm>>)
      tpu.yield
    }) : () -> ()
    return
  }
}

#map = affine_map<(d0, d1) -> (0, 0)>
#map1 = affine_map<(d0, d1) -> (0)>
#map2 = affine_map<(d0, d1) -> (0, 0, 0)>
module attributes {stable_mosaic.version = 14 : i64} {
  func.func @body(%arg0: i32, %arg1: i32, %arg2: memref<10000x128xf32, #tpu.memory_space<hbm>>, %arg3: memref<320000xi32, #tpu.memory_space<hbm>>, %arg4: memref<320000xi32, #tpu.memory_space<hbm>>, %arg5: memref<632x128xf32, #tpu.memory_space<hbm>>, %arg6: memref<2x10112x128xf32, #tpu.memory_space<hbm>>, %arg7: memref<3x128xi32, #tpu.memory_space<vmem>>, %arg8: memref<3x128xi32, #tpu.memory_space<vmem>>, %arg9: memref<3x128x128xf32, #tpu.memory_space<vmem>>, %arg10: memref<10112x128xf32, #tpu.memory_space<vmem_shared>>, %arg11: memref<!tpu.dma_semaphore, #tpu.memory_space<semaphore_mem>>, %arg12: memref<!tpu.dma_semaphore, #tpu.memory_space<semaphore_mem>>, %arg13: memref<!tpu.dma_semaphore, #tpu.memory_space<semaphore_mem>>) attributes {dimension_semantics = [#tpu.dimension_semantics<core_parallel>, #tpu.dimension_semantics<subcore_parallel>], iteration_bounds = array<i64: 2, 16>, scalar_prefetch = 0 : i64, scratch_operands = 7 : i64, tpu.core_type = #tpu.core_type<sc_vector_subcore>, window_params = [{transform_indices = #map}, {transform_indices = #map1}, {transform_indices = #map1}, {transform_indices = #map}, {transform_indices = #map2}]} {
    %mul3A = arith.constant 2 : i32
    %mul3A_0 = arith.muli %arg1, %mul3A : i32
    %add3A = arith.addi %mul3A_0, %arg0 : i32
    %mul3A_1 = arith.constant 632 : i32
    %mul3A_2 = arith.muli %arg1, %mul3A_1 : i32
    "tpu.region"() ({
      %run_scoped3A = tpu.sem_alloc : memref<!tpu.dma_semaphore, #tpu.memory_space<semaphore_mem>>
      %dma_start3A = arith.constant 0 : i32
      %dma_start3A_8 = tpu.memref_slice %arg10[%mul3A_2, %dma_start3A] : memref<10112x128xf32, #tpu.memory_space<vmem_shared>> -> memref<632x128xf32, #tpu.memory_space<vmem_shared>>
      tpu.enqueue_dma source(%arg5 : memref<632x128xf32, #tpu.memory_space<hbm>>) target(%dma_start3A_8 : memref<632x128xf32, #tpu.memory_space<vmem_shared>>) target_semaphore(%run_scoped3A : memref<!tpu.dma_semaphore, #tpu.memory_space<semaphore_mem>>)
      %dma_wait3A = arith.constant 0 : i32
      %dma_wait3A_9 = tpu.memref_slice %arg10[%mul3A_2, %dma_wait3A] : memref<10112x128xf32, #tpu.memory_space<vmem_shared>> -> memref<632x128xf32, #tpu.memory_space<vmem_shared>>
      tpu.wait_dma2 semaphore(%run_scoped3A : memref<!tpu.dma_semaphore, #tpu.memory_space<semaphore_mem>>) src(%arg5 : memref<632x128xf32, #tpu.memory_space<hbm>>) dst(%dma_wait3A_9 : memref<632x128xf32, #tpu.memory_space<vmem_shared>>)
      tpu.yield
    }) : () -> ()
    %barrier3A = arith.constant 0 : index
    tpu.barrier barrier_id(%barrier3A)
    %scan3A = arith.constant 0 : i32
    %scan3A_3 = arith.constant 27 : i32
    %scan3A_4 = arith.addi %scan3A, %scan3A_3 : i32
    %scan3A_5 = arith.constant 1 : i32
    scf.for %scan3A_8 = %scan3A to %scan3A_4 step %scan3A_5  : i32 {
      %mul3A_9 = arith.constant 1 : i32
      %mul3A_10 = arith.muli %scan3A_8, %mul3A_9 : i32
      %add3A_11 = arith.constant 0 : i32
      %add3A_12 = arith.addi %add3A_11, %mul3A_10 : i32
      %mul3A_13 = arith.constant 3 : i32
      %mul3A_14 = arith.muli %add3A_12, %mul3A_13 : i32
      %add3A_15 = arith.constant 0 : i32
      %add3A_16 = arith.addi %mul3A_14, %add3A_15 : i32
      %mul3A_17 = arith.constant 32 : i32
      %mul3A_18 = arith.muli %add3A_16, %mul3A_17 : i32
      %add3A_19 = arith.addi %mul3A_18, %add3A : i32
      %mul3A_20 = arith.constant 3 : i32
      %mul3A_21 = arith.muli %add3A_12, %mul3A_20 : i32
      %add3A_22 = arith.constant 1 : i32
      %add3A_23 = arith.addi %mul3A_21, %add3A_22 : i32
      %mul3A_24 = arith.constant 32 : i32
      %mul3A_25 = arith.muli %add3A_23, %mul3A_24 : i32
      %add3A_26 = arith.addi %mul3A_25, %add3A : i32
      %mul3A_27 = arith.constant 3 : i32
      %mul3A_28 = arith.muli %add3A_12, %mul3A_27 : i32
      %add3A_29 = arith.constant 2 : i32
      %add3A_30 = arith.addi %mul3A_28, %add3A_29 : i32
      %mul3A_31 = arith.constant 32 : i32
      %mul3A_32 = arith.muli %add3A_30, %mul3A_31 : i32
      %add3A_33 = arith.addi %mul3A_32, %add3A : i32
      %lt3A = arith.constant 2500 : i32
      %lt3A_34 = arith.cmpi slt, %add3A_19, %lt3A : i32
      %convert_element_type3A = arith.extui %lt3A_34 : i1 to i32
      %cond3A = arith.constant 0 : i32
      %cond3A_35 = arith.cmpi ne, %convert_element_type3A, %cond3A : i32
      scf.if %cond3A_35 {
        %mul3A_91 = arith.constant 128 : i32
        %mul3A_92 = arith.muli %add3A_19, %mul3A_91 : i32
        %dma_start3A = arith.constant 0 : i32
        %dma_start3A_93 = arith.constant 0 : i32
        %dma_start3A_94 = tpu.memref_slice %arg7[%dma_start3A, %dma_start3A_93] : memref<3x128xi32, #tpu.memory_space<vmem>> -> memref<1x128xi32, #tpu.memory_space<vmem>>
        %dma_start3A_95 = tpu.memref_squeeze %dma_start3A_94 : memref<1x128xi32, #tpu.memory_space<vmem>> -> memref<128xi32, #tpu.memory_space<vmem>>
        %dma_start3A_96 = tpu.memref_slice %arg3[%mul3A_92] : memref<320000xi32, #tpu.memory_space<hbm>> -> memref<128xi32, #tpu.memory_space<hbm>>
        %dma_start3A_97 = arith.constant 0 : i32
        %dma_start3A_98 = tpu.memref_slice %arg7[%dma_start3A, %dma_start3A_97] : memref<3x128xi32, #tpu.memory_space<vmem>> -> memref<1x128xi32, #tpu.memory_space<vmem>>
        %dma_start3A_99 = tpu.memref_squeeze %dma_start3A_98 : memref<1x128xi32, #tpu.memory_space<vmem>> -> memref<128xi32, #tpu.memory_space<vmem>>
        %dma_start3A_100 = tpu.memref_slice %arg3[%mul3A_92] : memref<320000xi32, #tpu.memory_space<hbm>> -> memref<128xi32, #tpu.memory_space<hbm>>
        tpu.enqueue_dma source(%dma_start3A_100 : memref<128xi32, #tpu.memory_space<hbm>>) target(%dma_start3A_99 : memref<128xi32, #tpu.memory_space<vmem>>) target_semaphore(%arg11 : memref<!tpu.dma_semaphore, #tpu.memory_space<semaphore_mem>>)
        %dma_start3A_101 = arith.constant 0 : i32
        %dma_start3A_102 = arith.constant 0 : i32
        %dma_start3A_103 = tpu.memref_slice %arg8[%dma_start3A_101, %dma_start3A_102] : memref<3x128xi32, #tpu.memory_space<vmem>> -> memref<1x128xi32, #tpu.memory_space<vmem>>
        %dma_start3A_104 = tpu.memref_squeeze %dma_start3A_103 : memref<1x128xi32, #tpu.memory_space<vmem>> -> memref<128xi32, #tpu.memory_space<vmem>>
        %dma_start3A_105 = tpu.memref_slice %arg4[%mul3A_92] : memref<320000xi32, #tpu.memory_space<hbm>> -> memref<128xi32, #tpu.memory_space<hbm>>
        %dma_start3A_106 = arith.constant 0 : i32
        %dma_start3A_107 = tpu.memref_slice %arg8[%dma_start3A_101, %dma_start3A_106] : memref<3x128xi32, #tpu.memory_space<vmem>> -> memref<1x128xi32, #tpu.memory_space<vmem>>
        %dma_start3A_108 = tpu.memref_squeeze %dma_start3A_107 : memref<1x128xi32, #tpu.memory_space<vmem>> -> memref<128xi32, #tpu.memory_space<vmem>>
        %dma_start3A_109 = tpu.memref_slice %arg4[%mul3A_92] : memref<320000xi32, #tpu.memory_space<hbm>> -> memref<128xi32, #tpu.memory_space<hbm>>
        tpu.enqueue_dma source(%dma_start3A_109 : memref<128xi32, #tpu.memory_space<hbm>>) target(%dma_start3A_108 : memref<128xi32, #tpu.memory_space<vmem>>) target_semaphore(%arg11 : memref<!tpu.dma_semaphore, #tpu.memory_space<semaphore_mem>>)
      } else {
      }
      %lt3A_36 = arith.constant 2500 : i32
      %lt3A_37 = arith.cmpi slt, %add3A_26, %lt3A_36 : i32
      %convert_element_type3A_38 = arith.extui %lt3A_37 : i1 to i32
      %cond3A_39 = arith.constant 0 : i32
      %cond3A_40 = arith.cmpi ne, %convert_element_type3A_38, %cond3A_39 : i32
      scf.if %cond3A_40 {
        %mul3A_91 = arith.constant 128 : i32
        %mul3A_92 = arith.muli %add3A_26, %mul3A_91 : i32
        %dma_start3A = arith.constant 1 : i32
        %dma_start3A_93 = arith.constant 0 : i32
        %dma_start3A_94 = tpu.memref_slice %arg7[%dma_start3A, %dma_start3A_93] : memref<3x128xi32, #tpu.memory_space<vmem>> -> memref<1x128xi32, #tpu.memory_space<vmem>>
        %dma_start3A_95 = tpu.memref_squeeze %dma_start3A_94 : memref<1x128xi32, #tpu.memory_space<vmem>> -> memref<128xi32, #tpu.memory_space<vmem>>
        %dma_start3A_96 = tpu.memref_slice %arg3[%mul3A_92] : memref<320000xi32, #tpu.memory_space<hbm>> -> memref<128xi32, #tpu.memory_space<hbm>>
        %dma_start3A_97 = arith.constant 0 : i32
        %dma_start3A_98 = tpu.memref_slice %arg7[%dma_start3A, %dma_start3A_97] : memref<3x128xi32, #tpu.memory_space<vmem>> -> memref<1x128xi32, #tpu.memory_space<vmem>>
        %dma_start3A_99 = tpu.memref_squeeze %dma_start3A_98 : memref<1x128xi32, #tpu.memory_space<vmem>> -> memref<128xi32, #tpu.memory_space<vmem>>
        %dma_start3A_100 = tpu.memref_slice %arg3[%mul3A_92] : memref<320000xi32, #tpu.memory_space<hbm>> -> memref<128xi32, #tpu.memory_space<hbm>>
        tpu.enqueue_dma source(%dma_start3A_100 : memref<128xi32, #tpu.memory_space<hbm>>) target(%dma_start3A_99 : memref<128xi32, #tpu.memory_space<vmem>>) target_semaphore(%arg11 : memref<!tpu.dma_semaphore, #tpu.memory_space<semaphore_mem>>)
        %dma_start3A_101 = arith.constant 1 : i32
        %dma_start3A_102 = arith.constant 0 : i32
        %dma_start3A_103 = tpu.memref_slice %arg8[%dma_start3A_101, %dma_start3A_102] : memref<3x128xi32, #tpu.memory_space<vmem>> -> memref<1x128xi32, #tpu.memory_space<vmem>>
        %dma_start3A_104 = tpu.memref_squeeze %dma_start3A_103 : memref<1x128xi32, #tpu.memory_space<vmem>> -> memref<128xi32, #tpu.memory_space<vmem>>
        %dma_start3A_105 = tpu.memref_slice %arg4[%mul3A_92] : memref<320000xi32, #tpu.memory_space<hbm>> -> memref<128xi32, #tpu.memory_space<hbm>>
        %dma_start3A_106 = arith.constant 0 : i32
        %dma_start3A_107 = tpu.memref_slice %arg8[%dma_start3A_101, %dma_start3A_106] : memref<3x128xi32, #tpu.memory_space<vmem>> -> memref<1x128xi32, #tpu.memory_space<vmem>>
        %dma_start3A_108 = tpu.memref_squeeze %dma_start3A_107 : memref<1x128xi32, #tpu.memory_space<vmem>> -> memref<128xi32, #tpu.memory_space<vmem>>
        %dma_start3A_109 = tpu.memref_slice %arg4[%mul3A_92] : memref<320000xi32, #tpu.memory_space<hbm>> -> memref<128xi32, #tpu.memory_space<hbm>>
        tpu.enqueue_dma source(%dma_start3A_109 : memref<128xi32, #tpu.memory_space<hbm>>) target(%dma_start3A_108 : memref<128xi32, #tpu.memory_space<vmem>>) target_semaphore(%arg11 : memref<!tpu.dma_semaphore, #tpu.memory_space<semaphore_mem>>)
      } else {
      }
      %lt3A_41 = arith.constant 2500 : i32
      %lt3A_42 = arith.cmpi slt, %add3A_33, %lt3A_41 : i32
      %convert_element_type3A_43 = arith.extui %lt3A_42 : i1 to i32
      %cond3A_44 = arith.constant 0 : i32
      %cond3A_45 = arith.cmpi ne, %convert_element_type3A_43, %cond3A_44 : i32
      scf.if %cond3A_45 {
        %mul3A_91 = arith.constant 128 : i32
        %mul3A_92 = arith.muli %add3A_33, %mul3A_91 : i32
        %dma_start3A = arith.constant 2 : i32
        %dma_start3A_93 = arith.constant 0 : i32
        %dma_start3A_94 = tpu.memref_slice %arg7[%dma_start3A, %dma_start3A_93] : memref<3x128xi32, #tpu.memory_space<vmem>> -> memref<1x128xi32, #tpu.memory_space<vmem>>
        %dma_start3A_95 = tpu.memref_squeeze %dma_start3A_94 : memref<1x128xi32, #tpu.memory_space<vmem>> -> memref<128xi32, #tpu.memory_space<vmem>>
        %dma_start3A_96 = tpu.memref_slice %arg3[%mul3A_92] : memref<320000xi32, #tpu.memory_space<hbm>> -> memref<128xi32, #tpu.memory_space<hbm>>
        %dma_start3A_97 = arith.constant 0 : i32
        %dma_start3A_98 = tpu.memref_slice %arg7[%dma_start3A, %dma_start3A_97] : memref<3x128xi32, #tpu.memory_space<vmem>> -> memref<1x128xi32, #tpu.memory_space<vmem>>
        %dma_start3A_99 = tpu.memref_squeeze %dma_start3A_98 : memref<1x128xi32, #tpu.memory_space<vmem>> -> memref<128xi32, #tpu.memory_space<vmem>>
        %dma_start3A_100 = tpu.memref_slice %arg3[%mul3A_92] : memref<320000xi32, #tpu.memory_space<hbm>> -> memref<128xi32, #tpu.memory_space<hbm>>
        tpu.enqueue_dma source(%dma_start3A_100 : memref<128xi32, #tpu.memory_space<hbm>>) target(%dma_start3A_99 : memref<128xi32, #tpu.memory_space<vmem>>) target_semaphore(%arg11 : memref<!tpu.dma_semaphore, #tpu.memory_space<semaphore_mem>>)
        %dma_start3A_101 = arith.constant 2 : i32
        %dma_start3A_102 = arith.constant 0 : i32
        %dma_start3A_103 = tpu.memref_slice %arg8[%dma_start3A_101, %dma_start3A_102] : memref<3x128xi32, #tpu.memory_space<vmem>> -> memref<1x128xi32, #tpu.memory_space<vmem>>
        %dma_start3A_104 = tpu.memref_squeeze %dma_start3A_103 : memref<1x128xi32, #tpu.memory_space<vmem>> -> memref<128xi32, #tpu.memory_space<vmem>>
        %dma_start3A_105 = tpu.memref_slice %arg4[%mul3A_92] : memref<320000xi32, #tpu.memory_space<hbm>> -> memref<128xi32, #tpu.memory_space<hbm>>
        %dma_start3A_106 = arith.constant 0 : i32
        %dma_start3A_107 = tpu.memref_slice %arg8[%dma_start3A_101, %dma_start3A_106] : memref<3x128xi32, #tpu.memory_space<vmem>> -> memref<1x128xi32, #tpu.memory_space<vmem>>
        %dma_start3A_108 = tpu.memref_squeeze %dma_start3A_107 : memref<1x128xi32, #tpu.memory_space<vmem>> -> memref<128xi32, #tpu.memory_space<vmem>>
        %dma_start3A_109 = tpu.memref_slice %arg4[%mul3A_92] : memref<320000xi32, #tpu.memory_space<hbm>> -> memref<128xi32, #tpu.memory_space<hbm>>
        tpu.enqueue_dma source(%dma_start3A_109 : memref<128xi32, #tpu.memory_space<hbm>>) target(%dma_start3A_108 : memref<128xi32, #tpu.memory_space<vmem>>) target_semaphore(%arg11 : memref<!tpu.dma_semaphore, #tpu.memory_space<semaphore_mem>>)
      } else {
      }
      %lt3A_46 = arith.constant 2500 : i32
      %lt3A_47 = arith.cmpi slt, %add3A_19, %lt3A_46 : i32
      %convert_element_type3A_48 = arith.extui %lt3A_47 : i1 to i32
      %cond3A_49 = arith.constant 0 : i32
      %cond3A_50 = arith.cmpi ne, %convert_element_type3A_48, %cond3A_49 : i32
      scf.if %cond3A_50 {
        %dma_wait3A = arith.constant 0 : i32
        %dma_wait3A_91 = arith.constant 0 : i32
        %dma_wait3A_92 = tpu.memref_slice %arg7[%dma_wait3A, %dma_wait3A_91] : memref<3x128xi32, #tpu.memory_space<vmem>> -> memref<1x128xi32, #tpu.memory_space<vmem>>
        %dma_wait3A_93 = tpu.memref_squeeze %dma_wait3A_92 : memref<1x128xi32, #tpu.memory_space<vmem>> -> memref<128xi32, #tpu.memory_space<vmem>>
        %dma_wait3A_94 = arith.constant 0 : i32
        %dma_wait3A_95 = tpu.memref_slice %arg3[%dma_wait3A_94] : memref<320000xi32, #tpu.memory_space<hbm>> -> memref<128xi32, #tpu.memory_space<hbm>>
        %dma_wait3A_96 = arith.constant 0 : i32
        %dma_wait3A_97 = tpu.memref_slice %arg7[%dma_wait3A, %dma_wait3A_96] : memref<3x128xi32, #tpu.memory_space<vmem>> -> memref<1x128xi32, #tpu.memory_space<vmem>>
        %dma_wait3A_98 = tpu.memref_squeeze %dma_wait3A_97 : memref<1x128xi32, #tpu.memory_space<vmem>> -> memref<128xi32, #tpu.memory_space<vmem>>
        %dma_wait3A_99 = arith.constant 0 : i32
        %dma_wait3A_100 = tpu.memref_slice %arg3[%dma_wait3A_99] : memref<320000xi32, #tpu.memory_space<hbm>> -> memref<128xi32, #tpu.memory_space<hbm>>
        tpu.wait_dma2 semaphore(%arg11 : memref<!tpu.dma_semaphore, #tpu.memory_space<semaphore_mem>>) src(%dma_wait3A_100 : memref<128xi32, #tpu.memory_space<hbm>>) dst(%dma_wait3A_98 : memref<128xi32, #tpu.memory_space<vmem>>)
        %dma_wait3A_101 = arith.constant 0 : i32
        %dma_wait3A_102 = arith.constant 0 : i32
        %dma_wait3A_103 = tpu.memref_slice %arg8[%dma_wait3A_101, %dma_wait3A_102] : memref<3x128xi32, #tpu.memory_space<vmem>> -> memref<1x128xi32, #tpu.memory_space<vmem>>
        %dma_wait3A_104 = tpu.memref_squeeze %dma_wait3A_103 : memref<1x128xi32, #tpu.memory_space<vmem>> -> memref<128xi32, #tpu.memory_space<vmem>>
        %dma_wait3A_105 = arith.constant 0 : i32
        %dma_wait3A_106 = tpu.memref_slice %arg4[%dma_wait3A_105] : memref<320000xi32, #tpu.memory_space<hbm>> -> memref<128xi32, #tpu.memory_space<hbm>>
        %dma_wait3A_107 = arith.constant 0 : i32
        %dma_wait3A_108 = tpu.memref_slice %arg8[%dma_wait3A_101, %dma_wait3A_107] : memref<3x128xi32, #tpu.memory_space<vmem>> -> memref<1x128xi32, #tpu.memory_space<vmem>>
        %dma_wait3A_109 = tpu.memref_squeeze %dma_wait3A_108 : memref<1x128xi32, #tpu.memory_space<vmem>> -> memref<128xi32, #tpu.memory_space<vmem>>
        %dma_wait3A_110 = arith.constant 0 : i32
        %dma_wait3A_111 = tpu.memref_slice %arg4[%dma_wait3A_110] : memref<320000xi32, #tpu.memory_space<hbm>> -> memref<128xi32, #tpu.memory_space<hbm>>
        tpu.wait_dma2 semaphore(%arg11 : memref<!tpu.dma_semaphore, #tpu.memory_space<semaphore_mem>>) src(%dma_wait3A_111 : memref<128xi32, #tpu.memory_space<hbm>>) dst(%dma_wait3A_109 : memref<128xi32, #tpu.memory_space<vmem>>)
        %dma_start3A = arith.constant 0 : i32
        %dma_start3A_112 = arith.constant 0 : i32
        %dma_start3A_113 = arith.constant 0 : i32
        %dma_start3A_114 = arith.constant 0 : i32
        %dma_start3A_115 = tpu.memref_slice %arg9[%dma_start3A_112, %dma_start3A_113, %dma_start3A_114] : memref<3x128x128xf32, #tpu.memory_space<vmem>> -> memref<1x128x128xf32, #tpu.memory_space<vmem>>
        %dma_start3A_116 = tpu.memref_squeeze %dma_start3A_115 : memref<1x128x128xf32, #tpu.memory_space<vmem>> -> memref<128x128xf32, #tpu.memory_space<vmem>>
        %dma_start3A_117 = arith.constant 0 : i32
        %dma_start3A_118 = tpu.memref_slice %arg7[%dma_start3A, %dma_start3A_117] : memref<3x128xi32, #tpu.memory_space<vmem>> -> memref<1x128xi32, #tpu.memory_space<vmem>>
        %dma_start3A_119 = tpu.memref_squeeze %dma_start3A_118 : memref<1x128xi32, #tpu.memory_space<vmem>> -> memref<128xi32, #tpu.memory_space<vmem>>
        %dma_start3A_120 = arith.constant 0 : i32
        %dma_start3A_121 = arith.constant 0 : i32
        %dma_start3A_122 = tpu.memref_slice %arg2[%dma_start3A_120, %dma_start3A_121] : memref<10000x128xf32, #tpu.memory_space<hbm>> -> memref<10000x128xf32, #tpu.memory_space<hbm>>
        tpu.enqueue_indirect_dma source(%dma_start3A_122 : memref<10000x128xf32, #tpu.memory_space<hbm>>) target(%dma_start3A_116 : memref<128x128xf32, #tpu.memory_space<vmem>>) offsets(%dma_start3A_119 : memref<128xi32, #tpu.memory_space<vmem>>) semaphore(%arg12 : memref<!tpu.dma_semaphore, #tpu.memory_space<semaphore_mem>>)
      } else {
      }
      %lt3A_51 = arith.constant 2500 : i32
      %lt3A_52 = arith.cmpi slt, %add3A_26, %lt3A_51 : i32
      %convert_element_type3A_53 = arith.extui %lt3A_52 : i1 to i32
      %cond3A_54 = arith.constant 0 : i32
      %cond3A_55 = arith.cmpi ne, %convert_element_type3A_53, %cond3A_54 : i32
      scf.if %cond3A_55 {
        %dma_wait3A = arith.constant 1 : i32
        %dma_wait3A_91 = arith.constant 0 : i32
        %dma_wait3A_92 = tpu.memref_slice %arg7[%dma_wait3A, %dma_wait3A_91] : memref<3x128xi32, #tpu.memory_space<vmem>> -> memref<1x128xi32, #tpu.memory_space<vmem>>
        %dma_wait3A_93 = tpu.memref_squeeze %dma_wait3A_92 : memref<1x128xi32, #tpu.memory_space<vmem>> -> memref<128xi32, #tpu.memory_space<vmem>>
        %dma_wait3A_94 = arith.constant 0 : i32
        %dma_wait3A_95 = tpu.memref_slice %arg3[%dma_wait3A_94] : memref<320000xi32, #tpu.memory_space<hbm>> -> memref<128xi32, #tpu.memory_space<hbm>>
        %dma_wait3A_96 = arith.constant 0 : i32
        %dma_wait3A_97 = tpu.memref_slice %arg7[%dma_wait3A, %dma_wait3A_96] : memref<3x128xi32, #tpu.memory_space<vmem>> -> memref<1x128xi32, #tpu.memory_space<vmem>>
        %dma_wait3A_98 = tpu.memref_squeeze %dma_wait3A_97 : memref<1x128xi32, #tpu.memory_space<vmem>> -> memref<128xi32, #tpu.memory_space<vmem>>
        %dma_wait3A_99 = arith.constant 0 : i32
        %dma_wait3A_100 = tpu.memref_slice %arg3[%dma_wait3A_99] : memref<320000xi32, #tpu.memory_space<hbm>> -> memref<128xi32, #tpu.memory_space<hbm>>
        tpu.wait_dma2 semaphore(%arg11 : memref<!tpu.dma_semaphore, #tpu.memory_space<semaphore_mem>>) src(%dma_wait3A_100 : memref<128xi32, #tpu.memory_space<hbm>>) dst(%dma_wait3A_98 : memref<128xi32, #tpu.memory_space<vmem>>)
        %dma_wait3A_101 = arith.constant 1 : i32
        %dma_wait3A_102 = arith.constant 0 : i32
        %dma_wait3A_103 = tpu.memref_slice %arg8[%dma_wait3A_101, %dma_wait3A_102] : memref<3x128xi32, #tpu.memory_space<vmem>> -> memref<1x128xi32, #tpu.memory_space<vmem>>
        %dma_wait3A_104 = tpu.memref_squeeze %dma_wait3A_103 : memref<1x128xi32, #tpu.memory_space<vmem>> -> memref<128xi32, #tpu.memory_space<vmem>>
        %dma_wait3A_105 = arith.constant 0 : i32
        %dma_wait3A_106 = tpu.memref_slice %arg4[%dma_wait3A_105] : memref<320000xi32, #tpu.memory_space<hbm>> -> memref<128xi32, #tpu.memory_space<hbm>>
        %dma_wait3A_107 = arith.constant 0 : i32
        %dma_wait3A_108 = tpu.memref_slice %arg8[%dma_wait3A_101, %dma_wait3A_107] : memref<3x128xi32, #tpu.memory_space<vmem>> -> memref<1x128xi32, #tpu.memory_space<vmem>>
        %dma_wait3A_109 = tpu.memref_squeeze %dma_wait3A_108 : memref<1x128xi32, #tpu.memory_space<vmem>> -> memref<128xi32, #tpu.memory_space<vmem>>
        %dma_wait3A_110 = arith.constant 0 : i32
        %dma_wait3A_111 = tpu.memref_slice %arg4[%dma_wait3A_110] : memref<320000xi32, #tpu.memory_space<hbm>> -> memref<128xi32, #tpu.memory_space<hbm>>
        tpu.wait_dma2 semaphore(%arg11 : memref<!tpu.dma_semaphore, #tpu.memory_space<semaphore_mem>>) src(%dma_wait3A_111 : memref<128xi32, #tpu.memory_space<hbm>>) dst(%dma_wait3A_109 : memref<128xi32, #tpu.memory_space<vmem>>)
        %dma_start3A = arith.constant 1 : i32
        %dma_start3A_112 = arith.constant 1 : i32
        %dma_start3A_113 = arith.constant 0 : i32
        %dma_start3A_114 = arith.constant 0 : i32
        %dma_start3A_115 = tpu.memref_slice %arg9[%dma_start3A_112, %dma_start3A_113, %dma_start3A_114] : memref<3x128x128xf32, #tpu.memory_space<vmem>> -> memref<1x128x128xf32, #tpu.memory_space<vmem>>
        %dma_start3A_116 = tpu.memref_squeeze %dma_start3A_115 : memref<1x128x128xf32, #tpu.memory_space<vmem>> -> memref<128x128xf32, #tpu.memory_space<vmem>>
        %dma_start3A_117 = arith.constant 0 : i32
        %dma_start3A_118 = tpu.memref_slice %arg7[%dma_start3A, %dma_start3A_117] : memref<3x128xi32, #tpu.memory_space<vmem>> -> memref<1x128xi32, #tpu.memory_space<vmem>>
        %dma_start3A_119 = tpu.memref_squeeze %dma_start3A_118 : memref<1x128xi32, #tpu.memory_space<vmem>> -> memref<128xi32, #tpu.memory_space<vmem>>
        %dma_start3A_120 = arith.constant 0 : i32
        %dma_start3A_121 = arith.constant 0 : i32
        %dma_start3A_122 = tpu.memref_slice %arg2[%dma_start3A_120, %dma_start3A_121] : memref<10000x128xf32, #tpu.memory_space<hbm>> -> memref<10000x128xf32, #tpu.memory_space<hbm>>
        tpu.enqueue_indirect_dma source(%dma_start3A_122 : memref<10000x128xf32, #tpu.memory_space<hbm>>) target(%dma_start3A_116 : memref<128x128xf32, #tpu.memory_space<vmem>>) offsets(%dma_start3A_119 : memref<128xi32, #tpu.memory_space<vmem>>) semaphore(%arg12 : memref<!tpu.dma_semaphore, #tpu.memory_space<semaphore_mem>>)
      } else {
      }
      %lt3A_56 = arith.constant 2500 : i32
      %lt3A_57 = arith.cmpi slt, %add3A_33, %lt3A_56 : i32
      %convert_element_type3A_58 = arith.extui %lt3A_57 : i1 to i32
      %cond3A_59 = arith.constant 0 : i32
      %cond3A_60 = arith.cmpi ne, %convert_element_type3A_58, %cond3A_59 : i32
      scf.if %cond3A_60 {
        %dma_wait3A = arith.constant 2 : i32
        %dma_wait3A_91 = arith.constant 0 : i32
        %dma_wait3A_92 = tpu.memref_slice %arg7[%dma_wait3A, %dma_wait3A_91] : memref<3x128xi32, #tpu.memory_space<vmem>> -> memref<1x128xi32, #tpu.memory_space<vmem>>
        %dma_wait3A_93 = tpu.memref_squeeze %dma_wait3A_92 : memref<1x128xi32, #tpu.memory_space<vmem>> -> memref<128xi32, #tpu.memory_space<vmem>>
        %dma_wait3A_94 = arith.constant 0 : i32
        %dma_wait3A_95 = tpu.memref_slice %arg3[%dma_wait3A_94] : memref<320000xi32, #tpu.memory_space<hbm>> -> memref<128xi32, #tpu.memory_space<hbm>>
        %dma_wait3A_96 = arith.constant 0 : i32
        %dma_wait3A_97 = tpu.memref_slice %arg7[%dma_wait3A, %dma_wait3A_96] : memref<3x128xi32, #tpu.memory_space<vmem>> -> memref<1x128xi32, #tpu.memory_space<vmem>>
        %dma_wait3A_98 = tpu.memref_squeeze %dma_wait3A_97 : memref<1x128xi32, #tpu.memory_space<vmem>> -> memref<128xi32, #tpu.memory_space<vmem>>
        %dma_wait3A_99 = arith.constant 0 : i32
        %dma_wait3A_100 = tpu.memref_slice %arg3[%dma_wait3A_99] : memref<320000xi32, #tpu.memory_space<hbm>> -> memref<128xi32, #tpu.memory_space<hbm>>
        tpu.wait_dma2 semaphore(%arg11 : memref<!tpu.dma_semaphore, #tpu.memory_space<semaphore_mem>>) src(%dma_wait3A_100 : memref<128xi32, #tpu.memory_space<hbm>>) dst(%dma_wait3A_98 : memref<128xi32, #tpu.memory_space<vmem>>)
        %dma_wait3A_101 = arith.constant 2 : i32
        %dma_wait3A_102 = arith.constant 0 : i32
        %dma_wait3A_103 = tpu.memref_slice %arg8[%dma_wait3A_101, %dma_wait3A_102] : memref<3x128xi32, #tpu.memory_space<vmem>> -> memref<1x128xi32, #tpu.memory_space<vmem>>
        %dma_wait3A_104 = tpu.memref_squeeze %dma_wait3A_103 : memref<1x128xi32, #tpu.memory_space<vmem>> -> memref<128xi32, #tpu.memory_space<vmem>>
        %dma_wait3A_105 = arith.constant 0 : i32
        %dma_wait3A_106 = tpu.memref_slice %arg4[%dma_wait3A_105] : memref<320000xi32, #tpu.memory_space<hbm>> -> memref<128xi32, #tpu.memory_space<hbm>>
        %dma_wait3A_107 = arith.constant 0 : i32
        %dma_wait3A_108 = tpu.memref_slice %arg8[%dma_wait3A_101, %dma_wait3A_107] : memref<3x128xi32, #tpu.memory_space<vmem>> -> memref<1x128xi32, #tpu.memory_space<vmem>>
        %dma_wait3A_109 = tpu.memref_squeeze %dma_wait3A_108 : memref<1x128xi32, #tpu.memory_space<vmem>> -> memref<128xi32, #tpu.memory_space<vmem>>
        %dma_wait3A_110 = arith.constant 0 : i32
        %dma_wait3A_111 = tpu.memref_slice %arg4[%dma_wait3A_110] : memref<320000xi32, #tpu.memory_space<hbm>> -> memref<128xi32, #tpu.memory_space<hbm>>
        tpu.wait_dma2 semaphore(%arg11 : memref<!tpu.dma_semaphore, #tpu.memory_space<semaphore_mem>>) src(%dma_wait3A_111 : memref<128xi32, #tpu.memory_space<hbm>>) dst(%dma_wait3A_109 : memref<128xi32, #tpu.memory_space<vmem>>)
        %dma_start3A = arith.constant 2 : i32
        %dma_start3A_112 = arith.constant 2 : i32
        %dma_start3A_113 = arith.constant 0 : i32
        %dma_start3A_114 = arith.constant 0 : i32
        %dma_start3A_115 = tpu.memref_slice %arg9[%dma_start3A_112, %dma_start3A_113, %dma_start3A_114] : memref<3x128x128xf32, #tpu.memory_space<vmem>> -> memref<1x128x128xf32, #tpu.memory_space<vmem>>
        %dma_start3A_116 = tpu.memref_squeeze %dma_start3A_115 : memref<1x128x128xf32, #tpu.memory_space<vmem>> -> memref<128x128xf32, #tpu.memory_space<vmem>>
        %dma_start3A_117 = arith.constant 0 : i32
        %dma_start3A_118 = tpu.memref_slice %arg7[%dma_start3A, %dma_start3A_117] : memref<3x128xi32, #tpu.memory_space<vmem>> -> memref<1x128xi32, #tpu.memory_space<vmem>>
        %dma_start3A_119 = tpu.memref_squeeze %dma_start3A_118 : memref<1x128xi32, #tpu.memory_space<vmem>> -> memref<128xi32, #tpu.memory_space<vmem>>
        %dma_start3A_120 = arith.constant 0 : i32
        %dma_start3A_121 = arith.constant 0 : i32
        %dma_start3A_122 = tpu.memref_slice %arg2[%dma_start3A_120, %dma_start3A_121] : memref<10000x128xf32, #tpu.memory_space<hbm>> -> memref<10000x128xf32, #tpu.memory_space<hbm>>
        tpu.enqueue_indirect_dma source(%dma_start3A_122 : memref<10000x128xf32, #tpu.memory_space<hbm>>) target(%dma_start3A_116 : memref<128x128xf32, #tpu.memory_space<vmem>>) offsets(%dma_start3A_119 : memref<128xi32, #tpu.memory_space<vmem>>) semaphore(%arg12 : memref<!tpu.dma_semaphore, #tpu.memory_space<semaphore_mem>>)
      } else {
      }
      %lt3A_61 = arith.constant 2500 : i32
      %lt3A_62 = arith.cmpi slt, %add3A_19, %lt3A_61 : i32
      %convert_element_type3A_63 = arith.extui %lt3A_62 : i1 to i32
      %cond3A_64 = arith.constant 0 : i32
      %cond3A_65 = arith.cmpi ne, %convert_element_type3A_63, %cond3A_64 : i32
      scf.if %cond3A_65 {
        %dma_wait3A = arith.constant 0 : i32
        %dma_wait3A_91 = arith.constant 0 : i32
        %dma_wait3A_92 = arith.constant 0 : i32
        %dma_wait3A_93 = arith.constant 0 : i32
        %dma_wait3A_94 = tpu.memref_slice %arg9[%dma_wait3A_91, %dma_wait3A_92, %dma_wait3A_93] : memref<3x128x128xf32, #tpu.memory_space<vmem>> -> memref<1x128x128xf32, #tpu.memory_space<vmem>>
        %dma_wait3A_95 = tpu.memref_squeeze %dma_wait3A_94 : memref<1x128x128xf32, #tpu.memory_space<vmem>> -> memref<128x128xf32, #tpu.memory_space<vmem>>
        %dma_wait3A_96 = arith.constant 0 : i32
        %dma_wait3A_97 = tpu.memref_slice %arg7[%dma_wait3A, %dma_wait3A_96] : memref<3x128xi32, #tpu.memory_space<vmem>> -> memref<1x128xi32, #tpu.memory_space<vmem>>
        %dma_wait3A_98 = tpu.memref_squeeze %dma_wait3A_97 : memref<1x128xi32, #tpu.memory_space<vmem>> -> memref<128xi32, #tpu.memory_space<vmem>>
        %dma_wait3A_99 = arith.constant 0 : i32
        %dma_wait3A_100 = arith.constant 0 : i32
        %dma_wait3A_101 = tpu.memref_slice %arg2[%dma_wait3A_99, %dma_wait3A_100] : memref<10000x128xf32, #tpu.memory_space<hbm>> -> memref<10000x128xf32, #tpu.memory_space<hbm>>
        tpu.wait_indirect_dma semaphore(%arg12 : memref<!tpu.dma_semaphore, #tpu.memory_space<semaphore_mem>>) src(%dma_wait3A_101 : memref<10000x128xf32, #tpu.memory_space<hbm>>) dst(%dma_wait3A_95 : memref<128x128xf32, #tpu.memory_space<vmem>>)
        %dma_start3A = arith.constant 0 : i32
        %dma_start3A_102 = arith.constant 0 : i32
        %dma_start3A_103 = arith.constant 0 : i32
        %dma_start3A_104 = arith.constant 0 : i32
        %dma_start3A_105 = tpu.memref_slice %arg9[%dma_start3A, %dma_start3A_103, %dma_start3A_104] : memref<3x128x128xf32, #tpu.memory_space<vmem>> -> memref<1x128x128xf32, #tpu.memory_space<vmem>>
        %dma_start3A_106 = tpu.memref_squeeze %dma_start3A_105 : memref<1x128x128xf32, #tpu.memory_space<vmem>> -> memref<128x128xf32, #tpu.memory_space<vmem>>
        %dma_start3A_107 = arith.constant 0 : i32
        %dma_start3A_108 = tpu.memref_slice %arg8[%dma_start3A_102, %dma_start3A_107] : memref<3x128xi32, #tpu.memory_space<vmem>> -> memref<1x128xi32, #tpu.memory_space<vmem>>
        %dma_start3A_109 = tpu.memref_squeeze %dma_start3A_108 : memref<1x128xi32, #tpu.memory_space<vmem>> -> memref<128xi32, #tpu.memory_space<vmem>>
        %dma_start3A_110 = arith.constant 0 : i32
        %dma_start3A_111 = arith.constant 0 : i32
        %dma_start3A_112 = tpu.memref_slice %arg10[%dma_start3A_110, %dma_start3A_111] : memref<10112x128xf32, #tpu.memory_space<vmem_shared>> -> memref<10112x128xf32, #tpu.memory_space<vmem_shared>>
        tpu.enqueue_indirect_dma source(%dma_start3A_106 : memref<128x128xf32, #tpu.memory_space<vmem>>) target(%dma_start3A_112 : memref<10112x128xf32, #tpu.memory_space<vmem_shared>>) offsets(%dma_start3A_109 : memref<128xi32, #tpu.memory_space<vmem>>) semaphore(%arg13 : memref<!tpu.dma_semaphore, #tpu.memory_space<semaphore_mem>>) {add = true}
      } else {
      }
      %lt3A_66 = arith.constant 2500 : i32
      %lt3A_67 = arith.cmpi slt, %add3A_26, %lt3A_66 : i32
      %convert_element_type3A_68 = arith.extui %lt3A_67 : i1 to i32
      %cond3A_69 = arith.constant 0 : i32
      %cond3A_70 = arith.cmpi ne, %convert_element_type3A_68, %cond3A_69 : i32
      scf.if %cond3A_70 {
        %dma_wait3A = arith.constant 1 : i32
        %dma_wait3A_91 = arith.constant 1 : i32
        %dma_wait3A_92 = arith.constant 0 : i32
        %dma_wait3A_93 = arith.constant 0 : i32
        %dma_wait3A_94 = tpu.memref_slice %arg9[%dma_wait3A_91, %dma_wait3A_92, %dma_wait3A_93] : memref<3x128x128xf32, #tpu.memory_space<vmem>> -> memref<1x128x128xf32, #tpu.memory_space<vmem>>
        %dma_wait3A_95 = tpu.memref_squeeze %dma_wait3A_94 : memref<1x128x128xf32, #tpu.memory_space<vmem>> -> memref<128x128xf32, #tpu.memory_space<vmem>>
        %dma_wait3A_96 = arith.constant 0 : i32
        %dma_wait3A_97 = tpu.memref_slice %arg7[%dma_wait3A, %dma_wait3A_96] : memref<3x128xi32, #tpu.memory_space<vmem>> -> memref<1x128xi32, #tpu.memory_space<vmem>>
        %dma_wait3A_98 = tpu.memref_squeeze %dma_wait3A_97 : memref<1x128xi32, #tpu.memory_space<vmem>> -> memref<128xi32, #tpu.memory_space<vmem>>
        %dma_wait3A_99 = arith.constant 0 : i32
        %dma_wait3A_100 = arith.constant 0 : i32
        %dma_wait3A_101 = tpu.memref_slice %arg2[%dma_wait3A_99, %dma_wait3A_100] : memref<10000x128xf32, #tpu.memory_space<hbm>> -> memref<10000x128xf32, #tpu.memory_space<hbm>>
        tpu.wait_indirect_dma semaphore(%arg12 : memref<!tpu.dma_semaphore, #tpu.memory_space<semaphore_mem>>) src(%dma_wait3A_101 : memref<10000x128xf32, #tpu.memory_space<hbm>>) dst(%dma_wait3A_95 : memref<128x128xf32, #tpu.memory_space<vmem>>)
        %dma_start3A = arith.constant 1 : i32
        %dma_start3A_102 = arith.constant 1 : i32
        %dma_start3A_103 = arith.constant 0 : i32
        %dma_start3A_104 = arith.constant 0 : i32
        %dma_start3A_105 = tpu.memref_slice %arg9[%dma_start3A, %dma_start3A_103, %dma_start3A_104] : memref<3x128x128xf32, #tpu.memory_space<vmem>> -> memref<1x128x128xf32, #tpu.memory_space<vmem>>
        %dma_start3A_106 = tpu.memref_squeeze %dma_start3A_105 : memref<1x128x128xf32, #tpu.memory_space<vmem>> -> memref<128x128xf32, #tpu.memory_space<vmem>>
        %dma_start3A_107 = arith.constant 0 : i32
        %dma_start3A_108 = tpu.memref_slice %arg8[%dma_start3A_102, %dma_start3A_107] : memref<3x128xi32, #tpu.memory_space<vmem>> -> memref<1x128xi32, #tpu.memory_space<vmem>>
        %dma_start3A_109 = tpu.memref_squeeze %dma_start3A_108 : memref<1x128xi32, #tpu.memory_space<vmem>> -> memref<128xi32, #tpu.memory_space<vmem>>
        %dma_start3A_110 = arith.constant 0 : i32
        %dma_start3A_111 = arith.constant 0 : i32
        %dma_start3A_112 = tpu.memref_slice %arg10[%dma_start3A_110, %dma_start3A_111] : memref<10112x128xf32, #tpu.memory_space<vmem_shared>> -> memref<10112x128xf32, #tpu.memory_space<vmem_shared>>
        tpu.enqueue_indirect_dma source(%dma_start3A_106 : memref<128x128xf32, #tpu.memory_space<vmem>>) target(%dma_start3A_112 : memref<10112x128xf32, #tpu.memory_space<vmem_shared>>) offsets(%dma_start3A_109 : memref<128xi32, #tpu.memory_space<vmem>>) semaphore(%arg13 : memref<!tpu.dma_semaphore, #tpu.memory_space<semaphore_mem>>) {add = true}
      } else {
      }
      %lt3A_71 = arith.constant 2500 : i32
      %lt3A_72 = arith.cmpi slt, %add3A_33, %lt3A_71 : i32
      %convert_element_type3A_73 = arith.extui %lt3A_72 : i1 to i32
      %cond3A_74 = arith.constant 0 : i32
      %cond3A_75 = arith.cmpi ne, %convert_element_type3A_73, %cond3A_74 : i32
      scf.if %cond3A_75 {
        %dma_wait3A = arith.constant 2 : i32
        %dma_wait3A_91 = arith.constant 2 : i32
        %dma_wait3A_92 = arith.constant 0 : i32
        %dma_wait3A_93 = arith.constant 0 : i32
        %dma_wait3A_94 = tpu.memref_slice %arg9[%dma_wait3A_91, %dma_wait3A_92, %dma_wait3A_93] : memref<3x128x128xf32, #tpu.memory_space<vmem>> -> memref<1x128x128xf32, #tpu.memory_space<vmem>>
        %dma_wait3A_95 = tpu.memref_squeeze %dma_wait3A_94 : memref<1x128x128xf32, #tpu.memory_space<vmem>> -> memref<128x128xf32, #tpu.memory_space<vmem>>
        %dma_wait3A_96 = arith.constant 0 : i32
        %dma_wait3A_97 = tpu.memref_slice %arg7[%dma_wait3A, %dma_wait3A_96] : memref<3x128xi32, #tpu.memory_space<vmem>> -> memref<1x128xi32, #tpu.memory_space<vmem>>
        %dma_wait3A_98 = tpu.memref_squeeze %dma_wait3A_97 : memref<1x128xi32, #tpu.memory_space<vmem>> -> memref<128xi32, #tpu.memory_space<vmem>>
        %dma_wait3A_99 = arith.constant 0 : i32
        %dma_wait3A_100 = arith.constant 0 : i32
        %dma_wait3A_101 = tpu.memref_slice %arg2[%dma_wait3A_99, %dma_wait3A_100] : memref<10000x128xf32, #tpu.memory_space<hbm>> -> memref<10000x128xf32, #tpu.memory_space<hbm>>
        tpu.wait_indirect_dma semaphore(%arg12 : memref<!tpu.dma_semaphore, #tpu.memory_space<semaphore_mem>>) src(%dma_wait3A_101 : memref<10000x128xf32, #tpu.memory_space<hbm>>) dst(%dma_wait3A_95 : memref<128x128xf32, #tpu.memory_space<vmem>>)
        %dma_start3A = arith.constant 2 : i32
        %dma_start3A_102 = arith.constant 2 : i32
        %dma_start3A_103 = arith.constant 0 : i32
        %dma_start3A_104 = arith.constant 0 : i32
        %dma_start3A_105 = tpu.memref_slice %arg9[%dma_start3A, %dma_start3A_103, %dma_start3A_104] : memref<3x128x128xf32, #tpu.memory_space<vmem>> -> memref<1x128x128xf32, #tpu.memory_space<vmem>>
        %dma_start3A_106 = tpu.memref_squeeze %dma_start3A_105 : memref<1x128x128xf32, #tpu.memory_space<vmem>> -> memref<128x128xf32, #tpu.memory_space<vmem>>
        %dma_start3A_107 = arith.constant 0 : i32
        %dma_start3A_108 = tpu.memref_slice %arg8[%dma_start3A_102, %dma_start3A_107] : memref<3x128xi32, #tpu.memory_space<vmem>> -> memref<1x128xi32, #tpu.memory_space<vmem>>
        %dma_start3A_109 = tpu.memref_squeeze %dma_start3A_108 : memref<1x128xi32, #tpu.memory_space<vmem>> -> memref<128xi32, #tpu.memory_space<vmem>>
        %dma_start3A_110 = arith.constant 0 : i32
        %dma_start3A_111 = arith.constant 0 : i32
        %dma_start3A_112 = tpu.memref_slice %arg10[%dma_start3A_110, %dma_start3A_111] : memref<10112x128xf32, #tpu.memory_space<vmem_shared>> -> memref<10112x128xf32, #tpu.memory_space<vmem_shared>>
        tpu.enqueue_indirect_dma source(%dma_start3A_106 : memref<128x128xf32, #tpu.memory_space<vmem>>) target(%dma_start3A_112 : memref<10112x128xf32, #tpu.memory_space<vmem_shared>>) offsets(%dma_start3A_109 : memref<128xi32, #tpu.memory_space<vmem>>) semaphore(%arg13 : memref<!tpu.dma_semaphore, #tpu.memory_space<semaphore_mem>>) {add = true}
      } else {
      }
      %lt3A_76 = arith.constant 2500 : i32
      %lt3A_77 = arith.cmpi slt, %add3A_19, %lt3A_76 : i32
      %convert_element_type3A_78 = arith.extui %lt3A_77 : i1 to i32
      %cond3A_79 = arith.constant 0 : i32
      %cond3A_80 = arith.cmpi ne, %convert_element_type3A_78, %cond3A_79 : i32
      scf.if %cond3A_80 {
        %dma_wait3A = arith.constant 0 : i32
        %dma_wait3A_91 = arith.constant 0 : i32
        %dma_wait3A_92 = arith.constant 0 : i32
        %dma_wait3A_93 = arith.constant 0 : i32
        %dma_wait3A_94 = tpu.memref_slice %arg9[%dma_wait3A, %dma_wait3A_92, %dma_wait3A_93] : memref<3x128x128xf32, #tpu.memory_space<vmem>> -> memref<1x128x128xf32, #tpu.memory_space<vmem>>
        %dma_wait3A_95 = tpu.memref_squeeze %dma_wait3A_94 : memref<1x128x128xf32, #tpu.memory_space<vmem>> -> memref<128x128xf32, #tpu.memory_space<vmem>>
        %dma_wait3A_96 = arith.constant 0 : i32
        %dma_wait3A_97 = tpu.memref_slice %arg8[%dma_wait3A_91, %dma_wait3A_96] : memref<3x128xi32, #tpu.memory_space<vmem>> -> memref<1x128xi32, #tpu.memory_space<vmem>>
        %dma_wait3A_98 = tpu.memref_squeeze %dma_wait3A_97 : memref<1x128xi32, #tpu.memory_space<vmem>> -> memref<128xi32, #tpu.memory_space<vmem>>
        %dma_wait3A_99 = arith.constant 0 : i32
        %dma_wait3A_100 = arith.constant 0 : i32
        %dma_wait3A_101 = tpu.memref_slice %arg10[%dma_wait3A_99, %dma_wait3A_100] : memref<10112x128xf32, #tpu.memory_space<vmem_shared>> -> memref<10112x128xf32, #tpu.memory_space<vmem_shared>>
        tpu.wait_indirect_dma semaphore(%arg13 : memref<!tpu.dma_semaphore, #tpu.memory_space<semaphore_mem>>) src(%dma_wait3A_95 : memref<128x128xf32, #tpu.memory_space<vmem>>) dst(%dma_wait3A_101 : memref<10112x128xf32, #tpu.memory_space<vmem_shared>>)
      } else {
      }
      %lt3A_81 = arith.constant 2500 : i32
      %lt3A_82 = arith.cmpi slt, %add3A_26, %lt3A_81 : i32
      %convert_element_type3A_83 = arith.extui %lt3A_82 : i1 to i32
      %cond3A_84 = arith.constant 0 : i32
      %cond3A_85 = arith.cmpi ne, %convert_element_type3A_83, %cond3A_84 : i32
      scf.if %cond3A_85 {
        %dma_wait3A = arith.constant 1 : i32
        %dma_wait3A_91 = arith.constant 1 : i32
        %dma_wait3A_92 = arith.constant 0 : i32
        %dma_wait3A_93 = arith.constant 0 : i32
        %dma_wait3A_94 = tpu.memref_slice %arg9[%dma_wait3A, %dma_wait3A_92, %dma_wait3A_93] : memref<3x128x128xf32, #tpu.memory_space<vmem>> -> memref<1x128x128xf32, #tpu.memory_space<vmem>>
        %dma_wait3A_95 = tpu.memref_squeeze %dma_wait3A_94 : memref<1x128x128xf32, #tpu.memory_space<vmem>> -> memref<128x128xf32, #tpu.memory_space<vmem>>
        %dma_wait3A_96 = arith.constant 0 : i32
        %dma_wait3A_97 = tpu.memref_slice %arg8[%dma_wait3A_91, %dma_wait3A_96] : memref<3x128xi32, #tpu.memory_space<vmem>> -> memref<1x128xi32, #tpu.memory_space<vmem>>
        %dma_wait3A_98 = tpu.memref_squeeze %dma_wait3A_97 : memref<1x128xi32, #tpu.memory_space<vmem>> -> memref<128xi32, #tpu.memory_space<vmem>>
        %dma_wait3A_99 = arith.constant 0 : i32
        %dma_wait3A_100 = arith.constant 0 : i32
        %dma_wait3A_101 = tpu.memref_slice %arg10[%dma_wait3A_99, %dma_wait3A_100] : memref<10112x128xf32, #tpu.memory_space<vmem_shared>> -> memref<10112x128xf32, #tpu.memory_space<vmem_shared>>
        tpu.wait_indirect_dma semaphore(%arg13 : memref<!tpu.dma_semaphore, #tpu.memory_space<semaphore_mem>>) src(%dma_wait3A_95 : memref<128x128xf32, #tpu.memory_space<vmem>>) dst(%dma_wait3A_101 : memref<10112x128xf32, #tpu.memory_space<vmem_shared>>)
      } else {
      }
      %lt3A_86 = arith.constant 2500 : i32
      %lt3A_87 = arith.cmpi slt, %add3A_33, %lt3A_86 : i32
      %convert_element_type3A_88 = arith.extui %lt3A_87 : i1 to i32
      %cond3A_89 = arith.constant 0 : i32
      %cond3A_90 = arith.cmpi ne, %convert_element_type3A_88, %cond3A_89 : i32
      scf.if %cond3A_90 {
        %dma_wait3A = arith.constant 2 : i32
        %dma_wait3A_91 = arith.constant 2 : i32
        %dma_wait3A_92 = arith.constant 0 : i32
        %dma_wait3A_93 = arith.constant 0 : i32
        %dma_wait3A_94 = tpu.memref_slice %arg9[%dma_wait3A, %dma_wait3A_92, %dma_wait3A_93] : memref<3x128x128xf32, #tpu.memory_space<vmem>> -> memref<1x128x128xf32, #tpu.memory_space<vmem>>
        %dma_wait3A_95 = tpu.memref_squeeze %dma_wait3A_94 : memref<1x128x128xf32, #tpu.memory_space<vmem>> -> memref<128x128xf32, #tpu.memory_space<vmem>>
        %dma_wait3A_96 = arith.constant 0 : i32
        %dma_wait3A_97 = tpu.memref_slice %arg8[%dma_wait3A_91, %dma_wait3A_96] : memref<3x128xi32, #tpu.memory_space<vmem>> -> memref<1x128xi32, #tpu.memory_space<vmem>>
        %dma_wait3A_98 = tpu.memref_squeeze %dma_wait3A_97 : memref<1x128xi32, #tpu.memory_space<vmem>> -> memref<128xi32, #tpu.memory_space<vmem>>
        %dma_wait3A_99 = arith.constant 0 : i32
        %dma_wait3A_100 = arith.constant 0 : i32
        %dma_wait3A_101 = tpu.memref_slice %arg10[%dma_wait3A_99, %dma_wait3A_100] : memref<10112x128xf32, #tpu.memory_space<vmem_shared>> -> memref<10112x128xf32, #tpu.memory_space<vmem_shared>>
        tpu.wait_indirect_dma semaphore(%arg13 : memref<!tpu.dma_semaphore, #tpu.memory_space<semaphore_mem>>) src(%dma_wait3A_95 : memref<128x128xf32, #tpu.memory_space<vmem>>) dst(%dma_wait3A_101 : memref<10112x128xf32, #tpu.memory_space<vmem_shared>>)
      } else {
      }
    }
    %scan3A_6 = arith.constant 27 : i32
    %barrier3A_7 = arith.constant 0 : index
    tpu.barrier barrier_id(%barrier3A_7)
    "tpu.region"() ({
      %run_scoped3A = tpu.sem_alloc : memref<!tpu.dma_semaphore, #tpu.memory_space<semaphore_mem>>
      %dma_start3A = arith.constant 0 : i32
      %dma_start3A_8 = tpu.memref_slice %arg6[%arg0, %mul3A_2, %dma_start3A] : memref<2x10112x128xf32, #tpu.memory_space<hbm>> -> memref<1x632x128xf32, #tpu.memory_space<hbm>>
      %dma_start3A_9 = tpu.memref_squeeze %dma_start3A_8 : memref<1x632x128xf32, #tpu.memory_space<hbm>> -> memref<632x128xf32, #tpu.memory_space<hbm>>
      %dma_start3A_10 = arith.constant 0 : i32
      %dma_start3A_11 = tpu.memref_slice %arg10[%mul3A_2, %dma_start3A_10] : memref<10112x128xf32, #tpu.memory_space<vmem_shared>> -> memref<632x128xf32, #tpu.memory_space<vmem_shared>>
      tpu.enqueue_dma source(%dma_start3A_11 : memref<632x128xf32, #tpu.memory_space<vmem_shared>>) target(%dma_start3A_9 : memref<632x128xf32, #tpu.memory_space<hbm>>) target_semaphore(%run_scoped3A : memref<!tpu.dma_semaphore, #tpu.memory_space<semaphore_mem>>)
      %dma_wait3A = arith.constant 0 : i32
      %dma_wait3A_12 = tpu.memref_slice %arg6[%arg0, %mul3A_2, %dma_wait3A] : memref<2x10112x128xf32, #tpu.memory_space<hbm>> -> memref<1x632x128xf32, #tpu.memory_space<hbm>>
      %dma_wait3A_13 = tpu.memref_squeeze %dma_wait3A_12 : memref<1x632x128xf32, #tpu.memory_space<hbm>> -> memref<632x128xf32, #tpu.memory_space<hbm>>
      %dma_wait3A_14 = arith.constant 0 : i32
      %dma_wait3A_15 = tpu.memref_slice %arg10[%mul3A_2, %dma_wait3A_14] : memref<10112x128xf32, #tpu.memory_space<vmem_shared>> -> memref<632x128xf32, #tpu.memory_space<vmem_shared>>
      tpu.wait_dma2 semaphore(%run_scoped3A : memref<!tpu.dma_semaphore, #tpu.memory_space<semaphore_mem>>) src(%dma_wait3A_15 : memref<632x128xf32, #tpu.memory_space<vmem_shared>>) dst(%dma_wait3A_13 : memref<632x128xf32, #tpu.memory_space<hbm>>)
      tpu.yield
    }) : () -> ()
    return
  }
}

module attributes {stable_mosaic.version = 14 : i64} {
  func.func @_relu_body(%arg0: i32, %arg1: memref<1000x128xf32, #tpu.memory_space<vmem>>, %arg2: memref<1000x128xf32, #tpu.memory_space<vmem>>) attributes {dimension_semantics = [#tpu.dimension_semantics<arbitrary>], iteration_bounds = array<i64: 10>, scalar_prefetch = 0 : i64, scratch_operands = 0 : i64, tpu.core_type = #tpu.core_type<tc>, window_params = [{transform_indices = @transform_0, window_bounds = array<i64: 1000, 128>}, {transform_indices = @transform_1, window_bounds = array<i64: 1000, 128>}]} {
    %get3A = arith.constant 0 : index
    %get3A_0 = arith.constant 0 : index
    %get3A_1 = vector.load %arg1[%get3A, %get3A_0] : memref<1000x128xf32, #tpu.memory_space<vmem>>, vector<1000x128xf32>
    %max3A = arith.constant 0.000000e+00 : f32
    %max3A_2 = vector.broadcast %max3A : f32 to vector<1000x128xf32>
    %max3A_3 = arith.maximumf %get3A_1, %max3A_2 : vector<1000x128xf32>
    %swap3A = arith.constant 0 : index
    %swap3A_4 = arith.constant 0 : index
    %swap3A_5 = vector.load %arg2[%swap3A, %swap3A_4] : memref<1000x128xf32, #tpu.memory_space<vmem>>, vector<1000x128xf32>
    tpu.vector_store %arg2[%swap3A, %swap3A_4], %max3A_3 {strides = array<i32>} : memref<1000x128xf32, #tpu.memory_space<vmem>>, vector<1000x128xf32>,
    return
  }
  func.func @transform_0(%arg0: i32) -> (i32, i32) {
    %c0_i32 = arith.constant 0 : i32
    %c0_i32_0 = arith.constant 0 : i32
    return %arg0, %c0_i32 : i32, i32
  }
  func.func @transform_1(%arg0: i32) -> (i32, i32) {
    %c0_i32 = arith.constant 0 : i32
    %c0_i32_0 = arith.constant 0 : i32
    return %arg0, %c0_i32 : i32, i32
  }
}

module attributes {stable_mosaic.version = 14 : i64} {
  func.func @_eapad_body(%arg0: i32, %arg1: memref<4000x16xf32, #tpu.memory_space<vmem>>, %arg2: memref<4000x128xf32, #tpu.memory_space<vmem>>) attributes {dimension_semantics = [#tpu.dimension_semantics<arbitrary>], iteration_bounds = array<i64: 80>, scalar_prefetch = 0 : i64, scratch_operands = 0 : i64, tpu.core_type = #tpu.core_type<tc>, window_params = [{transform_indices = @transform_0, window_bounds = array<i64: 4000, 16>}, {transform_indices = @transform_1, window_bounds = array<i64: 4000, 128>}]} {
    %get3A = arith.constant 0 : index
    %get3A_0 = arith.constant 0 : index
    %get3A_1 = vector.load %arg1[%get3A, %get3A_0] : memref<4000x16xf32, #tpu.memory_space<vmem>>, vector<4000x16xf32>
    %max3A = arith.constant 0.000000e+00 : f32
    %max3A_2 = vector.broadcast %max3A : f32 to vector<4000x16xf32>
    %max3A_3 = arith.maximumf %get3A_1, %max3A_2 : vector<4000x16xf32>
    %broadcast_in_dim3A = arith.constant 0.000000e+00 : f32
    %broadcast_in_dim3A_4 = vector.broadcast %broadcast_in_dim3A : f32 to vector<4000x112xf32>
    %concatenate3A = tpu.concatenate %max3A_3, %broadcast_in_dim3A_4 in 1 : vector<4000x16xf32>, vector<4000x112xf32> -> vector<4000x128xf32>
    %swap3A = arith.constant 0 : index
    %swap3A_5 = arith.constant 0 : index
    %swap3A_6 = vector.load %arg2[%swap3A, %swap3A_5] : memref<4000x128xf32, #tpu.memory_space<vmem>>, vector<4000x128xf32>
    tpu.vector_store %arg2[%swap3A, %swap3A_5], %concatenate3A {strides = array<i32>} : memref<4000x128xf32, #tpu.memory_space<vmem>>, vector<4000x128xf32>,
    return
  }
  func.func @transform_0(%arg0: i32) -> (i32, i32) {
    %c0_i32 = arith.constant 0 : i32
    %c0_i32_0 = arith.constant 0 : i32
    return %arg0, %c0_i32 : i32, i32
  }
  func.func @transform_1(%arg0: i32) -> (i32, i32) {
    %c0_i32 = arith.constant 0 : i32
    %c0_i32_0 = arith.constant 0 : i32
    return %arg0, %c0_i32 : i32, i32
  }
}

module attributes {stable_mosaic.version = 14 : i64} {
  func.func @_layer_body(%arg0: i32, %arg1: memref<1000x128xf32, #tpu.memory_space<vmem>>, %arg2: memref<2x1000x128xf32, #tpu.memory_space<vmem>>, %arg3: memref<2x1000x128xf32, #tpu.memory_space<vmem>>, %arg4: memref<128x128xf32, #tpu.memory_space<vmem>>, %arg5: memref<128x128xf32, #tpu.memory_space<vmem>>, %arg6: memref<1x128xf32, #tpu.memory_space<vmem>>, %arg7: memref<128x128xf32, #tpu.memory_space<vmem>>, %arg8: memref<1x128xf32, #tpu.memory_space<vmem>>, %arg9: memref<1000x128xf32, #tpu.memory_space<vmem>>) attributes {dimension_semantics = [#tpu.dimension_semantics<arbitrary>], iteration_bounds = array<i64: 10>, scalar_prefetch = 0 : i64, scratch_operands = 0 : i64, tpu.core_type = #tpu.core_type<tc>, window_params = [{transform_indices = @transform_0, window_bounds = array<i64: 1000, 128>}, {transform_indices = @transform_1, window_bounds = array<i64: 2, 1000, 128>}, {transform_indices = @transform_2, window_bounds = array<i64: 2, 1000, 128>}, {pipeline_mode = #tpu.pipeline_mode<synchronous>, transform_indices = @transform_3, window_bounds = array<i64: 128, 128>}, {pipeline_mode = #tpu.pipeline_mode<synchronous>, transform_indices = @transform_4, window_bounds = array<i64: 128, 128>}, {pipeline_mode = #tpu.pipeline_mode<synchronous>, transform_indices = @transform_5, window_bounds = array<i64: 1, 128>}, {pipeline_mode = #tpu.pipeline_mode<synchronous>, transform_indices = @transform_6, window_bounds = array<i64: 128, 128>}, {pipeline_mode = #tpu.pipeline_mode<synchronous>, transform_indices = @transform_7, window_bounds = array<i64: 1, 128>}, {transform_indices = @transform_8, window_bounds = array<i64: 1000, 128>}]} {
    %get3A = arith.constant 0 : index
    %get3A_0 = arith.constant 0 : index
    %get3A_1 = vector.load %arg1[%get3A, %get3A_0] : memref<1000x128xf32, #tpu.memory_space<vmem>>, vector<1000x128xf32>
    %get3A_2 = arith.constant 0 : index
    %get3A_3 = arith.constant 0 : index
    %get3A_4 = arith.constant 0 : index
    %get3A_5 = vector.load %arg2[%get3A_2, %get3A_3, %get3A_4] : memref<2x1000x128xf32, #tpu.memory_space<vmem>>, vector<1x1000x128xf32>
    %get3A_6 = vector.shape_cast %get3A_5 : vector<1x1000x128xf32> to vector<1000x128xf32>
    %add3A = arith.addf %get3A_1, %get3A_6 : vector<1000x128xf32>
    %get3A_7 = arith.constant 1 : index
    %get3A_8 = arith.constant 0 : index
    %get3A_9 = arith.constant 0 : index
    %get3A_10 = vector.load %arg2[%get3A_7, %get3A_8, %get3A_9] : memref<2x1000x128xf32, #tpu.memory_space<vmem>>, vector<1x1000x128xf32>
    %get3A_11 = vector.shape_cast %get3A_10 : vector<1x1000x128xf32> to vector<1000x128xf32>
    %add3A_12 = arith.addf %add3A, %get3A_11 : vector<1000x128xf32>
    %get3A_13 = arith.constant 0 : index
    %get3A_14 = arith.constant 0 : index
    %get3A_15 = arith.constant 0 : index
    %get3A_16 = vector.load %arg3[%get3A_13, %get3A_14, %get3A_15] : memref<2x1000x128xf32, #tpu.memory_space<vmem>>, vector<1x1000x128xf32>
    %get3A_17 = vector.shape_cast %get3A_16 : vector<1x1000x128xf32> to vector<1000x128xf32>
    %get3A_18 = arith.constant 1 : index
    %get3A_19 = arith.constant 0 : index
    %get3A_20 = arith.constant 0 : index
    %get3A_21 = vector.load %arg3[%get3A_18, %get3A_19, %get3A_20] : memref<2x1000x128xf32, #tpu.memory_space<vmem>>, vector<1x1000x128xf32>
    %get3A_22 = vector.shape_cast %get3A_21 : vector<1x1000x128xf32> to vector<1000x128xf32>
    %add3A_23 = arith.addf %get3A_17, %get3A_22 : vector<1000x128xf32>
    %get3A_24 = arith.constant 0 : index
    %get3A_25 = arith.constant 0 : index
    %get3A_26 = vector.load %arg4[%get3A_24, %get3A_25] : memref<128x128xf32, #tpu.memory_space<vmem>>, vector<128x128xf32>
    %dot_general3A = arith.constant dense<0.000000e+00> : vector<1000x128xf32>
    %dot_general3A_27 = tpu.matmul %add3A_12, %get3A_26, %dot_general3A {dimension_numbers = #tpu.dot_dimension_numbers<[1], [0], [0], [1], [0, 0, 1, 1], [], []>, transpose_lhs_hint = false} : vector<1000x128xf32>, vector<128x128xf32>, vector<1000x128xf32> -> vector<1000x128xf32>
    %get3A_28 = arith.constant 0 : index
    %get3A_29 = arith.constant 0 : index
    %get3A_30 = vector.load %arg5[%get3A_28, %get3A_29] : memref<128x128xf32, #tpu.memory_space<vmem>>, vector<128x128xf32>
    %dot_general3A_31 = arith.constant dense<0.000000e+00> : vector<1000x128xf32>
    %dot_general3A_32 = tpu.matmul %add3A_23, %get3A_30, %dot_general3A_31 {dimension_numbers = #tpu.dot_dimension_numbers<[1], [0], [0], [1], [0, 0, 1, 1], [], []>, transpose_lhs_hint = false} : vector<1000x128xf32>, vector<128x128xf32>, vector<1000x128xf32> -> vector<1000x128xf32>
    %add3A_33 = arith.addf %dot_general3A_27, %dot_general3A_32 : vector<1000x128xf32>
    %get3A_34 = arith.constant 0 : index
    %get3A_35 = arith.constant 0 : index
    %get3A_36 = vector.load %arg6[%get3A_34, %get3A_35] : memref<1x128xf32, #tpu.memory_space<vmem>>, vector<1x128xf32>
    %add3A_37 = vector.broadcast %get3A_36 : vector<1x128xf32> to vector<1000x128xf32>
    %add3A_38 = arith.addf %add3A_33, %add3A_37 : vector<1000x128xf32>
    %max3A = arith.constant 0.000000e+00 : f32
    %max3A_39 = vector.broadcast %max3A : f32 to vector<1000x128xf32>
    %max3A_40 = arith.maximumf %add3A_38, %max3A_39 : vector<1000x128xf32>
    %get3A_41 = arith.constant 0 : index
    %get3A_42 = arith.constant 0 : index
    %get3A_43 = vector.load %arg7[%get3A_41, %get3A_42] : memref<128x128xf32, #tpu.memory_space<vmem>>, vector<128x128xf32>
    %dot_general3A_44 = arith.constant dense<0.000000e+00> : vector<1000x128xf32>
    %dot_general3A_45 = tpu.matmul %max3A_40, %get3A_43, %dot_general3A_44 {dimension_numbers = #tpu.dot_dimension_numbers<[1], [0], [0], [1], [0, 0, 1, 1], [], []>, transpose_lhs_hint = false} : vector<1000x128xf32>, vector<128x128xf32>, vector<1000x128xf32> -> vector<1000x128xf32>
    %get3A_46 = arith.constant 0 : index
    %get3A_47 = arith.constant 0 : index
    %get3A_48 = vector.load %arg8[%get3A_46, %get3A_47] : memref<1x128xf32, #tpu.memory_space<vmem>>, vector<1x128xf32>
    %add3A_49 = vector.broadcast %get3A_48 : vector<1x128xf32> to vector<1000x128xf32>
    %add3A_50 = arith.addf %dot_general3A_45, %add3A_49 : vector<1000x128xf32>
    %max3A_51 = arith.constant 0.000000e+00 : f32
    %max3A_52 = vector.broadcast %max3A_51 : f32 to vector<1000x128xf32>
    %max3A_53 = arith.maximumf %add3A_50, %max3A_52 : vector<1000x128xf32>
    %swap3A = arith.constant 0 : index
    %swap3A_54 = arith.constant 0 : index
    %swap3A_55 = vector.load %arg9[%swap3A, %swap3A_54] : memref<1000x128xf32, #tpu.memory_space<vmem>>, vector<1000x128xf32>
    tpu.vector_store %arg9[%swap3A, %swap3A_54], %max3A_53 {strides = array<i32>} : memref<1000x128xf32, #tpu.memory_space<vmem>>, vector<1000x128xf32>,
    return
  }
  func.func @transform_0(%arg0: i32) -> (i32, i32) {
    %c0_i32 = arith.constant 0 : i32
    %c0_i32_0 = arith.constant 0 : i32
    return %arg0, %c0_i32 : i32, i32
  }
  func.func @transform_1(%arg0: i32) -> (i32, i32, i32) {
    %c0_i32 = arith.constant 0 : i32
    %c0_i32_0 = arith.constant 0 : i32
    %c0_i32_1 = arith.constant 0 : i32
    return %c0_i32, %arg0, %c0_i32_0 : i32, i32, i32
  }
  func.func @transform_2(%arg0: i32) -> (i32, i32, i32) {
    %c0_i32 = arith.constant 0 : i32
    %c0_i32_0 = arith.constant 0 : i32
    %c0_i32_1 = arith.constant 0 : i32
    return %c0_i32, %arg0, %c0_i32_0 : i32, i32, i32
  }
  func.func @transform_3(%arg0: i32) -> (i32, i32) {
    %c0_i32 = arith.constant 0 : i32
    %c0_i32_0 = arith.constant 0 : i32
    %c0_i32_1 = arith.constant 0 : i32
    return %c0_i32, %c0_i32_0 : i32, i32
  }
  func.func @transform_4(%arg0: i32) -> (i32, i32) {
    %c0_i32 = arith.constant 0 : i32
    %c0_i32_0 = arith.constant 0 : i32
    %c0_i32_1 = arith.constant 0 : i32
    return %c0_i32, %c0_i32_0 : i32, i32
  }
  func.func @transform_5(%arg0: i32) -> (i32, i32) {
    %c0_i32 = arith.constant 0 : i32
    %c0_i32_0 = arith.constant 0 : i32
    %c0_i32_1 = arith.constant 0 : i32
    return %c0_i32, %c0_i32_0 : i32, i32
  }
  func.func @transform_6(%arg0: i32) -> (i32, i32) {
    %c0_i32 = arith.constant 0 : i32
    %c0_i32_0 = arith.constant 0 : i32
    %c0_i32_1 = arith.constant 0 : i32
    return %c0_i32, %c0_i32_0 : i32, i32
  }
  func.func @transform_7(%arg0: i32) -> (i32, i32) {
    %c0_i32 = arith.constant 0 : i32
    %c0_i32_0 = arith.constant 0 : i32
    %c0_i32_1 = arith.constant 0 : i32
    return %c0_i32, %c0_i32_0 : i32, i32
  }
  func.func @transform_8(%arg0: i32) -> (i32, i32) {
    %c0_i32 = arith.constant 0 : i32
    %c0_i32_0 = arith.constant 0 : i32
    return %arg0, %c0_i32 : i32, i32
  }
}

module attributes {stable_mosaic.version = 14 : i64} {
  func.func @_pool_body(%arg0: i32, %arg1: memref<1000x128xf32, #tpu.memory_space<vmem>>, %arg2: memref<1x1x1000xi32, #tpu.memory_space<vmem>>, %arg3: memref<128x64xf32, #tpu.memory_space<vmem>>, %arg4: memref<1x64xf32, #tpu.memory_space<vmem>>, %arg5: memref<64x64xf32, #tpu.memory_space<vmem>>, %arg6: memref<64x128xf32, #tpu.memory_space<vmem>>, %arg7: memref<64x128xf32, #tpu.memory_space<vmem>>) attributes {dimension_semantics = [#tpu.dimension_semantics<arbitrary>], iteration_bounds = array<i64: 10>, scalar_prefetch = 0 : i64, scratch_operands = 2 : i64, tpu.core_type = #tpu.core_type<tc>, window_params = [{transform_indices = @transform_0, window_bounds = array<i64: 1000, 128>}, {transform_indices = @transform_1, window_bounds = array<i64: 1, 1, 1000>}, {pipeline_mode = #tpu.pipeline_mode<synchronous>, transform_indices = @transform_2, window_bounds = array<i64: 128, 64>}, {pipeline_mode = #tpu.pipeline_mode<synchronous>, transform_indices = @transform_3, window_bounds = array<i64: 1, 64>}, {pipeline_mode = #tpu.pipeline_mode<synchronous>, transform_indices = @transform_4, window_bounds = array<i64: 64, 64>}]} {
    %eq3A = arith.constant 0 : i32
    %eq3A_0 = arith.cmpi eq, %arg0, %eq3A : i32
    %convert_element_type3A = arith.extui %eq3A_0 : i1 to i32
    %cond3A = arith.constant 0 : i32
    %cond3A_1 = arith.cmpi ne, %convert_element_type3A, %cond3A : i32
    scf.if %cond3A_1 {
      %broadcast_in_dim3A_36 = arith.constant 0.000000e+00 : f32
      %broadcast_in_dim3A_37 = vector.broadcast %broadcast_in_dim3A_36 : f32 to vector<64x128xf32>
      %swap3A_38 = arith.constant 0 : index
      %swap3A_39 = arith.constant 0 : index
      %swap3A_40 = vector.load %arg6[%swap3A_38, %swap3A_39] : memref<64x128xf32, #tpu.memory_space<vmem>>, vector<64x128xf32>
      tpu.vector_store %arg6[%swap3A_38, %swap3A_39], %broadcast_in_dim3A_37 {strides = array<i32>} : memref<64x128xf32, #tpu.memory_space<vmem>>, vector<64x128xf32>,
      %broadcast_in_dim3A_41 = arith.constant 0.000000e+00 : f32
      %broadcast_in_dim3A_42 = vector.broadcast %broadcast_in_dim3A_41 : f32 to vector<64x128xf32>
      %swap3A_43 = arith.constant 0 : index
      %swap3A_44 = arith.constant 0 : index
      %swap3A_45 = vector.load %arg7[%swap3A_43, %swap3A_44] : memref<64x128xf32, #tpu.memory_space<vmem>>, vector<64x128xf32>
      tpu.vector_store %arg7[%swap3A_43, %swap3A_44], %broadcast_in_dim3A_42 {strides = array<i32>} : memref<64x128xf32, #tpu.memory_space<vmem>>, vector<64x128xf32>,
    } else {
    }
    %get3A = arith.constant 0 : index
    %get3A_2 = arith.constant 0 : index
    %get3A_3 = arith.constant 0 : index
    %get3A_4 = vector.load %arg2[%get3A, %get3A_2, %get3A_3] : memref<1x1x1000xi32, #tpu.memory_space<vmem>>, vector<1x1x1000xi32>
    %get3A_5 = vector.shape_cast %get3A_4 : vector<1x1x1000xi32> to vector<1000xi32>
    %broadcast_in_dim3A = vector.shape_cast %get3A_5 : vector<1000xi32> to vector<1000x1xi32>
    %iota3A = tpu.iota {dimensions = array<i32: 1>} : vector<1x64xi32>
    %eq3A_6 = vector.broadcast %broadcast_in_dim3A : vector<1000x1xi32> to vector<1000x64xi32>
    %eq3A_7 = vector.broadcast %iota3A : vector<1x64xi32> to vector<1000x64xi32>
    %eq3A_8 = arith.cmpi eq, %eq3A_6, %eq3A_7 : vector<1000x64xi32>
    %convert_element_type3A_9 = arith.extui %eq3A_8 : vector<1000x64xi1> to vector<1000x64xi32>
    %convert_element_type3A_10 = arith.sitofp %convert_element_type3A_9 : vector<1000x64xi32> to vector<1000x64xf32>
    %get3A_11 = arith.constant 0 : index
    %get3A_12 = arith.constant 0 : index
    %get3A_13 = vector.load %arg6[%get3A_11, %get3A_12] : memref<64x128xf32, #tpu.memory_space<vmem>>, vector<64x128xf32>
    %get3A_14 = arith.constant 0 : index
    %get3A_15 = arith.constant 0 : index
    %get3A_16 = vector.load %arg1[%get3A_14, %get3A_15] : memref<1000x128xf32, #tpu.memory_space<vmem>>, vector<1000x128xf32>
    %dot_general3A = arith.constant dense<0.000000e+00> : vector<64x128xf32>
    %dot_general3A_17 = tpu.matmul %convert_element_type3A_10, %get3A_16, %dot_general3A {dimension_numbers = #tpu.dot_dimension_numbers<[0], [0], [1], [1], [0, 1, 1, 1], [], []>, transpose_lhs_hint = false} : vector<1000x64xf32>, vector<1000x128xf32>, vector<64x128xf32> -> vector<64x128xf32>
    %add3A = arith.addf %get3A_13, %dot_general3A_17 : vector<64x128xf32>
    %swap3A = arith.constant 0 : index
    %swap3A_18 = arith.constant 0 : index
    %swap3A_19 = vector.load %arg6[%swap3A, %swap3A_18] : memref<64x128xf32, #tpu.memory_space<vmem>>, vector<64x128xf32>
    tpu.vector_store %arg6[%swap3A, %swap3A_18], %add3A {strides = array<i32>} : memref<64x128xf32, #tpu.memory_space<vmem>>, vector<64x128xf32>,
    %broadcast_in_dim3A_20 = arith.constant 1.000000e+00 : f32
    %broadcast_in_dim3A_21 = vector.broadcast %broadcast_in_dim3A_20 : f32 to vector<1000x128xf32>
    %get3A_22 = arith.constant 0 : index
    %get3A_23 = arith.constant 0 : index
    %get3A_24 = vector.load %arg7[%get3A_22, %get3A_23] : memref<64x128xf32, #tpu.memory_space<vmem>>, vector<64x128xf32>
    %dot_general3A_25 = arith.constant dense<0.000000e+00> : vector<64x128xf32>
    %dot_general3A_26 = tpu.matmul %convert_element_type3A_10, %broadcast_in_dim3A_21, %dot_general3A_25 {dimension_numbers = #tpu.dot_dimension_numbers<[0], [0], [1], [1], [0, 1, 1, 1], [], []>, transpose_lhs_hint = false} : vector<1000x64xf32>, vector<1000x128xf32>, vector<64x128xf32> -> vector<64x128xf32>
    %add3A_27 = arith.addf %get3A_24, %dot_general3A_26 : vector<64x128xf32>
    %swap3A_28 = arith.constant 0 : index
    %swap3A_29 = arith.constant 0 : index
    %swap3A_30 = vector.load %arg7[%swap3A_28, %swap3A_29] : memref<64x128xf32, #tpu.memory_space<vmem>>, vector<64x128xf32>
    tpu.vector_store %arg7[%swap3A_28, %swap3A_29], %add3A_27 {strides = array<i32>} : memref<64x128xf32, #tpu.memory_space<vmem>>, vector<64x128xf32>,
    %eq3A_31 = arith.constant 9 : i32
    %eq3A_32 = arith.cmpi eq, %arg0, %eq3A_31 : i32
    %convert_element_type3A_33 = arith.extui %eq3A_32 : i1 to i32
    %cond3A_34 = arith.constant 0 : i32
    %cond3A_35 = arith.cmpi ne, %convert_element_type3A_33, %cond3A_34 : i32
    scf.if %cond3A_35 {
      %get3A_36 = arith.constant 0 : index
      %get3A_37 = arith.constant 0 : index
      %get3A_38 = vector.load %arg6[%get3A_36, %get3A_37] : memref<64x128xf32, #tpu.memory_space<vmem>>, vector<64x128xf32>
      %get3A_39 = arith.constant 0 : index
      %get3A_40 = arith.constant 0 : index
      %get3A_41 = vector.load %arg7[%get3A_39, %get3A_40] : memref<64x128xf32, #tpu.memory_space<vmem>>, vector<64x128xf32>
      %max3A = arith.constant 1.000000e+00 : f32
      %max3A_42 = vector.broadcast %max3A : f32 to vector<64x128xf32>
      %max3A_43 = arith.maximumf %get3A_41, %max3A_42 : vector<64x128xf32>
      %div3A = arith.divf %get3A_38, %max3A_43 : vector<64x128xf32>
      %get3A_44 = arith.constant 0 : index
      %get3A_45 = arith.constant 0 : index
      %get3A_46 = vector.load %arg3[%get3A_44, %get3A_45] : memref<128x64xf32, #tpu.memory_space<vmem>>, vector<128x64xf32>
      %dot_general3A_47 = arith.constant dense<0.000000e+00> : vector<64x64xf32>
      %dot_general3A_48 = tpu.matmul %div3A, %get3A_46, %dot_general3A_47 {dimension_numbers = #tpu.dot_dimension_numbers<[1], [0], [0], [1], [0, 0, 1, 1], [], []>, transpose_lhs_hint = false} : vector<64x128xf32>, vector<128x64xf32>, vector<64x64xf32> -> vector<64x64xf32>
      %get3A_49 = arith.constant 0 : index
      %get3A_50 = arith.constant 0 : index
      %get3A_51 = vector.load %arg4[%get3A_49, %get3A_50] : memref<1x64xf32, #tpu.memory_space<vmem>>, vector<1x64xf32>
      %add3A_52 = vector.broadcast %get3A_51 : vector<1x64xf32> to vector<64x64xf32>
      %add3A_53 = arith.addf %dot_general3A_48, %add3A_52 : vector<64x64xf32>
      %swap3A_54 = arith.constant 0 : index
      %swap3A_55 = arith.constant 0 : index
      %swap3A_56 = vector.load %arg5[%swap3A_54, %swap3A_55] : memref<64x64xf32, #tpu.memory_space<vmem>>, vector<64x64xf32>
      tpu.vector_store %arg5[%swap3A_54, %swap3A_55], %add3A_53 {strides = array<i32>} : memref<64x64xf32, #tpu.memory_space<vmem>>, vector<64x64xf32>,
    } else {
    }
    return
  }
  func.func @transform_0(%arg0: i32) -> (i32, i32) {
    %c0_i32 = arith.constant 0 : i32
    %c0_i32_0 = arith.constant 0 : i32
    return %arg0, %c0_i32 : i32, i32
  }
  func.func @transform_1(%arg0: i32) -> (i32, i32, i32) {
    %c0_i32 = arith.constant 0 : i32
    %c0_i32_0 = arith.constant 0 : i32
    %c0_i32_1 = arith.constant 0 : i32
    return %arg0, %c0_i32, %c0_i32_0 : i32, i32, i32
  }
  func.func @transform_2(%arg0: i32) -> (i32, i32) {
    %c0_i32 = arith.constant 0 : i32
    %c0_i32_0 = arith.constant 0 : i32
    %c0_i32_1 = arith.constant 0 : i32
    return %c0_i32, %c0_i32_0 : i32, i32
  }
  func.func @transform_3(%arg0: i32) -> (i32, i32) {
    %c0_i32 = arith.constant 0 : i32
    %c0_i32_0 = arith.constant 0 : i32
    %c0_i32_1 = arith.constant 0 : i32
    return %c0_i32, %c0_i32_0 : i32, i32
  }
  func.func @transform_4(%arg0: i32) -> (i32, i32) {
    %c0_i32 = arith.constant 0 : i32
    %c0_i32_0 = arith.constant 0 : i32
    %c0_i32_1 = arith.constant 0 : i32
    return %c0_i32, %c0_i32_0 : i32, i32
  }
}

</mosaic_0001>

<sc_bundles>
// kernel: kernel.12.cloned.1.call-start
scs
__scs_entry_jumppad:
0x0: {  	(pc) =	sbr.rel $0x88, $3  }
0x1: {  	(tag) =	ssettag $0x0;
	lr =	simm.s32 $0x1  }
0x2: {  	[smem:$0x3F8F] =	sst lr;
	_ =	strace $0xD0000000  }
0x3: {  	_ = 	snop  }
0x4: {  	_ = 	snop  }
0x5: {  	_ = 	snop  }
0x6: {  	_ = 	snop  }
0x7: {  	_ = 	snop  }
__scs_overlays_trampoline_lowered:
0x8: {  	[smem:$0x3F9E] =	sst s0  }
0x9: {  	[smem:$0x3F9F] =	sst s1  }
0xa: {  	[smem:$0x3FA0] =	sst s2  }
0xb: {  	[smem:$0x3FA1] =	sst s3  }
0xc: {  	[smem:$0x3FA2] =	sst s4  }
0xd: {  	[smem:$0x3FA3] =	sst s5  }
0xe: {  	[smem:$0x3FA4] =	sst s6  }
0xf: {  	[smem:$0x3FA5] =	sst s7  }
0x10: {  	[smem:$0x3FA6] =	sst s8  }
0x11: {  	[smem:$0x3FA7] =	sst s9;
	s0 =	simm.s32 @!p0 $0x0  }
0x12: {  	s1 =	sld [smem:$0x3F8D];
	s0 =	simm.s32 @p0 $0x1  }
0x13: {  	[smem:$0x3FA8] =	sst s0;
	s0 =	simm.s32 @!p1 $0x0  }
0x14: {  	s2 =	sld [smem:$0x3F8C];
	s0 =	simm.s32 @p1 $0x1  }
0x15: {  	[smem:$0x3FA9] =	sst s0;
	s0 =	simm.s32 @!p2 $0x0  }
0x16: {  	s3 =	sld [smem:$0x3FDB];
	s0 =	simm.s32 @p2 $0x1  }
0x17: {  	s4 =	simm.s32 $0x1BF5;
	[smem:$0x3FAB] =	sst s0  }
0x18: {  	s0 =	sld [smem:$0x3F8E];
	_ =	swait.ge [sflag:s4], $0x0  }
0x19: {  	s7 =	sld [smem:$0x3F8F]  }
0x1a: {  	s8 =	sadd.s32 $0xFFFFE003, lr  }
0x1b: {  	s9 =	sadd.s32 $0xFFFFFEF7, lr;
	s5 =	simm.s32 $0xFFFFFFFF;
	p2 =	slt.u32 s8, $0xFFFFF086  }
0x1c: {  	p1 =	slt.u32 s9, $0xF7A;
	s5 =	simm.s32 @!p2 $0x0  }
0x1d: {  	s5 =	simm.s32 @p1 $0x1;
	p0 =	seq.s32 s7, s2  }
0x1e: {  	s7 =	smul.u32 @!p0 $0xF7A, s2;
	p2 =	seq.s32 @!p0 s5, $0x0  }
0x1f: {  	s9 =	smul.u32 $0xF7A, s1;
	s8 =	simm.s32 @!p0 $0x1BF5;
	p2 =	por !p2, p0  }
0x20: {  	[sflag:s8] =	ssyncset.s32 @!p0 $0xFFFFF086;
	s6 =	sadd.s32 @!p0 s3, s7;
	s7 =	simm.s32 @!p0 $0x108  }
0x21: {  	s3 =	sadd.s32 s3, s9;
	s6 =	sadd.s32 @!p0 $0x88, s6;
	s7 =	simm.s32 @p2 $0x1082  }
0x22: {  	[simem:s7], [sflag:s8] =	dma.local @!p0 [hbm:s6], $0xF7A  }
0x23: {  	s9 =	sor.u32 $0xD0000000, s2;
	s6 =	simm.s32 $0x108;
	_ =	swait.ge @!p0 [sflag:s8], $0x0  }
0x24: {  	s3 =	sadd.s32 $0x88, s3;
	s6 =	simm.s32 @!p1 $0x1082;
	[sflag:s4] =	ssyncset.s32 $0xFFFFF086  }
0x25: {  	[simem:s6], [sflag:s4] =	dma.local [hbm:s3], $0xF7A  }
0x26: {  	[smem:$0x3F8F] =	sst s1;
	(tag) =	ssettag s2;
	_ =	strace s9  }
0x27: {  	s1 =	sld [smem:$0x3F9F]  }
0x28: {  	s2 =	sld [smem:$0x3FA0]  }
0x29: {  	s4 =	sld [smem:$0x3FA2]  }
0x2a: {  	p0 =	seq.s32 s5, $0x0;
	s5 =	sld [smem:$0x3FA3]  }
0x2b: {  	s6 =	sld [smem:$0x3FA4]  }
0x2c: {  	s7 =	sld [smem:$0x3FA5]  }
0x2d: {  	s3 =	simm.s32 $0x108;
	s8 =	sld [smem:$0x3FA6]  }
0x2e: {  	s3 =	simm.s32 @!p0 $0x1082;
	s9 =	sld [smem:$0x3FA7]  }
0x2f: {  	lr =	sadd.s32 s0, s3;
	s0 =	sld [smem:$0x3F9E]  }
0x30: {  	s3 =	sld [smem:$0x3FA1]  }
0x31: {  	[smem:$0x3FAA] =	sst s10  }
0x32: {  	s10 =	sld [smem:$0x3FA8];
	_ =	sdelay $0x3  }
0x33: {  	p0 =	seq.s32 s10, $0x1;
	s10 =	sld [smem:$0x3FAA];
	_ =	sdelay $0x3  }
0x34: {  	[smem:$0x3FAA] =	sst s10  }
0x35: {  	s10 =	sld [smem:$0x3FA9];
	_ =	sdelay $0x3  }
0x36: {  	p1 =	seq.s32 s10, $0x1;
	s10 =	sld [smem:$0x3FAA];
	_ =	sdelay $0x3  }
0x37: {  	[smem:$0x3FAA] =	sst s10  }
0x38: {  	s10 =	sld [smem:$0x3FAB]  }
0x39: {  	_ = 	snop;
	(pc) =	sbr.ind lr, $3  }
0x3a: {  	_ = 	snop  }
0x3b: {  	_ = 	snop  }
0x3c: {  	p2 =	seq.s32 s10, $0x1;
	s10 =	sld [smem:$0x3FAA]  }
0x3d: {  	_ =	shalt  }
0x3e: {  	_ =	shalt  }
0x3f: {  	_ =	shalt  }
0x40: {  	_ =	shalt  }
0x41: {  	_ =	shalt  }
0x42: {  	_ =	shalt  }
0x43: {  	_ =	shalt  }
0x44: {  	_ =	shalt  }
0x45: {  	_ =	shalt  }
0x46: {  	_ =	shalt  }
0x47: {  	_ =	shalt  }
0x48: {  	_ =	shalt  }
0x49: {  	_ =	shalt  }
0x4a: {  	_ =	shalt  }
0x4b: {  	_ =	shalt  }
0x4c: {  	_ =	shalt  }
0x4d: {  	_ =	shalt  }
0x4e: {  	_ =	shalt  }
0x4f: {  	_ =	shalt  }
0x50: {  	_ =	shalt  }
0x51: {  	_ =	shalt  }
0x52: {  	_ =	shalt  }
0x53: {  	_ =	shalt  }
0x54: {  	_ =	shalt  }
0x55: {  	_ =	shalt  }
0x56: {  	_ =	shalt  }
0x57: {  	_ =	shalt  }
0x58: {  	_ =	shalt  }
0x59: {  	_ =	shalt  }
0x5a: {  	_ =	shalt  }
0x5b: {  	_ =	shalt  }
0x5c: {  	_ =	shalt  }
0x5d: {  	_ =	shalt  }
0x5e: {  	_ =	shalt  }
0x5f: {  	_ =	shalt  }
0x60: {  	_ =	shalt  }
0x61: {  	_ =	shalt  }
0x62: {  	_ =	shalt  }
0x63: {  	_ =	shalt  }
0x64: {  	_ =	shalt  }
0x65: {  	_ =	shalt  }
0x66: {  	_ =	shalt  }
0x67: {  	_ =	shalt  }
0x68: {  	_ =	shalt  }
0x69: {  	_ =	shalt  }
0x6a: {  	_ =	shalt  }
0x6b: {  	_ =	shalt  }
0x6c: {  	_ =	shalt  }
0x6d: {  	_ =	shalt  }
0x6e: {  	_ =	shalt  }
0x6f: {  	_ =	shalt  }
0x70: {  	_ =	shalt  }
0x71: {  	_ =	shalt  }
0x72: {  	_ =	shalt  }
0x73: {  	_ =	shalt  }
0x74: {  	_ =	shalt  }
0x75: {  	_ =	shalt  }
0x76: {  	_ =	shalt  }
0x77: {  	_ =	shalt  }
0x78: {  	_ =	shalt  }
0x79: {  	_ =	shalt  }
0x7a: {  	_ =	shalt  }
0x7b: {  	_ =	shalt  }
0x7c: {  	_ =	shalt  }
0x7d: {  	_ =	shalt  }
0x7e: {  	_ =	shalt  }
0x7f: {  	_ =	shalt  }
0x80: {  	_ =	shalt  }
0x81: {  	_ =	shalt  }
0x82: {  	_ =	shalt  }
0x83: {  	_ =	shalt  }
0x84: {  	_ =	shalt  }
0x85: {  	_ =	shalt  }
0x86: {  	_ =	shalt  }
0x87: {  	_ =	shalt  }
.Lfunc_end0:
.L_simem_size_0:
called_computation_lowered:
.L_overlay_start_0:
0x88: {  	s2 =	sld [smem:$0x3FD9]  }
0x89: {  	s3 =	sld [smem:$0x3FFE];
	_ =	sdelay $0x1  }
0x8a: {  	s1 =	srdreg.scid  }
0x8b: {  	s0 =	sand.u32 $0x1, s1  }
0x8c: {  	s17 =	sshll.u32 s0, $0xA;
	s2 =	sadd.s32 s3, s2  }
0x8d: {  	s2 =	sadd.s32 s2, s17  }
0x8e: {  	[smem:$0x3FB6] =	sst s2  }
0x8f: {  	_ = 	snop  }
0x90: {  	(tm) =	ssettm $0x1  }
0x91: {  	s18 =	sld [smem:$0x3FFB];
	_ =	sdelay $0x3  }
0x92: {  	_ =	strace s18  }
0x93: {  	s2 =	sld [smem:$0x3FFC];
	_ =	sdelay $0x3  }
0x94: {  	_ =	strace s2  }
0x95: {  	s2 =	sld [smem:$0x3FFD];
	_ =	sdelay $0x3  }
0x96: {  	_ =	strace s2  }
0x97: {  	_ =	strace $0x8FFFFFFF  }
0x98: {  	s19 =	sld [smem:$0x3FDB];
	_ =	sdelay $0x1  }
0x99: {  	s20 =	simm.s32 $_scs_section_size  }
0x9a: {  	s4 =	simm.s32 $_size__tile_overlayer_lowered;
	s5 =	simm.s32 $_tile_overlayer_lowered  }
0x9b: {  	s6 =	simm.s32 $0x1BFF;
	s21 =	sshll.u32 s5, $0x1;
	s3 =	sadd.s32 s20, s19  }
0x9c: {  	s22 =	simm.s32 $0x0;
	s4 =	sshll.u32 s4, $0x1;
	s5 =	sadd.s32 s21, s3  }
0x9d: {  	[timem:s22], [sflag:s6] =	dma.local [hbm:s5], s4  }
0x9e: {  	_ =	swait.ge [sflag:s6], s4  }
0x9f: {  	s4 =	ssub.s32 $0x0, s4;
	[sflag:s6] =	ssyncset.done $0x0  }
0xa0: {  	[sflag:s6] =	ssyncadd.s32 s4;
	_ =	sdelay $0x1  }
0xa1: {  	s23 =	simm.s32 $0x1B8B  }
0xa2: {  	_ =	swait.ge [sflag:s23], $0x1  }
0xa3: {  	[sflag:s23] =	ssyncset.done $0x0  }
0xa4: {  	[sflag:s23] =	ssyncadd.s32 $0xFFFFFFFF  }
0xa5: {  	s4 =	sld [smem:$0x0]  }
0xa6: {  	s5 =	sand.u32 $0xFFFFFFFE, s1  }
0xa7: {  	p0 =	sne.s32 s1, s5  }
0xa8: {  	s5 =	sshll.u32 @p0 s5, $0xE  }
0xa9: {  	s5 =	sadd.s32 @p0 $0x11B8D, s5;
	s6 =	sshll.u32 @p0 s4, $0x11  }
0xaa: {  	s5 =	sor.u32 @p0 s6, s5  }
0xab: {  	[sflag:s5] =	ssyncadd.remote.s32 @p0 $0x1;
	_ =	sdelay $0x1  }
0xac: {  	s5 =	simm.s32 @p0 $0x1B8D  }
0xad: {  	_ =	swait.eq @p0 [sflag:s5], $0x1  }
0xae: {  	[sflag:s5] =	ssyncadd.s32 @p0 $0xFFFFFFFF  }
0xaf: {  	s6 =	sshll.u32 @!p0 s1, $0xE  }
0xb0: {  	s6 =	sor.u32 @!p0 $0x4000, s6;
	s5 =	simm.s32 @!p0 $0x1B8D  }
0xb1: {  	s4 =	sshll.u32 @!p0 s4, $0x11;
	s6 =	sadd.s32 @!p0 $0x11B8D, s6;
	_ =	swait.eq @!p0 [sflag:s5], $0x1  }
0xb2: {  	s4 =	sor.u32 @!p0 s4, s6;
	[sflag:s5] =	ssyncadd.s32 @!p0 $0xFFFFFFFF  }
0xb3: {  	s25 =	simm.s32 $0x1B8E;
	s24 =	sld [smem:$0x3FFE];
	[sflag:s4] =	ssyncadd.remote.s32 @!p0 $0x1  }
0xb4: {  	s26 =	simm.s32 $execute0_lowered;
	[smem:$0x3FD2] =	sst s25  }
0xb5: {  	s5 =	sshll.u32 s26, $0x1;
	_ =	strace $0x80000049;
	[dreg:$0x1] =	wrdreg $0xFFFFFFFF  }
0xb6: {  	s28 =	simm.s32 $_size_execute0_lowered;
	s3 =	sadd.s32 s3, s5;
	[dreg:$0x0] =	wrdreg $0x0  }
0xb7: {  	s5 =	sshll.u32 s28, $0x1;
	[dreg:$0x2] =	wrdreg s3  }
0xb8: {  	[dreg:$0x3] =	wrdreg s5  }
0xb9: {  	[dreg:$0x4] =	wrdreg $0xC0  }
0xba: {  	_ =	task [dreg:s22], $0x5FFFF  }
0xbb: {  	[dreg:$0x1] =	wrdreg $0xFFFFFFFF  }
0xbc: {  	[dreg:$0x0] =	wrdreg $0x60  }
0xbd: {  	[dreg:$0x2] =	wrdreg s24  }
0xbe: {  	[dreg:$0x3] =	wrdreg $0xC2000  }
0xbf: {  	[dreg:$0x4] =	wrdreg $0x9  }
0xc0: {  	_ =	task.clear_ibuf [dreg:s22], $0x5FFFF;
	_ =	strace $0x90000049  }
0xc1: {  	s29 =	simm.s32 $0x9;
	_ =	strace $0x8000004B  }
0xc2: {  	_ =	swait.ge [sflag:s29], $0x1  }
0xc3: {  	[sflag:s29] =	ssyncadd.s32 $0xFFFFFFFF  }
0xc4: {  	_ =	strace $0x9000004B  }
0xc5: {  	_ =	sfence  }
0xc6: {  	s30 =	sld [smem:$0x0];
	_ =	sdelay $0x2  }
0xc7: {  	s31 =	sshll.u32 s1, $0xD;
	s1 =	sshrl.u32 s1, $0x2  }
0xc8: {  	s4 =	sand.u32 $0x4000, s31;
	s1 =	sadd.s32 s1, s30  }
0xc9: {  	s0 =	sor.u32 s4, s0;
	s1 =	sshll.u32 s1, $0x11  }
0xca: {  	s0 =	sor.u32 s1, s0  }
0xcb: {  	s0 =	sadd.s32 $0x8F2B, s0  }
0xcc: {  	[sflag:s0] =	ssyncadd.remote.s32 $0x1  }
0xcd: {  	_ =	sfence.sel $0xFFFF  }
0xce: {  	[dreg:$0x0] =	wrdreg $0xFFFFFFFF;
	(pc) =	sbr.abs _section_cstart, $3  }
0xcf: {  	[dreg:$0x1] =	wrdreg $0xFFFFFFFF  }
0xd0: {  	_ =	task.clear_ibuf [dreg:s22], $0x2FFFF;
	_ =	strace $0x9FFFFFFF  }
0xd1: {  	(tm) =	ssettm $0x7FFFFFFF  }
tec
execute0_lowered:
.L_overlay_start_1:
0x0: {  	(tag) =	ssettag $0x1  }
0x1: {  	s5 =	rddreg [dreg:$0x0]  }
0x2: {  	s1 =	rddreg [dreg:$0x1];
	s2 =	srdreg.scid  }
0x3: {  	s0 =	rddreg [dreg:$0x2];
	s10 =	sand.u32 $0x1, s2  }
0x4: {  	s3 =	simm.s32 $0x0;
	s2 =	stileid.u32;
	s4 =	smul.u32 $0x13C000, s10  }
0x5: {  	[smem:$0x7FF] =	sst s3;
	s6 =	smul.u32 $0x13C00, s2  }
0x6: {  	_ =	strace $0x8000004A;
	s7 =	sshll.u32 s2, $0xC;
	s8 =	sshll.u32 s2, $0x5  }
0x7: {  	s9 =	ssub.s32 $0x2, s10;
	s11 =	smul.u32 $0x4F000, s2;
	s12 =	sshll.u32 s2, $0x1  }
0x8: {  	s30 =	sshll.u32 s2, $0x6;
	s13 =	sshll.u32 s10, $0xB;
	s14 =	sshll.u32 s10, $0x4  }
0x9: {  	s7 =	sadd.s32 s7, s5;
	s8 =	sadd.s32 s8, s5;
	s28 =	sshrl.u32 s9, $0x1  }
0xa: {  	s10 =	sor.u32 s10, s12;
	s12 =	simm.s32 $0x4;
	s4 =	sadd.s32 s6, s4  }
0xb: {  	s9 =	ssub.s32 s9, s28;
	s29 =	sshrl.u32 s11, $0x2;
	s13 =	sadd.s32 s13, s7  }
0xc: {  	s31 =	sadd.s32 s14, s8;
	s10 =	sor.u32 $0x40, s10;
	s6 =	sshrl.u32 s4, $0x3  }
0xd: {  	s4 =	sadd.s32 $0x40800, s5;
	s11 =	sadd.s32 s29, s1;
	s7 =	smax.u32 s9, $0x1  }
0xe: {  	s8 =	sadd.s32 $0x574000, s13;
	s9 =	sadd.s32 $0x5E00, s31;
	s6 =	sadd.s32 s6, s5  }
0xf: {  	s5 =	sor.u32 $0x1C04, s30;
	s11 =	sshrl.u32 s11, $0x3;
	s6 =	sadd.s32 $0x92000, s6  }
.LBB2_1:
0x10: {  	[spmem:s11], [sflag:s5] =	dma.local [hbm:s4], $0x2780  }
0x11: {  	s13 =	sadd.s32 $0xFFFFFFC0, s10;
	_ =	swait.ge [sflag:s12], $0x2780  }
0x12: {  	s30 =	sadd.s32 $0xFFFFFFE0, s10;
	p3 =	sgt.u32 s10, $0x9C3;
	[sflag:s12] =	ssyncset.done $0x0  }
0x13: {  	p0 =	sgt.u32 s13, $0x9C3;
	p2 =	sgt.u32 s30, $0x9C3;
	[sflag:s12] =	ssyncadd.s32 $0xFFFFD880  }
0x14: {  	s14 =	sadd.s32 @!p0 $0xFFFFFC00, s9;
	s15 =	simm.s32 @!p0 $0x0;
	[bflag:$0x0] =	sbarrier.arrive $0xFFFF  }
0x15: {  	[tilespmem:s15], [sflag:$0x1] =	stream.linear.gather @!p0 [hbm4b:s14+s15], $0x80, $0x38;
	[tilespmem:$0x1FE00] =	vst v63  }
0x16: {  	s13 =	sadd.s32 @!p2 $0xFFFFFE00, s9;
	s16 =	simm.s32 @!p2 $0x80;
	s14 =	simm.s32 @!p2 $0x0  }
0x17: {  	[tilespmem:s16], [sflag:$0x1] =	stream.linear.gather @!p2 [hbm4b:s13+s14], $0x80, $0x38;
	[tilespmem:$0x1FE00] =	vst v63  }
0x18: {  	s17 =	simm.s32 @!p3 $0x100;
	s18 =	simm.s32 @!p0 $0x1;
	s13 =	simm.s32 @!p3 $0x0  }
0x19: {  	[tilespmem:s17], [sflag:$0x1] =	stream.linear.gather @!p3 [hbm4b:s9+s13], $0x80, $0x38;
	[tilespmem:$0x1FE00] =	vst v63  }
0x1a: {  	_ =	swait.ge @!p0 [sflag:s18], $0x80  }
0x1b: {  	s19 =	sadd.s32 @!p0 $0x0, s8;
	[sflag:s18] =	ssyncset.done @!p0 $0x0  }
0x1c: {  	s20 =	simm.s32 @!p0 $0x200;
	s21 =	simm.s32 @!p2 $0x1;
	[sflag:s18] =	ssyncadd.s32 @!p0 $0xFFFFFF80  }
0x1d: {  	[tilespmem:s20], [sflag:$0x2] =	stream.linear.gather @!p0 [hbm4b:s19+s15], $0x4000, $0x38;
	[tilespmem:$0x1FE00] =	vst v63  }
0x1e: {  	s18 =	sadd.s32 @!p2 $0x0, s8;
	_ =	swait.ge @!p2 [sflag:s21], $0x80  }
0x1f: {  	p1 =	por p3, p3;
	s18 =	sadd.s32 @!p2 $0x10000, s18;
	[sflag:s21] =	ssyncset.done @!p2 $0x0  }
0x20: {  	s19 =	simm.s32 @!p2 $0x4200;
	[sflag:s21] =	ssyncadd.s32 @!p2 $0xFFFFFF80;
	s21 =	simm.s32 @!p1 $0x1  }
0x21: {  	[tilespmem:s19], [sflag:$0x2] =	stream.linear.gather @!p2 [hbm4b:s18+s14], $0x4000, $0x38;
	[tilespmem:$0x1FE00] =	vst v63  }
0x22: {  	_ =	swait.ge @!p1 [sflag:s21], $0x80  }
0x23: {  	s22 =	simm.s32 @!p1 $0x8200;
	s14 =	sadd.s32 @!p3 $0x0, s8;
	[sflag:s21] =	ssyncset.done @!p1 $0x0  }
0x24: {  	s18 =	simm.s32 @!p0 $0x2;
	s14 =	sadd.s32 @!p3 $0x20000, s14;
	[sflag:s21] =	ssyncadd.s32 @!p1 $0xFFFFFF80  }
0x25: {  	[tilespmem:s22], [sflag:$0x2] =	stream.linear.gather @!p1 [hbm4b:s14+s13], $0x4000, $0x38;
	[tilespmem:$0x1FE00] =	vst v63  }
0x26: {  	_ =	swait.ge @!p0 [sflag:s18], $0x4000  }
0x27: {  	[sflag:s18] =	ssyncset.done @!p0 $0x0  }
0x28: {  	s13 =	simm.s32 @!p0 $0x80;
	s14 =	simm.s32 @!p2 $0x2;
	[sflag:s18] =	ssyncadd.s32 @!p0 $0xFFFFC000  }
0x29: {  	[spmem:s1] =	stream.indirect.scatter.add.f32 @!p0 [tilespmem:s20], [sflag:$0x3], $0x80, s15, s13, $0xb8;
	[tilespmem:$0x1FE00] =	vst v63  }
0x2a: {  	_ =	swait.ge @!p2 [sflag:s14], $0x4000  }
0x2b: {  	[sflag:s14] =	ssyncset.done @!p2 $0x0  }
0x2c: {  	s13 =	simm.s32 @!p1 $0x2;
	[sflag:s14] =	ssyncadd.s32 @!p2 $0xFFFFC000  }
0x2d: {  	[spmem:s1] =	stream.indirect.scatter.add.f32 @!p2 [tilespmem:s19], [sflag:$0x3], $0x80, s16, s16, $0xb8;
	[tilespmem:$0x1FE00] =	vst v63  }
0x2e: {  	_ =	swait.ge @!p1 [sflag:s13], $0x4000  }
0x2f: {  	[sflag:s13] =	ssyncset.done @!p1 $0x0  }
0x30: {  	s15 =	simm.s32 @!p1 $0x80;
	s14 =	simm.s32 @!p0 $0x3;
	[sflag:s13] =	ssyncadd.s32 @!p1 $0xFFFFC000  }
0x31: {  	[spmem:s1] =	stream.indirect.scatter.add.f32 @!p1 [tilespmem:s22], [sflag:$0x3], $0x80, s17, s15, $0xb8;
	[tilespmem:$0x1FE00] =	vst v63  }
0x32: {  	_ =	swait.ge @!p0 [sflag:s14], $0x4000  }
0x33: {  	s18 =	simm.s32 @!p2 $0x3;
	[sflag:s14] =	ssyncset.done @!p0 $0x0  }
0x34: {  	s16 =	simm.s32 $0x60000;
	s13 =	simm.s32 $0x30000;
	[sflag:s14] =	ssyncadd.s32 @!p0 $0xFFFFC000  }
0x35: {  	s15 =	sadd.s32 $0x60, s10;
	s17 =	simm.s32 @!p1 $0x3;
	_ =	swait.ge @!p2 [sflag:s18], $0x4000  }
0x36: {  	s31 =	sadd.s32 $0xFFFFFFC0, s15;
	s19 =	sadd.s32 $0xFFFFFFE0, s15;
	[sflag:s18] =	ssyncset.done @!p2 $0x0  }
0x37: {  	s14 =	sadd.s32 $0x600, s9;
	p0 =	sgt.u32 s31, $0x9C3;
	[sflag:s18] =	ssyncadd.s32 @!p2 $0xFFFFC000  }
.LBB2_2:
0x38: {  	s20 =	sadd.s32 @!p0 $0xFFFFFC00, s14  }
0x39: {  	s18 =	simm.s32 @!p0 $0x0;
	_ =	swait.ge @!p1 [sflag:s17], $0x4000;
	s21 =	smov.u32 s16  }
0x3a: {  	p2 =	sgt.u32 s19, $0x9C3;
	p4 =	sgt.u32 s15, $0x9C3;
	[sflag:s17] =	ssyncset.done @!p1 $0x0  }
0x3b: {  	s22 =	sadd.s32 @!p2 $0xFFFFFE00, s14;
	s23 =	simm.s32 @!p4 $0x0;
	[sflag:s17] =	ssyncadd.s32 @!p1 $0xFFFFC000  }
0x3c: {  	[tilespmem:s18], [sflag:$0x1] =	stream.linear.gather @!p0 [hbm4b:s20+s18], $0x80, $0x38;
	[tilespmem:$0x1FE00] =	vst v63  }
0x3d: {  	s19 =	simm.s32 @!p2 $0x80;
	s17 =	simm.s32 @!p4 $0x100;
	s20 =	simm.s32 @!p2 $0x0  }
0x3e: {  	[tilespmem:s19], [sflag:$0x1] =	stream.linear.gather @!p2 [hbm4b:s22+s20], $0x80, $0x38;
	[tilespmem:$0x1FE00] =	vst v63  }
0x3f: {  	s24 =	sadd.s32 @!p2 s13, s8;
	s25 =	sadd.s32 @!p4 s13, s8;
	s22 =	simm.s32 @!p0 $0x1  }
0x40: {  	[tilespmem:s17], [sflag:$0x1] =	stream.linear.gather @!p4 [hbm4b:s14+s23], $0x80, $0x38;
	[tilespmem:$0x1FE00] =	vst v63  }
0x41: {  	s26 =	simm.s32 @!p0 $0x200;
	s13 =	sadd.s32 @!p0 s13, s8;
	_ =	swait.ge @!p0 [sflag:s22], $0x80  }
0x42: {  	s28 =	simm.s32 @!p2 $0x1;
	s24 =	sadd.s32 @!p2 $0x10000, s24;
	[sflag:s22] =	ssyncset.done @!p0 $0x0  }
0x43: {  	s16 =	sadd.s32 $0x30000, s16;
	[sflag:s22] =	ssyncadd.s32 @!p0 $0xFFFFFF80;
	s22 =	sadd.s32 @!p4 $0x20000, s25  }
0x44: {  	[tilespmem:s26], [sflag:$0x2] =	stream.linear.gather @!p0 [hbm4b:s13+s18], $0x4000, $0x38;
	[tilespmem:$0x1FE00] =	vst v63  }
0x45: {  	p3 =	sne.s32 s16, $0x510000;
	s25 =	simm.s32 @!p2 $0x4200;
	_ =	swait.ge @!p2 [sflag:s28], $0x80  }
0x46: {  	p1 =	por p4, p4;
	s13 =	smov.u32 s21;
	[sflag:s28] =	ssyncset.done @!p2 $0x0  }
0x47: {  	s21 =	simm.s32 @!p1 $0x1;
	[sflag:s28] =	ssyncadd.s32 @!p2 $0xFFFFFF80  }
0x48: {  	[tilespmem:s25], [sflag:$0x2] =	stream.linear.gather @!p2 [hbm4b:s24+s20], $0x4000, $0x38;
	[tilespmem:$0x1FE00] =	vst v63  }
0x49: {  	s20 =	simm.s32 @!p0 $0x2;
	_ =	swait.ge @!p1 [sflag:s21], $0x80  }
0x4a: {  	s24 =	simm.s32 @!p1 $0x8200;
	[sflag:s21] =	ssyncset.done @!p1 $0x0  }
0x4b: {  	[sflag:s21] =	ssyncadd.s32 @!p1 $0xFFFFFF80  }
0x4c: {  	[tilespmem:s24], [sflag:$0x2] =	stream.linear.gather @!p1 [hbm4b:s22+s23], $0x4000, $0x38;
	[tilespmem:$0x1FE00] =	vst v63  }
0x4d: {  	s21 =	simm.s32 @!p0 $0x80;
	_ =	swait.ge @!p0 [sflag:s20], $0x4000  }
0x4e: {  	s22 =	simm.s32 @!p2 $0x2;
	[sflag:s20] =	ssyncset.done @!p0 $0x0  }
0x4f: {  	[sflag:s20] =	ssyncadd.s32 @!p0 $0xFFFFC000  }
0x50: {  	[spmem:s1] =	stream.indirect.scatter.add.f32 @!p0 [tilespmem:s26], [sflag:$0x3], $0x80, s18, s21, $0xb8;
	[tilespmem:$0x1FE00] =	vst v63  }
0x51: {  	_ =	swait.ge @!p2 [sflag:s22], $0x4000  }
0x52: {  	[sflag:s22] =	ssyncset.done @!p2 $0x0  }
0x53: {  	s18 =	simm.s32 @!p1 $0x2;
	[sflag:s22] =	ssyncadd.s32 @!p2 $0xFFFFC000  }
0x54: {  	[spmem:s1] =	stream.indirect.scatter.add.f32 @!p2 [tilespmem:s25], [sflag:$0x3], $0x80, s19, s19, $0xb8;
	[tilespmem:$0x1FE00] =	vst v63  }
0x55: {  	s19 =	simm.s32 @!p0 $0x3;
	_ =	swait.ge @!p1 [sflag:s18], $0x4000  }
0x56: {  	s20 =	simm.s32 @!p1 $0x80;
	[sflag:s18] =	ssyncset.done @!p1 $0x0  }
0x57: {  	[sflag:s18] =	ssyncadd.s32 @!p1 $0xFFFFC000  }
0x58: {  	[spmem:s1] =	stream.indirect.scatter.add.f32 @!p1 [tilespmem:s24], [sflag:$0x3], $0x80, s17, s20, $0xb8;
	[tilespmem:$0x1FE00] =	vst v63  }
0x59: {  	s18 =	simm.s32 @!p2 $0x3;
	_ =	swait.ge @!p0 [sflag:s19], $0x4000  }
.Ltmp0:
0x5a: {  	[sflag:s19] =	ssyncset.done @!p0 $0x0;
	(pc) =	sbr.rel @p3 .LBB2_2-.Ltmp0, $4  }
0x5b: {  	[sflag:s19] =	ssyncadd.s32 @!p0 $0xFFFFC000  }
0x5c: {  	s15 =	sadd.s32 $0x60, s15;
	s14 =	sadd.s32 $0x600, s14;
	_ =	swait.ge @!p2 [sflag:s18], $0x4000  }
0x5d: {  	s20 =	sadd.s32 $0xFFFFFFC0, s15;
	s17 =	simm.s32 @!p1 $0x3;
	[sflag:s18] =	ssyncset.done @!p2 $0x0  }
0x5e: {  	s19 =	sadd.s32 $0xFFFFFFE0, s15;
	p0 =	sgt.u32 s20, $0x9C3;
	[sflag:s18] =	ssyncadd.s32 @!p2 $0xFFFFC000  }
0x5f: {  	_ =	swait.ge @!p1 [sflag:s17], $0x4000  }
0x60: {  	s16 =	sadd.s32 @!p0 $0xFFFFFC00, s14;
	s18 =	simm.s32 @!p0 $0x0;
	[sflag:s17] =	ssyncset.done @!p1 $0x0  }
0x61: {  	p2 =	sgt.u32 s19, $0x9C3;
	p3 =	sgt.u32 s15, $0x9C3;
	[sflag:s17] =	ssyncadd.s32 @!p1 $0xFFFFC000  }
0x62: {  	[tilespmem:s18], [sflag:$0x1] =	stream.linear.gather @!p0 [hbm4b:s16+s18], $0x80, $0x38;
	[tilespmem:$0x1FE00] =	vst v63  }
0x63: {  	s15 =	sadd.s32 @!p2 $0xFFFFFE00, s14;
	s17 =	simm.s32 @!p2 $0x80;
	s16 =	simm.s32 @!p2 $0x0  }
0x64: {  	[tilespmem:s17], [sflag:$0x1] =	stream.linear.gather @!p2 [hbm4b:s15+s16], $0x80, $0x38;
	[tilespmem:$0x1FE00] =	vst v63  }
0x65: {  	s20 =	simm.s32 @!p0 $0x1;
	s19 =	simm.s32 @!p3 $0x100;
	s15 =	simm.s32 @!p3 $0x0  }
0x66: {  	[tilespmem:s19], [sflag:$0x1] =	stream.linear.gather @!p3 [hbm4b:s14+s15], $0x80, $0x38;
	[tilespmem:$0x1FE00] =	vst v63  }
0x67: {  	_ =	swait.ge @!p0 [sflag:s20], $0x80  }
0x68: {  	s21 =	simm.s32 @!p0 $0x200;
	[sflag:s20] =	ssyncset.done @!p0 $0x0  }
0x69: {  	s22 =	simm.s32 @!p2 $0x1;
	s14 =	sadd.s32 @!p0 s13, s8;
	[sflag:s20] =	ssyncadd.s32 @!p0 $0xFFFFFF80  }
0x6a: {  	[tilespmem:s21], [sflag:$0x2] =	stream.linear.gather @!p0 [hbm4b:s14+s18], $0x4000, $0x38;
	[tilespmem:$0x1FE00] =	vst v63  }
0x6b: {  	p1 =	por p3, p3;
	_ =	swait.ge @!p2 [sflag:s22], $0x80  }
0x6c: {  	s20 =	simm.s32 @!p2 $0x4200;
	s14 =	sadd.s32 @!p2 s13, s8;
	[sflag:s22] =	ssyncset.done @!p2 $0x0  }
0x6d: {  	s14 =	sadd.s32 @!p2 $0x10000, s14;
	[sflag:s22] =	ssyncadd.s32 @!p2 $0xFFFFFF80;
	s22 =	simm.s32 @!p1 $0x1  }
0x6e: {  	[tilespmem:s20], [sflag:$0x2] =	stream.linear.gather @!p2 [hbm4b:s14+s16], $0x4000, $0x38;
	[tilespmem:$0x1FE00] =	vst v63  }
0x6f: {  	s13 =	sadd.s32 @!p3 s13, s8;
	_ =	swait.ge @!p1 [sflag:s22], $0x80  }
0x70: {  	s13 =	sadd.s32 @!p3 $0x20000, s13;
	[sflag:s22] =	ssyncset.done @!p1 $0x0  }
0x71: {  	s14 =	simm.s32 @!p0 $0x2;
	s16 =	simm.s32 @!p1 $0x8200;
	[sflag:s22] =	ssyncadd.s32 @!p1 $0xFFFFFF80  }
0x72: {  	[tilespmem:s16], [sflag:$0x2] =	stream.linear.gather @!p1 [hbm4b:s13+s15], $0x4000, $0x38;
	[tilespmem:$0x1FE00] =	vst v63  }
0x73: {  	_ =	swait.ge @!p0 [sflag:s14], $0x4000  }
0x74: {  	[sflag:s14] =	ssyncset.done @!p0 $0x0  }
0x75: {  	s13 =	simm.s32 @!p0 $0x80;
	s15 =	simm.s32 @!p2 $0x2;
	[sflag:s14] =	ssyncadd.s32 @!p0 $0xFFFFC000  }
0x76: {  	[spmem:s1] =	stream.indirect.scatter.add.f32 @!p0 [tilespmem:s21], [sflag:$0x3], $0x80, s18, s13, $0xb8;
	[tilespmem:$0x1FE00] =	vst v63  }
0x77: {  	_ =	swait.ge @!p2 [sflag:s15], $0x4000  }
0x78: {  	[sflag:s15] =	ssyncset.done @!p2 $0x0  }
0x79: {  	s13 =	simm.s32 @!p1 $0x2;
	[sflag:s15] =	ssyncadd.s32 @!p2 $0xFFFFC000  }
0x7a: {  	[spmem:s1] =	stream.indirect.scatter.add.f32 @!p2 [tilespmem:s20], [sflag:$0x3], $0x80, s17, s17, $0xb8;
	[tilespmem:$0x1FE00] =	vst v63  }
0x7b: {  	_ =	swait.ge @!p1 [sflag:s13], $0x4000  }
0x7c: {  	[sflag:s13] =	ssyncset.done @!p1 $0x0  }
0x7d: {  	s14 =	simm.s32 @!p0 $0x3;
	s15 =	simm.s32 @!p1 $0x80;
	[sflag:s13] =	ssyncadd.s32 @!p1 $0xFFFFC000  }
0x7e: {  	[spmem:s1] =	stream.indirect.scatter.add.f32 @!p1 [tilespmem:s16], [sflag:$0x3], $0x80, s19, s15, $0xb8;
	[tilespmem:$0x1FE00] =	vst v63  }
0x7f: {  	_ =	swait.ge @!p0 [sflag:s14], $0x4000  }
0x80: {  	[sflag:s14] =	ssyncset.done @!p0 $0x0  }
0x81: {  	s13 =	simm.s32 @!p2 $0x3;
	[sflag:s14] =	ssyncadd.s32 @!p0 $0xFFFFC000  }
0x82: {  	_ =	swait.ge @!p2 [sflag:s13], $0x4000  }
0x83: {  	[sflag:s13] =	ssyncset.done @!p2 $0x0  }
0x84: {  	s14 =	simm.s32 @!p1 $0x3;
	[sflag:s13] =	ssyncadd.s32 @!p2 $0xFFFFC000  }
0x85: {  	_ =	swait.ge @!p1 [sflag:s14], $0x4000  }
0x86: {  	s3 =	sadd.s32 $0x1, s3;
	[sflag:s14] =	ssyncset.done @!p1 $0x0  }
0x87: {  	p0 =	sne.s32 s3, s7;
	[sflag:s14] =	ssyncadd.s32 @!p1 $0xFFFFC000  }
.Ltmp1:
0x88: {  	[bflag:$0x0] =	sbarrier.arrive $0xFFFF;
	(pc) =	sbr.rel @p0 .LBB2_1-.Ltmp1, $4  }
0x89: {  	[hbm:s6], [sflag:s5] =	dma.local [spmem:s11], $0x2780  }
0x8a: {  	_ =	swait.ge [sflag:s12], $0x2780  }
0x8b: {  	[sflag:s12] =	ssyncset.done $0x0  }
0x8c: {  	[sflag:s12] =	ssyncadd.s32 $0xFFFFD880  }
0x8d: {  	_ =	sfence.sel $0x180000  }
0x8e: {  	[bflag:$0x0] =	sbarrier.arrive $0xFFFF  }
0x8f: {  	p0 =	sne.s32 s2, $0x0;
	_ =	strace $0x9000004A  }
0x90: {  	s0 =	sadd.s32 @!p0 $0x100000, s0;
	[bflag:$0x2] =	sbarrier.arrive $0xFFFF  }
0x91: {  	[sflag:s0] =	ssyncadd.tile.s32 @!p0 $0x1;
	_ =	shalt  }
.Lfunc_end2:
_tile_overlayer_lowered:
.L_overlay_start_2:
0x92: {  	(tag) =	ssettag $0x2  }
0x93: {  	s0 =	rddreg [dreg:$0x0];
	s2 =	stileid.u32  }
0x94: {  	s1 =	rddreg [dreg:$0x1];
	p0 =	sne.s32 s2, $0x0  }
0x95: {  	s3 =	rddreg [dreg:$0x2];
	[bflag:$0x3] =	sbarrier.arrive $0xFFFF;
	s2 =	simm.s32 @!p0 $0x1C04  }
0x96: {  	[timem:s3], [sflag:s2] =	dma.local @!p0 [hbm:s0], s1  }
0x97: {  	s0 =	simm.s32 @!p0 $0x4  }
0x98: {  	_ =	swait.ge @!p0 [sflag:s0], s1  }
0x99: {  	s1 =	ssub.s32 @!p0 $0x0, s1;
	[sflag:s0] =	ssyncset.done @!p0 $0x0  }
0x9a: {  	[sflag:s0] =	ssyncadd.s32 @!p0 s1  }
0x9b: {  	[bflag:$0x3] =	sbarrier.arrive $0xFFFF  }
0x9c: {  	_ =	shalt  }

// kernel: kernel.15.cloned.1.call-start
scs
__scs_entry_jumppad:
0x0: {  	(pc) =	sbr.rel $0x88, $3  }
0x1: {  	(tag) =	ssettag $0x0;
	lr =	simm.s32 $0x1  }
0x2: {  	[smem:$0x3F8F] =	sst lr;
	_ =	strace $0xD0000000  }
0x3: {  	_ = 	snop  }
0x4: {  	_ = 	snop  }
0x5: {  	_ = 	snop  }
0x6: {  	_ = 	snop  }
0x7: {  	_ = 	snop  }
__scs_overlays_trampoline_lowered:
0x8: {  	[smem:$0x3F9E] =	sst s0  }
0x9: {  	[smem:$0x3F9F] =	sst s1  }
0xa: {  	[smem:$0x3FA0] =	sst s2  }
0xb: {  	[smem:$0x3FA1] =	sst s3  }
0xc: {  	[smem:$0x3FA2] =	sst s4  }
0xd: {  	[smem:$0x3FA3] =	sst s5  }
0xe: {  	[smem:$0x3FA4] =	sst s6  }
0xf: {  	[smem:$0x3FA5] =	sst s7  }
0x10: {  	[smem:$0x3FA6] =	sst s8  }
0x11: {  	[smem:$0x3FA7] =	sst s9;
	s0 =	simm.s32 @!p0 $0x0  }
0x12: {  	s1 =	sld [smem:$0x3F8D];
	s0 =	simm.s32 @p0 $0x1  }
0x13: {  	[smem:$0x3FA8] =	sst s0;
	s0 =	simm.s32 @!p1 $0x0  }
0x14: {  	s2 =	sld [smem:$0x3F8C];
	s0 =	simm.s32 @p1 $0x1  }
0x15: {  	[smem:$0x3FA9] =	sst s0;
	s0 =	simm.s32 @!p2 $0x0  }
0x16: {  	s3 =	sld [smem:$0x3FDB];
	s0 =	simm.s32 @p2 $0x1  }
0x17: {  	s4 =	simm.s32 $0x1BF5;
	[smem:$0x3FAB] =	sst s0  }
0x18: {  	s0 =	sld [smem:$0x3F8E];
	_ =	swait.ge [sflag:s4], $0x0  }
0x19: {  	s7 =	sld [smem:$0x3F8F]  }
0x1a: {  	s8 =	sadd.s32 $0xFFFFE003, lr  }
0x1b: {  	s9 =	sadd.s32 $0xFFFFFEF7, lr;
	s5 =	simm.s32 $0xFFFFFFFF;
	p2 =	slt.u32 s8, $0xFFFFF086  }
0x1c: {  	p1 =	slt.u32 s9, $0xF7A;
	s5 =	simm.s32 @!p2 $0x0  }
0x1d: {  	s5 =	simm.s32 @p1 $0x1;
	p0 =	seq.s32 s7, s2  }
0x1e: {  	s7 =	smul.u32 @!p0 $0xF7A, s2;
	p2 =	seq.s32 @!p0 s5, $0x0  }
0x1f: {  	s9 =	smul.u32 $0xF7A, s1;
	s8 =	simm.s32 @!p0 $0x1BF5;
	p2 =	por !p2, p0  }
0x20: {  	[sflag:s8] =	ssyncset.s32 @!p0 $0xFFFFF086;
	s6 =	sadd.s32 @!p0 s3, s7;
	s7 =	simm.s32 @!p0 $0x108  }
0x21: {  	s3 =	sadd.s32 s3, s9;
	s6 =	sadd.s32 @!p0 $0x88, s6;
	s7 =	simm.s32 @p2 $0x1082  }
0x22: {  	[simem:s7], [sflag:s8] =	dma.local @!p0 [hbm:s6], $0xF7A  }
0x23: {  	s9 =	sor.u32 $0xD0000000, s2;
	s6 =	simm.s32 $0x108;
	_ =	swait.ge @!p0 [sflag:s8], $0x0  }
0x24: {  	s3 =	sadd.s32 $0x88, s3;
	s6 =	simm.s32 @!p1 $0x1082;
	[sflag:s4] =	ssyncset.s32 $0xFFFFF086  }
0x25: {  	[simem:s6], [sflag:s4] =	dma.local [hbm:s3], $0xF7A  }
0x26: {  	[smem:$0x3F8F] =	sst s1;
	(tag) =	ssettag s2;
	_ =	strace s9  }
0x27: {  	s1 =	sld [smem:$0x3F9F]  }
0x28: {  	s2 =	sld [smem:$0x3FA0]  }
0x29: {  	s4 =	sld [smem:$0x3FA2]  }
0x2a: {  	p0 =	seq.s32 s5, $0x0;
	s5 =	sld [smem:$0x3FA3]  }
0x2b: {  	s6 =	sld [smem:$0x3FA4]  }
0x2c: {  	s7 =	sld [smem:$0x3FA5]  }
0x2d: {  	s3 =	simm.s32 $0x108;
	s8 =	sld [smem:$0x3FA6]  }
0x2e: {  	s3 =	simm.s32 @!p0 $0x1082;
	s9 =	sld [smem:$0x3FA7]  }
0x2f: {  	lr =	sadd.s32 s0, s3;
	s0 =	sld [smem:$0x3F9E]  }
0x30: {  	s3 =	sld [smem:$0x3FA1]  }
0x31: {  	[smem:$0x3FAA] =	sst s10  }
0x32: {  	s10 =	sld [smem:$0x3FA8];
	_ =	sdelay $0x3  }
0x33: {  	p0 =	seq.s32 s10, $0x1;
	s10 =	sld [smem:$0x3FAA];
	_ =	sdelay $0x3  }
0x34: {  	[smem:$0x3FAA] =	sst s10  }
0x35: {  	s10 =	sld [smem:$0x3FA9];
	_ =	sdelay $0x3  }
0x36: {  	p1 =	seq.s32 s10, $0x1;
	s10 =	sld [smem:$0x3FAA];
	_ =	sdelay $0x3  }
0x37: {  	[smem:$0x3FAA] =	sst s10  }
0x38: {  	s10 =	sld [smem:$0x3FAB]  }
0x39: {  	_ = 	snop;
	(pc) =	sbr.ind lr, $3  }
0x3a: {  	_ = 	snop  }
0x3b: {  	_ = 	snop  }
0x3c: {  	p2 =	seq.s32 s10, $0x1;
	s10 =	sld [smem:$0x3FAA]  }
0x3d: {  	_ =	shalt  }
0x3e: {  	_ =	shalt  }
0x3f: {  	_ =	shalt  }
0x40: {  	_ =	shalt  }
0x41: {  	_ =	shalt  }
0x42: {  	_ =	shalt  }
0x43: {  	_ =	shalt  }
0x44: {  	_ =	shalt  }
0x45: {  	_ =	shalt  }
0x46: {  	_ =	shalt  }
0x47: {  	_ =	shalt  }
0x48: {  	_ =	shalt  }
0x49: {  	_ =	shalt  }
0x4a: {  	_ =	shalt  }
0x4b: {  	_ =	shalt  }
0x4c: {  	_ =	shalt  }
0x4d: {  	_ =	shalt  }
0x4e: {  	_ =	shalt  }
0x4f: {  	_ =	shalt  }
0x50: {  	_ =	shalt  }
0x51: {  	_ =	shalt  }
0x52: {  	_ =	shalt  }
0x53: {  	_ =	shalt  }
0x54: {  	_ =	shalt  }
0x55: {  	_ =	shalt  }
0x56: {  	_ =	shalt  }
0x57: {  	_ =	shalt  }
0x58: {  	_ =	shalt  }
0x59: {  	_ =	shalt  }
0x5a: {  	_ =	shalt  }
0x5b: {  	_ =	shalt  }
0x5c: {  	_ =	shalt  }
0x5d: {  	_ =	shalt  }
0x5e: {  	_ =	shalt  }
0x5f: {  	_ =	shalt  }
0x60: {  	_ =	shalt  }
0x61: {  	_ =	shalt  }
0x62: {  	_ =	shalt  }
0x63: {  	_ =	shalt  }
0x64: {  	_ =	shalt  }
0x65: {  	_ =	shalt  }
0x66: {  	_ =	shalt  }
0x67: {  	_ =	shalt  }
0x68: {  	_ =	shalt  }
0x69: {  	_ =	shalt  }
0x6a: {  	_ =	shalt  }
0x6b: {  	_ =	shalt  }
0x6c: {  	_ =	shalt  }
0x6d: {  	_ =	shalt  }
0x6e: {  	_ =	shalt  }
0x6f: {  	_ =	shalt  }
0x70: {  	_ =	shalt  }
0x71: {  	_ =	shalt  }
0x72: {  	_ =	shalt  }
0x73: {  	_ =	shalt  }
0x74: {  	_ =	shalt  }
0x75: {  	_ =	shalt  }
0x76: {  	_ =	shalt  }
0x77: {  	_ =	shalt  }
0x78: {  	_ =	shalt  }
0x79: {  	_ =	shalt  }
0x7a: {  	_ =	shalt  }
0x7b: {  	_ =	shalt  }
0x7c: {  	_ =	shalt  }
0x7d: {  	_ =	shalt  }
0x7e: {  	_ =	shalt  }
0x7f: {  	_ =	shalt  }
0x80: {  	_ =	shalt  }
0x81: {  	_ =	shalt  }
0x82: {  	_ =	shalt  }
0x83: {  	_ =	shalt  }
0x84: {  	_ =	shalt  }
0x85: {  	_ =	shalt  }
0x86: {  	_ =	shalt  }
0x87: {  	_ =	shalt  }
.Lfunc_end0:
.L_simem_size_0:
called_computation.1_lowered:
.L_overlay_start_0:
0x88: {  	s2 =	sld [smem:$0x3FD9]  }
0x89: {  	s3 =	sld [smem:$0x3FFE];
	_ =	sdelay $0x1  }
0x8a: {  	s1 =	srdreg.scid  }
0x8b: {  	s0 =	sand.u32 $0x1, s1  }
0x8c: {  	s16 =	sshll.u32 s0, $0xA;
	s2 =	sadd.s32 s3, s2  }
0x8d: {  	s2 =	sadd.s32 s2, s16  }
0x8e: {  	[smem:$0x3FB6] =	sst s2  }
0x8f: {  	_ = 	snop  }
0x90: {  	(tm) =	ssettm $0x1  }
0x91: {  	s17 =	sld [smem:$0x3FFB];
	_ =	sdelay $0x3  }
0x92: {  	_ =	strace s17  }
0x93: {  	s2 =	sld [smem:$0x3FFC];
	_ =	sdelay $0x3  }
0x94: {  	_ =	strace s2  }
0x95: {  	s2 =	sld [smem:$0x3FFD];
	_ =	sdelay $0x3  }
0x96: {  	_ =	strace s2  }
0x97: {  	_ =	strace $0x8FFFFFFF  }
0x98: {  	s18 =	sld [smem:$0x3FDB];
	_ =	sdelay $0x1  }
0x99: {  	s19 =	simm.s32 $_scs_section_size  }
0x9a: {  	s4 =	simm.s32 $_size__tile_overlayer_lowered;
	s5 =	simm.s32 $_tile_overlayer_lowered  }
0x9b: {  	s22 =	simm.s32 $0x1BFF;
	s21 =	sshll.u32 s5, $0x1;
	s2 =	sadd.s32 s19, s18  }
0x9c: {  	s6 =	simm.s32 $0x0;
	s20 =	sshll.u32 s4, $0x1;
	s4 =	sadd.s32 s21, s2  }
0x9d: {  	[timem:s6], [sflag:s22] =	dma.local [hbm:s4], s20  }
0x9e: {  	_ =	swait.ge [sflag:s22], s20  }
0x9f: {  	s3 =	ssub.s32 $0x0, s20;
	[sflag:s22] =	ssyncset.done $0x0  }
0xa0: {  	[sflag:s22] =	ssyncadd.s32 s3;
	_ =	sdelay $0x1  }
0xa1: {  	s23 =	simm.s32 $0x1B8B  }
0xa2: {  	_ =	swait.ge [sflag:s23], $0x1  }
0xa3: {  	[sflag:s23] =	ssyncset.done $0x0  }
0xa4: {  	s25 =	simm.s32 $0x1B8E;
	s24 =	sld [smem:$0x3FFE];
	[sflag:s23] =	ssyncadd.s32 $0xFFFFFFFF  }
0xa5: {  	s26 =	simm.s32 $execute0_lowered;
	[smem:$0x3FD2] =	sst s25  }
0xa6: {  	s4 =	sshll.u32 s26, $0x1;
	_ =	strace $0x80000046;
	[dreg:$0x1] =	wrdreg $0xFFFFFFFF  }
0xa7: {  	s28 =	simm.s32 $_size_execute0_lowered;
	s2 =	sadd.s32 s2, s4;
	[dreg:$0x0] =	wrdreg $0x0  }
0xa8: {  	s4 =	sshll.u32 s28, $0x1;
	[dreg:$0x2] =	wrdreg s2  }
0xa9: {  	[dreg:$0x3] =	wrdreg s4  }
0xaa: {  	[dreg:$0x4] =	wrdreg $0xC0  }
0xab: {  	_ =	task [dreg:s6], $0x5FFFF  }
0xac: {  	[dreg:$0x1] =	wrdreg $0xFFFFFFFF  }
0xad: {  	[dreg:$0x0] =	wrdreg $0x60  }
0xae: {  	[dreg:$0x2] =	wrdreg s24  }
0xaf: {  	[dreg:$0x3] =	wrdreg $0xC4000  }
0xb0: {  	[dreg:$0x4] =	wrdreg $0xA  }
0xb1: {  	_ =	task.clear_ibuf [dreg:s6], $0x5FFFF;
	_ =	strace $0x90000046  }
0xb2: {  	s29 =	simm.s32 $0xA;
	_ =	strace $0x80000048  }
0xb3: {  	_ =	swait.ge [sflag:s29], $0x1  }
0xb4: {  	[sflag:s29] =	ssyncadd.s32 $0xFFFFFFFF  }
0xb5: {  	_ =	strace $0x90000048  }
0xb6: {  	_ =	sfence  }
0xb7: {  	s30 =	sld [smem:$0x0];
	_ =	sdelay $0x2  }
0xb8: {  	s31 =	sshll.u32 s1, $0xD;
	s1 =	sshrl.u32 s1, $0x2  }
0xb9: {  	s3 =	sand.u32 $0x4000, s31;
	s1 =	sadd.s32 s1, s30  }
0xba: {  	s0 =	sor.u32 s3, s0;
	s1 =	sshll.u32 s1, $0x11  }
0xbb: {  	s0 =	sor.u32 s1, s0  }
0xbc: {  	s0 =	sadd.s32 $0x8F2B, s0  }
0xbd: {  	[sflag:s0] =	ssyncadd.remote.s32 $0x1  }
0xbe: {  	_ =	sfence.sel $0xFFFF  }
0xbf: {  	[dreg:$0x0] =	wrdreg $0xFFFFFFFF;
	(pc) =	sbr.abs _section_cstart, $3  }
0xc0: {  	[dreg:$0x1] =	wrdreg $0xFFFFFFFF  }
0xc1: {  	_ =	task.clear_ibuf [dreg:s6], $0x2FFFF;
	_ =	strace $0x9FFFFFFF  }
0xc2: {  	(tm) =	ssettm $0x7FFFFFFF  }
0xc3: {  	_ =	shalt  }
tec
execute0_lowered:
.L_overlay_start_1:
0x0: {  	(tag) =	ssettag $0x1  }
0x1: {  	s6 =	rddreg [dreg:$0x0]  }
0x2: {  	s1 =	rddreg [dreg:$0x1]  }
0x3: {  	s2 =	srdreg.scid;
	s0 =	rddreg [dreg:$0x2]  }
0x4: {  	s3 =	simm.s32 $0x0;
	s11 =	sand.u32 $0x1, s2;
	s2 =	stileid.u32  }
0x5: {  	[smem:$0x7FF] =	sst s3;
	s4 =	sadd.s32 $0x19600, s6;
	s5 =	smul.u32 $0x13C000, s11  }
0x6: {  	s7 =	smul.u32 $0x13C00, s2;
	_ =	strace $0x80000047;
	s8 =	sshll.u32 s2, $0x5  }
0x7: {  	s26 =	ssub.s32 $0x2, s11;
	s12 =	smul.u32 $0x4F000, s2;
	s13 =	sshll.u32 s2, $0x1  }
0x8: {  	s30 =	sshll.u32 s2, $0x6;
	s14 =	sshll.u32 s11, $0x4;
	s9 =	sadd.s32 s8, s6  }
0x9: {  	s10 =	sshrl.u32 s26, $0x1;
	s11 =	sor.u32 s11, s13;
	s13 =	simm.s32 $0x4  }
0xa: {  	s5 =	sadd.s32 s7, s5;
	s10 =	ssub.s32 s26, s10;
	s29 =	sshrl.u32 s12, $0x2  }
0xb: {  	s31 =	sadd.s32 s14, s9;
	s11 =	sor.u32 $0x40, s11;
	s28 =	sshrl.u32 s5, $0x3  }
0xc: {  	s5 =	sadd.s32 $0x40800, s6;
	s12 =	sadd.s32 s29, s1;
	s9 =	sadd.s32 $0x5A00, s31  }
0xd: {  	s8 =	sadd.s32 s28, s6;
	s6 =	sor.u32 $0x1C04, s30;
	s12 =	sshrl.u32 s12, $0x3  }
0xe: {  	s7 =	sadd.s32 $0x43000, s8;
	s8 =	smax.u32 s10, $0x1;
	s10 =	sadd.s32 $0xF800, s31  }
.LBB2_1:
0xf: {  	[spmem:s12], [sflag:s6] =	dma.local [hbm:s5], $0x2780  }
0x10: {  	_ =	swait.ge [sflag:s13], $0x2780  }
0x11: {  	s14 =	sadd.s32 $0xFFFFFFC0, s11;
	p0 =	sgt.u32 s11, $0x9C3;
	[sflag:s13] =	ssyncset.done $0x0  }
0x12: {  	s31 =	sadd.s32 $0xFFFFFFE0, s11;
	p2 =	sgt.u32 s14, $0x9C3;
	[sflag:s13] =	ssyncadd.s32 $0xFFFFD880  }
0x13: {  	s15 =	sadd.s32 @!p2 $0x0, s10;
	s16 =	simm.s32 @!p2 $0x0;
	[bflag:$0x0] =	sbarrier.arrive $0xFFFF  }
0x14: {  	[tilespmem:s16], [sflag:$0x1] =	stream.linear.gather @!p2 [hbm4b:s15+s16], $0x80, $0x38;
	v63 =	vld [tilespmem:$0x0]  }
0x15: {  	p1 =	sgt.u32 s31, $0x9C3;
	s17 =	simm.s32 @!p2 $0x200;
	s15 =	sadd.s32 @!p2 $0x0, s9  }
0x16: {  	[tilespmem:s17], [sflag:$0x1] =	stream.linear.gather @!p2 [hbm4b:s15+s16], $0x80, $0x38;
	v63 =	vld [tilespmem:$0x0]  }
0x17: {  	s14 =	simm.s32 @!p0 $0x100;
	s18 =	sadd.s32 @!p1 $0x0, s9;
	s15 =	sadd.s32 @!p1 $0x0, s10  }
0x18: {  	s19 =	simm.s32 @!p1 $0x0;
	s20 =	simm.s32 @!p1 $0x80;
	s15 =	sadd.s32 @!p1 $0x200, s15  }
0x19: {  	[tilespmem:s20], [sflag:$0x1] =	stream.linear.gather @!p1 [hbm4b:s15+s19], $0x80, $0x38;
	v63 =	vld [tilespmem:$0x0]  }
0x1a: {  	s21 =	sadd.s32 @!p0 $0x0, s10;
	s15 =	sadd.s32 @!p1 $0x200, s18;
	s18 =	simm.s32 @!p1 $0x280  }
0x1b: {  	[tilespmem:s18], [sflag:$0x1] =	stream.linear.gather @!p1 [hbm4b:s15+s19], $0x80, $0x38;
	v63 =	vld [tilespmem:$0x0]  }
0x1c: {  	s15 =	sadd.s32 @!p0 $0x0, s9;
	s19 =	sadd.s32 @!p0 $0x400, s21;
	s21 =	simm.s32 @!p0 $0x0  }
0x1d: {  	[tilespmem:s14], [sflag:$0x1] =	stream.linear.gather @!p0 [hbm4b:s19+s21], $0x80, $0x38;
	v63 =	vld [tilespmem:$0x0]  }
0x1e: {  	s22 =	simm.s32 @!p2 $0x1;
	s15 =	sadd.s32 @!p0 $0x400, s15;
	s19 =	simm.s32 @!p0 $0x300  }
0x1f: {  	[tilespmem:s19], [sflag:$0x1] =	stream.linear.gather @!p0 [hbm4b:s15+s21], $0x80, $0x38;
	v63 =	vld [tilespmem:$0x0]  }
0x20: {  	_ =	swait.ge @!p2 [sflag:s22], $0x80  }
0x21: {  	[sflag:s22] =	ssyncset.done @!p2 $0x0  }
0x22: {  	[sflag:s22] =	ssyncadd.s32 @!p2 $0xFFFFFF80  }
0x23: {  	_ =	swait.ge @!p2 [sflag:s22], $0x80  }
0x24: {  	s23 =	simm.s32 @!p1 $0x1;
	[sflag:s22] =	ssyncset.done @!p2 $0x0  }
0x25: {  	s15 =	simm.s32 @!p2 $0x80;
	s21 =	simm.s32 @!p2 $0x400;
	[sflag:s22] =	ssyncadd.s32 @!p2 $0xFFFFFF80  }
0x26: {  	[tilespmem:s21], [sflag:$0x2] =	stream.indirect.gather @!p2 [hbm4b:s4+s15], $0x80, s16, s15, $0xb8;
	v63 =	vld [tilespmem:$0x0]  }
0x27: {  	_ =	swait.ge @!p1 [sflag:s23], $0x80  }
0x28: {  	[sflag:s23] =	ssyncset.done @!p1 $0x0  }
0x29: {  	[sflag:s23] =	ssyncadd.s32 @!p1 $0xFFFFFF80  }
0x2a: {  	_ =	swait.ge @!p1 [sflag:s23], $0x80  }
0x2b: {  	p0 =	por p0, p0;
	[sflag:s23] =	ssyncset.done @!p1 $0x0  }
0x2c: {  	s22 =	simm.s32 @!p0 $0x1;
	s16 =	simm.s32 @!p1 $0x4400;
	[sflag:s23] =	ssyncadd.s32 @!p1 $0xFFFFFF80  }
0x2d: {  	[tilespmem:s16], [sflag:$0x2] =	stream.indirect.gather @!p1 [hbm4b:s4+s20], $0x80, s20, s20, $0xb8;
	v63 =	vld [tilespmem:$0x0]  }
0x2e: {  	_ =	swait.ge @!p0 [sflag:s22], $0x80  }
0x2f: {  	[sflag:s22] =	ssyncset.done @!p0 $0x0  }
0x30: {  	[sflag:s22] =	ssyncadd.s32 @!p0 $0xFFFFFF80  }
0x31: {  	_ =	swait.ge @!p0 [sflag:s22], $0x80  }
0x32: {  	s24 =	simm.s32 @!p0 $0x8400;
	[sflag:s22] =	ssyncset.done @!p0 $0x0  }
0x33: {  	s23 =	simm.s32 @!p2 $0x2;
	[sflag:s22] =	ssyncadd.s32 @!p0 $0xFFFFFF80;
	s22 =	simm.s32 @!p0 $0x80  }
0x34: {  	[tilespmem:s24], [sflag:$0x2] =	stream.indirect.gather @!p0 [hbm4b:s4+s22], $0x80, s14, s22, $0xb8;
	v63 =	vld [tilespmem:$0x0]  }
0x35: {  	_ =	swait.ge @!p2 [sflag:s23], $0x4000  }
0x36: {  	[sflag:s23] =	ssyncset.done @!p2 $0x0  }
0x37: {  	s14 =	simm.s32 @!p1 $0x2;
	[sflag:s23] =	ssyncadd.s32 @!p2 $0xFFFFC000  }
0x38: {  	[spmem:s1] =	stream.indirect.scatter.add.f32 @!p2 [tilespmem:s21], [sflag:$0x3], $0x80, s17, s15, $0xb8;
	v63 =	vld [tilespmem:$0x0]  }
0x39: {  	_ =	swait.ge @!p1 [sflag:s14], $0x4000  }
0x3a: {  	[sflag:s14] =	ssyncset.done @!p1 $0x0  }
0x3b: {  	[sflag:s14] =	ssyncadd.s32 @!p1 $0xFFFFC000;
	s14 =	simm.s32 @!p0 $0x2  }
0x3c: {  	[spmem:s1] =	stream.indirect.scatter.add.f32 @!p1 [tilespmem:s16], [sflag:$0x3], $0x80, s18, s20, $0xb8;
	v63 =	vld [tilespmem:$0x0]  }
0x3d: {  	_ =	swait.ge @!p0 [sflag:s14], $0x4000  }
0x3e: {  	[sflag:s14] =	ssyncset.done @!p0 $0x0  }
0x3f: {  	s15 =	simm.s32 @!p2 $0x3;
	[sflag:s14] =	ssyncadd.s32 @!p0 $0xFFFFC000  }
0x40: {  	[spmem:s1] =	stream.indirect.scatter.add.f32 @!p0 [tilespmem:s24], [sflag:$0x3], $0x80, s19, s22, $0xb8;
	v63 =	vld [tilespmem:$0x0]  }
0x41: {  	_ =	swait.ge @!p2 [sflag:s15], $0x4000  }
0x42: {  	[sflag:s15] =	ssyncset.done @!p2 $0x0  }
0x43: {  	s19 =	simm.s32 @!p1 $0x3;
	[sflag:s15] =	ssyncadd.s32 @!p2 $0xFFFFC000  }
0x44: {  	s17 =	simm.s32 @!p0 $0x3;
	s16 =	sadd.s32 $0x60, s11;
	_ =	swait.ge @!p1 [sflag:s19], $0x4000  }
0x45: {  	s18 =	sadd.s32 $0xFFFFFFC0, s16;
	p3 =	sgt.u32 s16, $0x9C3;
	[sflag:s19] =	ssyncset.done @!p1 $0x0  }
0x46: {  	s14 =	simm.s32 $0x600;
	s15 =	simm.s32 $0xC00;
	[sflag:s19] =	ssyncadd.s32 @!p1 $0xFFFFC000  }
.LBB2_2:
0x47: {  	s20 =	sadd.s32 $0xFFFFFFE0, s16  }
0x48: {  	p1 =	sgt.u32 s18, $0x9C3;
	_ =	swait.ge @!p0 [sflag:s17], $0x4000;
	s22 =	smov.u32 s15  }
0x49: {  	s18 =	sadd.s32 @!p1 s14, s10;
	s23 =	simm.s32 @!p1 $0x0;
	[sflag:s17] =	ssyncset.done @!p0 $0x0  }
0x4a: {  	s15 =	sadd.s32 $0x600, s15;
	s19 =	simm.s32 @!p3 $0x100;
	[sflag:s17] =	ssyncadd.s32 @!p0 $0xFFFFC000  }
0x4b: {  	[tilespmem:s23], [sflag:$0x1] =	stream.linear.gather @!p1 [hbm4b:s18+s23], $0x80, $0x38;
	v63 =	vld [tilespmem:$0x0]  }
0x4c: {  	p2 =	sgt.u32 s20, $0x9C3;
	s17 =	simm.s32 @!p1 $0x200;
	s18 =	sadd.s32 @!p1 s14, s9  }
0x4d: {  	[tilespmem:s17], [sflag:$0x1] =	stream.linear.gather @!p1 [hbm4b:s18+s23], $0x80, $0x38;
	v63 =	vld [tilespmem:$0x0]  }
0x4e: {  	s21 =	sadd.s32 @!p3 s14, s9;
	s20 =	sadd.s32 @!p2 s14, s9;
	s18 =	sadd.s32 @!p2 s14, s10  }
0x4f: {  	s25 =	simm.s32 @!p2 $0x0;
	s24 =	sadd.s32 @!p2 $0x200, s18;
	s18 =	simm.s32 @!p2 $0x80  }
0x50: {  	[tilespmem:s18], [sflag:$0x1] =	stream.linear.gather @!p2 [hbm4b:s24+s25], $0x80, $0x38;
	v63 =	vld [tilespmem:$0x0]  }
0x51: {  	s14 =	sadd.s32 @!p3 s14, s10;
	s24 =	sadd.s32 @!p2 $0x200, s20;
	s20 =	simm.s32 @!p2 $0x280  }
0x52: {  	[tilespmem:s20], [sflag:$0x1] =	stream.linear.gather @!p2 [hbm4b:s24+s25], $0x80, $0x38;
	v63 =	vld [tilespmem:$0x0]  }
0x53: {  	s14 =	sadd.s32 @!p3 $0x400, s14;
	s24 =	simm.s32 @!p3 $0x0;
	s25 =	sadd.s32 @!p3 $0x400, s21  }
0x54: {  	[tilespmem:s19], [sflag:$0x1] =	stream.linear.gather @!p3 [hbm4b:s14+s24], $0x80, $0x38;
	v63 =	vld [tilespmem:$0x0]  }
0x55: {  	p4 =	sne.s32 s15, $0xA200;
	s26 =	simm.s32 @!p1 $0x1;
	s21 =	simm.s32 @!p3 $0x300  }
0x56: {  	[tilespmem:s21], [sflag:$0x1] =	stream.linear.gather @!p3 [hbm4b:s25+s24], $0x80, $0x38;
	v63 =	vld [tilespmem:$0x0]  }
0x57: {  	p0 =	por p3, p3;
	s14 =	smov.u32 s22;
	_ =	swait.ge @!p1 [sflag:s26], $0x80  }
0x58: {  	[sflag:s26] =	ssyncset.done @!p1 $0x0  }
0x59: {  	[sflag:s26] =	ssyncadd.s32 @!p1 $0xFFFFFF80  }
0x5a: {  	s22 =	simm.s32 @!p1 $0x80;
	s24 =	simm.s32 @!p1 $0x400;
	_ =	swait.ge @!p1 [sflag:s26], $0x80  }
0x5b: {  	s25 =	simm.s32 @!p2 $0x1;
	[sflag:s26] =	ssyncset.done @!p1 $0x0  }
0x5c: {  	[sflag:s26] =	ssyncadd.s32 @!p1 $0xFFFFFF80  }
0x5d: {  	[tilespmem:s24], [sflag:$0x2] =	stream.indirect.gather @!p1 [hbm4b:s4+s22], $0x80, s23, s22, $0xb8;
	v63 =	vld [tilespmem:$0x0]  }
0x5e: {  	_ =	swait.ge @!p2 [sflag:s25], $0x80  }
0x5f: {  	[sflag:s25] =	ssyncset.done @!p2 $0x0  }
0x60: {  	[sflag:s25] =	ssyncadd.s32 @!p2 $0xFFFFFF80  }
0x61: {  	s23 =	simm.s32 @!p2 $0x4400;
	_ =	swait.ge @!p2 [sflag:s25], $0x80  }
0x62: {  	[sflag:s25] =	ssyncset.done @!p2 $0x0  }
0x63: {  	[sflag:s25] =	ssyncadd.s32 @!p2 $0xFFFFFF80;
	s25 =	simm.s32 @!p0 $0x1  }
0x64: {  	[tilespmem:s23], [sflag:$0x2] =	stream.indirect.gather @!p2 [hbm4b:s4+s18], $0x80, s18, s18, $0xb8;
	v63 =	vld [tilespmem:$0x0]  }
0x65: {  	_ =	swait.ge @!p0 [sflag:s25], $0x80  }
0x66: {  	[sflag:s25] =	ssyncset.done @!p0 $0x0  }
0x67: {  	[sflag:s25] =	ssyncadd.s32 @!p0 $0xFFFFFF80  }
0x68: {  	s26 =	simm.s32 @!p1 $0x2;
	_ =	swait.ge @!p0 [sflag:s25], $0x80  }
0x69: {  	[sflag:s25] =	ssyncset.done @!p0 $0x0  }
0x6a: {  	s28 =	simm.s32 @!p0 $0x8400;
	[sflag:s25] =	ssyncadd.s32 @!p0 $0xFFFFFF80;
	s25 =	simm.s32 @!p0 $0x80  }
0x6b: {  	[tilespmem:s28], [sflag:$0x2] =	stream.indirect.gather @!p0 [hbm4b:s4+s25], $0x80, s19, s25, $0xb8;
	v63 =	vld [tilespmem:$0x0]  }
0x6c: {  	_ =	swait.ge @!p1 [sflag:s26], $0x4000  }
0x6d: {  	s19 =	simm.s32 @!p2 $0x2;
	[sflag:s26] =	ssyncset.done @!p1 $0x0  }
0x6e: {  	[sflag:s26] =	ssyncadd.s32 @!p1 $0xFFFFC000  }
0x6f: {  	[spmem:s1] =	stream.indirect.scatter.add.f32 @!p1 [tilespmem:s24], [sflag:$0x3], $0x80, s17, s22, $0xb8;
	v63 =	vld [tilespmem:$0x0]  }
0x70: {  	_ =	swait.ge @!p2 [sflag:s19], $0x4000  }
0x71: {  	[sflag:s19] =	ssyncset.done @!p2 $0x0  }
0x72: {  	s17 =	simm.s32 @!p0 $0x2;
	[sflag:s19] =	ssyncadd.s32 @!p2 $0xFFFFC000  }
0x73: {  	[spmem:s1] =	stream.indirect.scatter.add.f32 @!p2 [tilespmem:s23], [sflag:$0x3], $0x80, s20, s18, $0xb8;
	v63 =	vld [tilespmem:$0x0]  }
0x74: {  	s18 =	simm.s32 @!p1 $0x3;
	_ =	swait.ge @!p0 [sflag:s17], $0x4000  }
0x75: {  	[sflag:s17] =	ssyncset.done @!p0 $0x0  }
0x76: {  	[sflag:s17] =	ssyncadd.s32 @!p0 $0xFFFFC000  }
0x77: {  	[spmem:s1] =	stream.indirect.scatter.add.f32 @!p0 [tilespmem:s28], [sflag:$0x3], $0x80, s21, s25, $0xb8;
	v63 =	vld [tilespmem:$0x0]  }
0x78: {  	s19 =	simm.s32 @!p2 $0x3;
	_ =	swait.ge @!p1 [sflag:s18], $0x4000  }
.Ltmp0:
0x79: {  	[sflag:s18] =	ssyncset.done @!p1 $0x0;
	(pc) =	sbr.rel @p4 .LBB2_2-.Ltmp0, $4  }
0x7a: {  	[sflag:s18] =	ssyncadd.s32 @!p1 $0xFFFFC000  }
0x7b: {  	_ =	swait.ge @!p2 [sflag:s19], $0x4000  }
0x7c: {  	s16 =	sadd.s32 $0x60, s16;
	s17 =	simm.s32 @!p0 $0x3;
	[sflag:s19] =	ssyncset.done @!p2 $0x0  }
0x7d: {  	p3 =	sgt.u32 s16, $0x9C3;
	s18 =	sadd.s32 $0xFFFFFFC0, s16;
	[sflag:s19] =	ssyncadd.s32 @!p2 $0xFFFFC000  }
0x7e: {  	_ =	swait.ge @!p0 [sflag:s17], $0x4000  }
0x7f: {  	s15 =	sadd.s32 $0xFFFFFFE0, s16;
	p1 =	sgt.u32 s18, $0x9C3;
	[sflag:s17] =	ssyncset.done @!p0 $0x0  }
0x80: {  	s16 =	sadd.s32 @!p1 s14, s10;
	s18 =	simm.s32 @!p1 $0x0;
	[sflag:s17] =	ssyncadd.s32 @!p0 $0xFFFFC000  }
0x81: {  	[tilespmem:s18], [sflag:$0x1] =	stream.linear.gather @!p1 [hbm4b:s16+s18], $0x80, $0x38;
	v63 =	vld [tilespmem:$0x0]  }
0x82: {  	s17 =	simm.s32 @!p1 $0x200;
	p0 =	sgt.u32 s15, $0x9C3;
	s16 =	sadd.s32 @!p1 s14, s9  }
0x83: {  	[tilespmem:s17], [sflag:$0x1] =	stream.linear.gather @!p1 [hbm4b:s16+s18], $0x80, $0x38;
	v63 =	vld [tilespmem:$0x0]  }
0x84: {  	s22 =	sadd.s32 @!p3 s14, s10;
	s19 =	sadd.s32 @!p0 s14, s9;
	s16 =	sadd.s32 @!p0 s14, s10  }
0x85: {  	s20 =	simm.s32 @!p0 $0x0;
	s21 =	simm.s32 @!p0 $0x80;
	s16 =	sadd.s32 @!p0 $0x200, s16  }
0x86: {  	[tilespmem:s21], [sflag:$0x1] =	stream.linear.gather @!p0 [hbm4b:s16+s20], $0x80, $0x38;
	v63 =	vld [tilespmem:$0x0]  }
0x87: {  	s15 =	simm.s32 @!p3 $0x100;
	s16 =	sadd.s32 @!p0 $0x200, s19;
	s19 =	simm.s32 @!p0 $0x280  }
0x88: {  	[tilespmem:s19], [sflag:$0x1] =	stream.linear.gather @!p0 [hbm4b:s16+s20], $0x80, $0x38;
	v63 =	vld [tilespmem:$0x0]  }
0x89: {  	s14 =	sadd.s32 @!p3 s14, s9;
	s16 =	sadd.s32 @!p3 $0x400, s22;
	s20 =	simm.s32 @!p3 $0x0  }
0x8a: {  	[tilespmem:s15], [sflag:$0x1] =	stream.linear.gather @!p3 [hbm4b:s16+s20], $0x80, $0x38;
	v63 =	vld [tilespmem:$0x0]  }
0x8b: {  	s14 =	sadd.s32 @!p3 $0x400, s14;
	s22 =	simm.s32 @!p1 $0x1;
	s16 =	simm.s32 @!p3 $0x300  }
0x8c: {  	[tilespmem:s16], [sflag:$0x1] =	stream.linear.gather @!p3 [hbm4b:s14+s20], $0x80, $0x38;
	v63 =	vld [tilespmem:$0x0]  }
0x8d: {  	_ =	swait.ge @!p1 [sflag:s22], $0x80  }
0x8e: {  	[sflag:s22] =	ssyncset.done @!p1 $0x0  }
0x8f: {  	[sflag:s22] =	ssyncadd.s32 @!p1 $0xFFFFFF80  }
0x90: {  	_ =	swait.ge @!p1 [sflag:s22], $0x80  }
0x91: {  	s23 =	simm.s32 @!p0 $0x1;
	[sflag:s22] =	ssyncset.done @!p1 $0x0  }
0x92: {  	s14 =	simm.s32 @!p1 $0x80;
	s20 =	simm.s32 @!p1 $0x400;
	[sflag:s22] =	ssyncadd.s32 @!p1 $0xFFFFFF80  }
0x93: {  	[tilespmem:s20], [sflag:$0x2] =	stream.indirect.gather @!p1 [hbm4b:s4+s14], $0x80, s18, s14, $0xb8;
	v63 =	vld [tilespmem:$0x0]  }
0x94: {  	_ =	swait.ge @!p0 [sflag:s23], $0x80  }
0x95: {  	[sflag:s23] =	ssyncset.done @!p0 $0x0  }
0x96: {  	[sflag:s23] =	ssyncadd.s32 @!p0 $0xFFFFFF80  }
0x97: {  	_ =	swait.ge @!p0 [sflag:s23], $0x80  }
0x98: {  	p2 =	por p3, p3;
	[sflag:s23] =	ssyncset.done @!p0 $0x0  }
0x99: {  	s22 =	simm.s32 @!p2 $0x1;
	s18 =	simm.s32 @!p0 $0x4400;
	[sflag:s23] =	ssyncadd.s32 @!p0 $0xFFFFFF80  }
0x9a: {  	[tilespmem:s18], [sflag:$0x2] =	stream.indirect.gather @!p0 [hbm4b:s4+s21], $0x80, s21, s21, $0xb8;
	v63 =	vld [tilespmem:$0x0]  }
0x9b: {  	_ =	swait.ge @!p2 [sflag:s22], $0x80  }
0x9c: {  	[sflag:s22] =	ssyncset.done @!p2 $0x0  }
0x9d: {  	[sflag:s22] =	ssyncadd.s32 @!p2 $0xFFFFFF80  }
0x9e: {  	_ =	swait.ge @!p2 [sflag:s22], $0x80  }
0x9f: {  	s24 =	simm.s32 @!p2 $0x8400;
	[sflag:s22] =	ssyncset.done @!p2 $0x0  }
0xa0: {  	s23 =	simm.s32 @!p1 $0x2;
	[sflag:s22] =	ssyncadd.s32 @!p2 $0xFFFFFF80;
	s22 =	simm.s32 @!p2 $0x80  }
0xa1: {  	[tilespmem:s24], [sflag:$0x2] =	stream.indirect.gather @!p2 [hbm4b:s4+s22], $0x80, s15, s22, $0xb8;
	v63 =	vld [tilespmem:$0x0]  }
0xa2: {  	_ =	swait.ge @!p1 [sflag:s23], $0x4000  }
0xa3: {  	[sflag:s23] =	ssyncset.done @!p1 $0x0  }
0xa4: {  	s15 =	simm.s32 @!p0 $0x2;
	[sflag:s23] =	ssyncadd.s32 @!p1 $0xFFFFC000  }
0xa5: {  	[spmem:s1] =	stream.indirect.scatter.add.f32 @!p1 [tilespmem:s20], [sflag:$0x3], $0x80, s17, s14, $0xb8;
	v63 =	vld [tilespmem:$0x0]  }
0xa6: {  	_ =	swait.ge @!p0 [sflag:s15], $0x4000  }
0xa7: {  	[sflag:s15] =	ssyncset.done @!p0 $0x0  }
0xa8: {  	s14 =	simm.s32 @!p2 $0x2;
	[sflag:s15] =	ssyncadd.s32 @!p0 $0xFFFFC000  }
0xa9: {  	[spmem:s1] =	stream.indirect.scatter.add.f32 @!p0 [tilespmem:s18], [sflag:$0x3], $0x80, s19, s21, $0xb8;
	v63 =	vld [tilespmem:$0x0]  }
0xaa: {  	_ =	swait.ge @!p2 [sflag:s14], $0x4000  }
0xab: {  	[sflag:s14] =	ssyncset.done @!p2 $0x0  }
0xac: {  	s15 =	simm.s32 @!p1 $0x3;
	[sflag:s14] =	ssyncadd.s32 @!p2 $0xFFFFC000  }
0xad: {  	[spmem:s1] =	stream.indirect.scatter.add.f32 @!p2 [tilespmem:s24], [sflag:$0x3], $0x80, s16, s22, $0xb8;
	v63 =	vld [tilespmem:$0x0]  }
0xae: {  	_ =	swait.ge @!p1 [sflag:s15], $0x4000  }
0xaf: {  	[sflag:s15] =	ssyncset.done @!p1 $0x0  }
0xb0: {  	s14 =	simm.s32 @!p0 $0x3;
	[sflag:s15] =	ssyncadd.s32 @!p1 $0xFFFFC000  }
0xb1: {  	_ =	swait.ge @!p0 [sflag:s14], $0x4000  }
0xb2: {  	[sflag:s14] =	ssyncset.done @!p0 $0x0  }
0xb3: {  	s15 =	simm.s32 @!p2 $0x3;
	[sflag:s14] =	ssyncadd.s32 @!p0 $0xFFFFC000  }
0xb4: {  	_ =	swait.ge @!p2 [sflag:s15], $0x4000  }
0xb5: {  	s3 =	sadd.s32 $0x1, s3;
	[sflag:s15] =	ssyncset.done @!p2 $0x0  }
0xb6: {  	p0 =	sne.s32 s3, s8;
	[sflag:s15] =	ssyncadd.s32 @!p2 $0xFFFFC000  }
.Ltmp1:
0xb7: {  	[bflag:$0x0] =	sbarrier.arrive $0xFFFF;
	(pc) =	sbr.rel @p0 .LBB2_1-.Ltmp1, $4  }
0xb8: {  	[hbm:s7], [sflag:s6] =	dma.local [spmem:s12], $0x2780  }
0xb9: {  	_ =	swait.ge [sflag:s13], $0x2780  }
0xba: {  	[sflag:s13] =	ssyncset.done $0x0  }
0xbb: {  	[sflag:s13] =	ssyncadd.s32 $0xFFFFD880  }
0xbc: {  	_ =	sfence.sel $0x180000  }
0xbd: {  	[bflag:$0x0] =	sbarrier.arrive $0xFFFF  }
0xbe: {  	p0 =	sne.s32 s2, $0x0;
	_ =	strace $0x90000047  }
0xbf: {  	s0 =	sadd.s32 @!p0 $0x100000, s0;
	[bflag:$0x2] =	sbarrier.arrive $0xFFFF  }
0xc0: {  	[sflag:s0] =	ssyncadd.tile.s32 @!p0 $0x1;
	_ =	shalt  }
.Lfunc_end2:
_tile_overlayer_lowered:
.L_overlay_start_2:
0xc1: {  	(tag) =	ssettag $0x2  }
0xc2: {  	s0 =	rddreg [dreg:$0x0];
	s2 =	stileid.u32  }
0xc3: {  	s1 =	rddreg [dreg:$0x1];
	p0 =	sne.s32 s2, $0x0  }
0xc4: {  	s3 =	rddreg [dreg:$0x2];
	[bflag:$0x3] =	sbarrier.arrive $0xFFFF;
	s2 =	simm.s32 @!p0 $0x1C04  }
0xc5: {  	[timem:s3], [sflag:s2] =	dma.local @!p0 [hbm:s0], s1  }
0xc6: {  	s0 =	simm.s32 @!p0 $0x4  }
0xc7: {  	_ =	swait.ge @!p0 [sflag:s0], s1  }
0xc8: {  	s1 =	ssub.s32 @!p0 $0x0, s1;
	[sflag:s0] =	ssyncset.done @!p0 $0x0  }
0xc9: {  	[sflag:s0] =	ssyncadd.s32 @!p0 s1  }
0xca: {  	[bflag:$0x3] =	sbarrier.arrive $0xFFFF  }
0xcb: {  	_ =	shalt  }

// kernel: kernel.18.cloned.1.call-start
scs
__scs_entry_jumppad:
0x0: {  	(pc) =	sbr.rel $0x88, $3  }
0x1: {  	(tag) =	ssettag $0x0;
	lr =	simm.s32 $0x1  }
0x2: {  	[smem:$0x3F8F] =	sst lr;
	_ =	strace $0xD0000000  }
0x3: {  	_ = 	snop  }
0x4: {  	_ = 	snop  }
0x5: {  	_ = 	snop  }
0x6: {  	_ = 	snop  }
0x7: {  	_ = 	snop  }
__scs_overlays_trampoline_lowered:
0x8: {  	[smem:$0x3F9E] =	sst s0  }
0x9: {  	[smem:$0x3F9F] =	sst s1  }
0xa: {  	[smem:$0x3FA0] =	sst s2  }
0xb: {  	[smem:$0x3FA1] =	sst s3  }
0xc: {  	[smem:$0x3FA2] =	sst s4  }
0xd: {  	[smem:$0x3FA3] =	sst s5  }
0xe: {  	[smem:$0x3FA4] =	sst s6  }
0xf: {  	[smem:$0x3FA5] =	sst s7  }
0x10: {  	[smem:$0x3FA6] =	sst s8  }
0x11: {  	[smem:$0x3FA7] =	sst s9;
	s0 =	simm.s32 @!p0 $0x0  }
0x12: {  	s1 =	sld [smem:$0x3F8D];
	s0 =	simm.s32 @p0 $0x1  }
0x13: {  	[smem:$0x3FA8] =	sst s0;
	s0 =	simm.s32 @!p1 $0x0  }
0x14: {  	s2 =	sld [smem:$0x3F8C];
	s0 =	simm.s32 @p1 $0x1  }
0x15: {  	[smem:$0x3FA9] =	sst s0;
	s0 =	simm.s32 @!p2 $0x0  }
0x16: {  	s3 =	sld [smem:$0x3FDB];
	s0 =	simm.s32 @p2 $0x1  }
0x17: {  	s4 =	simm.s32 $0x1BF5;
	[smem:$0x3FAB] =	sst s0  }
0x18: {  	s0 =	sld [smem:$0x3F8E];
	_ =	swait.ge [sflag:s4], $0x0  }
0x19: {  	s7 =	sld [smem:$0x3F8F]  }
0x1a: {  	s8 =	sadd.s32 $0xFFFFE003, lr  }
0x1b: {  	s9 =	sadd.s32 $0xFFFFFEF7, lr;
	s5 =	simm.s32 $0xFFFFFFFF;
	p2 =	slt.u32 s8, $0xFFFFF086  }
0x1c: {  	p1 =	slt.u32 s9, $0xF7A;
	s5 =	simm.s32 @!p2 $0x0  }
0x1d: {  	s5 =	simm.s32 @p1 $0x1;
	p0 =	seq.s32 s7, s2  }
0x1e: {  	s7 =	smul.u32 @!p0 $0xF7A, s2;
	p2 =	seq.s32 @!p0 s5, $0x0  }
0x1f: {  	s9 =	smul.u32 $0xF7A, s1;
	s8 =	simm.s32 @!p0 $0x1BF5;
	p2 =	por !p2, p0  }
0x20: {  	[sflag:s8] =	ssyncset.s32 @!p0 $0xFFFFF086;
	s6 =	sadd.s32 @!p0 s3, s7;
	s7 =	simm.s32 @!p0 $0x108  }
0x21: {  	s3 =	sadd.s32 s3, s9;
	s6 =	sadd.s32 @!p0 $0x88, s6;
	s7 =	simm.s32 @p2 $0x1082  }
0x22: {  	[simem:s7], [sflag:s8] =	dma.local @!p0 [hbm:s6], $0xF7A  }
0x23: {  	s9 =	sor.u32 $0xD0000000, s2;
	s6 =	simm.s32 $0x108;
	_ =	swait.ge @!p0 [sflag:s8], $0x0  }
0x24: {  	s3 =	sadd.s32 $0x88, s3;
	s6 =	simm.s32 @!p1 $0x1082;
	[sflag:s4] =	ssyncset.s32 $0xFFFFF086  }
0x25: {  	[simem:s6], [sflag:s4] =	dma.local [hbm:s3], $0xF7A  }
0x26: {  	[smem:$0x3F8F] =	sst s1;
	(tag) =	ssettag s2;
	_ =	strace s9  }
0x27: {  	s1 =	sld [smem:$0x3F9F]  }
0x28: {  	s2 =	sld [smem:$0x3FA0]  }
0x29: {  	s4 =	sld [smem:$0x3FA2]  }
0x2a: {  	p0 =	seq.s32 s5, $0x0;
	s5 =	sld [smem:$0x3FA3]  }
0x2b: {  	s6 =	sld [smem:$0x3FA4]  }
0x2c: {  	s7 =	sld [smem:$0x3FA5]  }
0x2d: {  	s3 =	simm.s32 $0x108;
	s8 =	sld [smem:$0x3FA6]  }
0x2e: {  	s3 =	simm.s32 @!p0 $0x1082;
	s9 =	sld [smem:$0x3FA7]  }
0x2f: {  	lr =	sadd.s32 s0, s3;
	s0 =	sld [smem:$0x3F9E]  }
0x30: {  	s3 =	sld [smem:$0x3FA1]  }
0x31: {  	[smem:$0x3FAA] =	sst s10  }
0x32: {  	s10 =	sld [smem:$0x3FA8];
	_ =	sdelay $0x3  }
0x33: {  	p0 =	seq.s32 s10, $0x1;
	s10 =	sld [smem:$0x3FAA];
	_ =	sdelay $0x3  }
0x34: {  	[smem:$0x3FAA] =	sst s10  }
0x35: {  	s10 =	sld [smem:$0x3FA9];
	_ =	sdelay $0x3  }
0x36: {  	p1 =	seq.s32 s10, $0x1;
	s10 =	sld [smem:$0x3FAA];
	_ =	sdelay $0x3  }
0x37: {  	[smem:$0x3FAA] =	sst s10  }
0x38: {  	s10 =	sld [smem:$0x3FAB]  }
0x39: {  	_ = 	snop;
	(pc) =	sbr.ind lr, $3  }
0x3a: {  	_ = 	snop  }
0x3b: {  	_ = 	snop  }
0x3c: {  	p2 =	seq.s32 s10, $0x1;
	s10 =	sld [smem:$0x3FAA]  }
0x3d: {  	_ =	shalt  }
0x3e: {  	_ =	shalt  }
0x3f: {  	_ =	shalt  }
0x40: {  	_ =	shalt  }
0x41: {  	_ =	shalt  }
0x42: {  	_ =	shalt  }
0x43: {  	_ =	shalt  }
0x44: {  	_ =	shalt  }
0x45: {  	_ =	shalt  }
0x46: {  	_ =	shalt  }
0x47: {  	_ =	shalt  }
0x48: {  	_ =	shalt  }
0x49: {  	_ =	shalt  }
0x4a: {  	_ =	shalt  }
0x4b: {  	_ =	shalt  }
0x4c: {  	_ =	shalt  }
0x4d: {  	_ =	shalt  }
0x4e: {  	_ =	shalt  }
0x4f: {  	_ =	shalt  }
0x50: {  	_ =	shalt  }
0x51: {  	_ =	shalt  }
0x52: {  	_ =	shalt  }
0x53: {  	_ =	shalt  }
0x54: {  	_ =	shalt  }
0x55: {  	_ =	shalt  }
0x56: {  	_ =	shalt  }
0x57: {  	_ =	shalt  }
0x58: {  	_ =	shalt  }
0x59: {  	_ =	shalt  }
0x5a: {  	_ =	shalt  }
0x5b: {  	_ =	shalt  }
0x5c: {  	_ =	shalt  }
0x5d: {  	_ =	shalt  }
0x5e: {  	_ =	shalt  }
0x5f: {  	_ =	shalt  }
0x60: {  	_ =	shalt  }
0x61: {  	_ =	shalt  }
0x62: {  	_ =	shalt  }
0x63: {  	_ =	shalt  }
0x64: {  	_ =	shalt  }
0x65: {  	_ =	shalt  }
0x66: {  	_ =	shalt  }
0x67: {  	_ =	shalt  }
0x68: {  	_ =	shalt  }
0x69: {  	_ =	shalt  }
0x6a: {  	_ =	shalt  }
0x6b: {  	_ =	shalt  }
0x6c: {  	_ =	shalt  }
0x6d: {  	_ =	shalt  }
0x6e: {  	_ =	shalt  }
0x6f: {  	_ =	shalt  }
0x70: {  	_ =	shalt  }
0x71: {  	_ =	shalt  }
0x72: {  	_ =	shalt  }
0x73: {  	_ =	shalt  }
0x74: {  	_ =	shalt  }
0x75: {  	_ =	shalt  }
0x76: {  	_ =	shalt  }
0x77: {  	_ =	shalt  }
0x78: {  	_ =	shalt  }
0x79: {  	_ =	shalt  }
0x7a: {  	_ =	shalt  }
0x7b: {  	_ =	shalt  }
0x7c: {  	_ =	shalt  }
0x7d: {  	_ =	shalt  }
0x7e: {  	_ =	shalt  }
0x7f: {  	_ =	shalt  }
0x80: {  	_ =	shalt  }
0x81: {  	_ =	shalt  }
0x82: {  	_ =	shalt  }
0x83: {  	_ =	shalt  }
0x84: {  	_ =	shalt  }
0x85: {  	_ =	shalt  }
0x86: {  	_ =	shalt  }
0x87: {  	_ =	shalt  }
.Lfunc_end0:
.L_simem_size_0:
called_computation.2_lowered:
.L_overlay_start_0:
0x88: {  	s2 =	sld [smem:$0x3FD9]  }
0x89: {  	s3 =	sld [smem:$0x3FFE];
	_ =	sdelay $0x1  }
0x8a: {  	s1 =	srdreg.scid  }
0x8b: {  	s0 =	sand.u32 $0x1, s1  }
0x8c: {  	s16 =	sshll.u32 s0, $0xA;
	s2 =	sadd.s32 s3, s2  }
0x8d: {  	s2 =	sadd.s32 s2, s16  }
0x8e: {  	[smem:$0x3FB6] =	sst s2  }
0x8f: {  	_ = 	snop  }
0x90: {  	(tm) =	ssettm $0x1  }
0x91: {  	s17 =	sld [smem:$0x3FFB];
	_ =	sdelay $0x3  }
0x92: {  	_ =	strace s17  }
0x93: {  	s2 =	sld [smem:$0x3FFC];
	_ =	sdelay $0x3  }
0x94: {  	_ =	strace s2  }
0x95: {  	s2 =	sld [smem:$0x3FFD];
	_ =	sdelay $0x3  }
0x96: {  	_ =	strace s2  }
0x97: {  	_ =	strace $0x8FFFFFFF  }
0x98: {  	s18 =	sld [smem:$0x3FDB];
	_ =	sdelay $0x1  }
0x99: {  	s19 =	simm.s32 $_scs_section_size  }
0x9a: {  	s4 =	simm.s32 $_size__tile_overlayer_lowered;
	s5 =	simm.s32 $_tile_overlayer_lowered  }
0x9b: {  	s22 =	simm.s32 $0x1BFF;
	s21 =	sshll.u32 s5, $0x1;
	s2 =	sadd.s32 s19, s18  }
0x9c: {  	s6 =	simm.s32 $0x0;
	s20 =	sshll.u32 s4, $0x1;
	s4 =	sadd.s32 s21, s2  }
0x9d: {  	[timem:s6], [sflag:s22] =	dma.local [hbm:s4], s20  }
0x9e: {  	_ =	swait.ge [sflag:s22], s20  }
0x9f: {  	s3 =	ssub.s32 $0x0, s20;
	[sflag:s22] =	ssyncset.done $0x0  }
0xa0: {  	[sflag:s22] =	ssyncadd.s32 s3;
	_ =	sdelay $0x1  }
0xa1: {  	s23 =	simm.s32 $0x1B8B  }
0xa2: {  	_ =	swait.ge [sflag:s23], $0x1  }
0xa3: {  	[sflag:s23] =	ssyncset.done $0x0  }
0xa4: {  	s25 =	simm.s32 $0x1B8E;
	s24 =	sld [smem:$0x3FFE];
	[sflag:s23] =	ssyncadd.s32 $0xFFFFFFFF  }
0xa5: {  	s26 =	simm.s32 $execute0_lowered;
	[smem:$0x3FD2] =	sst s25  }
0xa6: {  	s4 =	sshll.u32 s26, $0x1;
	_ =	strace $0x8000004C;
	[dreg:$0x1] =	wrdreg $0xFFFFFFFF  }
0xa7: {  	s28 =	simm.s32 $_size_execute0_lowered;
	s2 =	sadd.s32 s2, s4;
	[dreg:$0x0] =	wrdreg $0x0  }
0xa8: {  	s4 =	sshll.u32 s28, $0x1;
	[dreg:$0x2] =	wrdreg s2  }
0xa9: {  	[dreg:$0x3] =	wrdreg s4  }
0xaa: {  	[dreg:$0x4] =	wrdreg $0xC0  }
0xab: {  	_ =	task [dreg:s6], $0x5FFFF  }
0xac: {  	[dreg:$0x1] =	wrdreg $0xFFFFFFFF  }
0xad: {  	[dreg:$0x0] =	wrdreg $0x60  }
0xae: {  	[dreg:$0x2] =	wrdreg s24  }
0xaf: {  	[dreg:$0x3] =	wrdreg $0xC4000  }
0xb0: {  	[dreg:$0x4] =	wrdreg $0x9  }
0xb1: {  	_ =	task.clear_ibuf [dreg:s6], $0x5FFFF;
	_ =	strace $0x9000004C  }
0xb2: {  	s29 =	simm.s32 $0x9;
	_ =	strace $0x8000004E  }
0xb3: {  	_ =	swait.ge [sflag:s29], $0x1  }
0xb4: {  	[sflag:s29] =	ssyncadd.s32 $0xFFFFFFFF  }
0xb5: {  	_ =	strace $0x9000004E  }
0xb6: {  	_ =	sfence  }
0xb7: {  	s30 =	sld [smem:$0x0];
	_ =	sdelay $0x2  }
0xb8: {  	s31 =	sshll.u32 s1, $0xD;
	s1 =	sshrl.u32 s1, $0x2  }
0xb9: {  	s3 =	sand.u32 $0x4000, s31;
	s1 =	sadd.s32 s1, s30  }
0xba: {  	s0 =	sor.u32 s3, s0;
	s1 =	sshll.u32 s1, $0x11  }
0xbb: {  	s0 =	sor.u32 s1, s0  }
0xbc: {  	s0 =	sadd.s32 $0x8F2B, s0  }
0xbd: {  	[sflag:s0] =	ssyncadd.remote.s32 $0x1  }
0xbe: {  	_ =	sfence.sel $0xFFFF  }
0xbf: {  	[dreg:$0x0] =	wrdreg $0xFFFFFFFF;
	(pc) =	sbr.abs _section_cstart, $3  }
0xc0: {  	[dreg:$0x1] =	wrdreg $0xFFFFFFFF  }
0xc1: {  	_ =	task.clear_ibuf [dreg:s6], $0x2FFFF;
	_ =	strace $0x9FFFFFFF  }
0xc2: {  	(tm) =	ssettm $0x7FFFFFFF  }
0xc3: {  	_ =	shalt  }
tec
execute0_lowered:
.L_overlay_start_1:
0x0: {  	(tag) =	ssettag $0x1  }
0x1: {  	s6 =	rddreg [dreg:$0x0]  }
0x2: {  	s1 =	rddreg [dreg:$0x1]  }
0x3: {  	s2 =	srdreg.scid;
	s0 =	rddreg [dreg:$0x2]  }
0x4: {  	s3 =	simm.s32 $0x0;
	s11 =	sand.u32 $0x1, s2;
	s2 =	stileid.u32  }
0x5: {  	[smem:$0x7FF] =	sst s3;
	s4 =	sadd.s32 $0x19600, s6;
	s5 =	smul.u32 $0x13C000, s11  }
0x6: {  	s7 =	smul.u32 $0x13C00, s2;
	_ =	strace $0x8000004D;
	s8 =	sshll.u32 s2, $0x5  }
0x7: {  	s26 =	ssub.s32 $0x2, s11;
	s12 =	smul.u32 $0x4F000, s2;
	s13 =	sshll.u32 s2, $0x1  }
0x8: {  	s30 =	sshll.u32 s2, $0x6;
	s14 =	sshll.u32 s11, $0x4;
	s9 =	sadd.s32 s8, s6  }
0x9: {  	s10 =	sshrl.u32 s26, $0x1;
	s11 =	sor.u32 s11, s13;
	s13 =	simm.s32 $0x4  }
0xa: {  	s5 =	sadd.s32 s7, s5;
	s10 =	ssub.s32 s26, s10;
	s29 =	sshrl.u32 s12, $0x2  }
0xb: {  	s31 =	sadd.s32 s14, s9;
	s11 =	sor.u32 $0x40, s11;
	s28 =	sshrl.u32 s5, $0x3  }
0xc: {  	s5 =	sadd.s32 $0x40800, s6;
	s12 =	sadd.s32 s29, s1;
	s9 =	sadd.s32 $0x5A00, s31  }
0xd: {  	s8 =	sadd.s32 s28, s6;
	s6 =	sor.u32 $0x1C04, s30;
	s12 =	sshrl.u32 s12, $0x3  }
0xe: {  	s7 =	sadd.s32 $0x43000, s8;
	s8 =	smax.u32 s10, $0x1;
	s10 =	sadd.s32 $0xF800, s31  }
.LBB2_1:
0xf: {  	[spmem:s12], [sflag:s6] =	dma.local [hbm:s5], $0x2780  }
0x10: {  	_ =	swait.ge [sflag:s13], $0x2780  }
0x11: {  	s14 =	sadd.s32 $0xFFFFFFC0, s11;
	p0 =	sgt.u32 s11, $0x9C3;
	[sflag:s13] =	ssyncset.done $0x0  }
0x12: {  	s31 =	sadd.s32 $0xFFFFFFE0, s11;
	p2 =	sgt.u32 s14, $0x9C3;
	[sflag:s13] =	ssyncadd.s32 $0xFFFFD880  }
0x13: {  	s15 =	sadd.s32 @!p2 $0x0, s10;
	s16 =	simm.s32 @!p2 $0x0;
	[bflag:$0x0] =	sbarrier.arrive $0xFFFF  }
0x14: {  	[tilespmem:s16], [sflag:$0x1] =	stream.linear.gather @!p2 [hbm4b:s15+s16], $0x80, $0x38;
	v63 =	vld [tilespmem:$0x0]  }
0x15: {  	p1 =	sgt.u32 s31, $0x9C3;
	s17 =	simm.s32 @!p2 $0x200;
	s15 =	sadd.s32 @!p2 $0x0, s9  }
0x16: {  	[tilespmem:s17], [sflag:$0x1] =	stream.linear.gather @!p2 [hbm4b:s15+s16], $0x80, $0x38;
	v63 =	vld [tilespmem:$0x0]  }
0x17: {  	s14 =	simm.s32 @!p0 $0x100;
	s18 =	sadd.s32 @!p1 $0x0, s9;
	s15 =	sadd.s32 @!p1 $0x0, s10  }
0x18: {  	s19 =	simm.s32 @!p1 $0x0;
	s20 =	simm.s32 @!p1 $0x80;
	s15 =	sadd.s32 @!p1 $0x200, s15  }
0x19: {  	[tilespmem:s20], [sflag:$0x1] =	stream.linear.gather @!p1 [hbm4b:s15+s19], $0x80, $0x38;
	v63 =	vld [tilespmem:$0x0]  }
0x1a: {  	s21 =	sadd.s32 @!p0 $0x0, s10;
	s15 =	sadd.s32 @!p1 $0x200, s18;
	s18 =	simm.s32 @!p1 $0x280  }
0x1b: {  	[tilespmem:s18], [sflag:$0x1] =	stream.linear.gather @!p1 [hbm4b:s15+s19], $0x80, $0x38;
	v63 =	vld [tilespmem:$0x0]  }
0x1c: {  	s15 =	sadd.s32 @!p0 $0x0, s9;
	s19 =	sadd.s32 @!p0 $0x400, s21;
	s21 =	simm.s32 @!p0 $0x0  }
0x1d: {  	[tilespmem:s14], [sflag:$0x1] =	stream.linear.gather @!p0 [hbm4b:s19+s21], $0x80, $0x38;
	v63 =	vld [tilespmem:$0x0]  }
0x1e: {  	s22 =	simm.s32 @!p2 $0x1;
	s15 =	sadd.s32 @!p0 $0x400, s15;
	s19 =	simm.s32 @!p0 $0x300  }
0x1f: {  	[tilespmem:s19], [sflag:$0x1] =	stream.linear.gather @!p0 [hbm4b:s15+s21], $0x80, $0x38;
	v63 =	vld [tilespmem:$0x0]  }
0x20: {  	_ =	swait.ge @!p2 [sflag:s22], $0x80  }
0x21: {  	[sflag:s22] =	ssyncset.done @!p2 $0x0  }
0x22: {  	[sflag:s22] =	ssyncadd.s32 @!p2 $0xFFFFFF80  }
0x23: {  	_ =	swait.ge @!p2 [sflag:s22], $0x80  }
0x24: {  	s23 =	simm.s32 @!p1 $0x1;
	[sflag:s22] =	ssyncset.done @!p2 $0x0  }
0x25: {  	s15 =	simm.s32 @!p2 $0x80;
	s21 =	simm.s32 @!p2 $0x400;
	[sflag:s22] =	ssyncadd.s32 @!p2 $0xFFFFFF80  }
0x26: {  	[tilespmem:s21], [sflag:$0x2] =	stream.indirect.gather @!p2 [hbm4b:s4+s15], $0x80, s16, s15, $0xb8;
	v63 =	vld [tilespmem:$0x0]  }
0x27: {  	_ =	swait.ge @!p1 [sflag:s23], $0x80  }
0x28: {  	[sflag:s23] =	ssyncset.done @!p1 $0x0  }
0x29: {  	[sflag:s23] =	ssyncadd.s32 @!p1 $0xFFFFFF80  }
0x2a: {  	_ =	swait.ge @!p1 [sflag:s23], $0x80  }
0x2b: {  	p0 =	por p0, p0;
	[sflag:s23] =	ssyncset.done @!p1 $0x0  }
0x2c: {  	s22 =	simm.s32 @!p0 $0x1;
	s16 =	simm.s32 @!p1 $0x4400;
	[sflag:s23] =	ssyncadd.s32 @!p1 $0xFFFFFF80  }
0x2d: {  	[tilespmem:s16], [sflag:$0x2] =	stream.indirect.gather @!p1 [hbm4b:s4+s20], $0x80, s20, s20, $0xb8;
	v63 =	vld [tilespmem:$0x0]  }
0x2e: {  	_ =	swait.ge @!p0 [sflag:s22], $0x80  }
0x2f: {  	[sflag:s22] =	ssyncset.done @!p0 $0x0  }
0x30: {  	[sflag:s22] =	ssyncadd.s32 @!p0 $0xFFFFFF80  }
0x31: {  	_ =	swait.ge @!p0 [sflag:s22], $0x80  }
0x32: {  	s24 =	simm.s32 @!p0 $0x8400;
	[sflag:s22] =	ssyncset.done @!p0 $0x0  }
0x33: {  	s23 =	simm.s32 @!p2 $0x2;
	[sflag:s22] =	ssyncadd.s32 @!p0 $0xFFFFFF80;
	s22 =	simm.s32 @!p0 $0x80  }
0x34: {  	[tilespmem:s24], [sflag:$0x2] =	stream.indirect.gather @!p0 [hbm4b:s4+s22], $0x80, s14, s22, $0xb8;
	v63 =	vld [tilespmem:$0x0]  }
0x35: {  	_ =	swait.ge @!p2 [sflag:s23], $0x4000  }
0x36: {  	[sflag:s23] =	ssyncset.done @!p2 $0x0  }
0x37: {  	s14 =	simm.s32 @!p1 $0x2;
	[sflag:s23] =	ssyncadd.s32 @!p2 $0xFFFFC000  }
0x38: {  	[spmem:s1] =	stream.indirect.scatter.add.f32 @!p2 [tilespmem:s21], [sflag:$0x3], $0x80, s17, s15, $0xb8;
	v63 =	vld [tilespmem:$0x0]  }
0x39: {  	_ =	swait.ge @!p1 [sflag:s14], $0x4000  }
0x3a: {  	[sflag:s14] =	ssyncset.done @!p1 $0x0  }
0x3b: {  	[sflag:s14] =	ssyncadd.s32 @!p1 $0xFFFFC000;
	s14 =	simm.s32 @!p0 $0x2  }
0x3c: {  	[spmem:s1] =	stream.indirect.scatter.add.f32 @!p1 [tilespmem:s16], [sflag:$0x3], $0x80, s18, s20, $0xb8;
	v63 =	vld [tilespmem:$0x0]  }
0x3d: {  	_ =	swait.ge @!p0 [sflag:s14], $0x4000  }
0x3e: {  	[sflag:s14] =	ssyncset.done @!p0 $0x0  }
0x3f: {  	s15 =	simm.s32 @!p2 $0x3;
	[sflag:s14] =	ssyncadd.s32 @!p0 $0xFFFFC000  }
0x40: {  	[spmem:s1] =	stream.indirect.scatter.add.f32 @!p0 [tilespmem:s24], [sflag:$0x3], $0x80, s19, s22, $0xb8;
	v63 =	vld [tilespmem:$0x0]  }
0x41: {  	_ =	swait.ge @!p2 [sflag:s15], $0x4000  }
0x42: {  	[sflag:s15] =	ssyncset.done @!p2 $0x0  }
0x43: {  	s19 =	simm.s32 @!p1 $0x3;
	[sflag:s15] =	ssyncadd.s32 @!p2 $0xFFFFC000  }
0x44: {  	s17 =	simm.s32 @!p0 $0x3;
	s16 =	sadd.s32 $0x60, s11;
	_ =	swait.ge @!p1 [sflag:s19], $0x4000  }
0x45: {  	s18 =	sadd.s32 $0xFFFFFFC0, s16;
	p3 =	sgt.u32 s16, $0x9C3;
	[sflag:s19] =	ssyncset.done @!p1 $0x0  }
0x46: {  	s14 =	simm.s32 $0x600;
	s15 =	simm.s32 $0xC00;
	[sflag:s19] =	ssyncadd.s32 @!p1 $0xFFFFC000  }
.LBB2_2:
0x47: {  	s20 =	sadd.s32 $0xFFFFFFE0, s16  }
0x48: {  	p1 =	sgt.u32 s18, $0x9C3;
	_ =	swait.ge @!p0 [sflag:s17], $0x4000;
	s22 =	smov.u32 s15  }
0x49: {  	s18 =	sadd.s32 @!p1 s14, s10;
	s23 =	simm.s32 @!p1 $0x0;
	[sflag:s17] =	ssyncset.done @!p0 $0x0  }
0x4a: {  	s15 =	sadd.s32 $0x600, s15;
	s19 =	simm.s32 @!p3 $0x100;
	[sflag:s17] =	ssyncadd.s32 @!p0 $0xFFFFC000  }
0x4b: {  	[tilespmem:s23], [sflag:$0x1] =	stream.linear.gather @!p1 [hbm4b:s18+s23], $0x80, $0x38;
	v63 =	vld [tilespmem:$0x0]  }
0x4c: {  	p2 =	sgt.u32 s20, $0x9C3;
	s17 =	simm.s32 @!p1 $0x200;
	s18 =	sadd.s32 @!p1 s14, s9  }
0x4d: {  	[tilespmem:s17], [sflag:$0x1] =	stream.linear.gather @!p1 [hbm4b:s18+s23], $0x80, $0x38;
	v63 =	vld [tilespmem:$0x0]  }
0x4e: {  	s21 =	sadd.s32 @!p3 s14, s9;
	s20 =	sadd.s32 @!p2 s14, s9;
	s18 =	sadd.s32 @!p2 s14, s10  }
0x4f: {  	s25 =	simm.s32 @!p2 $0x0;
	s24 =	sadd.s32 @!p2 $0x200, s18;
	s18 =	simm.s32 @!p2 $0x80  }
0x50: {  	[tilespmem:s18], [sflag:$0x1] =	stream.linear.gather @!p2 [hbm4b:s24+s25], $0x80, $0x38;
	v63 =	vld [tilespmem:$0x0]  }
0x51: {  	s14 =	sadd.s32 @!p3 s14, s10;
	s24 =	sadd.s32 @!p2 $0x200, s20;
	s20 =	simm.s32 @!p2 $0x280  }
0x52: {  	[tilespmem:s20], [sflag:$0x1] =	stream.linear.gather @!p2 [hbm4b:s24+s25], $0x80, $0x38;
	v63 =	vld [tilespmem:$0x0]  }
0x53: {  	s14 =	sadd.s32 @!p3 $0x400, s14;
	s24 =	simm.s32 @!p3 $0x0;
	s25 =	sadd.s32 @!p3 $0x400, s21  }
0x54: {  	[tilespmem:s19], [sflag:$0x1] =	stream.linear.gather @!p3 [hbm4b:s14+s24], $0x80, $0x38;
	v63 =	vld [tilespmem:$0x0]  }
0x55: {  	p4 =	sne.s32 s15, $0xA200;
	s26 =	simm.s32 @!p1 $0x1;
	s21 =	simm.s32 @!p3 $0x300  }
0x56: {  	[tilespmem:s21], [sflag:$0x1] =	stream.linear.gather @!p3 [hbm4b:s25+s24], $0x80, $0x38;
	v63 =	vld [tilespmem:$0x0]  }
0x57: {  	p0 =	por p3, p3;
	s14 =	smov.u32 s22;
	_ =	swait.ge @!p1 [sflag:s26], $0x80  }
0x58: {  	[sflag:s26] =	ssyncset.done @!p1 $0x0  }
0x59: {  	[sflag:s26] =	ssyncadd.s32 @!p1 $0xFFFFFF80  }
0x5a: {  	s22 =	simm.s32 @!p1 $0x80;
	s24 =	simm.s32 @!p1 $0x400;
	_ =	swait.ge @!p1 [sflag:s26], $0x80  }
0x5b: {  	s25 =	simm.s32 @!p2 $0x1;
	[sflag:s26] =	ssyncset.done @!p1 $0x0  }
0x5c: {  	[sflag:s26] =	ssyncadd.s32 @!p1 $0xFFFFFF80  }
0x5d: {  	[tilespmem:s24], [sflag:$0x2] =	stream.indirect.gather @!p1 [hbm4b:s4+s22], $0x80, s23, s22, $0xb8;
	v63 =	vld [tilespmem:$0x0]  }
0x5e: {  	_ =	swait.ge @!p2 [sflag:s25], $0x80  }
0x5f: {  	[sflag:s25] =	ssyncset.done @!p2 $0x0  }
0x60: {  	[sflag:s25] =	ssyncadd.s32 @!p2 $0xFFFFFF80  }
0x61: {  	s23 =	simm.s32 @!p2 $0x4400;
	_ =	swait.ge @!p2 [sflag:s25], $0x80  }
0x62: {  	[sflag:s25] =	ssyncset.done @!p2 $0x0  }
0x63: {  	[sflag:s25] =	ssyncadd.s32 @!p2 $0xFFFFFF80;
	s25 =	simm.s32 @!p0 $0x1  }
0x64: {  	[tilespmem:s23], [sflag:$0x2] =	stream.indirect.gather @!p2 [hbm4b:s4+s18], $0x80, s18, s18, $0xb8;
	v63 =	vld [tilespmem:$0x0]  }
0x65: {  	_ =	swait.ge @!p0 [sflag:s25], $0x80  }
0x66: {  	[sflag:s25] =	ssyncset.done @!p0 $0x0  }
0x67: {  	[sflag:s25] =	ssyncadd.s32 @!p0 $0xFFFFFF80  }
0x68: {  	s26 =	simm.s32 @!p1 $0x2;
	_ =	swait.ge @!p0 [sflag:s25], $0x80  }
0x69: {  	[sflag:s25] =	ssyncset.done @!p0 $0x0  }
0x6a: {  	s28 =	simm.s32 @!p0 $0x8400;
	[sflag:s25] =	ssyncadd.s32 @!p0 $0xFFFFFF80;
	s25 =	simm.s32 @!p0 $0x80  }
0x6b: {  	[tilespmem:s28], [sflag:$0x2] =	stream.indirect.gather @!p0 [hbm4b:s4+s25], $0x80, s19, s25, $0xb8;
	v63 =	vld [tilespmem:$0x0]  }
0x6c: {  	_ =	swait.ge @!p1 [sflag:s26], $0x4000  }
0x6d: {  	s19 =	simm.s32 @!p2 $0x2;
	[sflag:s26] =	ssyncset.done @!p1 $0x0  }
0x6e: {  	[sflag:s26] =	ssyncadd.s32 @!p1 $0xFFFFC000  }
0x6f: {  	[spmem:s1] =	stream.indirect.scatter.add.f32 @!p1 [tilespmem:s24], [sflag:$0x3], $0x80, s17, s22, $0xb8;
	v63 =	vld [tilespmem:$0x0]  }
0x70: {  	_ =	swait.ge @!p2 [sflag:s19], $0x4000  }
0x71: {  	[sflag:s19] =	ssyncset.done @!p2 $0x0  }
0x72: {  	s17 =	simm.s32 @!p0 $0x2;
	[sflag:s19] =	ssyncadd.s32 @!p2 $0xFFFFC000  }
0x73: {  	[spmem:s1] =	stream.indirect.scatter.add.f32 @!p2 [tilespmem:s23], [sflag:$0x3], $0x80, s20, s18, $0xb8;
	v63 =	vld [tilespmem:$0x0]  }
0x74: {  	s18 =	simm.s32 @!p1 $0x3;
	_ =	swait.ge @!p0 [sflag:s17], $0x4000  }
0x75: {  	[sflag:s17] =	ssyncset.done @!p0 $0x0  }
0x76: {  	[sflag:s17] =	ssyncadd.s32 @!p0 $0xFFFFC000  }
0x77: {  	[spmem:s1] =	stream.indirect.scatter.add.f32 @!p0 [tilespmem:s28], [sflag:$0x3], $0x80, s21, s25, $0xb8;
	v63 =	vld [tilespmem:$0x0]  }
0x78: {  	s19 =	simm.s32 @!p2 $0x3;
	_ =	swait.ge @!p1 [sflag:s18], $0x4000  }
.Ltmp0:
0x79: {  	[sflag:s18] =	ssyncset.done @!p1 $0x0;
	(pc) =	sbr.rel @p4 .LBB2_2-.Ltmp0, $4  }
0x7a: {  	[sflag:s18] =	ssyncadd.s32 @!p1 $0xFFFFC000  }
0x7b: {  	_ =	swait.ge @!p2 [sflag:s19], $0x4000  }
0x7c: {  	s16 =	sadd.s32 $0x60, s16;
	s17 =	simm.s32 @!p0 $0x3;
	[sflag:s19] =	ssyncset.done @!p2 $0x0  }
0x7d: {  	p3 =	sgt.u32 s16, $0x9C3;
	s18 =	sadd.s32 $0xFFFFFFC0, s16;
	[sflag:s19] =	ssyncadd.s32 @!p2 $0xFFFFC000  }
0x7e: {  	_ =	swait.ge @!p0 [sflag:s17], $0x4000  }
0x7f: {  	s15 =	sadd.s32 $0xFFFFFFE0, s16;
	p1 =	sgt.u32 s18, $0x9C3;
	[sflag:s17] =	ssyncset.done @!p0 $0x0  }
0x80: {  	s16 =	sadd.s32 @!p1 s14, s10;
	s18 =	simm.s32 @!p1 $0x0;
	[sflag:s17] =	ssyncadd.s32 @!p0 $0xFFFFC000  }
0x81: {  	[tilespmem:s18], [sflag:$0x1] =	stream.linear.gather @!p1 [hbm4b:s16+s18], $0x80, $0x38;
	v63 =	vld [tilespmem:$0x0]  }
0x82: {  	s17 =	simm.s32 @!p1 $0x200;
	p0 =	sgt.u32 s15, $0x9C3;
	s16 =	sadd.s32 @!p1 s14, s9  }
0x83: {  	[tilespmem:s17], [sflag:$0x1] =	stream.linear.gather @!p1 [hbm4b:s16+s18], $0x80, $0x38;
	v63 =	vld [tilespmem:$0x0]  }
0x84: {  	s22 =	sadd.s32 @!p3 s14, s10;
	s19 =	sadd.s32 @!p0 s14, s9;
	s16 =	sadd.s32 @!p0 s14, s10  }
0x85: {  	s20 =	simm.s32 @!p0 $0x0;
	s21 =	simm.s32 @!p0 $0x80;
	s16 =	sadd.s32 @!p0 $0x200, s16  }
0x86: {  	[tilespmem:s21], [sflag:$0x1] =	stream.linear.gather @!p0 [hbm4b:s16+s20], $0x80, $0x38;
	v63 =	vld [tilespmem:$0x0]  }
0x87: {  	s15 =	simm.s32 @!p3 $0x100;
	s16 =	sadd.s32 @!p0 $0x200, s19;
	s19 =	simm.s32 @!p0 $0x280  }
0x88: {  	[tilespmem:s19], [sflag:$0x1] =	stream.linear.gather @!p0 [hbm4b:s16+s20], $0x80, $0x38;
	v63 =	vld [tilespmem:$0x0]  }
0x89: {  	s14 =	sadd.s32 @!p3 s14, s9;
	s16 =	sadd.s32 @!p3 $0x400, s22;
	s20 =	simm.s32 @!p3 $0x0  }
0x8a: {  	[tilespmem:s15], [sflag:$0x1] =	stream.linear.gather @!p3 [hbm4b:s16+s20], $0x80, $0x38;
	v63 =	vld [tilespmem:$0x0]  }
0x8b: {  	s14 =	sadd.s32 @!p3 $0x400, s14;
	s22 =	simm.s32 @!p1 $0x1;
	s16 =	simm.s32 @!p3 $0x300  }
0x8c: {  	[tilespmem:s16], [sflag:$0x1] =	stream.linear.gather @!p3 [hbm4b:s14+s20], $0x80, $0x38;
	v63 =	vld [tilespmem:$0x0]  }
0x8d: {  	_ =	swait.ge @!p1 [sflag:s22], $0x80  }
0x8e: {  	[sflag:s22] =	ssyncset.done @!p1 $0x0  }
0x8f: {  	[sflag:s22] =	ssyncadd.s32 @!p1 $0xFFFFFF80  }
0x90: {  	_ =	swait.ge @!p1 [sflag:s22], $0x80  }
0x91: {  	s23 =	simm.s32 @!p0 $0x1;
	[sflag:s22] =	ssyncset.done @!p1 $0x0  }
0x92: {  	s14 =	simm.s32 @!p1 $0x80;
	s20 =	simm.s32 @!p1 $0x400;
	[sflag:s22] =	ssyncadd.s32 @!p1 $0xFFFFFF80  }
0x93: {  	[tilespmem:s20], [sflag:$0x2] =	stream.indirect.gather @!p1 [hbm4b:s4+s14], $0x80, s18, s14, $0xb8;
	v63 =	vld [tilespmem:$0x0]  }
0x94: {  	_ =	swait.ge @!p0 [sflag:s23], $0x80  }
0x95: {  	[sflag:s23] =	ssyncset.done @!p0 $0x0  }
0x96: {  	[sflag:s23] =	ssyncadd.s32 @!p0 $0xFFFFFF80  }
0x97: {  	_ =	swait.ge @!p0 [sflag:s23], $0x80  }
0x98: {  	p2 =	por p3, p3;
	[sflag:s23] =	ssyncset.done @!p0 $0x0  }
0x99: {  	s22 =	simm.s32 @!p2 $0x1;
	s18 =	simm.s32 @!p0 $0x4400;
	[sflag:s23] =	ssyncadd.s32 @!p0 $0xFFFFFF80  }
0x9a: {  	[tilespmem:s18], [sflag:$0x2] =	stream.indirect.gather @!p0 [hbm4b:s4+s21], $0x80, s21, s21, $0xb8;
	v63 =	vld [tilespmem:$0x0]  }
0x9b: {  	_ =	swait.ge @!p2 [sflag:s22], $0x80  }
0x9c: {  	[sflag:s22] =	ssyncset.done @!p2 $0x0  }
0x9d: {  	[sflag:s22] =	ssyncadd.s32 @!p2 $0xFFFFFF80  }
0x9e: {  	_ =	swait.ge @!p2 [sflag:s22], $0x80  }
0x9f: {  	s24 =	simm.s32 @!p2 $0x8400;
	[sflag:s22] =	ssyncset.done @!p2 $0x0  }
0xa0: {  	s23 =	simm.s32 @!p1 $0x2;
	[sflag:s22] =	ssyncadd.s32 @!p2 $0xFFFFFF80;
	s22 =	simm.s32 @!p2 $0x80  }
0xa1: {  	[tilespmem:s24], [sflag:$0x2] =	stream.indirect.gather @!p2 [hbm4b:s4+s22], $0x80, s15, s22, $0xb8;
	v63 =	vld [tilespmem:$0x0]  }
0xa2: {  	_ =	swait.ge @!p1 [sflag:s23], $0x4000  }
0xa3: {  	[sflag:s23] =	ssyncset.done @!p1 $0x0  }
0xa4: {  	s15 =	simm.s32 @!p0 $0x2;
	[sflag:s23] =	ssyncadd.s32 @!p1 $0xFFFFC000  }
0xa5: {  	[spmem:s1] =	stream.indirect.scatter.add.f32 @!p1 [tilespmem:s20], [sflag:$0x3], $0x80, s17, s14, $0xb8;
	v63 =	vld [tilespmem:$0x0]  }
0xa6: {  	_ =	swait.ge @!p0 [sflag:s15], $0x4000  }
0xa7: {  	[sflag:s15] =	ssyncset.done @!p0 $0x0  }
0xa8: {  	s14 =	simm.s32 @!p2 $0x2;
	[sflag:s15] =	ssyncadd.s32 @!p0 $0xFFFFC000  }
0xa9: {  	[spmem:s1] =	stream.indirect.scatter.add.f32 @!p0 [tilespmem:s18], [sflag:$0x3], $0x80, s19, s21, $0xb8;
	v63 =	vld [tilespmem:$0x0]  }
0xaa: {  	_ =	swait.ge @!p2 [sflag:s14], $0x4000  }
0xab: {  	[sflag:s14] =	ssyncset.done @!p2 $0x0  }
0xac: {  	s15 =	simm.s32 @!p1 $0x3;
	[sflag:s14] =	ssyncadd.s32 @!p2 $0xFFFFC000  }
0xad: {  	[spmem:s1] =	stream.indirect.scatter.add.f32 @!p2 [tilespmem:s24], [sflag:$0x3], $0x80, s16, s22, $0xb8;
	v63 =	vld [tilespmem:$0x0]  }
0xae: {  	_ =	swait.ge @!p1 [sflag:s15], $0x4000  }
0xaf: {  	[sflag:s15] =	ssyncset.done @!p1 $0x0  }
0xb0: {  	s14 =	simm.s32 @!p0 $0x3;
	[sflag:s15] =	ssyncadd.s32 @!p1 $0xFFFFC000  }
0xb1: {  	_ =	swait.ge @!p0 [sflag:s14], $0x4000  }
0xb2: {  	[sflag:s14] =	ssyncset.done @!p0 $0x0  }
0xb3: {  	s15 =	simm.s32 @!p2 $0x3;
	[sflag:s14] =	ssyncadd.s32 @!p0 $0xFFFFC000  }
0xb4: {  	_ =	swait.ge @!p2 [sflag:s15], $0x4000  }
0xb5: {  	s3 =	sadd.s32 $0x1, s3;
	[sflag:s15] =	ssyncset.done @!p2 $0x0  }
0xb6: {  	p0 =	sne.s32 s3, s8;
	[sflag:s15] =	ssyncadd.s32 @!p2 $0xFFFFC000  }
.Ltmp1:
0xb7: {  	[bflag:$0x0] =	sbarrier.arrive $0xFFFF;
	(pc) =	sbr.rel @p0 .LBB2_1-.Ltmp1, $4  }
0xb8: {  	[hbm:s7], [sflag:s6] =	dma.local [spmem:s12], $0x2780  }
0xb9: {  	_ =	swait.ge [sflag:s13], $0x2780  }
0xba: {  	[sflag:s13] =	ssyncset.done $0x0  }
0xbb: {  	[sflag:s13] =	ssyncadd.s32 $0xFFFFD880  }
0xbc: {  	_ =	sfence.sel $0x180000  }
0xbd: {  	[bflag:$0x0] =	sbarrier.arrive $0xFFFF  }
0xbe: {  	p0 =	sne.s32 s2, $0x0;
	_ =	strace $0x9000004D  }
0xbf: {  	s0 =	sadd.s32 @!p0 $0x100000, s0;
	[bflag:$0x2] =	sbarrier.arrive $0xFFFF  }
0xc0: {  	[sflag:s0] =	ssyncadd.tile.s32 @!p0 $0x1;
	_ =	shalt  }
.Lfunc_end2:
_tile_overlayer_lowered:
.L_overlay_start_2:
0xc1: {  	(tag) =	ssettag $0x2  }
0xc2: {  	s0 =	rddreg [dreg:$0x0];
	s2 =	stileid.u32  }
0xc3: {  	s1 =	rddreg [dreg:$0x1];
	p0 =	sne.s32 s2, $0x0  }
0xc4: {  	s3 =	rddreg [dreg:$0x2];
	[bflag:$0x3] =	sbarrier.arrive $0xFFFF;
	s2 =	simm.s32 @!p0 $0x1C04  }
0xc5: {  	[timem:s3], [sflag:s2] =	dma.local @!p0 [hbm:s0], s1  }
0xc6: {  	s0 =	simm.s32 @!p0 $0x4  }
0xc7: {  	_ =	swait.ge @!p0 [sflag:s0], s1  }
0xc8: {  	s1 =	ssub.s32 @!p0 $0x0, s1;
	[sflag:s0] =	ssyncset.done @!p0 $0x0  }
0xc9: {  	[sflag:s0] =	ssyncadd.s32 @!p0 s1  }
0xca: {  	[bflag:$0x3] =	sbarrier.arrive $0xFFFF  }
0xcb: {  	_ =	shalt  }

// kernel: kernel.21.cloned.1.call-start
scs
__scs_entry_jumppad:
0x0: {  	(pc) =	sbr.rel $0x88, $3  }
0x1: {  	(tag) =	ssettag $0x0;
	lr =	simm.s32 $0x1  }
0x2: {  	[smem:$0x3F8F] =	sst lr;
	_ =	strace $0xD0000000  }
0x3: {  	_ = 	snop  }
0x4: {  	_ = 	snop  }
0x5: {  	_ = 	snop  }
0x6: {  	_ = 	snop  }
0x7: {  	_ = 	snop  }
__scs_overlays_trampoline_lowered:
0x8: {  	[smem:$0x3F9E] =	sst s0  }
0x9: {  	[smem:$0x3F9F] =	sst s1  }
0xa: {  	[smem:$0x3FA0] =	sst s2  }
0xb: {  	[smem:$0x3FA1] =	sst s3  }
0xc: {  	[smem:$0x3FA2] =	sst s4  }
0xd: {  	[smem:$0x3FA3] =	sst s5  }
0xe: {  	[smem:$0x3FA4] =	sst s6  }
0xf: {  	[smem:$0x3FA5] =	sst s7  }
0x10: {  	[smem:$0x3FA6] =	sst s8  }
0x11: {  	[smem:$0x3FA7] =	sst s9;
	s0 =	simm.s32 @!p0 $0x0  }
0x12: {  	s1 =	sld [smem:$0x3F8D];
	s0 =	simm.s32 @p0 $0x1  }
0x13: {  	[smem:$0x3FA8] =	sst s0;
	s0 =	simm.s32 @!p1 $0x0  }
0x14: {  	s2 =	sld [smem:$0x3F8C];
	s0 =	simm.s32 @p1 $0x1  }
0x15: {  	[smem:$0x3FA9] =	sst s0;
	s0 =	simm.s32 @!p2 $0x0  }
0x16: {  	s3 =	sld [smem:$0x3FDB];
	s0 =	simm.s32 @p2 $0x1  }
0x17: {  	s4 =	simm.s32 $0x1BF5;
	[smem:$0x3FAB] =	sst s0  }
0x18: {  	s0 =	sld [smem:$0x3F8E];
	_ =	swait.ge [sflag:s4], $0x0  }
0x19: {  	s7 =	sld [smem:$0x3F8F]  }
0x1a: {  	s8 =	sadd.s32 $0xFFFFE003, lr  }
0x1b: {  	s9 =	sadd.s32 $0xFFFFFEF7, lr;
	s5 =	simm.s32 $0xFFFFFFFF;
	p2 =	slt.u32 s8, $0xFFFFF086  }
0x1c: {  	p1 =	slt.u32 s9, $0xF7A;
	s5 =	simm.s32 @!p2 $0x0  }
0x1d: {  	s5 =	simm.s32 @p1 $0x1;
	p0 =	seq.s32 s7, s2  }
0x1e: {  	s7 =	smul.u32 @!p0 $0xF7A, s2;
	p2 =	seq.s32 @!p0 s5, $0x0  }
0x1f: {  	s9 =	smul.u32 $0xF7A, s1;
	s8 =	simm.s32 @!p0 $0x1BF5;
	p2 =	por !p2, p0  }
0x20: {  	[sflag:s8] =	ssyncset.s32 @!p0 $0xFFFFF086;
	s6 =	sadd.s32 @!p0 s3, s7;
	s7 =	simm.s32 @!p0 $0x108  }
0x21: {  	s3 =	sadd.s32 s3, s9;
	s6 =	sadd.s32 @!p0 $0x88, s6;
	s7 =	simm.s32 @p2 $0x1082  }
0x22: {  	[simem:s7], [sflag:s8] =	dma.local @!p0 [hbm:s6], $0xF7A  }
0x23: {  	s9 =	sor.u32 $0xD0000000, s2;
	s6 =	simm.s32 $0x108;
	_ =	swait.ge @!p0 [sflag:s8], $0x0  }
0x24: {  	s3 =	sadd.s32 $0x88, s3;
	s6 =	simm.s32 @!p1 $0x1082;
	[sflag:s4] =	ssyncset.s32 $0xFFFFF086  }
0x25: {  	[simem:s6], [sflag:s4] =	dma.local [hbm:s3], $0xF7A  }
0x26: {  	[smem:$0x3F8F] =	sst s1;
	(tag) =	ssettag s2;
	_ =	strace s9  }
0x27: {  	s1 =	sld [smem:$0x3F9F]  }
0x28: {  	s2 =	sld [smem:$0x3FA0]  }
0x29: {  	s4 =	sld [smem:$0x3FA2]  }
0x2a: {  	p0 =	seq.s32 s5, $0x0;
	s5 =	sld [smem:$0x3FA3]  }
0x2b: {  	s6 =	sld [smem:$0x3FA4]  }
0x2c: {  	s7 =	sld [smem:$0x3FA5]  }
0x2d: {  	s3 =	simm.s32 $0x108;
	s8 =	sld [smem:$0x3FA6]  }
0x2e: {  	s3 =	simm.s32 @!p0 $0x1082;
	s9 =	sld [smem:$0x3FA7]  }
0x2f: {  	lr =	sadd.s32 s0, s3;
	s0 =	sld [smem:$0x3F9E]  }
0x30: {  	s3 =	sld [smem:$0x3FA1]  }
0x31: {  	[smem:$0x3FAA] =	sst s10  }
0x32: {  	s10 =	sld [smem:$0x3FA8];
	_ =	sdelay $0x3  }
0x33: {  	p0 =	seq.s32 s10, $0x1;
	s10 =	sld [smem:$0x3FAA];
	_ =	sdelay $0x3  }
0x34: {  	[smem:$0x3FAA] =	sst s10  }
0x35: {  	s10 =	sld [smem:$0x3FA9];
	_ =	sdelay $0x3  }
0x36: {  	p1 =	seq.s32 s10, $0x1;
	s10 =	sld [smem:$0x3FAA];
	_ =	sdelay $0x3  }
0x37: {  	[smem:$0x3FAA] =	sst s10  }
0x38: {  	s10 =	sld [smem:$0x3FAB]  }
0x39: {  	_ = 	snop;
	(pc) =	sbr.ind lr, $3  }
0x3a: {  	_ = 	snop  }
0x3b: {  	_ = 	snop  }
0x3c: {  	p2 =	seq.s32 s10, $0x1;
	s10 =	sld [smem:$0x3FAA]  }
0x3d: {  	_ =	shalt  }
0x3e: {  	_ =	shalt  }
0x3f: {  	_ =	shalt  }
0x40: {  	_ =	shalt  }
0x41: {  	_ =	shalt  }
0x42: {  	_ =	shalt  }
0x43: {  	_ =	shalt  }
0x44: {  	_ =	shalt  }
0x45: {  	_ =	shalt  }
0x46: {  	_ =	shalt  }
0x47: {  	_ =	shalt  }
0x48: {  	_ =	shalt  }
0x49: {  	_ =	shalt  }
0x4a: {  	_ =	shalt  }
0x4b: {  	_ =	shalt  }
0x4c: {  	_ =	shalt  }
0x4d: {  	_ =	shalt  }
0x4e: {  	_ =	shalt  }
0x4f: {  	_ =	shalt  }
0x50: {  	_ =	shalt  }
0x51: {  	_ =	shalt  }
0x52: {  	_ =	shalt  }
0x53: {  	_ =	shalt  }
0x54: {  	_ =	shalt  }
0x55: {  	_ =	shalt  }
0x56: {  	_ =	shalt  }
0x57: {  	_ =	shalt  }
0x58: {  	_ =	shalt  }
0x59: {  	_ =	shalt  }
0x5a: {  	_ =	shalt  }
0x5b: {  	_ =	shalt  }
0x5c: {  	_ =	shalt  }
0x5d: {  	_ =	shalt  }
0x5e: {  	_ =	shalt  }
0x5f: {  	_ =	shalt  }
0x60: {  	_ =	shalt  }
0x61: {  	_ =	shalt  }
0x62: {  	_ =	shalt  }
0x63: {  	_ =	shalt  }
0x64: {  	_ =	shalt  }
0x65: {  	_ =	shalt  }
0x66: {  	_ =	shalt  }
0x67: {  	_ =	shalt  }
0x68: {  	_ =	shalt  }
0x69: {  	_ =	shalt  }
0x6a: {  	_ =	shalt  }
0x6b: {  	_ =	shalt  }
0x6c: {  	_ =	shalt  }
0x6d: {  	_ =	shalt  }
0x6e: {  	_ =	shalt  }
0x6f: {  	_ =	shalt  }
0x70: {  	_ =	shalt  }
0x71: {  	_ =	shalt  }
0x72: {  	_ =	shalt  }
0x73: {  	_ =	shalt  }
0x74: {  	_ =	shalt  }
0x75: {  	_ =	shalt  }
0x76: {  	_ =	shalt  }
0x77: {  	_ =	shalt  }
0x78: {  	_ =	shalt  }
0x79: {  	_ =	shalt  }
0x7a: {  	_ =	shalt  }
0x7b: {  	_ =	shalt  }
0x7c: {  	_ =	shalt  }
0x7d: {  	_ =	shalt  }
0x7e: {  	_ =	shalt  }
0x7f: {  	_ =	shalt  }
0x80: {  	_ =	shalt  }
0x81: {  	_ =	shalt  }
0x82: {  	_ =	shalt  }
0x83: {  	_ =	shalt  }
0x84: {  	_ =	shalt  }
0x85: {  	_ =	shalt  }
0x86: {  	_ =	shalt  }
0x87: {  	_ =	shalt  }
.Lfunc_end0:
.L_simem_size_0:
called_computation.3_lowered:
.L_overlay_start_0:
0x88: {  	s2 =	sld [smem:$0x3FD9]  }
0x89: {  	s3 =	sld [smem:$0x3FFE];
	_ =	sdelay $0x1  }
0x8a: {  	s1 =	srdreg.scid  }
0x8b: {  	s0 =	sand.u32 $0x1, s1  }
0x8c: {  	s16 =	sshll.u32 s0, $0xA;
	s2 =	sadd.s32 s3, s2  }
0x8d: {  	s2 =	sadd.s32 s2, s16  }
0x8e: {  	[smem:$0x3FB6] =	sst s2  }
0x8f: {  	_ = 	snop  }
0x90: {  	(tm) =	ssettm $0x1  }
0x91: {  	s17 =	sld [smem:$0x3FFB];
	_ =	sdelay $0x3  }
0x92: {  	_ =	strace s17  }
0x93: {  	s2 =	sld [smem:$0x3FFC];
	_ =	sdelay $0x3  }
0x94: {  	_ =	strace s2  }
0x95: {  	s2 =	sld [smem:$0x3FFD];
	_ =	sdelay $0x3  }
0x96: {  	_ =	strace s2  }
0x97: {  	_ =	strace $0x8FFFFFFF  }
0x98: {  	s18 =	sld [smem:$0x3FDB];
	_ =	sdelay $0x1  }
0x99: {  	s19 =	simm.s32 $_scs_section_size  }
0x9a: {  	s4 =	simm.s32 $_size__tile_overlayer_lowered;
	s5 =	simm.s32 $_tile_overlayer_lowered  }
0x9b: {  	s22 =	simm.s32 $0x1BFF;
	s21 =	sshll.u32 s5, $0x1;
	s2 =	sadd.s32 s19, s18  }
0x9c: {  	s6 =	simm.s32 $0x0;
	s20 =	sshll.u32 s4, $0x1;
	s4 =	sadd.s32 s21, s2  }
0x9d: {  	[timem:s6], [sflag:s22] =	dma.local [hbm:s4], s20  }
0x9e: {  	_ =	swait.ge [sflag:s22], s20  }
0x9f: {  	s3 =	ssub.s32 $0x0, s20;
	[sflag:s22] =	ssyncset.done $0x0  }
0xa0: {  	[sflag:s22] =	ssyncadd.s32 s3;
	_ =	sdelay $0x1  }
0xa1: {  	s23 =	simm.s32 $0x1B8B  }
0xa2: {  	_ =	swait.ge [sflag:s23], $0x1  }
0xa3: {  	[sflag:s23] =	ssyncset.done $0x0  }
0xa4: {  	s25 =	simm.s32 $0x1B8E;
	s24 =	sld [smem:$0x3FFE];
	[sflag:s23] =	ssyncadd.s32 $0xFFFFFFFF  }
0xa5: {  	s26 =	simm.s32 $execute0_lowered;
	[smem:$0x3FD2] =	sst s25  }
0xa6: {  	s4 =	sshll.u32 s26, $0x1;
	_ =	strace $0x8000004F;
	[dreg:$0x1] =	wrdreg $0xFFFFFFFF  }
0xa7: {  	s28 =	simm.s32 $_size_execute0_lowered;
	s2 =	sadd.s32 s2, s4;
	[dreg:$0x0] =	wrdreg $0x0  }
0xa8: {  	s4 =	sshll.u32 s28, $0x1;
	[dreg:$0x2] =	wrdreg s2  }
0xa9: {  	[dreg:$0x3] =	wrdreg s4  }
0xaa: {  	[dreg:$0x4] =	wrdreg $0xC0  }
0xab: {  	_ =	task [dreg:s6], $0x5FFFF  }
0xac: {  	[dreg:$0x1] =	wrdreg $0xFFFFFFFF  }
0xad: {  	[dreg:$0x0] =	wrdreg $0x60  }
0xae: {  	[dreg:$0x2] =	wrdreg s24  }
0xaf: {  	[dreg:$0x3] =	wrdreg $0xC4000  }
0xb0: {  	[dreg:$0x4] =	wrdreg $0x9  }
0xb1: {  	_ =	task.clear_ibuf [dreg:s6], $0x5FFFF;
	_ =	strace $0x9000004F  }
0xb2: {  	s29 =	simm.s32 $0x9;
	_ =	strace $0x80000051  }
0xb3: {  	_ =	swait.ge [sflag:s29], $0x1  }
0xb4: {  	[sflag:s29] =	ssyncadd.s32 $0xFFFFFFFF  }
0xb5: {  	_ =	strace $0x90000051  }
0xb6: {  	_ =	sfence  }
0xb7: {  	s30 =	sld [smem:$0x0];
	_ =	sdelay $0x2  }
0xb8: {  	s31 =	sshll.u32 s1, $0xD;
	s1 =	sshrl.u32 s1, $0x2  }
0xb9: {  	s3 =	sand.u32 $0x4000, s31;
	s1 =	sadd.s32 s1, s30  }
0xba: {  	s0 =	sor.u32 s3, s0;
	s1 =	sshll.u32 s1, $0x11  }
0xbb: {  	s0 =	sor.u32 s1, s0  }
0xbc: {  	s0 =	sadd.s32 $0x8F2B, s0  }
0xbd: {  	[sflag:s0] =	ssyncadd.remote.s32 $0x1  }
0xbe: {  	_ =	sfence.sel $0xFFFF  }
0xbf: {  	[dreg:$0x0] =	wrdreg $0xFFFFFFFF;
	(pc) =	sbr.abs _section_cstart, $3  }
0xc0: {  	[dreg:$0x1] =	wrdreg $0xFFFFFFFF  }
0xc1: {  	_ =	task.clear_ibuf [dreg:s6], $0x2FFFF;
	_ =	strace $0x9FFFFFFF  }
0xc2: {  	(tm) =	ssettm $0x7FFFFFFF  }
0xc3: {  	_ =	shalt  }
tec
execute0_lowered:
.L_overlay_start_1:
0x0: {  	(tag) =	ssettag $0x1  }
0x1: {  	s6 =	rddreg [dreg:$0x0]  }
0x2: {  	s1 =	rddreg [dreg:$0x1]  }
0x3: {  	s2 =	srdreg.scid;
	s0 =	rddreg [dreg:$0x2]  }
0x4: {  	s3 =	simm.s32 $0x0;
	s11 =	sand.u32 $0x1, s2;
	s2 =	stileid.u32  }
0x5: {  	[smem:$0x7FF] =	sst s3;
	s4 =	sadd.s32 $0x19600, s6;
	s5 =	smul.u32 $0x13C000, s11  }
0x6: {  	s7 =	smul.u32 $0x13C00, s2;
	_ =	strace $0x80000050;
	s8 =	sshll.u32 s2, $0x5  }
0x7: {  	s26 =	ssub.s32 $0x2, s11;
	s12 =	smul.u32 $0x4F000, s2;
	s13 =	sshll.u32 s2, $0x1  }
0x8: {  	s30 =	sshll.u32 s2, $0x6;
	s14 =	sshll.u32 s11, $0x4;
	s9 =	sadd.s32 s8, s6  }
0x9: {  	s10 =	sshrl.u32 s26, $0x1;
	s11 =	sor.u32 s11, s13;
	s13 =	simm.s32 $0x4  }
0xa: {  	s5 =	sadd.s32 s7, s5;
	s10 =	ssub.s32 s26, s10;
	s29 =	sshrl.u32 s12, $0x2  }
0xb: {  	s31 =	sadd.s32 s14, s9;
	s11 =	sor.u32 $0x40, s11;
	s28 =	sshrl.u32 s5, $0x3  }
0xc: {  	s5 =	sadd.s32 $0x40800, s6;
	s12 =	sadd.s32 s29, s1;
	s9 =	sadd.s32 $0x5A00, s31  }
0xd: {  	s8 =	sadd.s32 s28, s6;
	s6 =	sor.u32 $0x1C04, s30;
	s12 =	sshrl.u32 s12, $0x3  }
0xe: {  	s7 =	sadd.s32 $0x43000, s8;
	s8 =	smax.u32 s10, $0x1;
	s10 =	sadd.s32 $0xF800, s31  }
.LBB2_1:
0xf: {  	[spmem:s12], [sflag:s6] =	dma.local [hbm:s5], $0x2780  }
0x10: {  	_ =	swait.ge [sflag:s13], $0x2780  }
0x11: {  	s14 =	sadd.s32 $0xFFFFFFC0, s11;
	p0 =	sgt.u32 s11, $0x9C3;
	[sflag:s13] =	ssyncset.done $0x0  }
0x12: {  	s31 =	sadd.s32 $0xFFFFFFE0, s11;
	p2 =	sgt.u32 s14, $0x9C3;
	[sflag:s13] =	ssyncadd.s32 $0xFFFFD880  }
0x13: {  	s15 =	sadd.s32 @!p2 $0x0, s10;
	s16 =	simm.s32 @!p2 $0x0;
	[bflag:$0x0] =	sbarrier.arrive $0xFFFF  }
0x14: {  	[tilespmem:s16], [sflag:$0x1] =	stream.linear.gather @!p2 [hbm4b:s15+s16], $0x80, $0x38;
	v63 =	vld [tilespmem:$0x0]  }
0x15: {  	p1 =	sgt.u32 s31, $0x9C3;
	s17 =	simm.s32 @!p2 $0x200;
	s15 =	sadd.s32 @!p2 $0x0, s9  }
0x16: {  	[tilespmem:s17], [sflag:$0x1] =	stream.linear.gather @!p2 [hbm4b:s15+s16], $0x80, $0x38;
	v63 =	vld [tilespmem:$0x0]  }
0x17: {  	s14 =	simm.s32 @!p0 $0x100;
	s18 =	sadd.s32 @!p1 $0x0, s9;
	s15 =	sadd.s32 @!p1 $0x0, s10  }
0x18: {  	s19 =	simm.s32 @!p1 $0x0;
	s20 =	simm.s32 @!p1 $0x80;
	s15 =	sadd.s32 @!p1 $0x200, s15  }
0x19: {  	[tilespmem:s20], [sflag:$0x1] =	stream.linear.gather @!p1 [hbm4b:s15+s19], $0x80, $0x38;
	v63 =	vld [tilespmem:$0x0]  }
0x1a: {  	s21 =	sadd.s32 @!p0 $0x0, s10;
	s15 =	sadd.s32 @!p1 $0x200, s18;
	s18 =	simm.s32 @!p1 $0x280  }
0x1b: {  	[tilespmem:s18], [sflag:$0x1] =	stream.linear.gather @!p1 [hbm4b:s15+s19], $0x80, $0x38;
	v63 =	vld [tilespmem:$0x0]  }
0x1c: {  	s15 =	sadd.s32 @!p0 $0x0, s9;
	s19 =	sadd.s32 @!p0 $0x400, s21;
	s21 =	simm.s32 @!p0 $0x0  }
0x1d: {  	[tilespmem:s14], [sflag:$0x1] =	stream.linear.gather @!p0 [hbm4b:s19+s21], $0x80, $0x38;
	v63 =	vld [tilespmem:$0x0]  }
0x1e: {  	s22 =	simm.s32 @!p2 $0x1;
	s15 =	sadd.s32 @!p0 $0x400, s15;
	s19 =	simm.s32 @!p0 $0x300  }
0x1f: {  	[tilespmem:s19], [sflag:$0x1] =	stream.linear.gather @!p0 [hbm4b:s15+s21], $0x80, $0x38;
	v63 =	vld [tilespmem:$0x0]  }
0x20: {  	_ =	swait.ge @!p2 [sflag:s22], $0x80  }
0x21: {  	[sflag:s22] =	ssyncset.done @!p2 $0x0  }
0x22: {  	[sflag:s22] =	ssyncadd.s32 @!p2 $0xFFFFFF80  }
0x23: {  	_ =	swait.ge @!p2 [sflag:s22], $0x80  }
0x24: {  	s23 =	simm.s32 @!p1 $0x1;
	[sflag:s22] =	ssyncset.done @!p2 $0x0  }
0x25: {  	s15 =	simm.s32 @!p2 $0x80;
	s21 =	simm.s32 @!p2 $0x400;
	[sflag:s22] =	ssyncadd.s32 @!p2 $0xFFFFFF80  }
0x26: {  	[tilespmem:s21], [sflag:$0x2] =	stream.indirect.gather @!p2 [hbm4b:s4+s15], $0x80, s16, s15, $0xb8;
	v63 =	vld [tilespmem:$0x0]  }
0x27: {  	_ =	swait.ge @!p1 [sflag:s23], $0x80  }
0x28: {  	[sflag:s23] =	ssyncset.done @!p1 $0x0  }
0x29: {  	[sflag:s23] =	ssyncadd.s32 @!p1 $0xFFFFFF80  }
0x2a: {  	_ =	swait.ge @!p1 [sflag:s23], $0x80  }
0x2b: {  	p0 =	por p0, p0;
	[sflag:s23] =	ssyncset.done @!p1 $0x0  }
0x2c: {  	s22 =	simm.s32 @!p0 $0x1;
	s16 =	simm.s32 @!p1 $0x4400;
	[sflag:s23] =	ssyncadd.s32 @!p1 $0xFFFFFF80  }
0x2d: {  	[tilespmem:s16], [sflag:$0x2] =	stream.indirect.gather @!p1 [hbm4b:s4+s20], $0x80, s20, s20, $0xb8;
	v63 =	vld [tilespmem:$0x0]  }
0x2e: {  	_ =	swait.ge @!p0 [sflag:s22], $0x80  }
0x2f: {  	[sflag:s22] =	ssyncset.done @!p0 $0x0  }
0x30: {  	[sflag:s22] =	ssyncadd.s32 @!p0 $0xFFFFFF80  }
0x31: {  	_ =	swait.ge @!p0 [sflag:s22], $0x80  }
0x32: {  	s24 =	simm.s32 @!p0 $0x8400;
	[sflag:s22] =	ssyncset.done @!p0 $0x0  }
0x33: {  	s23 =	simm.s32 @!p2 $0x2;
	[sflag:s22] =	ssyncadd.s32 @!p0 $0xFFFFFF80;
	s22 =	simm.s32 @!p0 $0x80  }
0x34: {  	[tilespmem:s24], [sflag:$0x2] =	stream.indirect.gather @!p0 [hbm4b:s4+s22], $0x80, s14, s22, $0xb8;
	v63 =	vld [tilespmem:$0x0]  }
0x35: {  	_ =	swait.ge @!p2 [sflag:s23], $0x4000  }
0x36: {  	[sflag:s23] =	ssyncset.done @!p2 $0x0  }
0x37: {  	s14 =	simm.s32 @!p1 $0x2;
	[sflag:s23] =	ssyncadd.s32 @!p2 $0xFFFFC000  }
0x38: {  	[spmem:s1] =	stream.indirect.scatter.add.f32 @!p2 [tilespmem:s21], [sflag:$0x3], $0x80, s17, s15, $0xb8;
	v63 =	vld [tilespmem:$0x0]  }
0x39: {  	_ =	swait.ge @!p1 [sflag:s14], $0x4000  }
0x3a: {  	[sflag:s14] =	ssyncset.done @!p1 $0x0  }
0x3b: {  	[sflag:s14] =	ssyncadd.s32 @!p1 $0xFFFFC000;
	s14 =	simm.s32 @!p0 $0x2  }
0x3c: {  	[spmem:s1] =	stream.indirect.scatter.add.f32 @!p1 [tilespmem:s16], [sflag:$0x3], $0x80, s18, s20, $0xb8;
	v63 =	vld [tilespmem:$0x0]  }
0x3d: {  	_ =	swait.ge @!p0 [sflag:s14], $0x4000  }
0x3e: {  	[sflag:s14] =	ssyncset.done @!p0 $0x0  }
0x3f: {  	s15 =	simm.s32 @!p2 $0x3;
	[sflag:s14] =	ssyncadd.s32 @!p0 $0xFFFFC000  }
0x40: {  	[spmem:s1] =	stream.indirect.scatter.add.f32 @!p0 [tilespmem:s24], [sflag:$0x3], $0x80, s19, s22, $0xb8;
	v63 =	vld [tilespmem:$0x0]  }
0x41: {  	_ =	swait.ge @!p2 [sflag:s15], $0x4000  }
0x42: {  	[sflag:s15] =	ssyncset.done @!p2 $0x0  }
0x43: {  	s19 =	simm.s32 @!p1 $0x3;
	[sflag:s15] =	ssyncadd.s32 @!p2 $0xFFFFC000  }
0x44: {  	s17 =	simm.s32 @!p0 $0x3;
	s16 =	sadd.s32 $0x60, s11;
	_ =	swait.ge @!p1 [sflag:s19], $0x4000  }
0x45: {  	s18 =	sadd.s32 $0xFFFFFFC0, s16;
	p3 =	sgt.u32 s16, $0x9C3;
	[sflag:s19] =	ssyncset.done @!p1 $0x0  }
0x46: {  	s14 =	simm.s32 $0x600;
	s15 =	simm.s32 $0xC00;
	[sflag:s19] =	ssyncadd.s32 @!p1 $0xFFFFC000  }
.LBB2_2:
0x47: {  	s20 =	sadd.s32 $0xFFFFFFE0, s16  }
0x48: {  	p1 =	sgt.u32 s18, $0x9C3;
	_ =	swait.ge @!p0 [sflag:s17], $0x4000;
	s22 =	smov.u32 s15  }
0x49: {  	s18 =	sadd.s32 @!p1 s14, s10;
	s23 =	simm.s32 @!p1 $0x0;
	[sflag:s17] =	ssyncset.done @!p0 $0x0  }
0x4a: {  	s15 =	sadd.s32 $0x600, s15;
	s19 =	simm.s32 @!p3 $0x100;
	[sflag:s17] =	ssyncadd.s32 @!p0 $0xFFFFC000  }
0x4b: {  	[tilespmem:s23], [sflag:$0x1] =	stream.linear.gather @!p1 [hbm4b:s18+s23], $0x80, $0x38;
	v63 =	vld [tilespmem:$0x0]  }
0x4c: {  	p2 =	sgt.u32 s20, $0x9C3;
	s17 =	simm.s32 @!p1 $0x200;
	s18 =	sadd.s32 @!p1 s14, s9  }
0x4d: {  	[tilespmem:s17], [sflag:$0x1] =	stream.linear.gather @!p1 [hbm4b:s18+s23], $0x80, $0x38;
	v63 =	vld [tilespmem:$0x0]  }
0x4e: {  	s21 =	sadd.s32 @!p3 s14, s9;
	s20 =	sadd.s32 @!p2 s14, s9;
	s18 =	sadd.s32 @!p2 s14, s10  }
0x4f: {  	s25 =	simm.s32 @!p2 $0x0;
	s24 =	sadd.s32 @!p2 $0x200, s18;
	s18 =	simm.s32 @!p2 $0x80  }
0x50: {  	[tilespmem:s18], [sflag:$0x1] =	stream.linear.gather @!p2 [hbm4b:s24+s25], $0x80, $0x38;
	v63 =	vld [tilespmem:$0x0]  }
0x51: {  	s14 =	sadd.s32 @!p3 s14, s10;
	s24 =	sadd.s32 @!p2 $0x200, s20;
	s20 =	simm.s32 @!p2 $0x280  }
0x52: {  	[tilespmem:s20], [sflag:$0x1] =	stream.linear.gather @!p2 [hbm4b:s24+s25], $0x80, $0x38;
	v63 =	vld [tilespmem:$0x0]  }
0x53: {  	s14 =	sadd.s32 @!p3 $0x400, s14;
	s24 =	simm.s32 @!p3 $0x0;
	s25 =	sadd.s32 @!p3 $0x400, s21  }
0x54: {  	[tilespmem:s19], [sflag:$0x1] =	stream.linear.gather @!p3 [hbm4b:s14+s24], $0x80, $0x38;
	v63 =	vld [tilespmem:$0x0]  }
0x55: {  	p4 =	sne.s32 s15, $0xA200;
	s26 =	simm.s32 @!p1 $0x1;
	s21 =	simm.s32 @!p3 $0x300  }
0x56: {  	[tilespmem:s21], [sflag:$0x1] =	stream.linear.gather @!p3 [hbm4b:s25+s24], $0x80, $0x38;
	v63 =	vld [tilespmem:$0x0]  }
0x57: {  	p0 =	por p3, p3;
	s14 =	smov.u32 s22;
	_ =	swait.ge @!p1 [sflag:s26], $0x80  }
0x58: {  	[sflag:s26] =	ssyncset.done @!p1 $0x0  }
0x59: {  	[sflag:s26] =	ssyncadd.s32 @!p1 $0xFFFFFF80  }
0x5a: {  	s22 =	simm.s32 @!p1 $0x80;
	s24 =	simm.s32 @!p1 $0x400;
	_ =	swait.ge @!p1 [sflag:s26], $0x80  }
0x5b: {  	s25 =	simm.s32 @!p2 $0x1;
	[sflag:s26] =	ssyncset.done @!p1 $0x0  }
0x5c: {  	[sflag:s26] =	ssyncadd.s32 @!p1 $0xFFFFFF80  }
0x5d: {  	[tilespmem:s24], [sflag:$0x2] =	stream.indirect.gather @!p1 [hbm4b:s4+s22], $0x80, s23, s22, $0xb8;
	v63 =	vld [tilespmem:$0x0]  }
0x5e: {  	_ =	swait.ge @!p2 [sflag:s25], $0x80  }
0x5f: {  	[sflag:s25] =	ssyncset.done @!p2 $0x0  }
0x60: {  	[sflag:s25] =	ssyncadd.s32 @!p2 $0xFFFFFF80  }
0x61: {  	s23 =	simm.s32 @!p2 $0x4400;
	_ =	swait.ge @!p2 [sflag:s25], $0x80  }
0x62: {  	[sflag:s25] =	ssyncset.done @!p2 $0x0  }
0x63: {  	[sflag:s25] =	ssyncadd.s32 @!p2 $0xFFFFFF80;
	s25 =	simm.s32 @!p0 $0x1  }
0x64: {  	[tilespmem:s23], [sflag:$0x2] =	stream.indirect.gather @!p2 [hbm4b:s4+s18], $0x80, s18, s18, $0xb8;
	v63 =	vld [tilespmem:$0x0]  }
0x65: {  	_ =	swait.ge @!p0 [sflag:s25], $0x80  }
0x66: {  	[sflag:s25] =	ssyncset.done @!p0 $0x0  }
0x67: {  	[sflag:s25] =	ssyncadd.s32 @!p0 $0xFFFFFF80  }
0x68: {  	s26 =	simm.s32 @!p1 $0x2;
	_ =	swait.ge @!p0 [sflag:s25], $0x80  }
0x69: {  	[sflag:s25] =	ssyncset.done @!p0 $0x0  }
0x6a: {  	s28 =	simm.s32 @!p0 $0x8400;
	[sflag:s25] =	ssyncadd.s32 @!p0 $0xFFFFFF80;
	s25 =	simm.s32 @!p0 $0x80  }
0x6b: {  	[tilespmem:s28], [sflag:$0x2] =	stream.indirect.gather @!p0 [hbm4b:s4+s25], $0x80, s19, s25, $0xb8;
	v63 =	vld [tilespmem:$0x0]  }
0x6c: {  	_ =	swait.ge @!p1 [sflag:s26], $0x4000  }
0x6d: {  	s19 =	simm.s32 @!p2 $0x2;
	[sflag:s26] =	ssyncset.done @!p1 $0x0  }
0x6e: {  	[sflag:s26] =	ssyncadd.s32 @!p1 $0xFFFFC000  }
0x6f: {  	[spmem:s1] =	stream.indirect.scatter.add.f32 @!p1 [tilespmem:s24], [sflag:$0x3], $0x80, s17, s22, $0xb8;
	v63 =	vld [tilespmem:$0x0]  }
0x70: {  	_ =	swait.ge @!p2 [sflag:s19], $0x4000  }
0x71: {  	[sflag:s19] =	ssyncset.done @!p2 $0x0  }
0x72: {  	s17 =	simm.s32 @!p0 $0x2;
	[sflag:s19] =	ssyncadd.s32 @!p2 $0xFFFFC000  }
0x73: {  	[spmem:s1] =	stream.indirect.scatter.add.f32 @!p2 [tilespmem:s23], [sflag:$0x3], $0x80, s20, s18, $0xb8;
	v63 =	vld [tilespmem:$0x0]  }
0x74: {  	s18 =	simm.s32 @!p1 $0x3;
	_ =	swait.ge @!p0 [sflag:s17], $0x4000  }
0x75: {  	[sflag:s17] =	ssyncset.done @!p0 $0x0  }
0x76: {  	[sflag:s17] =	ssyncadd.s32 @!p0 $0xFFFFC000  }
0x77: {  	[spmem:s1] =	stream.indirect.scatter.add.f32 @!p0 [tilespmem:s28], [sflag:$0x3], $0x80, s21, s25, $0xb8;
	v63 =	vld [tilespmem:$0x0]  }
0x78: {  	s19 =	simm.s32 @!p2 $0x3;
	_ =	swait.ge @!p1 [sflag:s18], $0x4000  }
.Ltmp0:
0x79: {  	[sflag:s18] =	ssyncset.done @!p1 $0x0;
	(pc) =	sbr.rel @p4 .LBB2_2-.Ltmp0, $4  }
0x7a: {  	[sflag:s18] =	ssyncadd.s32 @!p1 $0xFFFFC000  }
0x7b: {  	_ =	swait.ge @!p2 [sflag:s19], $0x4000  }
0x7c: {  	s16 =	sadd.s32 $0x60, s16;
	s17 =	simm.s32 @!p0 $0x3;
	[sflag:s19] =	ssyncset.done @!p2 $0x0  }
0x7d: {  	p3 =	sgt.u32 s16, $0x9C3;
	s18 =	sadd.s32 $0xFFFFFFC0, s16;
	[sflag:s19] =	ssyncadd.s32 @!p2 $0xFFFFC000  }
0x7e: {  	_ =	swait.ge @!p0 [sflag:s17], $0x4000  }
0x7f: {  	s15 =	sadd.s32 $0xFFFFFFE0, s16;
	p1 =	sgt.u32 s18, $0x9C3;
	[sflag:s17] =	ssyncset.done @!p0 $0x0  }
0x80: {  	s16 =	sadd.s32 @!p1 s14, s10;
	s18 =	simm.s32 @!p1 $0x0;
	[sflag:s17] =	ssyncadd.s32 @!p0 $0xFFFFC000  }
0x81: {  	[tilespmem:s18], [sflag:$0x1] =	stream.linear.gather @!p1 [hbm4b:s16+s18], $0x80, $0x38;
	v63 =	vld [tilespmem:$0x0]  }
0x82: {  	s17 =	simm.s32 @!p1 $0x200;
	p0 =	sgt.u32 s15, $0x9C3;
	s16 =	sadd.s32 @!p1 s14, s9  }
0x83: {  	[tilespmem:s17], [sflag:$0x1] =	stream.linear.gather @!p1 [hbm4b:s16+s18], $0x80, $0x38;
	v63 =	vld [tilespmem:$0x0]  }
0x84: {  	s22 =	sadd.s32 @!p3 s14, s10;
	s19 =	sadd.s32 @!p0 s14, s9;
	s16 =	sadd.s32 @!p0 s14, s10  }
0x85: {  	s20 =	simm.s32 @!p0 $0x0;
	s21 =	simm.s32 @!p0 $0x80;
	s16 =	sadd.s32 @!p0 $0x200, s16  }
0x86: {  	[tilespmem:s21], [sflag:$0x1] =	stream.linear.gather @!p0 [hbm4b:s16+s20], $0x80, $0x38;
	v63 =	vld [tilespmem:$0x0]  }
0x87: {  	s15 =	simm.s32 @!p3 $0x100;
	s16 =	sadd.s32 @!p0 $0x200, s19;
	s19 =	simm.s32 @!p0 $0x280  }
0x88: {  	[tilespmem:s19], [sflag:$0x1] =	stream.linear.gather @!p0 [hbm4b:s16+s20], $0x80, $0x38;
	v63 =	vld [tilespmem:$0x0]  }
0x89: {  	s14 =	sadd.s32 @!p3 s14, s9;
	s16 =	sadd.s32 @!p3 $0x400, s22;
	s20 =	simm.s32 @!p3 $0x0  }
0x8a: {  	[tilespmem:s15], [sflag:$0x1] =	stream.linear.gather @!p3 [hbm4b:s16+s20], $0x80, $0x38;
	v63 =	vld [tilespmem:$0x0]  }
0x8b: {  	s14 =	sadd.s32 @!p3 $0x400, s14;
	s22 =	simm.s32 @!p1 $0x1;
	s16 =	simm.s32 @!p3 $0x300  }
0x8c: {  	[tilespmem:s16], [sflag:$0x1] =	stream.linear.gather @!p3 [hbm4b:s14+s20], $0x80, $0x38;
	v63 =	vld [tilespmem:$0x0]  }
0x8d: {  	_ =	swait.ge @!p1 [sflag:s22], $0x80  }
0x8e: {  	[sflag:s22] =	ssyncset.done @!p1 $0x0  }
0x8f: {  	[sflag:s22] =	ssyncadd.s32 @!p1 $0xFFFFFF80  }
0x90: {  	_ =	swait.ge @!p1 [sflag:s22], $0x80  }
0x91: {  	s23 =	simm.s32 @!p0 $0x1;
	[sflag:s22] =	ssyncset.done @!p1 $0x0  }
0x92: {  	s14 =	simm.s32 @!p1 $0x80;
	s20 =	simm.s32 @!p1 $0x400;
	[sflag:s22] =	ssyncadd.s32 @!p1 $0xFFFFFF80  }
0x93: {  	[tilespmem:s20], [sflag:$0x2] =	stream.indirect.gather @!p1 [hbm4b:s4+s14], $0x80, s18, s14, $0xb8;
	v63 =	vld [tilespmem:$0x0]  }
0x94: {  	_ =	swait.ge @!p0 [sflag:s23], $0x80  }
0x95: {  	[sflag:s23] =	ssyncset.done @!p0 $0x0  }
0x96: {  	[sflag:s23] =	ssyncadd.s32 @!p0 $0xFFFFFF80  }
0x97: {  	_ =	swait.ge @!p0 [sflag:s23], $0x80  }
0x98: {  	p2 =	por p3, p3;
	[sflag:s23] =	ssyncset.done @!p0 $0x0  }
0x99: {  	s22 =	simm.s32 @!p2 $0x1;
	s18 =	simm.s32 @!p0 $0x4400;
	[sflag:s23] =	ssyncadd.s32 @!p0 $0xFFFFFF80  }
0x9a: {  	[tilespmem:s18], [sflag:$0x2] =	stream.indirect.gather @!p0 [hbm4b:s4+s21], $0x80, s21, s21, $0xb8;
	v63 =	vld [tilespmem:$0x0]  }
0x9b: {  	_ =	swait.ge @!p2 [sflag:s22], $0x80  }
0x9c: {  	[sflag:s22] =	ssyncset.done @!p2 $0x0  }
0x9d: {  	[sflag:s22] =	ssyncadd.s32 @!p2 $0xFFFFFF80  }
0x9e: {  	_ =	swait.ge @!p2 [sflag:s22], $0x80  }
0x9f: {  	s24 =	simm.s32 @!p2 $0x8400;
	[sflag:s22] =	ssyncset.done @!p2 $0x0  }
0xa0: {  	s23 =	simm.s32 @!p1 $0x2;
	[sflag:s22] =	ssyncadd.s32 @!p2 $0xFFFFFF80;
	s22 =	simm.s32 @!p2 $0x80  }
0xa1: {  	[tilespmem:s24], [sflag:$0x2] =	stream.indirect.gather @!p2 [hbm4b:s4+s22], $0x80, s15, s22, $0xb8;
	v63 =	vld [tilespmem:$0x0]  }
0xa2: {  	_ =	swait.ge @!p1 [sflag:s23], $0x4000  }
0xa3: {  	[sflag:s23] =	ssyncset.done @!p1 $0x0  }
0xa4: {  	s15 =	simm.s32 @!p0 $0x2;
	[sflag:s23] =	ssyncadd.s32 @!p1 $0xFFFFC000  }
0xa5: {  	[spmem:s1] =	stream.indirect.scatter.add.f32 @!p1 [tilespmem:s20], [sflag:$0x3], $0x80, s17, s14, $0xb8;
	v63 =	vld [tilespmem:$0x0]  }
0xa6: {  	_ =	swait.ge @!p0 [sflag:s15], $0x4000  }
0xa7: {  	[sflag:s15] =	ssyncset.done @!p0 $0x0  }
0xa8: {  	s14 =	simm.s32 @!p2 $0x2;
	[sflag:s15] =	ssyncadd.s32 @!p0 $0xFFFFC000  }
0xa9: {  	[spmem:s1] =	stream.indirect.scatter.add.f32 @!p0 [tilespmem:s18], [sflag:$0x3], $0x80, s19, s21, $0xb8;
	v63 =	vld [tilespmem:$0x0]  }
0xaa: {  	_ =	swait.ge @!p2 [sflag:s14], $0x4000  }
0xab: {  	[sflag:s14] =	ssyncset.done @!p2 $0x0  }
0xac: {  	s15 =	simm.s32 @!p1 $0x3;
	[sflag:s14] =	ssyncadd.s32 @!p2 $0xFFFFC000  }
0xad: {  	[spmem:s1] =	stream.indirect.scatter.add.f32 @!p2 [tilespmem:s24], [sflag:$0x3], $0x80, s16, s22, $0xb8;
	v63 =	vld [tilespmem:$0x0]  }
0xae: {  	_ =	swait.ge @!p1 [sflag:s15], $0x4000  }
0xaf: {  	[sflag:s15] =	ssyncset.done @!p1 $0x0  }
0xb0: {  	s14 =	simm.s32 @!p0 $0x3;
	[sflag:s15] =	ssyncadd.s32 @!p1 $0xFFFFC000  }
0xb1: {  	_ =	swait.ge @!p0 [sflag:s14], $0x4000  }
0xb2: {  	[sflag:s14] =	ssyncset.done @!p0 $0x0  }
0xb3: {  	s15 =	simm.s32 @!p2 $0x3;
	[sflag:s14] =	ssyncadd.s32 @!p0 $0xFFFFC000  }
0xb4: {  	_ =	swait.ge @!p2 [sflag:s15], $0x4000  }
0xb5: {  	s3 =	sadd.s32 $0x1, s3;
	[sflag:s15] =	ssyncset.done @!p2 $0x0  }
0xb6: {  	p0 =	sne.s32 s3, s8;
	[sflag:s15] =	ssyncadd.s32 @!p2 $0xFFFFC000  }
.Ltmp1:
0xb7: {  	[bflag:$0x0] =	sbarrier.arrive $0xFFFF;
	(pc) =	sbr.rel @p0 .LBB2_1-.Ltmp1, $4  }
0xb8: {  	[hbm:s7], [sflag:s6] =	dma.local [spmem:s12], $0x2780  }
0xb9: {  	_ =	swait.ge [sflag:s13], $0x2780  }
0xba: {  	[sflag:s13] =	ssyncset.done $0x0  }
0xbb: {  	[sflag:s13] =	ssyncadd.s32 $0xFFFFD880  }
0xbc: {  	_ =	sfence.sel $0x180000  }
0xbd: {  	[bflag:$0x0] =	sbarrier.arrive $0xFFFF  }
0xbe: {  	p0 =	sne.s32 s2, $0x0;
	_ =	strace $0x90000050  }
0xbf: {  	s0 =	sadd.s32 @!p0 $0x100000, s0;
	[bflag:$0x2] =	sbarrier.arrive $0xFFFF  }
0xc0: {  	[sflag:s0] =	ssyncadd.tile.s32 @!p0 $0x1;
	_ =	shalt  }
.Lfunc_end2:
_tile_overlayer_lowered:
.L_overlay_start_2:
0xc1: {  	(tag) =	ssettag $0x2  }
0xc2: {  	s0 =	rddreg [dreg:$0x0];
	s2 =	stileid.u32  }
0xc3: {  	s1 =	rddreg [dreg:$0x1];
	p0 =	sne.s32 s2, $0x0  }
0xc4: {  	s3 =	rddreg [dreg:$0x2];
	[bflag:$0x3] =	sbarrier.arrive $0xFFFF;
	s2 =	simm.s32 @!p0 $0x1C04  }
0xc5: {  	[timem:s3], [sflag:s2] =	dma.local @!p0 [hbm:s0], s1  }
0xc6: {  	s0 =	simm.s32 @!p0 $0x4  }
0xc7: {  	_ =	swait.ge @!p0 [sflag:s0], s1  }
0xc8: {  	s1 =	ssub.s32 @!p0 $0x0, s1;
	[sflag:s0] =	ssyncset.done @!p0 $0x0  }
0xc9: {  	[sflag:s0] =	ssyncadd.s32 @!p0 s1  }
0xca: {  	[bflag:$0x3] =	sbarrier.arrive $0xFFFF  }
0xcb: {  	_ =	shalt  }

</sc_bundles>
